<compile_context>
chip_gen: v7x
topology: tpu7x:2x2x1
jax: 0.10.2.dev20260603
libtpu: 0.0.44.dev20260713+nightly
codegen_flags: <defaults>
</compile_context>

<pallas_src>
import functools

import jax
import jax.numpy as jnp
from jax import lax
from jax.experimental import pallas as pl
from jax.experimental.pallas import tpu as pltpu
from jax.experimental.pallas import tpu_sc as plsc

N = 10000
E = 160000
D = 256
PATCH_DIM = 32
CONCAT = D + PATCH_DIM
PPS = 4
TEMPERATURE = 0.1
MAX_DIST_RATIO = 0.5

BN = 512
EP = 163840
NPAD = 10008
BE = 2048
CH = 128
NTILES = 32
EPT_G = EP // NTILES
EPT_S = EP // 16
NROW_T = 624
TSW = 128
XLW = 128
TDW = 128



def _dense_node_body(pos_ref, pf_ref, pxpy_ref, emb_ref, wpre_ref, bpre_ref,
                     wlin_ref, wsrc_ref, wdst_ref, watt1_ref, watt2_ref,
                     batt2_ref, cpack_ref,
                     ts_ref, td_ref, xl_ref, wm0_ref):
    f32 = jnp.float32
    pos = pos_ref[...]
    x = pos[:, 0:1]
    y = pos[:, 1:2]
    px = pxpy_ref[0:1, :]
    py = pxpy_ref[1:2, :]
    dx = x - px
    dy = y - py
    dist = jnp.sqrt(dx * dx + dy * dy)
    mask = (dist <= MAX_DIST_RATIO).astype(f32)
    w = jnp.exp(-dist / TEMPERATURE) * mask
    ws = jnp.sum(w, axis=1, keepdims=True)
    valid = (ws > 1e-06).astype(f32)
    w = w / (ws + 1e-10)
    contrib = jnp.dot(w, emb_ref[...], preferred_element_type=f32) * valid

    h = jnp.concatenate([pf_ref[...], contrib], axis=1)
    h = jnp.dot(h, wpre_ref[...], preferred_element_type=f32) + bpre_ref[0:1, :]

    x_lin = jnp.dot(h, wlin_ref[...], preferred_element_type=f32)
    a_src = jnp.dot(h, wsrc_ref[...], preferred_element_type=f32)
    a_dst = jnp.dot(h, wdst_ref[...], preferred_element_type=f32)
    b_src = jnp.dot(a_src, watt1_ref[...], preferred_element_type=f32)
    b_dst = jnp.dot(a_dst, watt1_ref[...], preferred_element_type=f32)

    zpad = jnp.zeros((pos.shape[0], 48), f32)
    ts_ref[...] = jnp.concatenate([b_src, pos, zpad], axis=1)
    td_ref[...] = jnp.concatenate([b_dst, pos, zpad], axis=1)
    xb = x_lin.astype(jnp.bfloat16)
    lo16 = jax.lax.bitcast_convert_type(xb[:, 0:128], jnp.uint16)
    hi16 = jax.lax.bitcast_convert_type(xb[:, 128:256], jnp.uint16)
    xl_ref[...] = lo16.astype(jnp.uint32) | (hi16.astype(jnp.uint32) << 16)

    c_self = cpack_ref[1:2, 0:64]
    delta0 = cpack_ref[0:1, :]
    u0 = jax.nn.relu(b_dst - b_src + c_self)
    alpha0 = jnp.dot(u0, watt2_ref[...], preferred_element_type=f32) + batt2_ref[0:1, :]
    w0 = jnp.exp(alpha0)
    m0 = w0 * (x_lin + delta0)
    for c in range(4):
        wm0_ref[c, :, :] = jnp.concatenate(
            [w0[:, 64 * c:64 * c + 64], m0[:, 64 * c:64 * c + 64]], axis=1)


def _dense_node(pos16, pf, pxpy, emb, W_pre, b_pre, W_lin, W_src, W_dst,
                W_att1, W_att2, b_att2, cpack):
    f32 = jnp.float32
    grid = (pl.cdiv(N, BN),)
    full = lambda shape: pl.BlockSpec(shape, lambda i: tuple(0 for _ in shape))
    blk = lambda w: pl.BlockSpec((BN, w), lambda i: (i, 0))
    return pl.pallas_call(
        _dense_node_body,
        grid=grid,
        in_specs=[
            blk(16), blk(D),
            full((8, 16)), full((16, PATCH_DIM)), full((CONCAT, CONCAT)),
            full((8, CONCAT)), full((CONCAT, D)), full((CONCAT, D)),
            full((CONCAT, D)), full((D, 64)), full((64, D)), full((8, D)),
            full((8, D)),
        ],
        out_specs=[blk(TSW), blk(TDW), blk(XLW),
                   pl.BlockSpec((4, BN, 128), lambda i: (0, i, 0))],
        out_shape=[
            jax.ShapeDtypeStruct((N, TSW), f32),
            jax.ShapeDtypeStruct((N, TDW), f32),
            jax.ShapeDtypeStruct((N, XLW), jnp.uint32),
            jax.ShapeDtypeStruct((4, N, 128), f32),
        ],
    )(pos16, pf, pxpy, emb, W_pre, b_pre, W_lin, W_src, W_dst, W_att1,
      W_att2, b_att2, cpack)



CHG = 80
SBG = 8
ROWS_G = EP // CHG
ROWS_G_T = ROWS_G // NTILES


def _sc_gather_body(srcp2, dstp2, ts_hbm, td_hbm, xl_hbm,
                    as_out, ad_out, ax_out,
                    idxs8, idxd8, bufs0, bufs1, bufd0, bufd1, bufx0, bufx1,
                    gs0, gs1, gd0, gd1, gx0, gx1,
                    os0, os1, od0, od1, ox0, ox1, six):
    wid = lax.axis_index("c") * 16 + lax.axis_index("s")
    row_t = wid * ROWS_G_T
    bufs = (bufs0, bufs1)
    bufd = (bufd0, bufd1)
    bufx = (bufx0, bufx1)
    gsem = ((gs0, gd0, gx0), (gs1, gd1, gx1))
    osem = ((os0, od0, ox0), (os1, od1, ox1))

    def gathers(i, b, row0):
        return (
            pltpu.async_copy(ts_hbm.at[idxs8.at[i]], bufs[b], gsem[b][0]),
            pltpu.async_copy(td_hbm.at[idxd8.at[i]], bufd[b], gsem[b][1]),
            pltpu.async_copy(xl_hbm.at[idxs8.at[i]], bufx[b], gsem[b][2]),
        )

    def stores(i, b, row0):
        base = (row0 + i) * CHG
        return (
            pltpu.async_copy(bufs[b], as_out.at[pl.ds(base, CHG)], osem[b][0]),
            pltpu.async_copy(bufd[b], ad_out.at[pl.ds(base, CHG)], osem[b][1]),
            pltpu.async_copy(bufx[b], ax_out.at[pl.ds(base, CHG)], osem[b][2]),
        )

    def superblock(sb, _):
        row0 = row_t + sb * SBG
        cA = pltpu.async_copy(srcp2.at[pl.ds(row0, SBG)], idxs8, six)
        cA.wait()
        cB = pltpu.async_copy(dstp2.at[pl.ds(row0, SBG)], idxd8, six)
        cB.wait()
        g = [None] * SBG
        o = [None] * SBG
        for i in range(SBG):
            b = i % 2
            if i >= 2:
                for c in o[i - 2]:
                    c.wait()
            g[i] = gathers(i, b, row0)
            if i >= 1:
                for c in g[i - 1]:
                    c.wait()
                o[i - 1] = stores(i - 1, (i - 1) % 2, row0)
        last = SBG - 1
        for c in g[last]:
            c.wait()
        o[last] = stores(last, last % 2, row0)
        for c in o[last - 1]:
            c.wait()
        for c in o[last]:
            c.wait()
        return 0

    lax.fori_loop(0, ROWS_G_T // SBG, superblock, 0)


def _sc_gather(srcp2, dstp2, ts, td, xl):
    f32 = jnp.float32
    bf16 = jnp.bfloat16
    mesh = plsc.VectorSubcoreMesh(core_axis_name="c", subcore_axis_name="s")
    fn = pl.kernel(
        _sc_gather_body,
        out_type=[
            jax.ShapeDtypeStruct((EP, TSW), f32),
            jax.ShapeDtypeStruct((EP, TDW), f32),
            jax.ShapeDtypeStruct((EP, XLW), jnp.uint32),
        ],
        mesh=mesh,
        scratch_types=[
            pltpu.VMEM((SBG, CHG), jnp.int32),
            pltpu.VMEM((SBG, CHG), jnp.int32),
            pltpu.VMEM((CHG, TSW), f32),
            pltpu.VMEM((CHG, TSW), f32),
            pltpu.VMEM((CHG, TDW), f32),
            pltpu.VMEM((CHG, TDW), f32),
            pltpu.VMEM((CHG, XLW), jnp.uint32),
            pltpu.VMEM((CHG, XLW), jnp.uint32),
        ] + [pltpu.SemaphoreType.DMA] * 13,
    )
    return fn(srcp2, dstp2, ts, td, xl)



def _edge_mlp_body(as_ref, ad_ref, ax_ref,
                   wp1_ref, bp1_ref, wf_ref, c0_ref, watt2_ref, batt2_ref,
                   wpos2_ref, bpos2_ref,
                   wm_ref):
    f32 = jnp.float32
    bs = as_ref[:, 0:64]
    ps = as_ref[:, 64:80]
    pk = ax_ref[...]
    lo = jax.lax.bitcast_convert_type((pk & 0xFFFF).astype(jnp.uint16),
                                      jnp.bfloat16).astype(f32)
    hi = jax.lax.bitcast_convert_type((pk >> 16).astype(jnp.uint16),
                                      jnp.bfloat16).astype(f32)
    xs = jnp.concatenate([lo, hi], axis=1)
    bd = ad_ref[:, 0:64]
    pd = ad_ref[:, 64:80]
    rel = pd - ps
    g = bd - bs
    t = jax.nn.relu(jnp.dot(rel, wp1_ref[...], preferred_element_type=f32)
                    + bp1_ref[0:1, :])
    u = jax.nn.relu(g + jnp.dot(t, wf_ref[...], preferred_element_type=f32)
                    + c0_ref[0:1, :])
    alpha = jnp.dot(u, watt2_ref[...], preferred_element_type=f32) + batt2_ref[0:1, :]
    w = jnp.exp(alpha)
    delta = jnp.dot(t, wpos2_ref[...], preferred_element_type=f32) + bpos2_ref[0:1, :]
    m = w * (xs + delta)
    for c in range(4):
        wm_ref[c, :, :] = jnp.concatenate(
            [w[:, 64 * c:64 * c + 64], m[:, 64 * c:64 * c + 64]], axis=1)


def _edge_mlp(a_s, a_d, a_x, wp1, bp1, wf, c0, watt2, batt2, wpos2, bpos2):
    f32 = jnp.float32
    grid = (EP // BE,)
    full = lambda shape: pl.BlockSpec(shape, lambda i: tuple(0 for _ in shape))
    return pl.pallas_call(
        _edge_mlp_body,
        grid=grid,
        in_specs=[
            pl.BlockSpec((BE, TSW), lambda i: (i, 0)),
            pl.BlockSpec((BE, TDW), lambda i: (i, 0)),
            pl.BlockSpec((BE, XLW), lambda i: (i, 0)),
            full((16, 64)), full((8, 64)), full((64, 64)), full((8, 64)),
            full((64, D)), full((8, D)), full((64, D)), full((8, D)),
        ],
        out_specs=[pl.BlockSpec((4, BE, 128), lambda i: (0, i, 0))],
        out_shape=[jax.ShapeDtypeStruct((4, EP, 128), f32)],
    )(a_s, a_d, a_x, wp1, bp1, wf, c0, watt2, batt2, wpos2, bpos2)



def _sc_scatter_body(deff2, wm_hbm, wm0_hbm,
                     acc_out, acc, bufc0, bufc1, idx8,
                     sL0, sL1, sS0, sS1, six):
    core = lax.axis_index("c")
    sub = lax.axis_index("s")
    bufc = (bufc0, bufc1)
    lsem = (sL0, sL1)
    ssem = (sS0, sS1)
    SBS = 8
    rows_t = EPT_S // CH

    for p in range(2):
        cc = core * 2 + p

        @pl.when(sub == 0)
        def _init():
            pltpu.sync_copy(wm0_hbm.at[cc], acc.at[pl.ds(0, N), :])

        plsc.subcore_barrier()

        row_t = sub * rows_t

        def superblock(sb, _):
            row0 = row_t + sb * SBS
            cA = pltpu.async_copy(deff2.at[pl.ds(row0, SBS)], idx8, six)
            cA.wait()
            L = [None] * SBS
            S = [None] * SBS
            for i in range(SBS):
                b = i % 2
                base = (row0 + i) * CH
                if i >= 2:
                    S[i - 2].wait()
                L[i] = pltpu.async_copy(wm_hbm.at[cc, pl.ds(base, CH), :],
                                        bufc[b], lsem[b])
                if i >= 1:
                    pb = (i - 1) % 2
                    L[i - 1].wait()
                    S[i - 1] = pltpu.async_copy(bufc[pb], acc.at[idx8.at[i - 1]],
                                                ssem[pb], add=True)
            L[SBS - 1].wait()
            S[SBS - 1] = pltpu.async_copy(bufc[(SBS - 1) % 2],
                                          acc.at[idx8.at[SBS - 1]],
                                          ssem[(SBS - 1) % 2], add=True)
            S[SBS - 2].wait()
            S[SBS - 1].wait()
            return 0

        lax.fori_loop(0, rows_t // SBS, superblock, 0)

        plsc.subcore_barrier()

        row0 = sub * NROW_T
        pltpu.sync_copy(acc.at[pl.ds(row0, NROW_T), :],
                        acc_out.at[cc, pl.ds(row0, NROW_T), :])

        @pl.when(sub == 15)
        def _tail():
            pltpu.sync_copy(acc.at[pl.ds(16 * NROW_T, N - 16 * NROW_T), :],
                            acc_out.at[cc, pl.ds(16 * NROW_T, N - 16 * NROW_T), :])

        plsc.subcore_barrier()


def _sc_scatter(deff2, wm, wm0):
    f32 = jnp.float32
    mesh = plsc.VectorSubcoreMesh(core_axis_name="c", subcore_axis_name="s")
    fn = pl.kernel(
        _sc_scatter_body,
        out_type=jax.ShapeDtypeStruct((4, N, 128), f32),
        mesh=mesh,
        scratch_types=[
            pltpu.VMEM_SHARED((NPAD, 128), f32),
            pltpu.VMEM((CH, 128), f32),
            pltpu.VMEM((CH, 128), f32),
            pltpu.VMEM((8, CH), jnp.int32),
        ] + [pltpu.SemaphoreType.DMA] * 5,
    )
    return fn(deff2, wm, wm0)



def _div_body(acc_ref, out_ref):
    i = pl.program_id(0)
    den = jnp.concatenate([acc_ref[c, :, 0:64] for c in range(4)], axis=1)
    num = jnp.concatenate([acc_ref[c, :, 64:128] for c in range(4)], axis=1)
    out_ref[...] = num / (den + 1e-16)


def _div(acc):
    f32 = jnp.float32
    grid = (pl.cdiv(N, BN),)
    return pl.pallas_call(
        _div_body, grid=grid,
        in_specs=[pl.BlockSpec((4, BN, 128), lambda i: (0, i, 0))],
        out_specs=pl.BlockSpec((BN, D), lambda i: (i, 0)),
        out_shape=jax.ShapeDtypeStruct((N, D), f32),
    )(acc)



def kernel(point_features, edge_index, point_positions, naip_embeddings,
           naip_bbox, center, scale, W_pre, b_pre, W_lin, W_src, W_dst,
           W_pos1, b_pos1, W_pos2, b_pos2, W_att1, b_att1, W_att2, b_att2):
    f32 = jnp.float32

    minx, miny, maxx, maxy = naip_bbox[0], naip_bbox[1], naip_bbox[2], naip_bbox[3]
    psx = (maxx - minx) / PPS
    psy = (maxy - miny) / PPS
    idx = jnp.arange(PPS, dtype=f32)
    xc = minx + psx / 2.0 + idx * psx
    yc = miny + psy / 2.0 + idx * psy
    gy, gx = jnp.meshgrid(yc, xc, indexing='ij')
    positions = jnp.stack([gx.flatten(), gy.flatten()], axis=1)
    patch_pos = (positions - center[:, :2]) / scale
    pxpy = jnp.zeros((8, 16), f32).at[0].set(patch_pos[:, 0]).at[1].set(patch_pos[:, 1])

    Wf = W_pos2 @ W_att1
    c0 = b_pos2 @ W_att1 + b_att1
    t0 = jax.nn.relu(b_pos1)
    c_self = t0 @ Wf + c0
    delta0 = t0 @ W_pos2 + b_pos2
    cpack = jnp.zeros((8, D), f32).at[0].set(delta0).at[1, 0:64].set(c_self)

    pos16 = jnp.zeros((N, 16), f32).at[:, 0:3].set(point_positions)
    bpre = jnp.zeros((8, CONCAT), f32).at[0].set(b_pre)
    batt2 = jnp.zeros((8, D), f32).at[0].set(b_att2)
    wp1 = jnp.zeros((16, 64), f32).at[0:3, :].set(W_pos1)
    bp1 = jnp.zeros((8, 64), f32).at[0].set(b_pos1)
    c0row = jnp.zeros((8, 64), f32).at[0].set(c0)
    bpos2row = jnp.zeros((8, D), f32).at[0].set(b_pos2)

    src = edge_index[0]
    dst = edge_index[1]
    pad = EP - E
    srcp = jnp.concatenate([src, jnp.zeros((pad,), src.dtype)])
    dstp = jnp.concatenate([dst, jnp.zeros((pad,), dst.dtype)])
    deff = jnp.where(srcp == dstp, N, dstp).astype(jnp.int32)
    deff2 = deff.reshape(EP // CH, CH)
    srcp2 = srcp.astype(jnp.int32).reshape(ROWS_G, CHG)
    dstp2 = dstp.astype(jnp.int32).reshape(ROWS_G, CHG)

    ts, td, xl, wm0 = _dense_node(
        pos16, point_features, pxpy, naip_embeddings, W_pre, bpre, W_lin,
        W_src, W_dst, W_att1, W_att2, batt2, cpack)

    a_s, a_d, a_x = _sc_gather(srcp2, dstp2, ts, td, xl)

    wm, = _edge_mlp(a_s, a_d, a_x, wp1, bp1, Wf, c0row, W_att2, batt2,
                    W_pos2, bpos2row)

    acc = _sc_scatter(deff2, wm, wm0)

    return _div(acc)

# --- scband reference (transcript-rebuilt; emitter-appended) ---
"""Pipeline reference for scband-spatial-fusion-76639396429862 (READ-ONLY COPY).

The authoritative reference and input builder live on the scoring server;
editing this copy changes nothing except your own understanding.
"""

import jax, jax.numpy as jnp
import numpy as np

N = 10000
E = 160000
D = 256
PATCH_DIM = 32
CONCAT = D + PATCH_DIM
PPS = 4
TEMPERATURE = 0.1
MAX_DIST_RATIO = 0.5


def setup_inputs(seed: int = 0):
    key = jax.random.key(seed)
    ks = jax.random.split(key, 16)

    def lin(k, fi, fo):
        return jax.random.normal(k, (fi, fo), dtype=jnp.float32) / float(np.sqrt(fi))

    inp = {}
    inp['point_features'] = jax.random.normal(ks[0], (N, D), dtype=jnp.float32)
    inp['edge_index'] = jax.random.randint(ks[1], (2, E), 0, N)
    inp['point_positions'] = jax.random.normal(ks[2], (N, 3), dtype=jnp.float32)
    inp['naip_embeddings'] = jax.random.normal(ks[3], (16, PATCH_DIM), dtype=jnp.float32)
    inp['naip_bbox'] = jnp.arange(4, dtype=jnp.float32)
    inp['center'] = jax.random.normal(ks[4], (1, 3), dtype=jnp.float32)
    inp['scale'] = jnp.ones((1,), dtype=jnp.float32)
    inp['W_pre'] = lin(ks[5], CONCAT, CONCAT)
    inp['b_pre'] = jnp.zeros((CONCAT,), dtype=jnp.float32)
    inp['W_lin'] = lin(ks[6], CONCAT, D)
    inp['W_src'] = lin(ks[7], CONCAT, D)
    inp['W_dst'] = lin(ks[8], CONCAT, D)
    inp['W_pos1'] = lin(ks[9], 3, 64)
    inp['b_pos1'] = jnp.zeros((64,), dtype=jnp.float32)
    inp['W_pos2'] = lin(ks[10], 64, D)
    inp['b_pos2'] = jnp.zeros((D,), dtype=jnp.float32)
    inp['W_att1'] = lin(ks[11], D, 64)
    inp['b_att1'] = jnp.zeros((64,), dtype=jnp.float32)
    inp['W_att2'] = lin(ks[12], 64, D)
    inp['b_att2'] = jnp.zeros((D,), dtype=jnp.float32)
    return inp


def _patch_contribution(point_xy, patch_embeddings, bbox, center, scale):
    minx, miny, maxx, maxy = bbox[0], bbox[1], bbox[2], bbox[3]
    psx = (maxx - minx) / PPS
    psy = (maxy - miny) / PPS
    idx = jnp.arange(PPS, dtype=jnp.float32)
    xc = minx + psx / 2.0 + idx * psx
    yc = miny + psy / 2.0 + idx * psy
    gy, gx = jnp.meshgrid(yc, xc, indexing='ij')
    positions = jnp.stack([gx.flatten(), gy.flatten()], axis=1)
    patch_pos = (positions - center[:, :2]) / scale
    diff = point_xy[:, None, :] - patch_pos[None, :, :]
    dist = jnp.sqrt((diff ** 2).sum(-1))
    mask = (dist <= MAX_DIST_RATIO).astype(jnp.float32)
    w = jnp.exp(-dist / TEMPERATURE) * mask
    ws = w.sum(axis=1, keepdims=True)
    valid = (ws > 1e-06).astype(jnp.float32)
    w = w / (ws + 1e-10)
    return (w @ patch_embeddings) * valid


def reference(point_features, edge_index, point_positions, naip_embeddings, naip_bbox, center, scale, W_pre, b_pre, W_lin, W_src, W_dst, W_pos1, b_pos1, W_pos2, b_pos2, W_att1, b_att1, W_att2, b_att2):
    contrib = _patch_contribution(point_positions[:, :2], naip_embeddings, naip_bbox, center, scale)
    h = jnp.concatenate([point_features, contrib], axis=1)
    h = h @ W_pre + b_pre
    # PointTransformerConv: remove self loops, then add self loops (PyG default)
    src0 = edge_index[0]
    dst0 = edge_index[1]
    self_loop = src0 == dst0
    src = jnp.concatenate([src0, jnp.arange(N)])
    dst = jnp.concatenate([jnp.where(self_loop, N, dst0), jnp.arange(N)])
    x_lin = h @ W_lin
    a_src = h @ W_src
    a_dst = h @ W_dst
    rel = point_positions[dst] - point_positions[src]
    delta = jax.nn.relu(rel @ W_pos1 + b_pos1) @ W_pos2 + b_pos2
    alpha = a_dst[dst] - a_src[src] + delta
    alpha = jax.nn.relu(alpha @ W_att1 + b_att1) @ W_att2 + b_att2
    amax = jax.ops.segment_max(alpha, dst, num_segments=N)
    amax = jnp.where(jnp.isfinite(amax), amax, 0.0)
    e = jnp.exp(alpha - amax[dst])
    denom = jax.ops.segment_sum(e, dst, num_segments=N)
    attn = e / (denom[dst] + 1e-16)
    msg = attn * (x_lin[src] + delta)
    out = jax.ops.segment_sum(msg, dst, num_segments=N)
    return out

if __name__ == "__main__":
    import jax
    _d = setup_inputs()
    print(jax.jit(kernel)(*tuple(_d.values())))

</pallas_src>

<mosaic_0001>
#map = affine_map<(d0, d1) -> (0, 0)>
module attributes {stable_mosaic.version = 14 : i64} {
  func.func @_sc_gather_body(%arg0: i32, %arg1: i32, %arg2: memref<2048x80xi32, #tpu.memory_space<hbm>>, %arg3: memref<2048x80xi32, #tpu.memory_space<hbm>>, %arg4: memref<10000x128xf32, #tpu.memory_space<hbm>>, %arg5: memref<10000x128xf32, #tpu.memory_space<hbm>>, %arg6: memref<10000x128xi32, #tpu.memory_space<hbm>>, %arg7: memref<163840x128xf32, #tpu.memory_space<hbm>>, %arg8: memref<163840x128xf32, #tpu.memory_space<hbm>>, %arg9: memref<163840x128xi32, #tpu.memory_space<hbm>>, %arg10: memref<8x80xi32, #tpu.memory_space<vmem>>, %arg11: memref<8x80xi32, #tpu.memory_space<vmem>>, %arg12: memref<80x128xf32, #tpu.memory_space<vmem>>, %arg13: memref<80x128xf32, #tpu.memory_space<vmem>>, %arg14: memref<80x128xf32, #tpu.memory_space<vmem>>, %arg15: memref<80x128xf32, #tpu.memory_space<vmem>>, %arg16: memref<80x128xi32, #tpu.memory_space<vmem>>, %arg17: memref<80x128xi32, #tpu.memory_space<vmem>>, %arg18: memref<!tpu.dma_semaphore, #tpu.memory_space<semaphore_mem>>, %arg19: memref<!tpu.dma_semaphore, #tpu.memory_space<semaphore_mem>>, %arg20: memref<!tpu.dma_semaphore, #tpu.memory_space<semaphore_mem>>, %arg21: memref<!tpu.dma_semaphore, #tpu.memory_space<semaphore_mem>>, %arg22: memref<!tpu.dma_semaphore, #tpu.memory_space<semaphore_mem>>, %arg23: memref<!tpu.dma_semaphore, #tpu.memory_space<semaphore_mem>>, %arg24: memref<!tpu.dma_semaphore, #tpu.memory_space<semaphore_mem>>, %arg25: memref<!tpu.dma_semaphore, #tpu.memory_space<semaphore_mem>>, %arg26: memref<!tpu.dma_semaphore, #tpu.memory_space<semaphore_mem>>, %arg27: memref<!tpu.dma_semaphore, #tpu.memory_space<semaphore_mem>>, %arg28: memref<!tpu.dma_semaphore, #tpu.memory_space<semaphore_mem>>, %arg29: memref<!tpu.dma_semaphore, #tpu.memory_space<semaphore_mem>>, %arg30: memref<!tpu.dma_semaphore, #tpu.memory_space<semaphore_mem>>) attributes {dimension_semantics = [#tpu.dimension_semantics<core_parallel>, #tpu.dimension_semantics<subcore_parallel>], iteration_bounds = array<i64: 2, 16>, scalar_prefetch = 0 : i64, scratch_operands = 21 : i64, tpu.core_type = #tpu.core_type<sc_vector_subcore>, window_params = [{transform_indices = #map}, {transform_indices = #map}, {transform_indices = #map}, {transform_indices = #map}, {transform_indices = #map}, {transform_indices = #map}, {transform_indices = #map}, {transform_indices = #map}]} {
    %mul3A = arith.constant 16 : i32
    %mul3A_0 = arith.muli %arg0, %mul3A : i32
    %add3A = arith.addi %mul3A_0, %arg1 : i32
    %mul3A_1 = arith.constant 64 : i32
    %mul3A_2 = arith.muli %add3A, %mul3A_1 : i32
    %scan3A = arith.constant 0 : i32
    %scan3A_3 = arith.constant 0 : i32
    %scan3A_4 = arith.constant 8 : i32
    %scan3A_5 = arith.addi %scan3A_3, %scan3A_4 : i32
    %scan3A_6 = arith.constant 1 : i32
    %scan3A_7 = scf.for %scan3A_9 = %scan3A_3 to %scan3A_5 step %scan3A_6 iter_args(%scan3A_10 = %scan3A) -> (i32)  : i32 {
      %mul3A_11 = arith.constant 8 : i32
      %mul3A_12 = arith.muli %scan3A_9, %mul3A_11 : i32
      %add3A_13 = arith.addi %mul3A_2, %mul3A_12 : i32
      %dma_start3A = arith.constant 0 : i32
      %dma_start3A_14 = tpu.memref_slice %arg2[%add3A_13, %dma_start3A] : memref<2048x80xi32, #tpu.memory_space<hbm>> -> memref<8x80xi32, #tpu.memory_space<hbm>>
      %dma_start3A_15 = arith.constant 0 : i32
      %dma_start3A_16 = tpu.memref_slice %arg2[%add3A_13, %dma_start3A_15] : memref<2048x80xi32, #tpu.memory_space<hbm>> -> memref<8x80xi32, #tpu.memory_space<hbm>>
      tpu.enqueue_dma source(%dma_start3A_16 : memref<8x80xi32, #tpu.memory_space<hbm>>) target(%arg10 : memref<8x80xi32, #tpu.memory_space<vmem>>) target_semaphore(%arg30 : memref<!tpu.dma_semaphore, #tpu.memory_space<semaphore_mem>>)
      %dma_wait3A = arith.constant 0 : i32
      %dma_wait3A_17 = tpu.memref_slice %arg2[%add3A_13, %dma_wait3A] : memref<2048x80xi32, #tpu.memory_space<hbm>> -> memref<8x80xi32, #tpu.memory_space<hbm>>
      %dma_wait3A_18 = arith.constant 0 : i32
      %dma_wait3A_19 = tpu.memref_slice %arg2[%add3A_13, %dma_wait3A_18] : memref<2048x80xi32, #tpu.memory_space<hbm>> -> memref<8x80xi32, #tpu.memory_space<hbm>>
      tpu.wait_dma2 semaphore(%arg30 : memref<!tpu.dma_semaphore, #tpu.memory_space<semaphore_mem>>) src(%dma_wait3A_19 : memref<8x80xi32, #tpu.memory_space<hbm>>) dst(%arg10 : memref<8x80xi32, #tpu.memory_space<vmem>>)
      %dma_start3A_20 = arith.constant 0 : i32
      %dma_start3A_21 = tpu.memref_slice %arg3[%add3A_13, %dma_start3A_20] : memref<2048x80xi32, #tpu.memory_space<hbm>> -> memref<8x80xi32, #tpu.memory_space<hbm>>
      %dma_start3A_22 = arith.constant 0 : i32
      %dma_start3A_23 = tpu.memref_slice %arg3[%add3A_13, %dma_start3A_22] : memref<2048x80xi32, #tpu.memory_space<hbm>> -> memref<8x80xi32, #tpu.memory_space<hbm>>
      tpu.enqueue_dma source(%dma_start3A_23 : memref<8x80xi32, #tpu.memory_space<hbm>>) target(%arg11 : memref<8x80xi32, #tpu.memory_space<vmem>>) target_semaphore(%arg30 : memref<!tpu.dma_semaphore, #tpu.memory_space<semaphore_mem>>)
      %dma_wait3A_24 = arith.constant 0 : i32
      %dma_wait3A_25 = tpu.memref_slice %arg3[%add3A_13, %dma_wait3A_24] : memref<2048x80xi32, #tpu.memory_space<hbm>> -> memref<8x80xi32, #tpu.memory_space<hbm>>
      %dma_wait3A_26 = arith.constant 0 : i32
      %dma_wait3A_27 = tpu.memref_slice %arg3[%add3A_13, %dma_wait3A_26] : memref<2048x80xi32, #tpu.memory_space<hbm>> -> memref<8x80xi32, #tpu.memory_space<hbm>>
      tpu.wait_dma2 semaphore(%arg30 : memref<!tpu.dma_semaphore, #tpu.memory_space<semaphore_mem>>) src(%dma_wait3A_27 : memref<8x80xi32, #tpu.memory_space<hbm>>) dst(%arg11 : memref<8x80xi32, #tpu.memory_space<vmem>>)
      %dma_start3A_28 = arith.constant 0 : i32
      %dma_start3A_29 = arith.constant 0 : i32
      %dma_start3A_30 = tpu.memref_slice %arg10[%dma_start3A_28, %dma_start3A_29] : memref<8x80xi32, #tpu.memory_space<vmem>> -> memref<1x80xi32, #tpu.memory_space<vmem>>
      %dma_start3A_31 = tpu.memref_squeeze %dma_start3A_30 : memref<1x80xi32, #tpu.memory_space<vmem>> -> memref<80xi32, #tpu.memory_space<vmem>>
      %dma_start3A_32 = arith.constant 0 : i32
      %dma_start3A_33 = arith.constant 0 : i32
      %dma_start3A_34 = tpu.memref_slice %arg4[%dma_start3A_32, %dma_start3A_33] : memref<10000x128xf32, #tpu.memory_space<hbm>> -> memref<10000x128xf32, #tpu.memory_space<hbm>>
      tpu.enqueue_indirect_dma source(%dma_start3A_34 : memref<10000x128xf32, #tpu.memory_space<hbm>>) target(%arg12 : memref<80x128xf32, #tpu.memory_space<vmem>>) offsets(%dma_start3A_31 : memref<80xi32, #tpu.memory_space<vmem>>) semaphore(%arg18 : memref<!tpu.dma_semaphore, #tpu.memory_space<semaphore_mem>>)
      %dma_start3A_35 = arith.constant 0 : i32
      %dma_start3A_36 = arith.constant 0 : i32
      %dma_start3A_37 = tpu.memref_slice %arg11[%dma_start3A_35, %dma_start3A_36] : memref<8x80xi32, #tpu.memory_space<vmem>> -> memref<1x80xi32, #tpu.memory_space<vmem>>
      %dma_start3A_38 = tpu.memref_squeeze %dma_start3A_37 : memref<1x80xi32, #tpu.memory_space<vmem>> -> memref<80xi32, #tpu.memory_space<vmem>>
      %dma_start3A_39 = arith.constant 0 : i32
      %dma_start3A_40 = arith.constant 0 : i32
      %dma_start3A_41 = tpu.memref_slice %arg5[%dma_start3A_39, %dma_start3A_40] : memref<10000x128xf32, #tpu.memory_space<hbm>> -> memref<10000x128xf32, #tpu.memory_space<hbm>>
      tpu.enqueue_indirect_dma source(%dma_start3A_41 : memref<10000x128xf32, #tpu.memory_space<hbm>>) target(%arg14 : memref<80x128xf32, #tpu.memory_space<vmem>>) offsets(%dma_start3A_38 : memref<80xi32, #tpu.memory_space<vmem>>) semaphore(%arg20 : memref<!tpu.dma_semaphore, #tpu.memory_space<semaphore_mem>>)
      %dma_start3A_42 = arith.constant 0 : i32
      %dma_start3A_43 = arith.constant 0 : i32
      %dma_start3A_44 = tpu.memref_slice %arg10[%dma_start3A_42, %dma_start3A_43] : memref<8x80xi32, #tpu.memory_space<vmem>> -> memref<1x80xi32, #tpu.memory_space<vmem>>
      %dma_start3A_45 = tpu.memref_squeeze %dma_start3A_44 : memref<1x80xi32, #tpu.memory_space<vmem>> -> memref<80xi32, #tpu.memory_space<vmem>>
      %dma_start3A_46 = arith.constant 0 : i32
      %dma_start3A_47 = arith.constant 0 : i32
      %dma_start3A_48 = tpu.memref_slice %arg6[%dma_start3A_46, %dma_start3A_47] : memref<10000x128xi32, #tpu.memory_space<hbm>> -> memref<10000x128xi32, #tpu.memory_space<hbm>>
      tpu.enqueue_indirect_dma source(%dma_start3A_48 : memref<10000x128xi32, #tpu.memory_space<hbm>>) target(%arg16 : memref<80x128xi32, #tpu.memory_space<vmem>>) offsets(%dma_start3A_45 : memref<80xi32, #tpu.memory_space<vmem>>) semaphore(%arg22 : memref<!tpu.dma_semaphore, #tpu.memory_space<semaphore_mem>>)
      %dma_start3A_49 = arith.constant 1 : i32
      %dma_start3A_50 = arith.constant 0 : i32
      %dma_start3A_51 = tpu.memref_slice %arg10[%dma_start3A_49, %dma_start3A_50] : memref<8x80xi32, #tpu.memory_space<vmem>> -> memref<1x80xi32, #tpu.memory_space<vmem>>
      %dma_start3A_52 = tpu.memref_squeeze %dma_start3A_51 : memref<1x80xi32, #tpu.memory_space<vmem>> -> memref<80xi32, #tpu.memory_space<vmem>>
      %dma_start3A_53 = arith.constant 0 : i32
      %dma_start3A_54 = arith.constant 0 : i32
      %dma_start3A_55 = tpu.memref_slice %arg4[%dma_start3A_53, %dma_start3A_54] : memref<10000x128xf32, #tpu.memory_space<hbm>> -> memref<10000x128xf32, #tpu.memory_space<hbm>>
      tpu.enqueue_indirect_dma source(%dma_start3A_55 : memref<10000x128xf32, #tpu.memory_space<hbm>>) target(%arg13 : memref<80x128xf32, #tpu.memory_space<vmem>>) offsets(%dma_start3A_52 : memref<80xi32, #tpu.memory_space<vmem>>) semaphore(%arg19 : memref<!tpu.dma_semaphore, #tpu.memory_space<semaphore_mem>>)
      %dma_start3A_56 = arith.constant 1 : i32
      %dma_start3A_57 = arith.constant 0 : i32
      %dma_start3A_58 = tpu.memref_slice %arg11[%dma_start3A_56, %dma_start3A_57] : memref<8x80xi32, #tpu.memory_space<vmem>> -> memref<1x80xi32, #tpu.memory_space<vmem>>
      %dma_start3A_59 = tpu.memref_squeeze %dma_start3A_58 : memref<1x80xi32, #tpu.memory_space<vmem>> -> memref<80xi32, #tpu.memory_space<vmem>>
      %dma_start3A_60 = arith.constant 0 : i32
      %dma_start3A_61 = arith.constant 0 : i32
      %dma_start3A_62 = tpu.memref_slice %arg5[%dma_start3A_60, %dma_start3A_61] : memref<10000x128xf32, #tpu.memory_space<hbm>> -> memref<10000x128xf32, #tpu.memory_space<hbm>>
      tpu.enqueue_indirect_dma source(%dma_start3A_62 : memref<10000x128xf32, #tpu.memory_space<hbm>>) target(%arg15 : memref<80x128xf32, #tpu.memory_space<vmem>>) offsets(%dma_start3A_59 : memref<80xi32, #tpu.memory_space<vmem>>) semaphore(%arg21 : memref<!tpu.dma_semaphore, #tpu.memory_space<semaphore_mem>>)
      %dma_start3A_63 = arith.constant 1 : i32
      %dma_start3A_64 = arith.constant 0 : i32
      %dma_start3A_65 = tpu.memref_slice %arg10[%dma_start3A_63, %dma_start3A_64] : memref<8x80xi32, #tpu.memory_space<vmem>> -> memref<1x80xi32, #tpu.memory_space<vmem>>
      %dma_start3A_66 = tpu.memref_squeeze %dma_start3A_65 : memref<1x80xi32, #tpu.memory_space<vmem>> -> memref<80xi32, #tpu.memory_space<vmem>>
      %dma_start3A_67 = arith.constant 0 : i32
      %dma_start3A_68 = arith.constant 0 : i32
      %dma_start3A_69 = tpu.memref_slice %arg6[%dma_start3A_67, %dma_start3A_68] : memref<10000x128xi32, #tpu.memory_space<hbm>> -> memref<10000x128xi32, #tpu.memory_space<hbm>>
      tpu.enqueue_indirect_dma source(%dma_start3A_69 : memref<10000x128xi32, #tpu.memory_space<hbm>>) target(%arg17 : memref<80x128xi32, #tpu.memory_space<vmem>>) offsets(%dma_start3A_66 : memref<80xi32, #tpu.memory_space<vmem>>) semaphore(%arg23 : memref<!tpu.dma_semaphore, #tpu.memory_space<semaphore_mem>>)
      %dma_wait3A_70 = arith.constant 0 : i32
      %dma_wait3A_71 = arith.constant 0 : i32
      %dma_wait3A_72 = tpu.memref_slice %arg10[%dma_wait3A_70, %dma_wait3A_71] : memref<8x80xi32, #tpu.memory_space<vmem>> -> memref<1x80xi32, #tpu.memory_space<vmem>>
      %dma_wait3A_73 = tpu.memref_squeeze %dma_wait3A_72 : memref<1x80xi32, #tpu.memory_space<vmem>> -> memref<80xi32, #tpu.memory_space<vmem>>
      %dma_wait3A_74 = arith.constant 0 : i32
      %dma_wait3A_75 = arith.constant 0 : i32
      %dma_wait3A_76 = tpu.memref_slice %arg4[%dma_wait3A_74, %dma_wait3A_75] : memref<10000x128xf32, #tpu.memory_space<hbm>> -> memref<10000x128xf32, #tpu.memory_space<hbm>>
      tpu.wait_indirect_dma semaphore(%arg18 : memref<!tpu.dma_semaphore, #tpu.memory_space<semaphore_mem>>) src(%dma_wait3A_76 : memref<10000x128xf32, #tpu.memory_space<hbm>>) dst(%arg12 : memref<80x128xf32, #tpu.memory_space<vmem>>)
      %dma_wait3A_77 = arith.constant 0 : i32
      %dma_wait3A_78 = arith.constant 0 : i32
      %dma_wait3A_79 = tpu.memref_slice %arg11[%dma_wait3A_77, %dma_wait3A_78] : memref<8x80xi32, #tpu.memory_space<vmem>> -> memref<1x80xi32, #tpu.memory_space<vmem>>
      %dma_wait3A_80 = tpu.memref_squeeze %dma_wait3A_79 : memref<1x80xi32, #tpu.memory_space<vmem>> -> memref<80xi32, #tpu.memory_space<vmem>>
      %dma_wait3A_81 = arith.constant 0 : i32
      %dma_wait3A_82 = arith.constant 0 : i32
      %dma_wait3A_83 = tpu.memref_slice %arg5[%dma_wait3A_81, %dma_wait3A_82] : memref<10000x128xf32, #tpu.memory_space<hbm>> -> memref<10000x128xf32, #tpu.memory_space<hbm>>
      tpu.wait_indirect_dma semaphore(%arg20 : memref<!tpu.dma_semaphore, #tpu.memory_space<semaphore_mem>>) src(%dma_wait3A_83 : memref<10000x128xf32, #tpu.memory_space<hbm>>) dst(%arg14 : memref<80x128xf32, #tpu.memory_space<vmem>>)
      %dma_wait3A_84 = arith.constant 0 : i32
      %dma_wait3A_85 = arith.constant 0 : i32
      %dma_wait3A_86 = tpu.memref_slice %arg10[%dma_wait3A_84, %dma_wait3A_85] : memref<8x80xi32, #tpu.memory_space<vmem>> -> memref<1x80xi32, #tpu.memory_space<vmem>>
      %dma_wait3A_87 = tpu.memref_squeeze %dma_wait3A_86 : memref<1x80xi32, #tpu.memory_space<vmem>> -> memref<80xi32, #tpu.memory_space<vmem>>
      %dma_wait3A_88 = arith.constant 0 : i32
      %dma_wait3A_89 = arith.constant 0 : i32
      %dma_wait3A_90 = tpu.memref_slice %arg6[%dma_wait3A_88, %dma_wait3A_89] : memref<10000x128xi32, #tpu.memory_space<hbm>> -> memref<10000x128xi32, #tpu.memory_space<hbm>>
      tpu.wait_indirect_dma semaphore(%arg22 : memref<!tpu.dma_semaphore, #tpu.memory_space<semaphore_mem>>) src(%dma_wait3A_90 : memref<10000x128xi32, #tpu.memory_space<hbm>>) dst(%arg16 : memref<80x128xi32, #tpu.memory_space<vmem>>)
      %add3A_91 = arith.constant 0 : i32
      %add3A_92 = arith.addi %add3A_13, %add3A_91 : i32
      %mul3A_93 = arith.constant 80 : i32
      %mul3A_94 = arith.muli %add3A_92, %mul3A_93 : i32
      %dma_start3A_95 = arith.constant 0 : i32
      %dma_start3A_96 = tpu.memref_slice %arg7[%mul3A_94, %dma_start3A_95] : memref<163840x128xf32, #tpu.memory_space<hbm>> -> memref<80x128xf32, #tpu.memory_space<hbm>>
      %dma_start3A_97 = arith.constant 0 : i32
      %dma_start3A_98 = tpu.memref_slice %arg7[%mul3A_94, %dma_start3A_97] : memref<163840x128xf32, #tpu.memory_space<hbm>> -> memref<80x128xf32, #tpu.memory_space<hbm>>
      tpu.enqueue_dma source(%arg12 : memref<80x128xf32, #tpu.memory_space<vmem>>) target(%dma_start3A_98 : memref<80x128xf32, #tpu.memory_space<hbm>>) target_semaphore(%arg24 : memref<!tpu.dma_semaphore, #tpu.memory_space<semaphore_mem>>)
      %dma_start3A_99 = arith.constant 0 : i32
      %dma_start3A_100 = tpu.memref_slice %arg8[%mul3A_94, %dma_start3A_99] : memref<163840x128xf32, #tpu.memory_space<hbm>> -> memref<80x128xf32, #tpu.memory_space<hbm>>
      %dma_start3A_101 = arith.constant 0 : i32
      %dma_start3A_102 = tpu.memref_slice %arg8[%mul3A_94, %dma_start3A_101] : memref<163840x128xf32, #tpu.memory_space<hbm>> -> memref<80x128xf32, #tpu.memory_space<hbm>>
      tpu.enqueue_dma source(%arg14 : memref<80x128xf32, #tpu.memory_space<vmem>>) target(%dma_start3A_102 : memref<80x128xf32, #tpu.memory_space<hbm>>) target_semaphore(%arg26 : memref<!tpu.dma_semaphore, #tpu.memory_space<semaphore_mem>>)
      %dma_start3A_103 = arith.constant 0 : i32
      %dma_start3A_104 = tpu.memref_slice %arg9[%mul3A_94, %dma_start3A_103] : memref<163840x128xi32, #tpu.memory_space<hbm>> -> memref<80x128xi32, #tpu.memory_space<hbm>>
      %dma_start3A_105 = arith.constant 0 : i32
      %dma_start3A_106 = tpu.memref_slice %arg9[%mul3A_94, %dma_start3A_105] : memref<163840x128xi32, #tpu.memory_space<hbm>> -> memref<80x128xi32, #tpu.memory_space<hbm>>
      tpu.enqueue_dma source(%arg16 : memref<80x128xi32, #tpu.memory_space<vmem>>) target(%dma_start3A_106 : memref<80x128xi32, #tpu.memory_space<hbm>>) target_semaphore(%arg28 : memref<!tpu.dma_semaphore, #tpu.memory_space<semaphore_mem>>)
      %dma_wait3A_107 = arith.constant 0 : i32
      %dma_wait3A_108 = tpu.memref_slice %arg7[%mul3A_94, %dma_wait3A_107] : memref<163840x128xf32, #tpu.memory_space<hbm>> -> memref<80x128xf32, #tpu.memory_space<hbm>>
      %dma_wait3A_109 = arith.constant 0 : i32
      %dma_wait3A_110 = tpu.memref_slice %arg7[%mul3A_94, %dma_wait3A_109] : memref<163840x128xf32, #tpu.memory_space<hbm>> -> memref<80x128xf32, #tpu.memory_space<hbm>>
      tpu.wait_dma2 semaphore(%arg24 : memref<!tpu.dma_semaphore, #tpu.memory_space<semaphore_mem>>) src(%arg12 : memref<80x128xf32, #tpu.memory_space<vmem>>) dst(%dma_wait3A_110 : memref<80x128xf32, #tpu.memory_space<hbm>>)
      %dma_wait3A_111 = arith.constant 0 : i32
      %dma_wait3A_112 = tpu.memref_slice %arg8[%mul3A_94, %dma_wait3A_111] : memref<163840x128xf32, #tpu.memory_space<hbm>> -> memref<80x128xf32, #tpu.memory_space<hbm>>
      %dma_wait3A_113 = arith.constant 0 : i32
      %dma_wait3A_114 = tpu.memref_slice %arg8[%mul3A_94, %dma_wait3A_113] : memref<163840x128xf32, #tpu.memory_space<hbm>> -> memref<80x128xf32, #tpu.memory_space<hbm>>
      tpu.wait_dma2 semaphore(%arg26 : memref<!tpu.dma_semaphore, #tpu.memory_space<semaphore_mem>>) src(%arg14 : memref<80x128xf32, #tpu.memory_space<vmem>>) dst(%dma_wait3A_114 : memref<80x128xf32, #tpu.memory_space<hbm>>)
      %dma_wait3A_115 = arith.constant 0 : i32
      %dma_wait3A_116 = tpu.memref_slice %arg9[%mul3A_94, %dma_wait3A_115] : memref<163840x128xi32, #tpu.memory_space<hbm>> -> memref<80x128xi32, #tpu.memory_space<hbm>>
      %dma_wait3A_117 = arith.constant 0 : i32
      %dma_wait3A_118 = tpu.memref_slice %arg9[%mul3A_94, %dma_wait3A_117] : memref<163840x128xi32, #tpu.memory_space<hbm>> -> memref<80x128xi32, #tpu.memory_space<hbm>>
      tpu.wait_dma2 semaphore(%arg28 : memref<!tpu.dma_semaphore, #tpu.memory_space<semaphore_mem>>) src(%arg16 : memref<80x128xi32, #tpu.memory_space<vmem>>) dst(%dma_wait3A_118 : memref<80x128xi32, #tpu.memory_space<hbm>>)
      %dma_start3A_119 = arith.constant 2 : i32
      %dma_start3A_120 = arith.constant 0 : i32
      %dma_start3A_121 = tpu.memref_slice %arg10[%dma_start3A_119, %dma_start3A_120] : memref<8x80xi32, #tpu.memory_space<vmem>> -> memref<1x80xi32, #tpu.memory_space<vmem>>
      %dma_start3A_122 = tpu.memref_squeeze %dma_start3A_121 : memref<1x80xi32, #tpu.memory_space<vmem>> -> memref<80xi32, #tpu.memory_space<vmem>>
      %dma_start3A_123 = arith.constant 0 : i32
      %dma_start3A_124 = arith.constant 0 : i32
      %dma_start3A_125 = tpu.memref_slice %arg4[%dma_start3A_123, %dma_start3A_124] : memref<10000x128xf32, #tpu.memory_space<hbm>> -> memref<10000x128xf32, #tpu.memory_space<hbm>>
      tpu.enqueue_indirect_dma source(%dma_start3A_125 : memref<10000x128xf32, #tpu.memory_space<hbm>>) target(%arg12 : memref<80x128xf32, #tpu.memory_space<vmem>>) offsets(%dma_start3A_122 : memref<80xi32, #tpu.memory_space<vmem>>) semaphore(%arg18 : memref<!tpu.dma_semaphore, #tpu.memory_space<semaphore_mem>>)
      %dma_start3A_126 = arith.constant 2 : i32
      %dma_start3A_127 = arith.constant 0 : i32
      %dma_start3A_128 = tpu.memref_slice %arg11[%dma_start3A_126, %dma_start3A_127] : memref<8x80xi32, #tpu.memory_space<vmem>> -> memref<1x80xi32, #tpu.memory_space<vmem>>
      %dma_start3A_129 = tpu.memref_squeeze %dma_start3A_128 : memref<1x80xi32, #tpu.memory_space<vmem>> -> memref<80xi32, #tpu.memory_space<vmem>>
      %dma_start3A_130 = arith.constant 0 : i32
      %dma_start3A_131 = arith.constant 0 : i32
      %dma_start3A_132 = tpu.memref_slice %arg5[%dma_start3A_130, %dma_start3A_131] : memref<10000x128xf32, #tpu.memory_space<hbm>> -> memref<10000x128xf32, #tpu.memory_space<hbm>>
      tpu.enqueue_indirect_dma source(%dma_start3A_132 : memref<10000x128xf32, #tpu.memory_space<hbm>>) target(%arg14 : memref<80x128xf32, #tpu.memory_space<vmem>>) offsets(%dma_start3A_129 : memref<80xi32, #tpu.memory_space<vmem>>) semaphore(%arg20 : memref<!tpu.dma_semaphore, #tpu.memory_space<semaphore_mem>>)
      %dma_start3A_133 = arith.constant 2 : i32
      %dma_start3A_134 = arith.constant 0 : i32
      %dma_start3A_135 = tpu.memref_slice %arg10[%dma_start3A_133, %dma_start3A_134] : memref<8x80xi32, #tpu.memory_space<vmem>> -> memref<1x80xi32, #tpu.memory_space<vmem>>
      %dma_start3A_136 = tpu.memref_squeeze %dma_start3A_135 : memref<1x80xi32, #tpu.memory_space<vmem>> -> memref<80xi32, #tpu.memory_space<vmem>>
      %dma_start3A_137 = arith.constant 0 : i32
      %dma_start3A_138 = arith.constant 0 : i32
      %dma_start3A_139 = tpu.memref_slice %arg6[%dma_start3A_137, %dma_start3A_138] : memref<10000x128xi32, #tpu.memory_space<hbm>> -> memref<10000x128xi32, #tpu.memory_space<hbm>>
      tpu.enqueue_indirect_dma source(%dma_start3A_139 : memref<10000x128xi32, #tpu.memory_space<hbm>>) target(%arg16 : memref<80x128xi32, #tpu.memory_space<vmem>>) offsets(%dma_start3A_136 : memref<80xi32, #tpu.memory_space<vmem>>) semaphore(%arg22 : memref<!tpu.dma_semaphore, #tpu.memory_space<semaphore_mem>>)
      %dma_wait3A_140 = arith.constant 1 : i32
      %dma_wait3A_141 = arith.constant 0 : i32
      %dma_wait3A_142 = tpu.memref_slice %arg10[%dma_wait3A_140, %dma_wait3A_141] : memref<8x80xi32, #tpu.memory_space<vmem>> -> memref<1x80xi32, #tpu.memory_space<vmem>>
      %dma_wait3A_143 = tpu.memref_squeeze %dma_wait3A_142 : memref<1x80xi32, #tpu.memory_space<vmem>> -> memref<80xi32, #tpu.memory_space<vmem>>
      %dma_wait3A_144 = arith.constant 0 : i32
      %dma_wait3A_145 = arith.constant 0 : i32
      %dma_wait3A_146 = tpu.memref_slice %arg4[%dma_wait3A_144, %dma_wait3A_145] : memref<10000x128xf32, #tpu.memory_space<hbm>> -> memref<10000x128xf32, #tpu.memory_space<hbm>>
      tpu.wait_indirect_dma semaphore(%arg19 : memref<!tpu.dma_semaphore, #tpu.memory_space<semaphore_mem>>) src(%dma_wait3A_146 : memref<10000x128xf32, #tpu.memory_space<hbm>>) dst(%arg13 : memref<80x128xf32, #tpu.memory_space<vmem>>)
      %dma_wait3A_147 = arith.constant 1 : i32
      %dma_wait3A_148 = arith.constant 0 : i32
      %dma_wait3A_149 = tpu.memref_slice %arg11[%dma_wait3A_147, %dma_wait3A_148] : memref<8x80xi32, #tpu.memory_space<vmem>> -> memref<1x80xi32, #tpu.memory_space<vmem>>
      %dma_wait3A_150 = tpu.memref_squeeze %dma_wait3A_149 : memref<1x80xi32, #tpu.memory_space<vmem>> -> memref<80xi32, #tpu.memory_space<vmem>>
      %dma_wait3A_151 = arith.constant 0 : i32
      %dma_wait3A_152 = arith.constant 0 : i32
      %dma_wait3A_153 = tpu.memref_slice %arg5[%dma_wait3A_151, %dma_wait3A_152] : memref<10000x128xf32, #tpu.memory_space<hbm>> -> memref<10000x128xf32, #tpu.memory_space<hbm>>
      tpu.wait_indirect_dma semaphore(%arg21 : memref<!tpu.dma_semaphore, #tpu.memory_space<semaphore_mem>>) src(%dma_wait3A_153 : memref<10000x128xf32, #tpu.memory_space<hbm>>) dst(%arg15 : memref<80x128xf32, #tpu.memory_space<vmem>>)
      %dma_wait3A_154 = arith.constant 1 : i32
      %dma_wait3A_155 = arith.constant 0 : i32
      %dma_wait3A_156 = tpu.memref_slice %arg10[%dma_wait3A_154, %dma_wait3A_155] : memref<8x80xi32, #tpu.memory_space<vmem>> -> memref<1x80xi32, #tpu.memory_space<vmem>>
      %dma_wait3A_157 = tpu.memref_squeeze %dma_wait3A_156 : memref<1x80xi32, #tpu.memory_space<vmem>> -> memref<80xi32, #tpu.memory_space<vmem>>
      %dma_wait3A_158 = arith.constant 0 : i32
      %dma_wait3A_159 = arith.constant 0 : i32
      %dma_wait3A_160 = tpu.memref_slice %arg6[%dma_wait3A_158, %dma_wait3A_159] : memref<10000x128xi32, #tpu.memory_space<hbm>> -> memref<10000x128xi32, #tpu.memory_space<hbm>>
      tpu.wait_indirect_dma semaphore(%arg23 : memref<!tpu.dma_semaphore, #tpu.memory_space<semaphore_mem>>) src(%dma_wait3A_160 : memref<10000x128xi32, #tpu.memory_space<hbm>>) dst(%arg17 : memref<80x128xi32, #tpu.memory_space<vmem>>)
      %add3A_161 = arith.constant 1 : i32
      %add3A_162 = arith.addi %add3A_13, %add3A_161 : i32
      %mul3A_163 = arith.constant 80 : i32
      %mul3A_164 = arith.muli %add3A_162, %mul3A_163 : i32
      %dma_start3A_165 = arith.constant 0 : i32
      %dma_start3A_166 = tpu.memref_slice %arg7[%mul3A_164, %dma_start3A_165] : memref<163840x128xf32, #tpu.memory_space<hbm>> -> memref<80x128xf32, #tpu.memory_space<hbm>>
      %dma_start3A_167 = arith.constant 0 : i32
      %dma_start3A_168 = tpu.memref_slice %arg7[%mul3A_164, %dma_start3A_167] : memref<163840x128xf32, #tpu.memory_space<hbm>> -> memref<80x128xf32, #tpu.memory_space<hbm>>
      tpu.enqueue_dma source(%arg13 : memref<80x128xf32, #tpu.memory_space<vmem>>) target(%dma_start3A_168 : memref<80x128xf32, #tpu.memory_space<hbm>>) target_semaphore(%arg25 : memref<!tpu.dma_semaphore, #tpu.memory_space<semaphore_mem>>)
      %dma_start3A_169 = arith.constant 0 : i32
      %dma_start3A_170 = tpu.memref_slice %arg8[%mul3A_164, %dma_start3A_169] : memref<163840x128xf32, #tpu.memory_space<hbm>> -> memref<80x128xf32, #tpu.memory_space<hbm>>
      %dma_start3A_171 = arith.constant 0 : i32
      %dma_start3A_172 = tpu.memref_slice %arg8[%mul3A_164, %dma_start3A_171] : memref<163840x128xf32, #tpu.memory_space<hbm>> -> memref<80x128xf32, #tpu.memory_space<hbm>>
      tpu.enqueue_dma source(%arg15 : memref<80x128xf32, #tpu.memory_space<vmem>>) target(%dma_start3A_172 : memref<80x128xf32, #tpu.memory_space<hbm>>) target_semaphore(%arg27 : memref<!tpu.dma_semaphore, #tpu.memory_space<semaphore_mem>>)
      %dma_start3A_173 = arith.constant 0 : i32
      %dma_start3A_174 = tpu.memref_slice %arg9[%mul3A_164, %dma_start3A_173] : memref<163840x128xi32, #tpu.memory_space<hbm>> -> memref<80x128xi32, #tpu.memory_space<hbm>>
      %dma_start3A_175 = arith.constant 0 : i32
      %dma_start3A_176 = tpu.memref_slice %arg9[%mul3A_164, %dma_start3A_175] : memref<163840x128xi32, #tpu.memory_space<hbm>> -> memref<80x128xi32, #tpu.memory_space<hbm>>
      tpu.enqueue_dma source(%arg17 : memref<80x128xi32, #tpu.memory_space<vmem>>) target(%dma_start3A_176 : memref<80x128xi32, #tpu.memory_space<hbm>>) target_semaphore(%arg29 : memref<!tpu.dma_semaphore, #tpu.memory_space<semaphore_mem>>)
      %dma_wait3A_177 = arith.constant 0 : i32
      %dma_wait3A_178 = tpu.memref_slice %arg7[%mul3A_164, %dma_wait3A_177] : memref<163840x128xf32, #tpu.memory_space<hbm>> -> memref<80x128xf32, #tpu.memory_space<hbm>>
      %dma_wait3A_179 = arith.constant 0 : i32
      %dma_wait3A_180 = tpu.memref_slice %arg7[%mul3A_164, %dma_wait3A_179] : memref<163840x128xf32, #tpu.memory_space<hbm>> -> memref<80x128xf32, #tpu.memory_space<hbm>>
      tpu.wait_dma2 semaphore(%arg25 : memref<!tpu.dma_semaphore, #tpu.memory_space<semaphore_mem>>) src(%arg13 : memref<80x128xf32, #tpu.memory_space<vmem>>) dst(%dma_wait3A_180 : memref<80x128xf32, #tpu.memory_space<hbm>>)
      %dma_wait3A_181 = arith.constant 0 : i32
      %dma_wait3A_182 = tpu.memref_slice %arg8[%mul3A_164, %dma_wait3A_181] : memref<163840x128xf32, #tpu.memory_space<hbm>> -> memref<80x128xf32, #tpu.memory_space<hbm>>
      %dma_wait3A_183 = arith.constant 0 : i32
      %dma_wait3A_184 = tpu.memref_slice %arg8[%mul3A_164, %dma_wait3A_183] : memref<163840x128xf32, #tpu.memory_space<hbm>> -> memref<80x128xf32, #tpu.memory_space<hbm>>
      tpu.wait_dma2 semaphore(%arg27 : memref<!tpu.dma_semaphore, #tpu.memory_space<semaphore_mem>>) src(%arg15 : memref<80x128xf32, #tpu.memory_space<vmem>>) dst(%dma_wait3A_184 : memref<80x128xf32, #tpu.memory_space<hbm>>)
      %dma_wait3A_185 = arith.constant 0 : i32
      %dma_wait3A_186 = tpu.memref_slice %arg9[%mul3A_164, %dma_wait3A_185] : memref<163840x128xi32, #tpu.memory_space<hbm>> -> memref<80x128xi32, #tpu.memory_space<hbm>>
      %dma_wait3A_187 = arith.constant 0 : i32
      %dma_wait3A_188 = tpu.memref_slice %arg9[%mul3A_164, %dma_wait3A_187] : memref<163840x128xi32, #tpu.memory_space<hbm>> -> memref<80x128xi32, #tpu.memory_space<hbm>>
      tpu.wait_dma2 semaphore(%arg29 : memref<!tpu.dma_semaphore, #tpu.memory_space<semaphore_mem>>) src(%arg17 : memref<80x128xi32, #tpu.memory_space<vmem>>) dst(%dma_wait3A_188 : memref<80x128xi32, #tpu.memory_space<hbm>>)
      %dma_start3A_189 = arith.constant 3 : i32
      %dma_start3A_190 = arith.constant 0 : i32
      %dma_start3A_191 = tpu.memref_slice %arg10[%dma_start3A_189, %dma_start3A_190] : memref<8x80xi32, #tpu.memory_space<vmem>> -> memref<1x80xi32, #tpu.memory_space<vmem>>
      %dma_start3A_192 = tpu.memref_squeeze %dma_start3A_191 : memref<1x80xi32, #tpu.memory_space<vmem>> -> memref<80xi32, #tpu.memory_space<vmem>>
      %dma_start3A_193 = arith.constant 0 : i32
      %dma_start3A_194 = arith.constant 0 : i32
      %dma_start3A_195 = tpu.memref_slice %arg4[%dma_start3A_193, %dma_start3A_194] : memref<10000x128xf32, #tpu.memory_space<hbm>> -> memref<10000x128xf32, #tpu.memory_space<hbm>>
      tpu.enqueue_indirect_dma source(%dma_start3A_195 : memref<10000x128xf32, #tpu.memory_space<hbm>>) target(%arg13 : memref<80x128xf32, #tpu.memory_space<vmem>>) offsets(%dma_start3A_192 : memref<80xi32, #tpu.memory_space<vmem>>) semaphore(%arg19 : memref<!tpu.dma_semaphore, #tpu.memory_space<semaphore_mem>>)
      %dma_start3A_196 = arith.constant 3 : i32
      %dma_start3A_197 = arith.constant 0 : i32
      %dma_start3A_198 = tpu.memref_slice %arg11[%dma_start3A_196, %dma_start3A_197] : memref<8x80xi32, #tpu.memory_space<vmem>> -> memref<1x80xi32, #tpu.memory_space<vmem>>
      %dma_start3A_199 = tpu.memref_squeeze %dma_start3A_198 : memref<1x80xi32, #tpu.memory_space<vmem>> -> memref<80xi32, #tpu.memory_space<vmem>>
      %dma_start3A_200 = arith.constant 0 : i32
      %dma_start3A_201 = arith.constant 0 : i32
      %dma_start3A_202 = tpu.memref_slice %arg5[%dma_start3A_200, %dma_start3A_201] : memref<10000x128xf32, #tpu.memory_space<hbm>> -> memref<10000x128xf32, #tpu.memory_space<hbm>>
      tpu.enqueue_indirect_dma source(%dma_start3A_202 : memref<10000x128xf32, #tpu.memory_space<hbm>>) target(%arg15 : memref<80x128xf32, #tpu.memory_space<vmem>>) offsets(%dma_start3A_199 : memref<80xi32, #tpu.memory_space<vmem>>) semaphore(%arg21 : memref<!tpu.dma_semaphore, #tpu.memory_space<semaphore_mem>>)
      %dma_start3A_203 = arith.constant 3 : i32
      %dma_start3A_204 = arith.constant 0 : i32
      %dma_start3A_205 = tpu.memref_slice %arg10[%dma_start3A_203, %dma_start3A_204] : memref<8x80xi32, #tpu.memory_space<vmem>> -> memref<1x80xi32, #tpu.memory_space<vmem>>
      %dma_start3A_206 = tpu.memref_squeeze %dma_start3A_205 : memref<1x80xi32, #tpu.memory_space<vmem>> -> memref<80xi32, #tpu.memory_space<vmem>>
      %dma_start3A_207 = arith.constant 0 : i32
      %dma_start3A_208 = arith.constant 0 : i32
      %dma_start3A_209 = tpu.memref_slice %arg6[%dma_start3A_207, %dma_start3A_208] : memref<10000x128xi32, #tpu.memory_space<hbm>> -> memref<10000x128xi32, #tpu.memory_space<hbm>>
      tpu.enqueue_indirect_dma source(%dma_start3A_209 : memref<10000x128xi32, #tpu.memory_space<hbm>>) target(%arg17 : memref<80x128xi32, #tpu.memory_space<vmem>>) offsets(%dma_start3A_206 : memref<80xi32, #tpu.memory_space<vmem>>) semaphore(%arg23 : memref<!tpu.dma_semaphore, #tpu.memory_space<semaphore_mem>>)
      %dma_wait3A_210 = arith.constant 2 : i32
      %dma_wait3A_211 = arith.constant 0 : i32
      %dma_wait3A_212 = tpu.memref_slice %arg10[%dma_wait3A_210, %dma_wait3A_211] : memref<8x80xi32, #tpu.memory_space<vmem>> -> memref<1x80xi32, #tpu.memory_space<vmem>>
      %dma_wait3A_213 = tpu.memref_squeeze %dma_wait3A_212 : memref<1x80xi32, #tpu.memory_space<vmem>> -> memref<80xi32, #tpu.memory_space<vmem>>
      %dma_wait3A_214 = arith.constant 0 : i32
      %dma_wait3A_215 = arith.constant 0 : i32
      %dma_wait3A_216 = tpu.memref_slice %arg4[%dma_wait3A_214, %dma_wait3A_215] : memref<10000x128xf32, #tpu.memory_space<hbm>> -> memref<10000x128xf32, #tpu.memory_space<hbm>>
      tpu.wait_indirect_dma semaphore(%arg18 : memref<!tpu.dma_semaphore, #tpu.memory_space<semaphore_mem>>) src(%dma_wait3A_216 : memref<10000x128xf32, #tpu.memory_space<hbm>>) dst(%arg12 : memref<80x128xf32, #tpu.memory_space<vmem>>)
      %dma_wait3A_217 = arith.constant 2 : i32
      %dma_wait3A_218 = arith.constant 0 : i32
      %dma_wait3A_219 = tpu.memref_slice %arg11[%dma_wait3A_217, %dma_wait3A_218] : memref<8x80xi32, #tpu.memory_space<vmem>> -> memref<1x80xi32, #tpu.memory_space<vmem>>
      %dma_wait3A_220 = tpu.memref_squeeze %dma_wait3A_219 : memref<1x80xi32, #tpu.memory_space<vmem>> -> memref<80xi32, #tpu.memory_space<vmem>>
      %dma_wait3A_221 = arith.constant 0 : i32
      %dma_wait3A_222 = arith.constant 0 : i32
      %dma_wait3A_223 = tpu.memref_slice %arg5[%dma_wait3A_221, %dma_wait3A_222] : memref<10000x128xf32, #tpu.memory_space<hbm>> -> memref<10000x128xf32, #tpu.memory_space<hbm>>
      tpu.wait_indirect_dma semaphore(%arg20 : memref<!tpu.dma_semaphore, #tpu.memory_space<semaphore_mem>>) src(%dma_wait3A_223 : memref<10000x128xf32, #tpu.memory_space<hbm>>) dst(%arg14 : memref<80x128xf32, #tpu.memory_space<vmem>>)
      %dma_wait3A_224 = arith.constant 2 : i32
      %dma_wait3A_225 = arith.constant 0 : i32
      %dma_wait3A_226 = tpu.memref_slice %arg10[%dma_wait3A_224, %dma_wait3A_225] : memref<8x80xi32, #tpu.memory_space<vmem>> -> memref<1x80xi32, #tpu.memory_space<vmem>>
      %dma_wait3A_227 = tpu.memref_squeeze %dma_wait3A_226 : memref<1x80xi32, #tpu.memory_space<vmem>> -> memref<80xi32, #tpu.memory_space<vmem>>
      %dma_wait3A_228 = arith.constant 0 : i32
      %dma_wait3A_229 = arith.constant 0 : i32
      %dma_wait3A_230 = tpu.memref_slice %arg6[%dma_wait3A_228, %dma_wait3A_229] : memref<10000x128xi32, #tpu.memory_space<hbm>> -> memref<10000x128xi32, #tpu.memory_space<hbm>>
      tpu.wait_indirect_dma semaphore(%arg22 : memref<!tpu.dma_semaphore, #tpu.memory_space<semaphore_mem>>) src(%dma_wait3A_230 : memref<10000x128xi32, #tpu.memory_space<hbm>>) dst(%arg16 : memref<80x128xi32, #tpu.memory_space<vmem>>)
      %add3A_231 = arith.constant 2 : i32
      %add3A_232 = arith.addi %add3A_13, %add3A_231 : i32
      %mul3A_233 = arith.constant 80 : i32
      %mul3A_234 = arith.muli %add3A_232, %mul3A_233 : i32
      %dma_start3A_235 = arith.constant 0 : i32
      %dma_start3A_236 = tpu.memref_slice %arg7[%mul3A_234, %dma_start3A_235] : memref<163840x128xf32, #tpu.memory_space<hbm>> -> memref<80x128xf32, #tpu.memory_space<hbm>>
      %dma_start3A_237 = arith.constant 0 : i32
      %dma_start3A_238 = tpu.memref_slice %arg7[%mul3A_234, %dma_start3A_237] : memref<163840x128xf32, #tpu.memory_space<hbm>> -> memref<80x128xf32, #tpu.memory_space<hbm>>
      tpu.enqueue_dma source(%arg12 : memref<80x128xf32, #tpu.memory_space<vmem>>) target(%dma_start3A_238 : memref<80x128xf32, #tpu.memory_space<hbm>>) target_semaphore(%arg24 : memref<!tpu.dma_semaphore, #tpu.memory_space<semaphore_mem>>)
      %dma_start3A_239 = arith.constant 0 : i32
      %dma_start3A_240 = tpu.memref_slice %arg8[%mul3A_234, %dma_start3A_239] : memref<163840x128xf32, #tpu.memory_space<hbm>> -> memref<80x128xf32, #tpu.memory_space<hbm>>
      %dma_start3A_241 = arith.constant 0 : i32
      %dma_start3A_242 = tpu.memref_slice %arg8[%mul3A_234, %dma_start3A_241] : memref<163840x128xf32, #tpu.memory_space<hbm>> -> memref<80x128xf32, #tpu.memory_space<hbm>>
      tpu.enqueue_dma source(%arg14 : memref<80x128xf32, #tpu.memory_space<vmem>>) target(%dma_start3A_242 : memref<80x128xf32, #tpu.memory_space<hbm>>) target_semaphore(%arg26 : memref<!tpu.dma_semaphore, #tpu.memory_space<semaphore_mem>>)
      %dma_start3A_243 = arith.constant 0 : i32
      %dma_start3A_244 = tpu.memref_slice %arg9[%mul3A_234, %dma_start3A_243] : memref<163840x128xi32, #tpu.memory_space<hbm>> -> memref<80x128xi32, #tpu.memory_space<hbm>>
      %dma_start3A_245 = arith.constant 0 : i32
      %dma_start3A_246 = tpu.memref_slice %arg9[%mul3A_234, %dma_start3A_245] : memref<163840x128xi32, #tpu.memory_space<hbm>> -> memref<80x128xi32, #tpu.memory_space<hbm>>
      tpu.enqueue_dma source(%arg16 : memref<80x128xi32, #tpu.memory_space<vmem>>) target(%dma_start3A_246 : memref<80x128xi32, #tpu.memory_space<hbm>>) target_semaphore(%arg28 : memref<!tpu.dma_semaphore, #tpu.memory_space<semaphore_mem>>)
      %dma_wait3A_247 = arith.constant 0 : i32
      %dma_wait3A_248 = tpu.memref_slice %arg7[%mul3A_234, %dma_wait3A_247] : memref<163840x128xf32, #tpu.memory_space<hbm>> -> memref<80x128xf32, #tpu.memory_space<hbm>>
      %dma_wait3A_249 = arith.constant 0 : i32
      %dma_wait3A_250 = tpu.memref_slice %arg7[%mul3A_234, %dma_wait3A_249] : memref<163840x128xf32, #tpu.memory_space<hbm>> -> memref<80x128xf32, #tpu.memory_space<hbm>>
      tpu.wait_dma2 semaphore(%arg24 : memref<!tpu.dma_semaphore, #tpu.memory_space<semaphore_mem>>) src(%arg12 : memref<80x128xf32, #tpu.memory_space<vmem>>) dst(%dma_wait3A_250 : memref<80x128xf32, #tpu.memory_space<hbm>>)
      %dma_wait3A_251 = arith.constant 0 : i32
      %dma_wait3A_252 = tpu.memref_slice %arg8[%mul3A_234, %dma_wait3A_251] : memref<163840x128xf32, #tpu.memory_space<hbm>> -> memref<80x128xf32, #tpu.memory_space<hbm>>
      %dma_wait3A_253 = arith.constant 0 : i32
      %dma_wait3A_254 = tpu.memref_slice %arg8[%mul3A_234, %dma_wait3A_253] : memref<163840x128xf32, #tpu.memory_space<hbm>> -> memref<80x128xf32, #tpu.memory_space<hbm>>
      tpu.wait_dma2 semaphore(%arg26 : memref<!tpu.dma_semaphore, #tpu.memory_space<semaphore_mem>>) src(%arg14 : memref<80x128xf32, #tpu.memory_space<vmem>>) dst(%dma_wait3A_254 : memref<80x128xf32, #tpu.memory_space<hbm>>)
      %dma_wait3A_255 = arith.constant 0 : i32
      %dma_wait3A_256 = tpu.memref_slice %arg9[%mul3A_234, %dma_wait3A_255] : memref<163840x128xi32, #tpu.memory_space<hbm>> -> memref<80x128xi32, #tpu.memory_space<hbm>>
      %dma_wait3A_257 = arith.constant 0 : i32
      %dma_wait3A_258 = tpu.memref_slice %arg9[%mul3A_234, %dma_wait3A_257] : memref<163840x128xi32, #tpu.memory_space<hbm>> -> memref<80x128xi32, #tpu.memory_space<hbm>>
      tpu.wait_dma2 semaphore(%arg28 : memref<!tpu.dma_semaphore, #tpu.memory_space<semaphore_mem>>) src(%arg16 : memref<80x128xi32, #tpu.memory_space<vmem>>) dst(%dma_wait3A_258 : memref<80x128xi32, #tpu.memory_space<hbm>>)
      %dma_start3A_259 = arith.constant 4 : i32
      %dma_start3A_260 = arith.constant 0 : i32
      %dma_start3A_261 = tpu.memref_slice %arg10[%dma_start3A_259, %dma_start3A_260] : memref<8x80xi32, #tpu.memory_space<vmem>> -> memref<1x80xi32, #tpu.memory_space<vmem>>
      %dma_start3A_262 = tpu.memref_squeeze %dma_start3A_261 : memref<1x80xi32, #tpu.memory_space<vmem>> -> memref<80xi32, #tpu.memory_space<vmem>>
      %dma_start3A_263 = arith.constant 0 : i32
      %dma_start3A_264 = arith.constant 0 : i32
      %dma_start3A_265 = tpu.memref_slice %arg4[%dma_start3A_263, %dma_start3A_264] : memref<10000x128xf32, #tpu.memory_space<hbm>> -> memref<10000x128xf32, #tpu.memory_space<hbm>>
      tpu.enqueue_indirect_dma source(%dma_start3A_265 : memref<10000x128xf32, #tpu.memory_space<hbm>>) target(%arg12 : memref<80x128xf32, #tpu.memory_space<vmem>>) offsets(%dma_start3A_262 : memref<80xi32, #tpu.memory_space<vmem>>) semaphore(%arg18 : memref<!tpu.dma_semaphore, #tpu.memory_space<semaphore_mem>>)
      %dma_start3A_266 = arith.constant 4 : i32
      %dma_start3A_267 = arith.constant 0 : i32
      %dma_start3A_268 = tpu.memref_slice %arg11[%dma_start3A_266, %dma_start3A_267] : memref<8x80xi32, #tpu.memory_space<vmem>> -> memref<1x80xi32, #tpu.memory_space<vmem>>
      %dma_start3A_269 = tpu.memref_squeeze %dma_start3A_268 : memref<1x80xi32, #tpu.memory_space<vmem>> -> memref<80xi32, #tpu.memory_space<vmem>>
      %dma_start3A_270 = arith.constant 0 : i32
      %dma_start3A_271 = arith.constant 0 : i32
      %dma_start3A_272 = tpu.memref_slice %arg5[%dma_start3A_270, %dma_start3A_271] : memref<10000x128xf32, #tpu.memory_space<hbm>> -> memref<10000x128xf32, #tpu.memory_space<hbm>>
      tpu.enqueue_indirect_dma source(%dma_start3A_272 : memref<10000x128xf32, #tpu.memory_space<hbm>>) target(%arg14 : memref<80x128xf32, #tpu.memory_space<vmem>>) offsets(%dma_start3A_269 : memref<80xi32, #tpu.memory_space<vmem>>) semaphore(%arg20 : memref<!tpu.dma_semaphore, #tpu.memory_space<semaphore_mem>>)
      %dma_start3A_273 = arith.constant 4 : i32
      %dma_start3A_274 = arith.constant 0 : i32
      %dma_start3A_275 = tpu.memref_slice %arg10[%dma_start3A_273, %dma_start3A_274] : memref<8x80xi32, #tpu.memory_space<vmem>> -> memref<1x80xi32, #tpu.memory_space<vmem>>
      %dma_start3A_276 = tpu.memref_squeeze %dma_start3A_275 : memref<1x80xi32, #tpu.memory_space<vmem>> -> memref<80xi32, #tpu.memory_space<vmem>>
      %dma_start3A_277 = arith.constant 0 : i32
      %dma_start3A_278 = arith.constant 0 : i32
      %dma_start3A_279 = tpu.memref_slice %arg6[%dma_start3A_277, %dma_start3A_278] : memref<10000x128xi32, #tpu.memory_space<hbm>> -> memref<10000x128xi32, #tpu.memory_space<hbm>>
      tpu.enqueue_indirect_dma source(%dma_start3A_279 : memref<10000x128xi32, #tpu.memory_space<hbm>>) target(%arg16 : memref<80x128xi32, #tpu.memory_space<vmem>>) offsets(%dma_start3A_276 : memref<80xi32, #tpu.memory_space<vmem>>) semaphore(%arg22 : memref<!tpu.dma_semaphore, #tpu.memory_space<semaphore_mem>>)
      %dma_wait3A_280 = arith.constant 3 : i32
      %dma_wait3A_281 = arith.constant 0 : i32
      %dma_wait3A_282 = tpu.memref_slice %arg10[%dma_wait3A_280, %dma_wait3A_281] : memref<8x80xi32, #tpu.memory_space<vmem>> -> memref<1x80xi32, #tpu.memory_space<vmem>>
      %dma_wait3A_283 = tpu.memref_squeeze %dma_wait3A_282 : memref<1x80xi32, #tpu.memory_space<vmem>> -> memref<80xi32, #tpu.memory_space<vmem>>
      %dma_wait3A_284 = arith.constant 0 : i32
      %dma_wait3A_285 = arith.constant 0 : i32
      %dma_wait3A_286 = tpu.memref_slice %arg4[%dma_wait3A_284, %dma_wait3A_285] : memref<10000x128xf32, #tpu.memory_space<hbm>> -> memref<10000x128xf32, #tpu.memory_space<hbm>>
      tpu.wait_indirect_dma semaphore(%arg19 : memref<!tpu.dma_semaphore, #tpu.memory_space<semaphore_mem>>) src(%dma_wait3A_286 : memref<10000x128xf32, #tpu.memory_space<hbm>>) dst(%arg13 : memref<80x128xf32, #tpu.memory_space<vmem>>)
      %dma_wait3A_287 = arith.constant 3 : i32
      %dma_wait3A_288 = arith.constant 0 : i32
      %dma_wait3A_289 = tpu.memref_slice %arg11[%dma_wait3A_287, %dma_wait3A_288] : memref<8x80xi32, #tpu.memory_space<vmem>> -> memref<1x80xi32, #tpu.memory_space<vmem>>
      %dma_wait3A_290 = tpu.memref_squeeze %dma_wait3A_289 : memref<1x80xi32, #tpu.memory_space<vmem>> -> memref<80xi32, #tpu.memory_space<vmem>>
      %dma_wait3A_291 = arith.constant 0 : i32
      %dma_wait3A_292 = arith.constant 0 : i32
      %dma_wait3A_293 = tpu.memref_slice %arg5[%dma_wait3A_291, %dma_wait3A_292] : memref<10000x128xf32, #tpu.memory_space<hbm>> -> memref<10000x128xf32, #tpu.memory_space<hbm>>
      tpu.wait_indirect_dma semaphore(%arg21 : memref<!tpu.dma_semaphore, #tpu.memory_space<semaphore_mem>>) src(%dma_wait3A_293 : memref<10000x128xf32, #tpu.memory_space<hbm>>) dst(%arg15 : memref<80x128xf32, #tpu.memory_space<vmem>>)
      %dma_wait3A_294 = arith.constant 3 : i32
      %dma_wait3A_295 = arith.constant 0 : i32
      %dma_wait3A_296 = tpu.memref_slice %arg10[%dma_wait3A_294, %dma_wait3A_295] : memref<8x80xi32, #tpu.memory_space<vmem>> -> memref<1x80xi32, #tpu.memory_space<vmem>>
      %dma_wait3A_297 = tpu.memref_squeeze %dma_wait3A_296 : memref<1x80xi32, #tpu.memory_space<vmem>> -> memref<80xi32, #tpu.memory_space<vmem>>
      %dma_wait3A_298 = arith.constant 0 : i32
      %dma_wait3A_299 = arith.constant 0 : i32
      %dma_wait3A_300 = tpu.memref_slice %arg6[%dma_wait3A_298, %dma_wait3A_299] : memref<10000x128xi32, #tpu.memory_space<hbm>> -> memref<10000x128xi32, #tpu.memory_space<hbm>>
      tpu.wait_indirect_dma semaphore(%arg23 : memref<!tpu.dma_semaphore, #tpu.memory_space<semaphore_mem>>) src(%dma_wait3A_300 : memref<10000x128xi32, #tpu.memory_space<hbm>>) dst(%arg17 : memref<80x128xi32, #tpu.memory_space<vmem>>)
      %add3A_301 = arith.constant 3 : i32
      %add3A_302 = arith.addi %add3A_13, %add3A_301 : i32
      %mul3A_303 = arith.constant 80 : i32
      %mul3A_304 = arith.muli %add3A_302, %mul3A_303 : i32
      %dma_start3A_305 = arith.constant 0 : i32
      %dma_start3A_306 = tpu.memref_slice %arg7[%mul3A_304, %dma_start3A_305] : memref<163840x128xf32, #tpu.memory_space<hbm>> -> memref<80x128xf32, #tpu.memory_space<hbm>>
      %dma_start3A_307 = arith.constant 0 : i32
      %dma_start3A_308 = tpu.memref_slice %arg7[%mul3A_304, %dma_start3A_307] : memref<163840x128xf32, #tpu.memory_space<hbm>> -> memref<80x128xf32, #tpu.memory_space<hbm>>
      tpu.enqueue_dma source(%arg13 : memref<80x128xf32, #tpu.memory_space<vmem>>) target(%dma_start3A_308 : memref<80x128xf32, #tpu.memory_space<hbm>>) target_semaphore(%arg25 : memref<!tpu.dma_semaphore, #tpu.memory_space<semaphore_mem>>)
      %dma_start3A_309 = arith.constant 0 : i32
      %dma_start3A_310 = tpu.memref_slice %arg8[%mul3A_304, %dma_start3A_309] : memref<163840x128xf32, #tpu.memory_space<hbm>> -> memref<80x128xf32, #tpu.memory_space<hbm>>
      %dma_start3A_311 = arith.constant 0 : i32
      %dma_start3A_312 = tpu.memref_slice %arg8[%mul3A_304, %dma_start3A_311] : memref<163840x128xf32, #tpu.memory_space<hbm>> -> memref<80x128xf32, #tpu.memory_space<hbm>>
      tpu.enqueue_dma source(%arg15 : memref<80x128xf32, #tpu.memory_space<vmem>>) target(%dma_start3A_312 : memref<80x128xf32, #tpu.memory_space<hbm>>) target_semaphore(%arg27 : memref<!tpu.dma_semaphore, #tpu.memory_space<semaphore_mem>>)
      %dma_start3A_313 = arith.constant 0 : i32
      %dma_start3A_314 = tpu.memref_slice %arg9[%mul3A_304, %dma_start3A_313] : memref<163840x128xi32, #tpu.memory_space<hbm>> -> memref<80x128xi32, #tpu.memory_space<hbm>>
      %dma_start3A_315 = arith.constant 0 : i32
      %dma_start3A_316 = tpu.memref_slice %arg9[%mul3A_304, %dma_start3A_315] : memref<163840x128xi32, #tpu.memory_space<hbm>> -> memref<80x128xi32, #tpu.memory_space<hbm>>
      tpu.enqueue_dma source(%arg17 : memref<80x128xi32, #tpu.memory_space<vmem>>) target(%dma_start3A_316 : memref<80x128xi32, #tpu.memory_space<hbm>>) target_semaphore(%arg29 : memref<!tpu.dma_semaphore, #tpu.memory_space<semaphore_mem>>)
      %dma_wait3A_317 = arith.constant 0 : i32
      %dma_wait3A_318 = tpu.memref_slice %arg7[%mul3A_304, %dma_wait3A_317] : memref<163840x128xf32, #tpu.memory_space<hbm>> -> memref<80x128xf32, #tpu.memory_space<hbm>>
      %dma_wait3A_319 = arith.constant 0 : i32
      %dma_wait3A_320 = tpu.memref_slice %arg7[%mul3A_304, %dma_wait3A_319] : memref<163840x128xf32, #tpu.memory_space<hbm>> -> memref<80x128xf32, #tpu.memory_space<hbm>>
      tpu.wait_dma2 semaphore(%arg25 : memref<!tpu.dma_semaphore, #tpu.memory_space<semaphore_mem>>) src(%arg13 : memref<80x128xf32, #tpu.memory_space<vmem>>) dst(%dma_wait3A_320 : memref<80x128xf32, #tpu.memory_space<hbm>>)
      %dma_wait3A_321 = arith.constant 0 : i32
      %dma_wait3A_322 = tpu.memref_slice %arg8[%mul3A_304, %dma_wait3A_321] : memref<163840x128xf32, #tpu.memory_space<hbm>> -> memref<80x128xf32, #tpu.memory_space<hbm>>
      %dma_wait3A_323 = arith.constant 0 : i32
      %dma_wait3A_324 = tpu.memref_slice %arg8[%mul3A_304, %dma_wait3A_323] : memref<163840x128xf32, #tpu.memory_space<hbm>> -> memref<80x128xf32, #tpu.memory_space<hbm>>
      tpu.wait_dma2 semaphore(%arg27 : memref<!tpu.dma_semaphore, #tpu.memory_space<semaphore_mem>>) src(%arg15 : memref<80x128xf32, #tpu.memory_space<vmem>>) dst(%dma_wait3A_324 : memref<80x128xf32, #tpu.memory_space<hbm>>)
      %dma_wait3A_325 = arith.constant 0 : i32
      %dma_wait3A_326 = tpu.memref_slice %arg9[%mul3A_304, %dma_wait3A_325] : memref<163840x128xi32, #tpu.memory_space<hbm>> -> memref<80x128xi32, #tpu.memory_space<hbm>>
      %dma_wait3A_327 = arith.constant 0 : i32
      %dma_wait3A_328 = tpu.memref_slice %arg9[%mul3A_304, %dma_wait3A_327] : memref<163840x128xi32, #tpu.memory_space<hbm>> -> memref<80x128xi32, #tpu.memory_space<hbm>>
      tpu.wait_dma2 semaphore(%arg29 : memref<!tpu.dma_semaphore, #tpu.memory_space<semaphore_mem>>) src(%arg17 : memref<80x128xi32, #tpu.memory_space<vmem>>) dst(%dma_wait3A_328 : memref<80x128xi32, #tpu.memory_space<hbm>>)
      %dma_start3A_329 = arith.constant 5 : i32
      %dma_start3A_330 = arith.constant 0 : i32
      %dma_start3A_331 = tpu.memref_slice %arg10[%dma_start3A_329, %dma_start3A_330] : memref<8x80xi32, #tpu.memory_space<vmem>> -> memref<1x80xi32, #tpu.memory_space<vmem>>
      %dma_start3A_332 = tpu.memref_squeeze %dma_start3A_331 : memref<1x80xi32, #tpu.memory_space<vmem>> -> memref<80xi32, #tpu.memory_space<vmem>>
      %dma_start3A_333 = arith.constant 0 : i32
      %dma_start3A_334 = arith.constant 0 : i32
      %dma_start3A_335 = tpu.memref_slice %arg4[%dma_start3A_333, %dma_start3A_334] : memref<10000x128xf32, #tpu.memory_space<hbm>> -> memref<10000x128xf32, #tpu.memory_space<hbm>>
      tpu.enqueue_indirect_dma source(%dma_start3A_335 : memref<10000x128xf32, #tpu.memory_space<hbm>>) target(%arg13 : memref<80x128xf32, #tpu.memory_space<vmem>>) offsets(%dma_start3A_332 : memref<80xi32, #tpu.memory_space<vmem>>) semaphore(%arg19 : memref<!tpu.dma_semaphore, #tpu.memory_space<semaphore_mem>>)
      %dma_start3A_336 = arith.constant 5 : i32
      %dma_start3A_337 = arith.constant 0 : i32
      %dma_start3A_338 = tpu.memref_slice %arg11[%dma_start3A_336, %dma_start3A_337] : memref<8x80xi32, #tpu.memory_space<vmem>> -> memref<1x80xi32, #tpu.memory_space<vmem>>
      %dma_start3A_339 = tpu.memref_squeeze %dma_start3A_338 : memref<1x80xi32, #tpu.memory_space<vmem>> -> memref<80xi32, #tpu.memory_space<vmem>>
      %dma_start3A_340 = arith.constant 0 : i32
      %dma_start3A_341 = arith.constant 0 : i32
      %dma_start3A_342 = tpu.memref_slice %arg5[%dma_start3A_340, %dma_start3A_341] : memref<10000x128xf32, #tpu.memory_space<hbm>> -> memref<10000x128xf32, #tpu.memory_space<hbm>>
      tpu.enqueue_indirect_dma source(%dma_start3A_342 : memref<10000x128xf32, #tpu.memory_space<hbm>>) target(%arg15 : memref<80x128xf32, #tpu.memory_space<vmem>>) offsets(%dma_start3A_339 : memref<80xi32, #tpu.memory_space<vmem>>) semaphore(%arg21 : memref<!tpu.dma_semaphore, #tpu.memory_space<semaphore_mem>>)
      %dma_start3A_343 = arith.constant 5 : i32
      %dma_start3A_344 = arith.constant 0 : i32
      %dma_start3A_345 = tpu.memref_slice %arg10[%dma_start3A_343, %dma_start3A_344] : memref<8x80xi32, #tpu.memory_space<vmem>> -> memref<1x80xi32, #tpu.memory_space<vmem>>
      %dma_start3A_346 = tpu.memref_squeeze %dma_start3A_345 : memref<1x80xi32, #tpu.memory_space<vmem>> -> memref<80xi32, #tpu.memory_space<vmem>>
      %dma_start3A_347 = arith.constant 0 : i32
      %dma_start3A_348 = arith.constant 0 : i32
      %dma_start3A_349 = tpu.memref_slice %arg6[%dma_start3A_347, %dma_start3A_348] : memref<10000x128xi32, #tpu.memory_space<hbm>> -> memref<10000x128xi32, #tpu.memory_space<hbm>>
      tpu.enqueue_indirect_dma source(%dma_start3A_349 : memref<10000x128xi32, #tpu.memory_space<hbm>>) target(%arg17 : memref<80x128xi32, #tpu.memory_space<vmem>>) offsets(%dma_start3A_346 : memref<80xi32, #tpu.memory_space<vmem>>) semaphore(%arg23 : memref<!tpu.dma_semaphore, #tpu.memory_space<semaphore_mem>>)
      %dma_wait3A_350 = arith.constant 4 : i32
      %dma_wait3A_351 = arith.constant 0 : i32
      %dma_wait3A_352 = tpu.memref_slice %arg10[%dma_wait3A_350, %dma_wait3A_351] : memref<8x80xi32, #tpu.memory_space<vmem>> -> memref<1x80xi32, #tpu.memory_space<vmem>>
      %dma_wait3A_353 = tpu.memref_squeeze %dma_wait3A_352 : memref<1x80xi32, #tpu.memory_space<vmem>> -> memref<80xi32, #tpu.memory_space<vmem>>
      %dma_wait3A_354 = arith.constant 0 : i32
      %dma_wait3A_355 = arith.constant 0 : i32
      %dma_wait3A_356 = tpu.memref_slice %arg4[%dma_wait3A_354, %dma_wait3A_355] : memref<10000x128xf32, #tpu.memory_space<hbm>> -> memref<10000x128xf32, #tpu.memory_space<hbm>>
      tpu.wait_indirect_dma semaphore(%arg18 : memref<!tpu.dma_semaphore, #tpu.memory_space<semaphore_mem>>) src(%dma_wait3A_356 : memref<10000x128xf32, #tpu.memory_space<hbm>>) dst(%arg12 : memref<80x128xf32, #tpu.memory_space<vmem>>)
      %dma_wait3A_357 = arith.constant 4 : i32
      %dma_wait3A_358 = arith.constant 0 : i32
      %dma_wait3A_359 = tpu.memref_slice %arg11[%dma_wait3A_357, %dma_wait3A_358] : memref<8x80xi32, #tpu.memory_space<vmem>> -> memref<1x80xi32, #tpu.memory_space<vmem>>
      %dma_wait3A_360 = tpu.memref_squeeze %dma_wait3A_359 : memref<1x80xi32, #tpu.memory_space<vmem>> -> memref<80xi32, #tpu.memory_space<vmem>>
      %dma_wait3A_361 = arith.constant 0 : i32
      %dma_wait3A_362 = arith.constant 0 : i32
      %dma_wait3A_363 = tpu.memref_slice %arg5[%dma_wait3A_361, %dma_wait3A_362] : memref<10000x128xf32, #tpu.memory_space<hbm>> -> memref<10000x128xf32, #tpu.memory_space<hbm>>
      tpu.wait_indirect_dma semaphore(%arg20 : memref<!tpu.dma_semaphore, #tpu.memory_space<semaphore_mem>>) src(%dma_wait3A_363 : memref<10000x128xf32, #tpu.memory_space<hbm>>) dst(%arg14 : memref<80x128xf32, #tpu.memory_space<vmem>>)
      %dma_wait3A_364 = arith.constant 4 : i32
      %dma_wait3A_365 = arith.constant 0 : i32
      %dma_wait3A_366 = tpu.memref_slice %arg10[%dma_wait3A_364, %dma_wait3A_365] : memref<8x80xi32, #tpu.memory_space<vmem>> -> memref<1x80xi32, #tpu.memory_space<vmem>>
      %dma_wait3A_367 = tpu.memref_squeeze %dma_wait3A_366 : memref<1x80xi32, #tpu.memory_space<vmem>> -> memref<80xi32, #tpu.memory_space<vmem>>
      %dma_wait3A_368 = arith.constant 0 : i32
      %dma_wait3A_369 = arith.constant 0 : i32
      %dma_wait3A_370 = tpu.memref_slice %arg6[%dma_wait3A_368, %dma_wait3A_369] : memref<10000x128xi32, #tpu.memory_space<hbm>> -> memref<10000x128xi32, #tpu.memory_space<hbm>>
      tpu.wait_indirect_dma semaphore(%arg22 : memref<!tpu.dma_semaphore, #tpu.memory_space<semaphore_mem>>) src(%dma_wait3A_370 : memref<10000x128xi32, #tpu.memory_space<hbm>>) dst(%arg16 : memref<80x128xi32, #tpu.memory_space<vmem>>)
      %add3A_371 = arith.constant 4 : i32
      %add3A_372 = arith.addi %add3A_13, %add3A_371 : i32
      %mul3A_373 = arith.constant 80 : i32
      %mul3A_374 = arith.muli %add3A_372, %mul3A_373 : i32
      %dma_start3A_375 = arith.constant 0 : i32
      %dma_start3A_376 = tpu.memref_slice %arg7[%mul3A_374, %dma_start3A_375] : memref<163840x128xf32, #tpu.memory_space<hbm>> -> memref<80x128xf32, #tpu.memory_space<hbm>>
      %dma_start3A_377 = arith.constant 0 : i32
      %dma_start3A_378 = tpu.memref_slice %arg7[%mul3A_374, %dma_start3A_377] : memref<163840x128xf32, #tpu.memory_space<hbm>> -> memref<80x128xf32, #tpu.memory_space<hbm>>
      tpu.enqueue_dma source(%arg12 : memref<80x128xf32, #tpu.memory_space<vmem>>) target(%dma_start3A_378 : memref<80x128xf32, #tpu.memory_space<hbm>>) target_semaphore(%arg24 : memref<!tpu.dma_semaphore, #tpu.memory_space<semaphore_mem>>)
      %dma_start3A_379 = arith.constant 0 : i32
      %dma_start3A_380 = tpu.memref_slice %arg8[%mul3A_374, %dma_start3A_379] : memref<163840x128xf32, #tpu.memory_space<hbm>> -> memref<80x128xf32, #tpu.memory_space<hbm>>
      %dma_start3A_381 = arith.constant 0 : i32
      %dma_start3A_382 = tpu.memref_slice %arg8[%mul3A_374, %dma_start3A_381] : memref<163840x128xf32, #tpu.memory_space<hbm>> -> memref<80x128xf32, #tpu.memory_space<hbm>>
      tpu.enqueue_dma source(%arg14 : memref<80x128xf32, #tpu.memory_space<vmem>>) target(%dma_start3A_382 : memref<80x128xf32, #tpu.memory_space<hbm>>) target_semaphore(%arg26 : memref<!tpu.dma_semaphore, #tpu.memory_space<semaphore_mem>>)
      %dma_start3A_383 = arith.constant 0 : i32
      %dma_start3A_384 = tpu.memref_slice %arg9[%mul3A_374, %dma_start3A_383] : memref<163840x128xi32, #tpu.memory_space<hbm>> -> memref<80x128xi32, #tpu.memory_space<hbm>>
      %dma_start3A_385 = arith.constant 0 : i32
      %dma_start3A_386 = tpu.memref_slice %arg9[%mul3A_374, %dma_start3A_385] : memref<163840x128xi32, #tpu.memory_space<hbm>> -> memref<80x128xi32, #tpu.memory_space<hbm>>
      tpu.enqueue_dma source(%arg16 : memref<80x128xi32, #tpu.memory_space<vmem>>) target(%dma_start3A_386 : memref<80x128xi32, #tpu.memory_space<hbm>>) target_semaphore(%arg28 : memref<!tpu.dma_semaphore, #tpu.memory_space<semaphore_mem>>)
      %dma_wait3A_387 = arith.constant 0 : i32
      %dma_wait3A_388 = tpu.memref_slice %arg7[%mul3A_374, %dma_wait3A_387] : memref<163840x128xf32, #tpu.memory_space<hbm>> -> memref<80x128xf32, #tpu.memory_space<hbm>>
      %dma_wait3A_389 = arith.constant 0 : i32
      %dma_wait3A_390 = tpu.memref_slice %arg7[%mul3A_374, %dma_wait3A_389] : memref<163840x128xf32, #tpu.memory_space<hbm>> -> memref<80x128xf32, #tpu.memory_space<hbm>>
      tpu.wait_dma2 semaphore(%arg24 : memref<!tpu.dma_semaphore, #tpu.memory_space<semaphore_mem>>) src(%arg12 : memref<80x128xf32, #tpu.memory_space<vmem>>) dst(%dma_wait3A_390 : memref<80x128xf32, #tpu.memory_space<hbm>>)
      %dma_wait3A_391 = arith.constant 0 : i32
      %dma_wait3A_392 = tpu.memref_slice %arg8[%mul3A_374, %dma_wait3A_391] : memref<163840x128xf32, #tpu.memory_space<hbm>> -> memref<80x128xf32, #tpu.memory_space<hbm>>
      %dma_wait3A_393 = arith.constant 0 : i32
      %dma_wait3A_394 = tpu.memref_slice %arg8[%mul3A_374, %dma_wait3A_393] : memref<163840x128xf32, #tpu.memory_space<hbm>> -> memref<80x128xf32, #tpu.memory_space<hbm>>
      tpu.wait_dma2 semaphore(%arg26 : memref<!tpu.dma_semaphore, #tpu.memory_space<semaphore_mem>>) src(%arg14 : memref<80x128xf32, #tpu.memory_space<vmem>>) dst(%dma_wait3A_394 : memref<80x128xf32, #tpu.memory_space<hbm>>)
      %dma_wait3A_395 = arith.constant 0 : i32
      %dma_wait3A_396 = tpu.memref_slice %arg9[%mul3A_374, %dma_wait3A_395] : memref<163840x128xi32, #tpu.memory_space<hbm>> -> memref<80x128xi32, #tpu.memory_space<hbm>>
      %dma_wait3A_397 = arith.constant 0 : i32
      %dma_wait3A_398 = tpu.memref_slice %arg9[%mul3A_374, %dma_wait3A_397] : memref<163840x128xi32, #tpu.memory_space<hbm>> -> memref<80x128xi32, #tpu.memory_space<hbm>>
      tpu.wait_dma2 semaphore(%arg28 : memref<!tpu.dma_semaphore, #tpu.memory_space<semaphore_mem>>) src(%arg16 : memref<80x128xi32, #tpu.memory_space<vmem>>) dst(%dma_wait3A_398 : memref<80x128xi32, #tpu.memory_space<hbm>>)
      %dma_start3A_399 = arith.constant 6 : i32
      %dma_start3A_400 = arith.constant 0 : i32
      %dma_start3A_401 = tpu.memref_slice %arg10[%dma_start3A_399, %dma_start3A_400] : memref<8x80xi32, #tpu.memory_space<vmem>> -> memref<1x80xi32, #tpu.memory_space<vmem>>
      %dma_start3A_402 = tpu.memref_squeeze %dma_start3A_401 : memref<1x80xi32, #tpu.memory_space<vmem>> -> memref<80xi32, #tpu.memory_space<vmem>>
      %dma_start3A_403 = arith.constant 0 : i32
      %dma_start3A_404 = arith.constant 0 : i32
      %dma_start3A_405 = tpu.memref_slice %arg4[%dma_start3A_403, %dma_start3A_404] : memref<10000x128xf32, #tpu.memory_space<hbm>> -> memref<10000x128xf32, #tpu.memory_space<hbm>>
      tpu.enqueue_indirect_dma source(%dma_start3A_405 : memref<10000x128xf32, #tpu.memory_space<hbm>>) target(%arg12 : memref<80x128xf32, #tpu.memory_space<vmem>>) offsets(%dma_start3A_402 : memref<80xi32, #tpu.memory_space<vmem>>) semaphore(%arg18 : memref<!tpu.dma_semaphore, #tpu.memory_space<semaphore_mem>>)
      %dma_start3A_406 = arith.constant 6 : i32
      %dma_start3A_407 = arith.constant 0 : i32
      %dma_start3A_408 = tpu.memref_slice %arg11[%dma_start3A_406, %dma_start3A_407] : memref<8x80xi32, #tpu.memory_space<vmem>> -> memref<1x80xi32, #tpu.memory_space<vmem>>
      %dma_start3A_409 = tpu.memref_squeeze %dma_start3A_408 : memref<1x80xi32, #tpu.memory_space<vmem>> -> memref<80xi32, #tpu.memory_space<vmem>>
      %dma_start3A_410 = arith.constant 0 : i32
      %dma_start3A_411 = arith.constant 0 : i32
      %dma_start3A_412 = tpu.memref_slice %arg5[%dma_start3A_410, %dma_start3A_411] : memref<10000x128xf32, #tpu.memory_space<hbm>> -> memref<10000x128xf32, #tpu.memory_space<hbm>>
      tpu.enqueue_indirect_dma source(%dma_start3A_412 : memref<10000x128xf32, #tpu.memory_space<hbm>>) target(%arg14 : memref<80x128xf32, #tpu.memory_space<vmem>>) offsets(%dma_start3A_409 : memref<80xi32, #tpu.memory_space<vmem>>) semaphore(%arg20 : memref<!tpu.dma_semaphore, #tpu.memory_space<semaphore_mem>>)
      %dma_start3A_413 = arith.constant 6 : i32
      %dma_start3A_414 = arith.constant 0 : i32
      %dma_start3A_415 = tpu.memref_slice %arg10[%dma_start3A_413, %dma_start3A_414] : memref<8x80xi32, #tpu.memory_space<vmem>> -> memref<1x80xi32, #tpu.memory_space<vmem>>
      %dma_start3A_416 = tpu.memref_squeeze %dma_start3A_415 : memref<1x80xi32, #tpu.memory_space<vmem>> -> memref<80xi32, #tpu.memory_space<vmem>>
      %dma_start3A_417 = arith.constant 0 : i32
      %dma_start3A_418 = arith.constant 0 : i32
      %dma_start3A_419 = tpu.memref_slice %arg6[%dma_start3A_417, %dma_start3A_418] : memref<10000x128xi32, #tpu.memory_space<hbm>> -> memref<10000x128xi32, #tpu.memory_space<hbm>>
      tpu.enqueue_indirect_dma source(%dma_start3A_419 : memref<10000x128xi32, #tpu.memory_space<hbm>>) target(%arg16 : memref<80x128xi32, #tpu.memory_space<vmem>>) offsets(%dma_start3A_416 : memref<80xi32, #tpu.memory_space<vmem>>) semaphore(%arg22 : memref<!tpu.dma_semaphore, #tpu.memory_space<semaphore_mem>>)
      %dma_wait3A_420 = arith.constant 5 : i32
      %dma_wait3A_421 = arith.constant 0 : i32
      %dma_wait3A_422 = tpu.memref_slice %arg10[%dma_wait3A_420, %dma_wait3A_421] : memref<8x80xi32, #tpu.memory_space<vmem>> -> memref<1x80xi32, #tpu.memory_space<vmem>>
      %dma_wait3A_423 = tpu.memref_squeeze %dma_wait3A_422 : memref<1x80xi32, #tpu.memory_space<vmem>> -> memref<80xi32, #tpu.memory_space<vmem>>
      %dma_wait3A_424 = arith.constant 0 : i32
      %dma_wait3A_425 = arith.constant 0 : i32
      %dma_wait3A_426 = tpu.memref_slice %arg4[%dma_wait3A_424, %dma_wait3A_425] : memref<10000x128xf32, #tpu.memory_space<hbm>> -> memref<10000x128xf32, #tpu.memory_space<hbm>>
      tpu.wait_indirect_dma semaphore(%arg19 : memref<!tpu.dma_semaphore, #tpu.memory_space<semaphore_mem>>) src(%dma_wait3A_426 : memref<10000x128xf32, #tpu.memory_space<hbm>>) dst(%arg13 : memref<80x128xf32, #tpu.memory_space<vmem>>)
      %dma_wait3A_427 = arith.constant 5 : i32
      %dma_wait3A_428 = arith.constant 0 : i32
      %dma_wait3A_429 = tpu.memref_slice %arg11[%dma_wait3A_427, %dma_wait3A_428] : memref<8x80xi32, #tpu.memory_space<vmem>> -> memref<1x80xi32, #tpu.memory_space<vmem>>
      %dma_wait3A_430 = tpu.memref_squeeze %dma_wait3A_429 : memref<1x80xi32, #tpu.memory_space<vmem>> -> memref<80xi32, #tpu.memory_space<vmem>>
      %dma_wait3A_431 = arith.constant 0 : i32
      %dma_wait3A_432 = arith.constant 0 : i32
      %dma_wait3A_433 = tpu.memref_slice %arg5[%dma_wait3A_431, %dma_wait3A_432] : memref<10000x128xf32, #tpu.memory_space<hbm>> -> memref<10000x128xf32, #tpu.memory_space<hbm>>
      tpu.wait_indirect_dma semaphore(%arg21 : memref<!tpu.dma_semaphore, #tpu.memory_space<semaphore_mem>>) src(%dma_wait3A_433 : memref<10000x128xf32, #tpu.memory_space<hbm>>) dst(%arg15 : memref<80x128xf32, #tpu.memory_space<vmem>>)
      %dma_wait3A_434 = arith.constant 5 : i32
      %dma_wait3A_435 = arith.constant 0 : i32
      %dma_wait3A_436 = tpu.memref_slice %arg10[%dma_wait3A_434, %dma_wait3A_435] : memref<8x80xi32, #tpu.memory_space<vmem>> -> memref<1x80xi32, #tpu.memory_space<vmem>>
      %dma_wait3A_437 = tpu.memref_squeeze %dma_wait3A_436 : memref<1x80xi32, #tpu.memory_space<vmem>> -> memref<80xi32, #tpu.memory_space<vmem>>
      %dma_wait3A_438 = arith.constant 0 : i32
      %dma_wait3A_439 = arith.constant 0 : i32
      %dma_wait3A_440 = tpu.memref_slice %arg6[%dma_wait3A_438, %dma_wait3A_439] : memref<10000x128xi32, #tpu.memory_space<hbm>> -> memref<10000x128xi32, #tpu.memory_space<hbm>>
      tpu.wait_indirect_dma semaphore(%arg23 : memref<!tpu.dma_semaphore, #tpu.memory_space<semaphore_mem>>) src(%dma_wait3A_440 : memref<10000x128xi32, #tpu.memory_space<hbm>>) dst(%arg17 : memref<80x128xi32, #tpu.memory_space<vmem>>)
      %add3A_441 = arith.constant 5 : i32
      %add3A_442 = arith.addi %add3A_13, %add3A_441 : i32
      %mul3A_443 = arith.constant 80 : i32
      %mul3A_444 = arith.muli %add3A_442, %mul3A_443 : i32
      %dma_start3A_445 = arith.constant 0 : i32
      %dma_start3A_446 = tpu.memref_slice %arg7[%mul3A_444, %dma_start3A_445] : memref<163840x128xf32, #tpu.memory_space<hbm>> -> memref<80x128xf32, #tpu.memory_space<hbm>>
      %dma_start3A_447 = arith.constant 0 : i32
      %dma_start3A_448 = tpu.memref_slice %arg7[%mul3A_444, %dma_start3A_447] : memref<163840x128xf32, #tpu.memory_space<hbm>> -> memref<80x128xf32, #tpu.memory_space<hbm>>
      tpu.enqueue_dma source(%arg13 : memref<80x128xf32, #tpu.memory_space<vmem>>) target(%dma_start3A_448 : memref<80x128xf32, #tpu.memory_space<hbm>>) target_semaphore(%arg25 : memref<!tpu.dma_semaphore, #tpu.memory_space<semaphore_mem>>)
      %dma_start3A_449 = arith.constant 0 : i32
      %dma_start3A_450 = tpu.memref_slice %arg8[%mul3A_444, %dma_start3A_449] : memref<163840x128xf32, #tpu.memory_space<hbm>> -> memref<80x128xf32, #tpu.memory_space<hbm>>
      %dma_start3A_451 = arith.constant 0 : i32
      %dma_start3A_452 = tpu.memref_slice %arg8[%mul3A_444, %dma_start3A_451] : memref<163840x128xf32, #tpu.memory_space<hbm>> -> memref<80x128xf32, #tpu.memory_space<hbm>>
      tpu.enqueue_dma source(%arg15 : memref<80x128xf32, #tpu.memory_space<vmem>>) target(%dma_start3A_452 : memref<80x128xf32, #tpu.memory_space<hbm>>) target_semaphore(%arg27 : memref<!tpu.dma_semaphore, #tpu.memory_space<semaphore_mem>>)
      %dma_start3A_453 = arith.constant 0 : i32
      %dma_start3A_454 = tpu.memref_slice %arg9[%mul3A_444, %dma_start3A_453] : memref<163840x128xi32, #tpu.memory_space<hbm>> -> memref<80x128xi32, #tpu.memory_space<hbm>>
      %dma_start3A_455 = arith.constant 0 : i32
      %dma_start3A_456 = tpu.memref_slice %arg9[%mul3A_444, %dma_start3A_455] : memref<163840x128xi32, #tpu.memory_space<hbm>> -> memref<80x128xi32, #tpu.memory_space<hbm>>
      tpu.enqueue_dma source(%arg17 : memref<80x128xi32, #tpu.memory_space<vmem>>) target(%dma_start3A_456 : memref<80x128xi32, #tpu.memory_space<hbm>>) target_semaphore(%arg29 : memref<!tpu.dma_semaphore, #tpu.memory_space<semaphore_mem>>)
      %dma_wait3A_457 = arith.constant 0 : i32
      %dma_wait3A_458 = tpu.memref_slice %arg7[%mul3A_444, %dma_wait3A_457] : memref<163840x128xf32, #tpu.memory_space<hbm>> -> memref<80x128xf32, #tpu.memory_space<hbm>>
      %dma_wait3A_459 = arith.constant 0 : i32
      %dma_wait3A_460 = tpu.memref_slice %arg7[%mul3A_444, %dma_wait3A_459] : memref<163840x128xf32, #tpu.memory_space<hbm>> -> memref<80x128xf32, #tpu.memory_space<hbm>>
      tpu.wait_dma2 semaphore(%arg25 : memref<!tpu.dma_semaphore, #tpu.memory_space<semaphore_mem>>) src(%arg13 : memref<80x128xf32, #tpu.memory_space<vmem>>) dst(%dma_wait3A_460 : memref<80x128xf32, #tpu.memory_space<hbm>>)
      %dma_wait3A_461 = arith.constant 0 : i32
      %dma_wait3A_462 = tpu.memref_slice %arg8[%mul3A_444, %dma_wait3A_461] : memref<163840x128xf32, #tpu.memory_space<hbm>> -> memref<80x128xf32, #tpu.memory_space<hbm>>
      %dma_wait3A_463 = arith.constant 0 : i32
      %dma_wait3A_464 = tpu.memref_slice %arg8[%mul3A_444, %dma_wait3A_463] : memref<163840x128xf32, #tpu.memory_space<hbm>> -> memref<80x128xf32, #tpu.memory_space<hbm>>
      tpu.wait_dma2 semaphore(%arg27 : memref<!tpu.dma_semaphore, #tpu.memory_space<semaphore_mem>>) src(%arg15 : memref<80x128xf32, #tpu.memory_space<vmem>>) dst(%dma_wait3A_464 : memref<80x128xf32, #tpu.memory_space<hbm>>)
      %dma_wait3A_465 = arith.constant 0 : i32
      %dma_wait3A_466 = tpu.memref_slice %arg9[%mul3A_444, %dma_wait3A_465] : memref<163840x128xi32, #tpu.memory_space<hbm>> -> memref<80x128xi32, #tpu.memory_space<hbm>>
      %dma_wait3A_467 = arith.constant 0 : i32
      %dma_wait3A_468 = tpu.memref_slice %arg9[%mul3A_444, %dma_wait3A_467] : memref<163840x128xi32, #tpu.memory_space<hbm>> -> memref<80x128xi32, #tpu.memory_space<hbm>>
      tpu.wait_dma2 semaphore(%arg29 : memref<!tpu.dma_semaphore, #tpu.memory_space<semaphore_mem>>) src(%arg17 : memref<80x128xi32, #tpu.memory_space<vmem>>) dst(%dma_wait3A_468 : memref<80x128xi32, #tpu.memory_space<hbm>>)
      %dma_start3A_469 = arith.constant 7 : i32
      %dma_start3A_470 = arith.constant 0 : i32
      %dma_start3A_471 = tpu.memref_slice %arg10[%dma_start3A_469, %dma_start3A_470] : memref<8x80xi32, #tpu.memory_space<vmem>> -> memref<1x80xi32, #tpu.memory_space<vmem>>
      %dma_start3A_472 = tpu.memref_squeeze %dma_start3A_471 : memref<1x80xi32, #tpu.memory_space<vmem>> -> memref<80xi32, #tpu.memory_space<vmem>>
      %dma_start3A_473 = arith.constant 0 : i32
      %dma_start3A_474 = arith.constant 0 : i32
      %dma_start3A_475 = tpu.memref_slice %arg4[%dma_start3A_473, %dma_start3A_474] : memref<10000x128xf32, #tpu.memory_space<hbm>> -> memref<10000x128xf32, #tpu.memory_space<hbm>>
      tpu.enqueue_indirect_dma source(%dma_start3A_475 : memref<10000x128xf32, #tpu.memory_space<hbm>>) target(%arg13 : memref<80x128xf32, #tpu.memory_space<vmem>>) offsets(%dma_start3A_472 : memref<80xi32, #tpu.memory_space<vmem>>) semaphore(%arg19 : memref<!tpu.dma_semaphore, #tpu.memory_space<semaphore_mem>>)
      %dma_start3A_476 = arith.constant 7 : i32
      %dma_start3A_477 = arith.constant 0 : i32
      %dma_start3A_478 = tpu.memref_slice %arg11[%dma_start3A_476, %dma_start3A_477] : memref<8x80xi32, #tpu.memory_space<vmem>> -> memref<1x80xi32, #tpu.memory_space<vmem>>
      %dma_start3A_479 = tpu.memref_squeeze %dma_start3A_478 : memref<1x80xi32, #tpu.memory_space<vmem>> -> memref<80xi32, #tpu.memory_space<vmem>>
      %dma_start3A_480 = arith.constant 0 : i32
      %dma_start3A_481 = arith.constant 0 : i32
      %dma_start3A_482 = tpu.memref_slice %arg5[%dma_start3A_480, %dma_start3A_481] : memref<10000x128xf32, #tpu.memory_space<hbm>> -> memref<10000x128xf32, #tpu.memory_space<hbm>>
      tpu.enqueue_indirect_dma source(%dma_start3A_482 : memref<10000x128xf32, #tpu.memory_space<hbm>>) target(%arg15 : memref<80x128xf32, #tpu.memory_space<vmem>>) offsets(%dma_start3A_479 : memref<80xi32, #tpu.memory_space<vmem>>) semaphore(%arg21 : memref<!tpu.dma_semaphore, #tpu.memory_space<semaphore_mem>>)
      %dma_start3A_483 = arith.constant 7 : i32
      %dma_start3A_484 = arith.constant 0 : i32
      %dma_start3A_485 = tpu.memref_slice %arg10[%dma_start3A_483, %dma_start3A_484] : memref<8x80xi32, #tpu.memory_space<vmem>> -> memref<1x80xi32, #tpu.memory_space<vmem>>
      %dma_start3A_486 = tpu.memref_squeeze %dma_start3A_485 : memref<1x80xi32, #tpu.memory_space<vmem>> -> memref<80xi32, #tpu.memory_space<vmem>>
      %dma_start3A_487 = arith.constant 0 : i32
      %dma_start3A_488 = arith.constant 0 : i32
      %dma_start3A_489 = tpu.memref_slice %arg6[%dma_start3A_487, %dma_start3A_488] : memref<10000x128xi32, #tpu.memory_space<hbm>> -> memref<10000x128xi32, #tpu.memory_space<hbm>>
      tpu.enqueue_indirect_dma source(%dma_start3A_489 : memref<10000x128xi32, #tpu.memory_space<hbm>>) target(%arg17 : memref<80x128xi32, #tpu.memory_space<vmem>>) offsets(%dma_start3A_486 : memref<80xi32, #tpu.memory_space<vmem>>) semaphore(%arg23 : memref<!tpu.dma_semaphore, #tpu.memory_space<semaphore_mem>>)
      %dma_wait3A_490 = arith.constant 6 : i32
      %dma_wait3A_491 = arith.constant 0 : i32
      %dma_wait3A_492 = tpu.memref_slice %arg10[%dma_wait3A_490, %dma_wait3A_491] : memref<8x80xi32, #tpu.memory_space<vmem>> -> memref<1x80xi32, #tpu.memory_space<vmem>>
      %dma_wait3A_493 = tpu.memref_squeeze %dma_wait3A_492 : memref<1x80xi32, #tpu.memory_space<vmem>> -> memref<80xi32, #tpu.memory_space<vmem>>
      %dma_wait3A_494 = arith.constant 0 : i32
      %dma_wait3A_495 = arith.constant 0 : i32
      %dma_wait3A_496 = tpu.memref_slice %arg4[%dma_wait3A_494, %dma_wait3A_495] : memref<10000x128xf32, #tpu.memory_space<hbm>> -> memref<10000x128xf32, #tpu.memory_space<hbm>>
      tpu.wait_indirect_dma semaphore(%arg18 : memref<!tpu.dma_semaphore, #tpu.memory_space<semaphore_mem>>) src(%dma_wait3A_496 : memref<10000x128xf32, #tpu.memory_space<hbm>>) dst(%arg12 : memref<80x128xf32, #tpu.memory_space<vmem>>)
      %dma_wait3A_497 = arith.constant 6 : i32
      %dma_wait3A_498 = arith.constant 0 : i32
      %dma_wait3A_499 = tpu.memref_slice %arg11[%dma_wait3A_497, %dma_wait3A_498] : memref<8x80xi32, #tpu.memory_space<vmem>> -> memref<1x80xi32, #tpu.memory_space<vmem>>
      %dma_wait3A_500 = tpu.memref_squeeze %dma_wait3A_499 : memref<1x80xi32, #tpu.memory_space<vmem>> -> memref<80xi32, #tpu.memory_space<vmem>>
      %dma_wait3A_501 = arith.constant 0 : i32
      %dma_wait3A_502 = arith.constant 0 : i32
      %dma_wait3A_503 = tpu.memref_slice %arg5[%dma_wait3A_501, %dma_wait3A_502] : memref<10000x128xf32, #tpu.memory_space<hbm>> -> memref<10000x128xf32, #tpu.memory_space<hbm>>
      tpu.wait_indirect_dma semaphore(%arg20 : memref<!tpu.dma_semaphore, #tpu.memory_space<semaphore_mem>>) src(%dma_wait3A_503 : memref<10000x128xf32, #tpu.memory_space<hbm>>) dst(%arg14 : memref<80x128xf32, #tpu.memory_space<vmem>>)
      %dma_wait3A_504 = arith.constant 6 : i32
      %dma_wait3A_505 = arith.constant 0 : i32
      %dma_wait3A_506 = tpu.memref_slice %arg10[%dma_wait3A_504, %dma_wait3A_505] : memref<8x80xi32, #tpu.memory_space<vmem>> -> memref<1x80xi32, #tpu.memory_space<vmem>>
      %dma_wait3A_507 = tpu.memref_squeeze %dma_wait3A_506 : memref<1x80xi32, #tpu.memory_space<vmem>> -> memref<80xi32, #tpu.memory_space<vmem>>
      %dma_wait3A_508 = arith.constant 0 : i32
      %dma_wait3A_509 = arith.constant 0 : i32
      %dma_wait3A_510 = tpu.memref_slice %arg6[%dma_wait3A_508, %dma_wait3A_509] : memref<10000x128xi32, #tpu.memory_space<hbm>> -> memref<10000x128xi32, #tpu.memory_space<hbm>>
      tpu.wait_indirect_dma semaphore(%arg22 : memref<!tpu.dma_semaphore, #tpu.memory_space<semaphore_mem>>) src(%dma_wait3A_510 : memref<10000x128xi32, #tpu.memory_space<hbm>>) dst(%arg16 : memref<80x128xi32, #tpu.memory_space<vmem>>)
      %add3A_511 = arith.constant 6 : i32
      %add3A_512 = arith.addi %add3A_13, %add3A_511 : i32
      %mul3A_513 = arith.constant 80 : i32
      %mul3A_514 = arith.muli %add3A_512, %mul3A_513 : i32
      %dma_start3A_515 = arith.constant 0 : i32
      %dma_start3A_516 = tpu.memref_slice %arg7[%mul3A_514, %dma_start3A_515] : memref<163840x128xf32, #tpu.memory_space<hbm>> -> memref<80x128xf32, #tpu.memory_space<hbm>>
      %dma_start3A_517 = arith.constant 0 : i32
      %dma_start3A_518 = tpu.memref_slice %arg7[%mul3A_514, %dma_start3A_517] : memref<163840x128xf32, #tpu.memory_space<hbm>> -> memref<80x128xf32, #tpu.memory_space<hbm>>
      tpu.enqueue_dma source(%arg12 : memref<80x128xf32, #tpu.memory_space<vmem>>) target(%dma_start3A_518 : memref<80x128xf32, #tpu.memory_space<hbm>>) target_semaphore(%arg24 : memref<!tpu.dma_semaphore, #tpu.memory_space<semaphore_mem>>)
      %dma_start3A_519 = arith.constant 0 : i32
      %dma_start3A_520 = tpu.memref_slice %arg8[%mul3A_514, %dma_start3A_519] : memref<163840x128xf32, #tpu.memory_space<hbm>> -> memref<80x128xf32, #tpu.memory_space<hbm>>
      %dma_start3A_521 = arith.constant 0 : i32
      %dma_start3A_522 = tpu.memref_slice %arg8[%mul3A_514, %dma_start3A_521] : memref<163840x128xf32, #tpu.memory_space<hbm>> -> memref<80x128xf32, #tpu.memory_space<hbm>>
      tpu.enqueue_dma source(%arg14 : memref<80x128xf32, #tpu.memory_space<vmem>>) target(%dma_start3A_522 : memref<80x128xf32, #tpu.memory_space<hbm>>) target_semaphore(%arg26 : memref<!tpu.dma_semaphore, #tpu.memory_space<semaphore_mem>>)
      %dma_start3A_523 = arith.constant 0 : i32
      %dma_start3A_524 = tpu.memref_slice %arg9[%mul3A_514, %dma_start3A_523] : memref<163840x128xi32, #tpu.memory_space<hbm>> -> memref<80x128xi32, #tpu.memory_space<hbm>>
      %dma_start3A_525 = arith.constant 0 : i32
      %dma_start3A_526 = tpu.memref_slice %arg9[%mul3A_514, %dma_start3A_525] : memref<163840x128xi32, #tpu.memory_space<hbm>> -> memref<80x128xi32, #tpu.memory_space<hbm>>
      tpu.enqueue_dma source(%arg16 : memref<80x128xi32, #tpu.memory_space<vmem>>) target(%dma_start3A_526 : memref<80x128xi32, #tpu.memory_space<hbm>>) target_semaphore(%arg28 : memref<!tpu.dma_semaphore, #tpu.memory_space<semaphore_mem>>)
      %dma_wait3A_527 = arith.constant 7 : i32
      %dma_wait3A_528 = arith.constant 0 : i32
      %dma_wait3A_529 = tpu.memref_slice %arg10[%dma_wait3A_527, %dma_wait3A_528] : memref<8x80xi32, #tpu.memory_space<vmem>> -> memref<1x80xi32, #tpu.memory_space<vmem>>
      %dma_wait3A_530 = tpu.memref_squeeze %dma_wait3A_529 : memref<1x80xi32, #tpu.memory_space<vmem>> -> memref<80xi32, #tpu.memory_space<vmem>>
      %dma_wait3A_531 = arith.constant 0 : i32
      %dma_wait3A_532 = arith.constant 0 : i32
      %dma_wait3A_533 = tpu.memref_slice %arg4[%dma_wait3A_531, %dma_wait3A_532] : memref<10000x128xf32, #tpu.memory_space<hbm>> -> memref<10000x128xf32, #tpu.memory_space<hbm>>
      tpu.wait_indirect_dma semaphore(%arg19 : memref<!tpu.dma_semaphore, #tpu.memory_space<semaphore_mem>>) src(%dma_wait3A_533 : memref<10000x128xf32, #tpu.memory_space<hbm>>) dst(%arg13 : memref<80x128xf32, #tpu.memory_space<vmem>>)
      %dma_wait3A_534 = arith.constant 7 : i32
      %dma_wait3A_535 = arith.constant 0 : i32
      %dma_wait3A_536 = tpu.memref_slice %arg11[%dma_wait3A_534, %dma_wait3A_535] : memref<8x80xi32, #tpu.memory_space<vmem>> -> memref<1x80xi32, #tpu.memory_space<vmem>>
      %dma_wait3A_537 = tpu.memref_squeeze %dma_wait3A_536 : memref<1x80xi32, #tpu.memory_space<vmem>> -> memref<80xi32, #tpu.memory_space<vmem>>
      %dma_wait3A_538 = arith.constant 0 : i32
      %dma_wait3A_539 = arith.constant 0 : i32
      %dma_wait3A_540 = tpu.memref_slice %arg5[%dma_wait3A_538, %dma_wait3A_539] : memref<10000x128xf32, #tpu.memory_space<hbm>> -> memref<10000x128xf32, #tpu.memory_space<hbm>>
      tpu.wait_indirect_dma semaphore(%arg21 : memref<!tpu.dma_semaphore, #tpu.memory_space<semaphore_mem>>) src(%dma_wait3A_540 : memref<10000x128xf32, #tpu.memory_space<hbm>>) dst(%arg15 : memref<80x128xf32, #tpu.memory_space<vmem>>)
      %dma_wait3A_541 = arith.constant 7 : i32
      %dma_wait3A_542 = arith.constant 0 : i32
      %dma_wait3A_543 = tpu.memref_slice %arg10[%dma_wait3A_541, %dma_wait3A_542] : memref<8x80xi32, #tpu.memory_space<vmem>> -> memref<1x80xi32, #tpu.memory_space<vmem>>
      %dma_wait3A_544 = tpu.memref_squeeze %dma_wait3A_543 : memref<1x80xi32, #tpu.memory_space<vmem>> -> memref<80xi32, #tpu.memory_space<vmem>>
      %dma_wait3A_545 = arith.constant 0 : i32
      %dma_wait3A_546 = arith.constant 0 : i32
      %dma_wait3A_547 = tpu.memref_slice %arg6[%dma_wait3A_545, %dma_wait3A_546] : memref<10000x128xi32, #tpu.memory_space<hbm>> -> memref<10000x128xi32, #tpu.memory_space<hbm>>
      tpu.wait_indirect_dma semaphore(%arg23 : memref<!tpu.dma_semaphore, #tpu.memory_space<semaphore_mem>>) src(%dma_wait3A_547 : memref<10000x128xi32, #tpu.memory_space<hbm>>) dst(%arg17 : memref<80x128xi32, #tpu.memory_space<vmem>>)
      %add3A_548 = arith.constant 7 : i32
      %add3A_549 = arith.addi %add3A_13, %add3A_548 : i32
      %mul3A_550 = arith.constant 80 : i32
      %mul3A_551 = arith.muli %add3A_549, %mul3A_550 : i32
      %dma_start3A_552 = arith.constant 0 : i32
      %dma_start3A_553 = tpu.memref_slice %arg7[%mul3A_551, %dma_start3A_552] : memref<163840x128xf32, #tpu.memory_space<hbm>> -> memref<80x128xf32, #tpu.memory_space<hbm>>
      %dma_start3A_554 = arith.constant 0 : i32
      %dma_start3A_555 = tpu.memref_slice %arg7[%mul3A_551, %dma_start3A_554] : memref<163840x128xf32, #tpu.memory_space<hbm>> -> memref<80x128xf32, #tpu.memory_space<hbm>>
      tpu.enqueue_dma source(%arg13 : memref<80x128xf32, #tpu.memory_space<vmem>>) target(%dma_start3A_555 : memref<80x128xf32, #tpu.memory_space<hbm>>) target_semaphore(%arg25 : memref<!tpu.dma_semaphore, #tpu.memory_space<semaphore_mem>>)
      %dma_start3A_556 = arith.constant 0 : i32
      %dma_start3A_557 = tpu.memref_slice %arg8[%mul3A_551, %dma_start3A_556] : memref<163840x128xf32, #tpu.memory_space<hbm>> -> memref<80x128xf32, #tpu.memory_space<hbm>>
      %dma_start3A_558 = arith.constant 0 : i32
      %dma_start3A_559 = tpu.memref_slice %arg8[%mul3A_551, %dma_start3A_558] : memref<163840x128xf32, #tpu.memory_space<hbm>> -> memref<80x128xf32, #tpu.memory_space<hbm>>
      tpu.enqueue_dma source(%arg15 : memref<80x128xf32, #tpu.memory_space<vmem>>) target(%dma_start3A_559 : memref<80x128xf32, #tpu.memory_space<hbm>>) target_semaphore(%arg27 : memref<!tpu.dma_semaphore, #tpu.memory_space<semaphore_mem>>)
      %dma_start3A_560 = arith.constant 0 : i32
      %dma_start3A_561 = tpu.memref_slice %arg9[%mul3A_551, %dma_start3A_560] : memref<163840x128xi32, #tpu.memory_space<hbm>> -> memref<80x128xi32, #tpu.memory_space<hbm>>
      %dma_start3A_562 = arith.constant 0 : i32
      %dma_start3A_563 = tpu.memref_slice %arg9[%mul3A_551, %dma_start3A_562] : memref<163840x128xi32, #tpu.memory_space<hbm>> -> memref<80x128xi32, #tpu.memory_space<hbm>>
      tpu.enqueue_dma source(%arg17 : memref<80x128xi32, #tpu.memory_space<vmem>>) target(%dma_start3A_563 : memref<80x128xi32, #tpu.memory_space<hbm>>) target_semaphore(%arg29 : memref<!tpu.dma_semaphore, #tpu.memory_space<semaphore_mem>>)
      %dma_wait3A_564 = arith.constant 0 : i32
      %dma_wait3A_565 = tpu.memref_slice %arg7[%mul3A_514, %dma_wait3A_564] : memref<163840x128xf32, #tpu.memory_space<hbm>> -> memref<80x128xf32, #tpu.memory_space<hbm>>
      %dma_wait3A_566 = arith.constant 0 : i32
      %dma_wait3A_567 = tpu.memref_slice %arg7[%mul3A_514, %dma_wait3A_566] : memref<163840x128xf32, #tpu.memory_space<hbm>> -> memref<80x128xf32, #tpu.memory_space<hbm>>
      tpu.wait_dma2 semaphore(%arg24 : memref<!tpu.dma_semaphore, #tpu.memory_space<semaphore_mem>>) src(%arg12 : memref<80x128xf32, #tpu.memory_space<vmem>>) dst(%dma_wait3A_567 : memref<80x128xf32, #tpu.memory_space<hbm>>)
      %dma_wait3A_568 = arith.constant 0 : i32
      %dma_wait3A_569 = tpu.memref_slice %arg8[%mul3A_514, %dma_wait3A_568] : memref<163840x128xf32, #tpu.memory_space<hbm>> -> memref<80x128xf32, #tpu.memory_space<hbm>>
      %dma_wait3A_570 = arith.constant 0 : i32
      %dma_wait3A_571 = tpu.memref_slice %arg8[%mul3A_514, %dma_wait3A_570] : memref<163840x128xf32, #tpu.memory_space<hbm>> -> memref<80x128xf32, #tpu.memory_space<hbm>>
      tpu.wait_dma2 semaphore(%arg26 : memref<!tpu.dma_semaphore, #tpu.memory_space<semaphore_mem>>) src(%arg14 : memref<80x128xf32, #tpu.memory_space<vmem>>) dst(%dma_wait3A_571 : memref<80x128xf32, #tpu.memory_space<hbm>>)
      %dma_wait3A_572 = arith.constant 0 : i32
      %dma_wait3A_573 = tpu.memref_slice %arg9[%mul3A_514, %dma_wait3A_572] : memref<163840x128xi32, #tpu.memory_space<hbm>> -> memref<80x128xi32, #tpu.memory_space<hbm>>
      %dma_wait3A_574 = arith.constant 0 : i32
      %dma_wait3A_575 = tpu.memref_slice %arg9[%mul3A_514, %dma_wait3A_574] : memref<163840x128xi32, #tpu.memory_space<hbm>> -> memref<80x128xi32, #tpu.memory_space<hbm>>
      tpu.wait_dma2 semaphore(%arg28 : memref<!tpu.dma_semaphore, #tpu.memory_space<semaphore_mem>>) src(%arg16 : memref<80x128xi32, #tpu.memory_space<vmem>>) dst(%dma_wait3A_575 : memref<80x128xi32, #tpu.memory_space<hbm>>)
      %dma_wait3A_576 = arith.constant 0 : i32
      %dma_wait3A_577 = tpu.memref_slice %arg7[%mul3A_551, %dma_wait3A_576] : memref<163840x128xf32, #tpu.memory_space<hbm>> -> memref<80x128xf32, #tpu.memory_space<hbm>>
      %dma_wait3A_578 = arith.constant 0 : i32
      %dma_wait3A_579 = tpu.memref_slice %arg7[%mul3A_551, %dma_wait3A_578] : memref<163840x128xf32, #tpu.memory_space<hbm>> -> memref<80x128xf32, #tpu.memory_space<hbm>>
      tpu.wait_dma2 semaphore(%arg25 : memref<!tpu.dma_semaphore, #tpu.memory_space<semaphore_mem>>) src(%arg13 : memref<80x128xf32, #tpu.memory_space<vmem>>) dst(%dma_wait3A_579 : memref<80x128xf32, #tpu.memory_space<hbm>>)
      %dma_wait3A_580 = arith.constant 0 : i32
      %dma_wait3A_581 = tpu.memref_slice %arg8[%mul3A_551, %dma_wait3A_580] : memref<163840x128xf32, #tpu.memory_space<hbm>> -> memref<80x128xf32, #tpu.memory_space<hbm>>
      %dma_wait3A_582 = arith.constant 0 : i32
      %dma_wait3A_583 = tpu.memref_slice %arg8[%mul3A_551, %dma_wait3A_582] : memref<163840x128xf32, #tpu.memory_space<hbm>> -> memref<80x128xf32, #tpu.memory_space<hbm>>
      tpu.wait_dma2 semaphore(%arg27 : memref<!tpu.dma_semaphore, #tpu.memory_space<semaphore_mem>>) src(%arg15 : memref<80x128xf32, #tpu.memory_space<vmem>>) dst(%dma_wait3A_583 : memref<80x128xf32, #tpu.memory_space<hbm>>)
      %dma_wait3A_584 = arith.constant 0 : i32
      %dma_wait3A_585 = tpu.memref_slice %arg9[%mul3A_551, %dma_wait3A_584] : memref<163840x128xi32, #tpu.memory_space<hbm>> -> memref<80x128xi32, #tpu.memory_space<hbm>>
      %dma_wait3A_586 = arith.constant 0 : i32
      %dma_wait3A_587 = tpu.memref_slice %arg9[%mul3A_551, %dma_wait3A_586] : memref<163840x128xi32, #tpu.memory_space<hbm>> -> memref<80x128xi32, #tpu.memory_space<hbm>>
      tpu.wait_dma2 semaphore(%arg29 : memref<!tpu.dma_semaphore, #tpu.memory_space<semaphore_mem>>) src(%arg17 : memref<80x128xi32, #tpu.memory_space<vmem>>) dst(%dma_wait3A_587 : memref<80x128xi32, #tpu.memory_space<hbm>>)
      %scan3A_588 = arith.constant 0 : i32
      scf.yield %scan3A_588 : i32
    }
    %scan3A_8 = arith.constant 8 : i32
    return
  }
}

#map = affine_map<(d0, d1) -> (0, 0)>
#map1 = affine_map<(d0, d1) -> (0, 0, 0)>
module attributes {stable_mosaic.version = 14 : i64} {
  func.func @_sc_scatter_body(%arg0: i32, %arg1: i32, %arg2: memref<1280x128xi32, #tpu.memory_space<hbm>>, %arg3: memref<4x163840x128xf32, #tpu.memory_space<hbm>>, %arg4: memref<4x10000x128xf32, #tpu.memory_space<hbm>>, %arg5: memref<4x10000x128xf32, #tpu.memory_space<hbm>>, %arg6: memref<10008x128xf32, #tpu.memory_space<vmem_shared>>, %arg7: memref<128x128xf32, #tpu.memory_space<vmem>>, %arg8: memref<128x128xf32, #tpu.memory_space<vmem>>, %arg9: memref<8x128xi32, #tpu.memory_space<vmem>>, %arg10: memref<!tpu.dma_semaphore, #tpu.memory_space<semaphore_mem>>, %arg11: memref<!tpu.dma_semaphore, #tpu.memory_space<semaphore_mem>>, %arg12: memref<!tpu.dma_semaphore, #tpu.memory_space<semaphore_mem>>, %arg13: memref<!tpu.dma_semaphore, #tpu.memory_space<semaphore_mem>>, %arg14: memref<!tpu.dma_semaphore, #tpu.memory_space<semaphore_mem>>) attributes {dimension_semantics = [#tpu.dimension_semantics<core_parallel>, #tpu.dimension_semantics<subcore_parallel>], iteration_bounds = array<i64: 2, 16>, scalar_prefetch = 0 : i64, scratch_operands = 9 : i64, tpu.core_type = #tpu.core_type<sc_vector_subcore>, window_params = [{transform_indices = #map}, {transform_indices = #map1}, {transform_indices = #map1}, {transform_indices = #map1}]} {
    %mul3A = arith.constant 2 : i32
    %mul3A_0 = arith.muli %arg0, %mul3A : i32
    %add3A = arith.constant 0 : i32
    %add3A_1 = arith.addi %mul3A_0, %add3A : i32
    %eq3A = arith.constant 0 : i32
    %eq3A_2 = arith.cmpi eq, %arg1, %eq3A : i32
    %convert_element_type3A = arith.extui %eq3A_2 : i1 to i32
    %cond3A = arith.constant 0 : i32
    %cond3A_3 = arith.cmpi ne, %convert_element_type3A, %cond3A : i32
    scf.if %cond3A_3 {
      "tpu.region"() ({
        %run_scoped3A = tpu.sem_alloc : memref<!tpu.dma_semaphore, #tpu.memory_space<semaphore_mem>>
        %dma_start3A = arith.constant 0 : i32
        %dma_start3A_49 = arith.constant 0 : i32
        %dma_start3A_50 = tpu.memref_slice %arg6[%dma_start3A, %dma_start3A_49] : memref<10008x128xf32, #tpu.memory_space<vmem_shared>> -> memref<10000x128xf32, #tpu.memory_space<vmem_shared>>
        %dma_start3A_51 = arith.constant 0 : i32
        %dma_start3A_52 = arith.constant 0 : i32
        %dma_start3A_53 = tpu.memref_slice %arg4[%add3A_1, %dma_start3A_51, %dma_start3A_52] : memref<4x10000x128xf32, #tpu.memory_space<hbm>> -> memref<1x10000x128xf32, #tpu.memory_space<hbm>>
        %dma_start3A_54 = tpu.memref_squeeze %dma_start3A_53 : memref<1x10000x128xf32, #tpu.memory_space<hbm>> -> memref<10000x128xf32, #tpu.memory_space<hbm>>
        tpu.enqueue_dma source(%dma_start3A_54 : memref<10000x128xf32, #tpu.memory_space<hbm>>) target(%dma_start3A_50 : memref<10000x128xf32, #tpu.memory_space<vmem_shared>>) target_semaphore(%run_scoped3A : memref<!tpu.dma_semaphore, #tpu.memory_space<semaphore_mem>>)
        %dma_wait3A = arith.constant 0 : i32
        %dma_wait3A_55 = arith.constant 0 : i32
        %dma_wait3A_56 = tpu.memref_slice %arg6[%dma_wait3A, %dma_wait3A_55] : memref<10008x128xf32, #tpu.memory_space<vmem_shared>> -> memref<10000x128xf32, #tpu.memory_space<vmem_shared>>
        %dma_wait3A_57 = arith.constant 0 : i32
        %dma_wait3A_58 = arith.constant 0 : i32
        %dma_wait3A_59 = tpu.memref_slice %arg4[%add3A_1, %dma_wait3A_57, %dma_wait3A_58] : memref<4x10000x128xf32, #tpu.memory_space<hbm>> -> memref<1x10000x128xf32, #tpu.memory_space<hbm>>
        %dma_wait3A_60 = tpu.memref_squeeze %dma_wait3A_59 : memref<1x10000x128xf32, #tpu.memory_space<hbm>> -> memref<10000x128xf32, #tpu.memory_space<hbm>>
        tpu.wait_dma2 semaphore(%run_scoped3A : memref<!tpu.dma_semaphore, #tpu.memory_space<semaphore_mem>>) src(%dma_wait3A_60 : memref<10000x128xf32, #tpu.memory_space<hbm>>) dst(%dma_wait3A_56 : memref<10000x128xf32, #tpu.memory_space<vmem_shared>>)
        tpu.yield
      }) : () -> ()
    } else {
    }
    %barrier3A = arith.constant 0 : index
    tpu.barrier barrier_id(%barrier3A)
    %mul3A_4 = arith.constant 80 : i32
    %mul3A_5 = arith.muli %arg1, %mul3A_4 : i32
    %scan3A = arith.constant 0 : i32
    %scan3A_6 = arith.constant 0 : i32
    %scan3A_7 = arith.constant 10 : i32
    %scan3A_8 = arith.addi %scan3A_6, %scan3A_7 : i32
    %scan3A_9 = arith.constant 1 : i32
    %scan3A_10 = scf.for %scan3A_49 = %scan3A_6 to %scan3A_8 step %scan3A_9 iter_args(%scan3A_50 = %scan3A) -> (i32)  : i32 {
      %mul3A_51 = arith.constant 8 : i32
      %mul3A_52 = arith.muli %scan3A_49, %mul3A_51 : i32
      %add3A_53 = arith.addi %mul3A_5, %mul3A_52 : i32
      %dma_start3A = arith.constant 0 : i32
      %dma_start3A_54 = tpu.memref_slice %arg2[%add3A_53, %dma_start3A] : memref<1280x128xi32, #tpu.memory_space<hbm>> -> memref<8x128xi32, #tpu.memory_space<hbm>>
      %dma_start3A_55 = arith.constant 0 : i32
      %dma_start3A_56 = tpu.memref_slice %arg2[%add3A_53, %dma_start3A_55] : memref<1280x128xi32, #tpu.memory_space<hbm>> -> memref<8x128xi32, #tpu.memory_space<hbm>>
      tpu.enqueue_dma source(%dma_start3A_56 : memref<8x128xi32, #tpu.memory_space<hbm>>) target(%arg9 : memref<8x128xi32, #tpu.memory_space<vmem>>) target_semaphore(%arg14 : memref<!tpu.dma_semaphore, #tpu.memory_space<semaphore_mem>>)
      %dma_wait3A = arith.constant 0 : i32
      %dma_wait3A_57 = tpu.memref_slice %arg2[%add3A_53, %dma_wait3A] : memref<1280x128xi32, #tpu.memory_space<hbm>> -> memref<8x128xi32, #tpu.memory_space<hbm>>
      %dma_wait3A_58 = arith.constant 0 : i32
      %dma_wait3A_59 = tpu.memref_slice %arg2[%add3A_53, %dma_wait3A_58] : memref<1280x128xi32, #tpu.memory_space<hbm>> -> memref<8x128xi32, #tpu.memory_space<hbm>>
      tpu.wait_dma2 semaphore(%arg14 : memref<!tpu.dma_semaphore, #tpu.memory_space<semaphore_mem>>) src(%dma_wait3A_59 : memref<8x128xi32, #tpu.memory_space<hbm>>) dst(%arg9 : memref<8x128xi32, #tpu.memory_space<vmem>>)
      %add3A_60 = arith.constant 0 : i32
      %add3A_61 = arith.addi %add3A_53, %add3A_60 : i32
      %mul3A_62 = arith.constant 128 : i32
      %mul3A_63 = arith.muli %add3A_61, %mul3A_62 : i32
      %dma_start3A_64 = arith.constant 0 : i32
      %dma_start3A_65 = tpu.memref_slice %arg3[%add3A_1, %mul3A_63, %dma_start3A_64] : memref<4x163840x128xf32, #tpu.memory_space<hbm>> -> memref<1x128x128xf32, #tpu.memory_space<hbm>>
      %dma_start3A_66 = tpu.memref_squeeze %dma_start3A_65 : memref<1x128x128xf32, #tpu.memory_space<hbm>> -> memref<128x128xf32, #tpu.memory_space<hbm>>
      %dma_start3A_67 = arith.constant 0 : i32
      %dma_start3A_68 = tpu.memref_slice %arg3[%add3A_1, %mul3A_63, %dma_start3A_67] : memref<4x163840x128xf32, #tpu.memory_space<hbm>> -> memref<1x128x128xf32, #tpu.memory_space<hbm>>
      %dma_start3A_69 = tpu.memref_squeeze %dma_start3A_68 : memref<1x128x128xf32, #tpu.memory_space<hbm>> -> memref<128x128xf32, #tpu.memory_space<hbm>>
      tpu.enqueue_dma source(%dma_start3A_69 : memref<128x128xf32, #tpu.memory_space<hbm>>) target(%arg7 : memref<128x128xf32, #tpu.memory_space<vmem>>) target_semaphore(%arg10 : memref<!tpu.dma_semaphore, #tpu.memory_space<semaphore_mem>>)
      %add3A_70 = arith.constant 1 : i32
      %add3A_71 = arith.addi %add3A_53, %add3A_70 : i32
      %mul3A_72 = arith.constant 128 : i32
      %mul3A_73 = arith.muli %add3A_71, %mul3A_72 : i32
      %dma_start3A_74 = arith.constant 0 : i32
      %dma_start3A_75 = tpu.memref_slice %arg3[%add3A_1, %mul3A_73, %dma_start3A_74] : memref<4x163840x128xf32, #tpu.memory_space<hbm>> -> memref<1x128x128xf32, #tpu.memory_space<hbm>>
      %dma_start3A_76 = tpu.memref_squeeze %dma_start3A_75 : memref<1x128x128xf32, #tpu.memory_space<hbm>> -> memref<128x128xf32, #tpu.memory_space<hbm>>
      %dma_start3A_77 = arith.constant 0 : i32
      %dma_start3A_78 = tpu.memref_slice %arg3[%add3A_1, %mul3A_73, %dma_start3A_77] : memref<4x163840x128xf32, #tpu.memory_space<hbm>> -> memref<1x128x128xf32, #tpu.memory_space<hbm>>
      %dma_start3A_79 = tpu.memref_squeeze %dma_start3A_78 : memref<1x128x128xf32, #tpu.memory_space<hbm>> -> memref<128x128xf32, #tpu.memory_space<hbm>>
      tpu.enqueue_dma source(%dma_start3A_79 : memref<128x128xf32, #tpu.memory_space<hbm>>) target(%arg8 : memref<128x128xf32, #tpu.memory_space<vmem>>) target_semaphore(%arg11 : memref<!tpu.dma_semaphore, #tpu.memory_space<semaphore_mem>>)
      %dma_wait3A_80 = arith.constant 0 : i32
      %dma_wait3A_81 = tpu.memref_slice %arg3[%add3A_1, %mul3A_63, %dma_wait3A_80] : memref<4x163840x128xf32, #tpu.memory_space<hbm>> -> memref<1x128x128xf32, #tpu.memory_space<hbm>>
      %dma_wait3A_82 = tpu.memref_squeeze %dma_wait3A_81 : memref<1x128x128xf32, #tpu.memory_space<hbm>> -> memref<128x128xf32, #tpu.memory_space<hbm>>
      %dma_wait3A_83 = arith.constant 0 : i32
      %dma_wait3A_84 = tpu.memref_slice %arg3[%add3A_1, %mul3A_63, %dma_wait3A_83] : memref<4x163840x128xf32, #tpu.memory_space<hbm>> -> memref<1x128x128xf32, #tpu.memory_space<hbm>>
      %dma_wait3A_85 = tpu.memref_squeeze %dma_wait3A_84 : memref<1x128x128xf32, #tpu.memory_space<hbm>> -> memref<128x128xf32, #tpu.memory_space<hbm>>
      tpu.wait_dma2 semaphore(%arg10 : memref<!tpu.dma_semaphore, #tpu.memory_space<semaphore_mem>>) src(%dma_wait3A_85 : memref<128x128xf32, #tpu.memory_space<hbm>>) dst(%arg7 : memref<128x128xf32, #tpu.memory_space<vmem>>)
      %dma_start3A_86 = arith.constant 0 : i32
      %dma_start3A_87 = arith.constant 0 : i32
      %dma_start3A_88 = tpu.memref_slice %arg9[%dma_start3A_86, %dma_start3A_87] : memref<8x128xi32, #tpu.memory_space<vmem>> -> memref<1x128xi32, #tpu.memory_space<vmem>>
      %dma_start3A_89 = tpu.memref_squeeze %dma_start3A_88 : memref<1x128xi32, #tpu.memory_space<vmem>> -> memref<128xi32, #tpu.memory_space<vmem>>
      %dma_start3A_90 = arith.constant 0 : i32
      %dma_start3A_91 = arith.constant 0 : i32
      %dma_start3A_92 = tpu.memref_slice %arg6[%dma_start3A_90, %dma_start3A_91] : memref<10008x128xf32, #tpu.memory_space<vmem_shared>> -> memref<10008x128xf32, #tpu.memory_space<vmem_shared>>
      tpu.enqueue_indirect_dma source(%arg7 : memref<128x128xf32, #tpu.memory_space<vmem>>) target(%dma_start3A_92 : memref<10008x128xf32, #tpu.memory_space<vmem_shared>>) offsets(%dma_start3A_89 : memref<128xi32, #tpu.memory_space<vmem>>) semaphore(%arg12 : memref<!tpu.dma_semaphore, #tpu.memory_space<semaphore_mem>>) {add = true}
      %add3A_93 = arith.constant 2 : i32
      %add3A_94 = arith.addi %add3A_53, %add3A_93 : i32
      %mul3A_95 = arith.constant 128 : i32
      %mul3A_96 = arith.muli %add3A_94, %mul3A_95 : i32
      %dma_wait3A_97 = arith.constant 0 : i32
      %dma_wait3A_98 = arith.constant 0 : i32
      %dma_wait3A_99 = tpu.memref_slice %arg9[%dma_wait3A_97, %dma_wait3A_98] : memref<8x128xi32, #tpu.memory_space<vmem>> -> memref<1x128xi32, #tpu.memory_space<vmem>>
      %dma_wait3A_100 = tpu.memref_squeeze %dma_wait3A_99 : memref<1x128xi32, #tpu.memory_space<vmem>> -> memref<128xi32, #tpu.memory_space<vmem>>
      %dma_wait3A_101 = arith.constant 0 : i32
      %dma_wait3A_102 = arith.constant 0 : i32
      %dma_wait3A_103 = tpu.memref_slice %arg6[%dma_wait3A_101, %dma_wait3A_102] : memref<10008x128xf32, #tpu.memory_space<vmem_shared>> -> memref<10008x128xf32, #tpu.memory_space<vmem_shared>>
      tpu.wait_indirect_dma semaphore(%arg12 : memref<!tpu.dma_semaphore, #tpu.memory_space<semaphore_mem>>) src(%arg7 : memref<128x128xf32, #tpu.memory_space<vmem>>) dst(%dma_wait3A_103 : memref<10008x128xf32, #tpu.memory_space<vmem_shared>>)
      %dma_start3A_104 = arith.constant 0 : i32
      %dma_start3A_105 = tpu.memref_slice %arg3[%add3A_1, %mul3A_96, %dma_start3A_104] : memref<4x163840x128xf32, #tpu.memory_space<hbm>> -> memref<1x128x128xf32, #tpu.memory_space<hbm>>
      %dma_start3A_106 = tpu.memref_squeeze %dma_start3A_105 : memref<1x128x128xf32, #tpu.memory_space<hbm>> -> memref<128x128xf32, #tpu.memory_space<hbm>>
      %dma_start3A_107 = arith.constant 0 : i32
      %dma_start3A_108 = tpu.memref_slice %arg3[%add3A_1, %mul3A_96, %dma_start3A_107] : memref<4x163840x128xf32, #tpu.memory_space<hbm>> -> memref<1x128x128xf32, #tpu.memory_space<hbm>>
      %dma_start3A_109 = tpu.memref_squeeze %dma_start3A_108 : memref<1x128x128xf32, #tpu.memory_space<hbm>> -> memref<128x128xf32, #tpu.memory_space<hbm>>
      tpu.enqueue_dma source(%dma_start3A_109 : memref<128x128xf32, #tpu.memory_space<hbm>>) target(%arg7 : memref<128x128xf32, #tpu.memory_space<vmem>>) target_semaphore(%arg10 : memref<!tpu.dma_semaphore, #tpu.memory_space<semaphore_mem>>)
      %dma_wait3A_110 = arith.constant 0 : i32
      %dma_wait3A_111 = tpu.memref_slice %arg3[%add3A_1, %mul3A_73, %dma_wait3A_110] : memref<4x163840x128xf32, #tpu.memory_space<hbm>> -> memref<1x128x128xf32, #tpu.memory_space<hbm>>
      %dma_wait3A_112 = tpu.memref_squeeze %dma_wait3A_111 : memref<1x128x128xf32, #tpu.memory_space<hbm>> -> memref<128x128xf32, #tpu.memory_space<hbm>>
      %dma_wait3A_113 = arith.constant 0 : i32
      %dma_wait3A_114 = tpu.memref_slice %arg3[%add3A_1, %mul3A_73, %dma_wait3A_113] : memref<4x163840x128xf32, #tpu.memory_space<hbm>> -> memref<1x128x128xf32, #tpu.memory_space<hbm>>
      %dma_wait3A_115 = tpu.memref_squeeze %dma_wait3A_114 : memref<1x128x128xf32, #tpu.memory_space<hbm>> -> memref<128x128xf32, #tpu.memory_space<hbm>>
      tpu.wait_dma2 semaphore(%arg11 : memref<!tpu.dma_semaphore, #tpu.memory_space<semaphore_mem>>) src(%dma_wait3A_115 : memref<128x128xf32, #tpu.memory_space<hbm>>) dst(%arg8 : memref<128x128xf32, #tpu.memory_space<vmem>>)
      %dma_start3A_116 = arith.constant 1 : i32
      %dma_start3A_117 = arith.constant 0 : i32
      %dma_start3A_118 = tpu.memref_slice %arg9[%dma_start3A_116, %dma_start3A_117] : memref<8x128xi32, #tpu.memory_space<vmem>> -> memref<1x128xi32, #tpu.memory_space<vmem>>
      %dma_start3A_119 = tpu.memref_squeeze %dma_start3A_118 : memref<1x128xi32, #tpu.memory_space<vmem>> -> memref<128xi32, #tpu.memory_space<vmem>>
      %dma_start3A_120 = arith.constant 0 : i32
      %dma_start3A_121 = arith.constant 0 : i32
      %dma_start3A_122 = tpu.memref_slice %arg6[%dma_start3A_120, %dma_start3A_121] : memref<10008x128xf32, #tpu.memory_space<vmem_shared>> -> memref<10008x128xf32, #tpu.memory_space<vmem_shared>>
      tpu.enqueue_indirect_dma source(%arg8 : memref<128x128xf32, #tpu.memory_space<vmem>>) target(%dma_start3A_122 : memref<10008x128xf32, #tpu.memory_space<vmem_shared>>) offsets(%dma_start3A_119 : memref<128xi32, #tpu.memory_space<vmem>>) semaphore(%arg13 : memref<!tpu.dma_semaphore, #tpu.memory_space<semaphore_mem>>) {add = true}
      %add3A_123 = arith.constant 3 : i32
      %add3A_124 = arith.addi %add3A_53, %add3A_123 : i32
      %mul3A_125 = arith.constant 128 : i32
      %mul3A_126 = arith.muli %add3A_124, %mul3A_125 : i32
      %dma_wait3A_127 = arith.constant 1 : i32
      %dma_wait3A_128 = arith.constant 0 : i32
      %dma_wait3A_129 = tpu.memref_slice %arg9[%dma_wait3A_127, %dma_wait3A_128] : memref<8x128xi32, #tpu.memory_space<vmem>> -> memref<1x128xi32, #tpu.memory_space<vmem>>
      %dma_wait3A_130 = tpu.memref_squeeze %dma_wait3A_129 : memref<1x128xi32, #tpu.memory_space<vmem>> -> memref<128xi32, #tpu.memory_space<vmem>>
      %dma_wait3A_131 = arith.constant 0 : i32
      %dma_wait3A_132 = arith.constant 0 : i32
      %dma_wait3A_133 = tpu.memref_slice %arg6[%dma_wait3A_131, %dma_wait3A_132] : memref<10008x128xf32, #tpu.memory_space<vmem_shared>> -> memref<10008x128xf32, #tpu.memory_space<vmem_shared>>
      tpu.wait_indirect_dma semaphore(%arg13 : memref<!tpu.dma_semaphore, #tpu.memory_space<semaphore_mem>>) src(%arg8 : memref<128x128xf32, #tpu.memory_space<vmem>>) dst(%dma_wait3A_133 : memref<10008x128xf32, #tpu.memory_space<vmem_shared>>)
      %dma_start3A_134 = arith.constant 0 : i32
      %dma_start3A_135 = tpu.memref_slice %arg3[%add3A_1, %mul3A_126, %dma_start3A_134] : memref<4x163840x128xf32, #tpu.memory_space<hbm>> -> memref<1x128x128xf32, #tpu.memory_space<hbm>>
      %dma_start3A_136 = tpu.memref_squeeze %dma_start3A_135 : memref<1x128x128xf32, #tpu.memory_space<hbm>> -> memref<128x128xf32, #tpu.memory_space<hbm>>
      %dma_start3A_137 = arith.constant 0 : i32
      %dma_start3A_138 = tpu.memref_slice %arg3[%add3A_1, %mul3A_126, %dma_start3A_137] : memref<4x163840x128xf32, #tpu.memory_space<hbm>> -> memref<1x128x128xf32, #tpu.memory_space<hbm>>
      %dma_start3A_139 = tpu.memref_squeeze %dma_start3A_138 : memref<1x128x128xf32, #tpu.memory_space<hbm>> -> memref<128x128xf32, #tpu.memory_space<hbm>>
      tpu.enqueue_dma source(%dma_start3A_139 : memref<128x128xf32, #tpu.memory_space<hbm>>) target(%arg8 : memref<128x128xf32, #tpu.memory_space<vmem>>) target_semaphore(%arg11 : memref<!tpu.dma_semaphore, #tpu.memory_space<semaphore_mem>>)
      %dma_wait3A_140 = arith.constant 0 : i32
      %dma_wait3A_141 = tpu.memref_slice %arg3[%add3A_1, %mul3A_96, %dma_wait3A_140] : memref<4x163840x128xf32, #tpu.memory_space<hbm>> -> memref<1x128x128xf32, #tpu.memory_space<hbm>>
      %dma_wait3A_142 = tpu.memref_squeeze %dma_wait3A_141 : memref<1x128x128xf32, #tpu.memory_space<hbm>> -> memref<128x128xf32, #tpu.memory_space<hbm>>
      %dma_wait3A_143 = arith.constant 0 : i32
      %dma_wait3A_144 = tpu.memref_slice %arg3[%add3A_1, %mul3A_96, %dma_wait3A_143] : memref<4x163840x128xf32, #tpu.memory_space<hbm>> -> memref<1x128x128xf32, #tpu.memory_space<hbm>>
      %dma_wait3A_145 = tpu.memref_squeeze %dma_wait3A_144 : memref<1x128x128xf32, #tpu.memory_space<hbm>> -> memref<128x128xf32, #tpu.memory_space<hbm>>
      tpu.wait_dma2 semaphore(%arg10 : memref<!tpu.dma_semaphore, #tpu.memory_space<semaphore_mem>>) src(%dma_wait3A_145 : memref<128x128xf32, #tpu.memory_space<hbm>>) dst(%arg7 : memref<128x128xf32, #tpu.memory_space<vmem>>)
      %dma_start3A_146 = arith.constant 2 : i32
      %dma_start3A_147 = arith.constant 0 : i32
      %dma_start3A_148 = tpu.memref_slice %arg9[%dma_start3A_146, %dma_start3A_147] : memref<8x128xi32, #tpu.memory_space<vmem>> -> memref<1x128xi32, #tpu.memory_space<vmem>>
      %dma_start3A_149 = tpu.memref_squeeze %dma_start3A_148 : memref<1x128xi32, #tpu.memory_space<vmem>> -> memref<128xi32, #tpu.memory_space<vmem>>
      %dma_start3A_150 = arith.constant 0 : i32
      %dma_start3A_151 = arith.constant 0 : i32
      %dma_start3A_152 = tpu.memref_slice %arg6[%dma_start3A_150, %dma_start3A_151] : memref<10008x128xf32, #tpu.memory_space<vmem_shared>> -> memref<10008x128xf32, #tpu.memory_space<vmem_shared>>
      tpu.enqueue_indirect_dma source(%arg7 : memref<128x128xf32, #tpu.memory_space<vmem>>) target(%dma_start3A_152 : memref<10008x128xf32, #tpu.memory_space<vmem_shared>>) offsets(%dma_start3A_149 : memref<128xi32, #tpu.memory_space<vmem>>) semaphore(%arg12 : memref<!tpu.dma_semaphore, #tpu.memory_space<semaphore_mem>>) {add = true}
      %add3A_153 = arith.constant 4 : i32
      %add3A_154 = arith.addi %add3A_53, %add3A_153 : i32
      %mul3A_155 = arith.constant 128 : i32
      %mul3A_156 = arith.muli %add3A_154, %mul3A_155 : i32
      %dma_wait3A_157 = arith.constant 2 : i32
      %dma_wait3A_158 = arith.constant 0 : i32
      %dma_wait3A_159 = tpu.memref_slice %arg9[%dma_wait3A_157, %dma_wait3A_158] : memref<8x128xi32, #tpu.memory_space<vmem>> -> memref<1x128xi32, #tpu.memory_space<vmem>>
      %dma_wait3A_160 = tpu.memref_squeeze %dma_wait3A_159 : memref<1x128xi32, #tpu.memory_space<vmem>> -> memref<128xi32, #tpu.memory_space<vmem>>
      %dma_wait3A_161 = arith.constant 0 : i32
      %dma_wait3A_162 = arith.constant 0 : i32
      %dma_wait3A_163 = tpu.memref_slice %arg6[%dma_wait3A_161, %dma_wait3A_162] : memref<10008x128xf32, #tpu.memory_space<vmem_shared>> -> memref<10008x128xf32, #tpu.memory_space<vmem_shared>>
      tpu.wait_indirect_dma semaphore(%arg12 : memref<!tpu.dma_semaphore, #tpu.memory_space<semaphore_mem>>) src(%arg7 : memref<128x128xf32, #tpu.memory_space<vmem>>) dst(%dma_wait3A_163 : memref<10008x128xf32, #tpu.memory_space<vmem_shared>>)
      %dma_start3A_164 = arith.constant 0 : i32
      %dma_start3A_165 = tpu.memref_slice %arg3[%add3A_1, %mul3A_156, %dma_start3A_164] : memref<4x163840x128xf32, #tpu.memory_space<hbm>> -> memref<1x128x128xf32, #tpu.memory_space<hbm>>
      %dma_start3A_166 = tpu.memref_squeeze %dma_start3A_165 : memref<1x128x128xf32, #tpu.memory_space<hbm>> -> memref<128x128xf32, #tpu.memory_space<hbm>>
      %dma_start3A_167 = arith.constant 0 : i32
      %dma_start3A_168 = tpu.memref_slice %arg3[%add3A_1, %mul3A_156, %dma_start3A_167] : memref<4x163840x128xf32, #tpu.memory_space<hbm>> -> memref<1x128x128xf32, #tpu.memory_space<hbm>>
      %dma_start3A_169 = tpu.memref_squeeze %dma_start3A_168 : memref<1x128x128xf32, #tpu.memory_space<hbm>> -> memref<128x128xf32, #tpu.memory_space<hbm>>
      tpu.enqueue_dma source(%dma_start3A_169 : memref<128x128xf32, #tpu.memory_space<hbm>>) target(%arg7 : memref<128x128xf32, #tpu.memory_space<vmem>>) target_semaphore(%arg10 : memref<!tpu.dma_semaphore, #tpu.memory_space<semaphore_mem>>)
      %dma_wait3A_170 = arith.constant 0 : i32
      %dma_wait3A_171 = tpu.memref_slice %arg3[%add3A_1, %mul3A_126, %dma_wait3A_170] : memref<4x163840x128xf32, #tpu.memory_space<hbm>> -> memref<1x128x128xf32, #tpu.memory_space<hbm>>
      %dma_wait3A_172 = tpu.memref_squeeze %dma_wait3A_171 : memref<1x128x128xf32, #tpu.memory_space<hbm>> -> memref<128x128xf32, #tpu.memory_space<hbm>>
      %dma_wait3A_173 = arith.constant 0 : i32
      %dma_wait3A_174 = tpu.memref_slice %arg3[%add3A_1, %mul3A_126, %dma_wait3A_173] : memref<4x163840x128xf32, #tpu.memory_space<hbm>> -> memref<1x128x128xf32, #tpu.memory_space<hbm>>
      %dma_wait3A_175 = tpu.memref_squeeze %dma_wait3A_174 : memref<1x128x128xf32, #tpu.memory_space<hbm>> -> memref<128x128xf32, #tpu.memory_space<hbm>>
      tpu.wait_dma2 semaphore(%arg11 : memref<!tpu.dma_semaphore, #tpu.memory_space<semaphore_mem>>) src(%dma_wait3A_175 : memref<128x128xf32, #tpu.memory_space<hbm>>) dst(%arg8 : memref<128x128xf32, #tpu.memory_space<vmem>>)
      %dma_start3A_176 = arith.constant 3 : i32
      %dma_start3A_177 = arith.constant 0 : i32
      %dma_start3A_178 = tpu.memref_slice %arg9[%dma_start3A_176, %dma_start3A_177] : memref<8x128xi32, #tpu.memory_space<vmem>> -> memref<1x128xi32, #tpu.memory_space<vmem>>
      %dma_start3A_179 = tpu.memref_squeeze %dma_start3A_178 : memref<1x128xi32, #tpu.memory_space<vmem>> -> memref<128xi32, #tpu.memory_space<vmem>>
      %dma_start3A_180 = arith.constant 0 : i32
      %dma_start3A_181 = arith.constant 0 : i32
      %dma_start3A_182 = tpu.memref_slice %arg6[%dma_start3A_180, %dma_start3A_181] : memref<10008x128xf32, #tpu.memory_space<vmem_shared>> -> memref<10008x128xf32, #tpu.memory_space<vmem_shared>>
      tpu.enqueue_indirect_dma source(%arg8 : memref<128x128xf32, #tpu.memory_space<vmem>>) target(%dma_start3A_182 : memref<10008x128xf32, #tpu.memory_space<vmem_shared>>) offsets(%dma_start3A_179 : memref<128xi32, #tpu.memory_space<vmem>>) semaphore(%arg13 : memref<!tpu.dma_semaphore, #tpu.memory_space<semaphore_mem>>) {add = true}
      %add3A_183 = arith.constant 5 : i32
      %add3A_184 = arith.addi %add3A_53, %add3A_183 : i32
      %mul3A_185 = arith.constant 128 : i32
      %mul3A_186 = arith.muli %add3A_184, %mul3A_185 : i32
      %dma_wait3A_187 = arith.constant 3 : i32
      %dma_wait3A_188 = arith.constant 0 : i32
      %dma_wait3A_189 = tpu.memref_slice %arg9[%dma_wait3A_187, %dma_wait3A_188] : memref<8x128xi32, #tpu.memory_space<vmem>> -> memref<1x128xi32, #tpu.memory_space<vmem>>
      %dma_wait3A_190 = tpu.memref_squeeze %dma_wait3A_189 : memref<1x128xi32, #tpu.memory_space<vmem>> -> memref<128xi32, #tpu.memory_space<vmem>>
      %dma_wait3A_191 = arith.constant 0 : i32
      %dma_wait3A_192 = arith.constant 0 : i32
      %dma_wait3A_193 = tpu.memref_slice %arg6[%dma_wait3A_191, %dma_wait3A_192] : memref<10008x128xf32, #tpu.memory_space<vmem_shared>> -> memref<10008x128xf32, #tpu.memory_space<vmem_shared>>
      tpu.wait_indirect_dma semaphore(%arg13 : memref<!tpu.dma_semaphore, #tpu.memory_space<semaphore_mem>>) src(%arg8 : memref<128x128xf32, #tpu.memory_space<vmem>>) dst(%dma_wait3A_193 : memref<10008x128xf32, #tpu.memory_space<vmem_shared>>)
      %dma_start3A_194 = arith.constant 0 : i32
      %dma_start3A_195 = tpu.memref_slice %arg3[%add3A_1, %mul3A_186, %dma_start3A_194] : memref<4x163840x128xf32, #tpu.memory_space<hbm>> -> memref<1x128x128xf32, #tpu.memory_space<hbm>>
      %dma_start3A_196 = tpu.memref_squeeze %dma_start3A_195 : memref<1x128x128xf32, #tpu.memory_space<hbm>> -> memref<128x128xf32, #tpu.memory_space<hbm>>
      %dma_start3A_197 = arith.constant 0 : i32
      %dma_start3A_198 = tpu.memref_slice %arg3[%add3A_1, %mul3A_186, %dma_start3A_197] : memref<4x163840x128xf32, #tpu.memory_space<hbm>> -> memref<1x128x128xf32, #tpu.memory_space<hbm>>
      %dma_start3A_199 = tpu.memref_squeeze %dma_start3A_198 : memref<1x128x128xf32, #tpu.memory_space<hbm>> -> memref<128x128xf32, #tpu.memory_space<hbm>>
      tpu.enqueue_dma source(%dma_start3A_199 : memref<128x128xf32, #tpu.memory_space<hbm>>) target(%arg8 : memref<128x128xf32, #tpu.memory_space<vmem>>) target_semaphore(%arg11 : memref<!tpu.dma_semaphore, #tpu.memory_space<semaphore_mem>>)
      %dma_wait3A_200 = arith.constant 0 : i32
      %dma_wait3A_201 = tpu.memref_slice %arg3[%add3A_1, %mul3A_156, %dma_wait3A_200] : memref<4x163840x128xf32, #tpu.memory_space<hbm>> -> memref<1x128x128xf32, #tpu.memory_space<hbm>>
      %dma_wait3A_202 = tpu.memref_squeeze %dma_wait3A_201 : memref<1x128x128xf32, #tpu.memory_space<hbm>> -> memref<128x128xf32, #tpu.memory_space<hbm>>
      %dma_wait3A_203 = arith.constant 0 : i32
      %dma_wait3A_204 = tpu.memref_slice %arg3[%add3A_1, %mul3A_156, %dma_wait3A_203] : memref<4x163840x128xf32, #tpu.memory_space<hbm>> -> memref<1x128x128xf32, #tpu.memory_space<hbm>>
      %dma_wait3A_205 = tpu.memref_squeeze %dma_wait3A_204 : memref<1x128x128xf32, #tpu.memory_space<hbm>> -> memref<128x128xf32, #tpu.memory_space<hbm>>
      tpu.wait_dma2 semaphore(%arg10 : memref<!tpu.dma_semaphore, #tpu.memory_space<semaphore_mem>>) src(%dma_wait3A_205 : memref<128x128xf32, #tpu.memory_space<hbm>>) dst(%arg7 : memref<128x128xf32, #tpu.memory_space<vmem>>)
      %dma_start3A_206 = arith.constant 4 : i32
      %dma_start3A_207 = arith.constant 0 : i32
      %dma_start3A_208 = tpu.memref_slice %arg9[%dma_start3A_206, %dma_start3A_207] : memref<8x128xi32, #tpu.memory_space<vmem>> -> memref<1x128xi32, #tpu.memory_space<vmem>>
      %dma_start3A_209 = tpu.memref_squeeze %dma_start3A_208 : memref<1x128xi32, #tpu.memory_space<vmem>> -> memref<128xi32, #tpu.memory_space<vmem>>
      %dma_start3A_210 = arith.constant 0 : i32
      %dma_start3A_211 = arith.constant 0 : i32
      %dma_start3A_212 = tpu.memref_slice %arg6[%dma_start3A_210, %dma_start3A_211] : memref<10008x128xf32, #tpu.memory_space<vmem_shared>> -> memref<10008x128xf32, #tpu.memory_space<vmem_shared>>
      tpu.enqueue_indirect_dma source(%arg7 : memref<128x128xf32, #tpu.memory_space<vmem>>) target(%dma_start3A_212 : memref<10008x128xf32, #tpu.memory_space<vmem_shared>>) offsets(%dma_start3A_209 : memref<128xi32, #tpu.memory_space<vmem>>) semaphore(%arg12 : memref<!tpu.dma_semaphore, #tpu.memory_space<semaphore_mem>>) {add = true}
      %add3A_213 = arith.constant 6 : i32
      %add3A_214 = arith.addi %add3A_53, %add3A_213 : i32
      %mul3A_215 = arith.constant 128 : i32
      %mul3A_216 = arith.muli %add3A_214, %mul3A_215 : i32
      %dma_wait3A_217 = arith.constant 4 : i32
      %dma_wait3A_218 = arith.constant 0 : i32
      %dma_wait3A_219 = tpu.memref_slice %arg9[%dma_wait3A_217, %dma_wait3A_218] : memref<8x128xi32, #tpu.memory_space<vmem>> -> memref<1x128xi32, #tpu.memory_space<vmem>>
      %dma_wait3A_220 = tpu.memref_squeeze %dma_wait3A_219 : memref<1x128xi32, #tpu.memory_space<vmem>> -> memref<128xi32, #tpu.memory_space<vmem>>
      %dma_wait3A_221 = arith.constant 0 : i32
      %dma_wait3A_222 = arith.constant 0 : i32
      %dma_wait3A_223 = tpu.memref_slice %arg6[%dma_wait3A_221, %dma_wait3A_222] : memref<10008x128xf32, #tpu.memory_space<vmem_shared>> -> memref<10008x128xf32, #tpu.memory_space<vmem_shared>>
      tpu.wait_indirect_dma semaphore(%arg12 : memref<!tpu.dma_semaphore, #tpu.memory_space<semaphore_mem>>) src(%arg7 : memref<128x128xf32, #tpu.memory_space<vmem>>) dst(%dma_wait3A_223 : memref<10008x128xf32, #tpu.memory_space<vmem_shared>>)
      %dma_start3A_224 = arith.constant 0 : i32
      %dma_start3A_225 = tpu.memref_slice %arg3[%add3A_1, %mul3A_216, %dma_start3A_224] : memref<4x163840x128xf32, #tpu.memory_space<hbm>> -> memref<1x128x128xf32, #tpu.memory_space<hbm>>
      %dma_start3A_226 = tpu.memref_squeeze %dma_start3A_225 : memref<1x128x128xf32, #tpu.memory_space<hbm>> -> memref<128x128xf32, #tpu.memory_space<hbm>>
      %dma_start3A_227 = arith.constant 0 : i32
      %dma_start3A_228 = tpu.memref_slice %arg3[%add3A_1, %mul3A_216, %dma_start3A_227] : memref<4x163840x128xf32, #tpu.memory_space<hbm>> -> memref<1x128x128xf32, #tpu.memory_space<hbm>>
      %dma_start3A_229 = tpu.memref_squeeze %dma_start3A_228 : memref<1x128x128xf32, #tpu.memory_space<hbm>> -> memref<128x128xf32, #tpu.memory_space<hbm>>
      tpu.enqueue_dma source(%dma_start3A_229 : memref<128x128xf32, #tpu.memory_space<hbm>>) target(%arg7 : memref<128x128xf32, #tpu.memory_space<vmem>>) target_semaphore(%arg10 : memref<!tpu.dma_semaphore, #tpu.memory_space<semaphore_mem>>)
      %dma_wait3A_230 = arith.constant 0 : i32
      %dma_wait3A_231 = tpu.memref_slice %arg3[%add3A_1, %mul3A_186, %dma_wait3A_230] : memref<4x163840x128xf32, #tpu.memory_space<hbm>> -> memref<1x128x128xf32, #tpu.memory_space<hbm>>
      %dma_wait3A_232 = tpu.memref_squeeze %dma_wait3A_231 : memref<1x128x128xf32, #tpu.memory_space<hbm>> -> memref<128x128xf32, #tpu.memory_space<hbm>>
      %dma_wait3A_233 = arith.constant 0 : i32
      %dma_wait3A_234 = tpu.memref_slice %arg3[%add3A_1, %mul3A_186, %dma_wait3A_233] : memref<4x163840x128xf32, #tpu.memory_space<hbm>> -> memref<1x128x128xf32, #tpu.memory_space<hbm>>
      %dma_wait3A_235 = tpu.memref_squeeze %dma_wait3A_234 : memref<1x128x128xf32, #tpu.memory_space<hbm>> -> memref<128x128xf32, #tpu.memory_space<hbm>>
      tpu.wait_dma2 semaphore(%arg11 : memref<!tpu.dma_semaphore, #tpu.memory_space<semaphore_mem>>) src(%dma_wait3A_235 : memref<128x128xf32, #tpu.memory_space<hbm>>) dst(%arg8 : memref<128x128xf32, #tpu.memory_space<vmem>>)
      %dma_start3A_236 = arith.constant 5 : i32
      %dma_start3A_237 = arith.constant 0 : i32
      %dma_start3A_238 = tpu.memref_slice %arg9[%dma_start3A_236, %dma_start3A_237] : memref<8x128xi32, #tpu.memory_space<vmem>> -> memref<1x128xi32, #tpu.memory_space<vmem>>
      %dma_start3A_239 = tpu.memref_squeeze %dma_start3A_238 : memref<1x128xi32, #tpu.memory_space<vmem>> -> memref<128xi32, #tpu.memory_space<vmem>>
      %dma_start3A_240 = arith.constant 0 : i32
      %dma_start3A_241 = arith.constant 0 : i32
      %dma_start3A_242 = tpu.memref_slice %arg6[%dma_start3A_240, %dma_start3A_241] : memref<10008x128xf32, #tpu.memory_space<vmem_shared>> -> memref<10008x128xf32, #tpu.memory_space<vmem_shared>>
      tpu.enqueue_indirect_dma source(%arg8 : memref<128x128xf32, #tpu.memory_space<vmem>>) target(%dma_start3A_242 : memref<10008x128xf32, #tpu.memory_space<vmem_shared>>) offsets(%dma_start3A_239 : memref<128xi32, #tpu.memory_space<vmem>>) semaphore(%arg13 : memref<!tpu.dma_semaphore, #tpu.memory_space<semaphore_mem>>) {add = true}
      %add3A_243 = arith.constant 7 : i32
      %add3A_244 = arith.addi %add3A_53, %add3A_243 : i32
      %mul3A_245 = arith.constant 128 : i32
      %mul3A_246 = arith.muli %add3A_244, %mul3A_245 : i32
      %dma_wait3A_247 = arith.constant 5 : i32
      %dma_wait3A_248 = arith.constant 0 : i32
      %dma_wait3A_249 = tpu.memref_slice %arg9[%dma_wait3A_247, %dma_wait3A_248] : memref<8x128xi32, #tpu.memory_space<vmem>> -> memref<1x128xi32, #tpu.memory_space<vmem>>
      %dma_wait3A_250 = tpu.memref_squeeze %dma_wait3A_249 : memref<1x128xi32, #tpu.memory_space<vmem>> -> memref<128xi32, #tpu.memory_space<vmem>>
      %dma_wait3A_251 = arith.constant 0 : i32
      %dma_wait3A_252 = arith.constant 0 : i32
      %dma_wait3A_253 = tpu.memref_slice %arg6[%dma_wait3A_251, %dma_wait3A_252] : memref<10008x128xf32, #tpu.memory_space<vmem_shared>> -> memref<10008x128xf32, #tpu.memory_space<vmem_shared>>
      tpu.wait_indirect_dma semaphore(%arg13 : memref<!tpu.dma_semaphore, #tpu.memory_space<semaphore_mem>>) src(%arg8 : memref<128x128xf32, #tpu.memory_space<vmem>>) dst(%dma_wait3A_253 : memref<10008x128xf32, #tpu.memory_space<vmem_shared>>)
      %dma_start3A_254 = arith.constant 0 : i32
      %dma_start3A_255 = tpu.memref_slice %arg3[%add3A_1, %mul3A_246, %dma_start3A_254] : memref<4x163840x128xf32, #tpu.memory_space<hbm>> -> memref<1x128x128xf32, #tpu.memory_space<hbm>>
      %dma_start3A_256 = tpu.memref_squeeze %dma_start3A_255 : memref<1x128x128xf32, #tpu.memory_space<hbm>> -> memref<128x128xf32, #tpu.memory_space<hbm>>
      %dma_start3A_257 = arith.constant 0 : i32
      %dma_start3A_258 = tpu.memref_slice %arg3[%add3A_1, %mul3A_246, %dma_start3A_257] : memref<4x163840x128xf32, #tpu.memory_space<hbm>> -> memref<1x128x128xf32, #tpu.memory_space<hbm>>
      %dma_start3A_259 = tpu.memref_squeeze %dma_start3A_258 : memref<1x128x128xf32, #tpu.memory_space<hbm>> -> memref<128x128xf32, #tpu.memory_space<hbm>>
      tpu.enqueue_dma source(%dma_start3A_259 : memref<128x128xf32, #tpu.memory_space<hbm>>) target(%arg8 : memref<128x128xf32, #tpu.memory_space<vmem>>) target_semaphore(%arg11 : memref<!tpu.dma_semaphore, #tpu.memory_space<semaphore_mem>>)
      %dma_wait3A_260 = arith.constant 0 : i32
      %dma_wait3A_261 = tpu.memref_slice %arg3[%add3A_1, %mul3A_216, %dma_wait3A_260] : memref<4x163840x128xf32, #tpu.memory_space<hbm>> -> memref<1x128x128xf32, #tpu.memory_space<hbm>>
      %dma_wait3A_262 = tpu.memref_squeeze %dma_wait3A_261 : memref<1x128x128xf32, #tpu.memory_space<hbm>> -> memref<128x128xf32, #tpu.memory_space<hbm>>
      %dma_wait3A_263 = arith.constant 0 : i32
      %dma_wait3A_264 = tpu.memref_slice %arg3[%add3A_1, %mul3A_216, %dma_wait3A_263] : memref<4x163840x128xf32, #tpu.memory_space<hbm>> -> memref<1x128x128xf32, #tpu.memory_space<hbm>>
      %dma_wait3A_265 = tpu.memref_squeeze %dma_wait3A_264 : memref<1x128x128xf32, #tpu.memory_space<hbm>> -> memref<128x128xf32, #tpu.memory_space<hbm>>
      tpu.wait_dma2 semaphore(%arg10 : memref<!tpu.dma_semaphore, #tpu.memory_space<semaphore_mem>>) src(%dma_wait3A_265 : memref<128x128xf32, #tpu.memory_space<hbm>>) dst(%arg7 : memref<128x128xf32, #tpu.memory_space<vmem>>)
      %dma_start3A_266 = arith.constant 6 : i32
      %dma_start3A_267 = arith.constant 0 : i32
      %dma_start3A_268 = tpu.memref_slice %arg9[%dma_start3A_266, %dma_start3A_267] : memref<8x128xi32, #tpu.memory_space<vmem>> -> memref<1x128xi32, #tpu.memory_space<vmem>>
      %dma_start3A_269 = tpu.memref_squeeze %dma_start3A_268 : memref<1x128xi32, #tpu.memory_space<vmem>> -> memref<128xi32, #tpu.memory_space<vmem>>
      %dma_start3A_270 = arith.constant 0 : i32
      %dma_start3A_271 = arith.constant 0 : i32
      %dma_start3A_272 = tpu.memref_slice %arg6[%dma_start3A_270, %dma_start3A_271] : memref<10008x128xf32, #tpu.memory_space<vmem_shared>> -> memref<10008x128xf32, #tpu.memory_space<vmem_shared>>
      tpu.enqueue_indirect_dma source(%arg7 : memref<128x128xf32, #tpu.memory_space<vmem>>) target(%dma_start3A_272 : memref<10008x128xf32, #tpu.memory_space<vmem_shared>>) offsets(%dma_start3A_269 : memref<128xi32, #tpu.memory_space<vmem>>) semaphore(%arg12 : memref<!tpu.dma_semaphore, #tpu.memory_space<semaphore_mem>>) {add = true}
      %dma_wait3A_273 = arith.constant 0 : i32
      %dma_wait3A_274 = tpu.memref_slice %arg3[%add3A_1, %mul3A_246, %dma_wait3A_273] : memref<4x163840x128xf32, #tpu.memory_space<hbm>> -> memref<1x128x128xf32, #tpu.memory_space<hbm>>
      %dma_wait3A_275 = tpu.memref_squeeze %dma_wait3A_274 : memref<1x128x128xf32, #tpu.memory_space<hbm>> -> memref<128x128xf32, #tpu.memory_space<hbm>>
      %dma_wait3A_276 = arith.constant 0 : i32
      %dma_wait3A_277 = tpu.memref_slice %arg3[%add3A_1, %mul3A_246, %dma_wait3A_276] : memref<4x163840x128xf32, #tpu.memory_space<hbm>> -> memref<1x128x128xf32, #tpu.memory_space<hbm>>
      %dma_wait3A_278 = tpu.memref_squeeze %dma_wait3A_277 : memref<1x128x128xf32, #tpu.memory_space<hbm>> -> memref<128x128xf32, #tpu.memory_space<hbm>>
      tpu.wait_dma2 semaphore(%arg11 : memref<!tpu.dma_semaphore, #tpu.memory_space<semaphore_mem>>) src(%dma_wait3A_278 : memref<128x128xf32, #tpu.memory_space<hbm>>) dst(%arg8 : memref<128x128xf32, #tpu.memory_space<vmem>>)
      %dma_start3A_279 = arith.constant 7 : i32
      %dma_start3A_280 = arith.constant 0 : i32
      %dma_start3A_281 = tpu.memref_slice %arg9[%dma_start3A_279, %dma_start3A_280] : memref<8x128xi32, #tpu.memory_space<vmem>> -> memref<1x128xi32, #tpu.memory_space<vmem>>
      %dma_start3A_282 = tpu.memref_squeeze %dma_start3A_281 : memref<1x128xi32, #tpu.memory_space<vmem>> -> memref<128xi32, #tpu.memory_space<vmem>>
      %dma_start3A_283 = arith.constant 0 : i32
      %dma_start3A_284 = arith.constant 0 : i32
      %dma_start3A_285 = tpu.memref_slice %arg6[%dma_start3A_283, %dma_start3A_284] : memref<10008x128xf32, #tpu.memory_space<vmem_shared>> -> memref<10008x128xf32, #tpu.memory_space<vmem_shared>>
      tpu.enqueue_indirect_dma source(%arg8 : memref<128x128xf32, #tpu.memory_space<vmem>>) target(%dma_start3A_285 : memref<10008x128xf32, #tpu.memory_space<vmem_shared>>) offsets(%dma_start3A_282 : memref<128xi32, #tpu.memory_space<vmem>>) semaphore(%arg13 : memref<!tpu.dma_semaphore, #tpu.memory_space<semaphore_mem>>) {add = true}
      %dma_wait3A_286 = arith.constant 6 : i32
      %dma_wait3A_287 = arith.constant 0 : i32
      %dma_wait3A_288 = tpu.memref_slice %arg9[%dma_wait3A_286, %dma_wait3A_287] : memref<8x128xi32, #tpu.memory_space<vmem>> -> memref<1x128xi32, #tpu.memory_space<vmem>>
      %dma_wait3A_289 = tpu.memref_squeeze %dma_wait3A_288 : memref<1x128xi32, #tpu.memory_space<vmem>> -> memref<128xi32, #tpu.memory_space<vmem>>
      %dma_wait3A_290 = arith.constant 0 : i32
      %dma_wait3A_291 = arith.constant 0 : i32
      %dma_wait3A_292 = tpu.memref_slice %arg6[%dma_wait3A_290, %dma_wait3A_291] : memref<10008x128xf32, #tpu.memory_space<vmem_shared>> -> memref<10008x128xf32, #tpu.memory_space<vmem_shared>>
      tpu.wait_indirect_dma semaphore(%arg12 : memref<!tpu.dma_semaphore, #tpu.memory_space<semaphore_mem>>) src(%arg7 : memref<128x128xf32, #tpu.memory_space<vmem>>) dst(%dma_wait3A_292 : memref<10008x128xf32, #tpu.memory_space<vmem_shared>>)
      %dma_wait3A_293 = arith.constant 7 : i32
      %dma_wait3A_294 = arith.constant 0 : i32
      %dma_wait3A_295 = tpu.memref_slice %arg9[%dma_wait3A_293, %dma_wait3A_294] : memref<8x128xi32, #tpu.memory_space<vmem>> -> memref<1x128xi32, #tpu.memory_space<vmem>>
      %dma_wait3A_296 = tpu.memref_squeeze %dma_wait3A_295 : memref<1x128xi32, #tpu.memory_space<vmem>> -> memref<128xi32, #tpu.memory_space<vmem>>
      %dma_wait3A_297 = arith.constant 0 : i32
      %dma_wait3A_298 = arith.constant 0 : i32
      %dma_wait3A_299 = tpu.memref_slice %arg6[%dma_wait3A_297, %dma_wait3A_298] : memref<10008x128xf32, #tpu.memory_space<vmem_shared>> -> memref<10008x128xf32, #tpu.memory_space<vmem_shared>>
      tpu.wait_indirect_dma semaphore(%arg13 : memref<!tpu.dma_semaphore, #tpu.memory_space<semaphore_mem>>) src(%arg8 : memref<128x128xf32, #tpu.memory_space<vmem>>) dst(%dma_wait3A_299 : memref<10008x128xf32, #tpu.memory_space<vmem_shared>>)
      %scan3A_300 = arith.constant 0 : i32
      scf.yield %scan3A_300 : i32
    }
    %scan3A_11 = arith.constant 10 : i32
    %barrier3A_12 = arith.constant 0 : index
    tpu.barrier barrier_id(%barrier3A_12)
    %mul3A_13 = arith.constant 624 : i32
    %mul3A_14 = arith.muli %arg1, %mul3A_13 : i32
    "tpu.region"() ({
      %run_scoped3A = tpu.sem_alloc : memref<!tpu.dma_semaphore, #tpu.memory_space<semaphore_mem>>
      %dma_start3A = arith.constant 0 : i32
      %dma_start3A_49 = tpu.memref_slice %arg5[%add3A_1, %mul3A_14, %dma_start3A] : memref<4x10000x128xf32, #tpu.memory_space<hbm>> -> memref<1x624x128xf32, #tpu.memory_space<hbm>>
      %dma_start3A_50 = tpu.memref_squeeze %dma_start3A_49 : memref<1x624x128xf32, #tpu.memory_space<hbm>> -> memref<624x128xf32, #tpu.memory_space<hbm>>
      %dma_start3A_51 = arith.constant 0 : i32
      %dma_start3A_52 = tpu.memref_slice %arg6[%mul3A_14, %dma_start3A_51] : memref<10008x128xf32, #tpu.memory_space<vmem_shared>> -> memref<624x128xf32, #tpu.memory_space<vmem_shared>>
      tpu.enqueue_dma source(%dma_start3A_52 : memref<624x128xf32, #tpu.memory_space<vmem_shared>>) target(%dma_start3A_50 : memref<624x128xf32, #tpu.memory_space<hbm>>) target_semaphore(%run_scoped3A : memref<!tpu.dma_semaphore, #tpu.memory_space<semaphore_mem>>)
      %dma_wait3A = arith.constant 0 : i32
      %dma_wait3A_53 = tpu.memref_slice %arg5[%add3A_1, %mul3A_14, %dma_wait3A] : memref<4x10000x128xf32, #tpu.memory_space<hbm>> -> memref<1x624x128xf32, #tpu.memory_space<hbm>>
      %dma_wait3A_54 = tpu.memref_squeeze %dma_wait3A_53 : memref<1x624x128xf32, #tpu.memory_space<hbm>> -> memref<624x128xf32, #tpu.memory_space<hbm>>
      %dma_wait3A_55 = arith.constant 0 : i32
      %dma_wait3A_56 = tpu.memref_slice %arg6[%mul3A_14, %dma_wait3A_55] : memref<10008x128xf32, #tpu.memory_space<vmem_shared>> -> memref<624x128xf32, #tpu.memory_space<vmem_shared>>
      tpu.wait_dma2 semaphore(%run_scoped3A : memref<!tpu.dma_semaphore, #tpu.memory_space<semaphore_mem>>) src(%dma_wait3A_56 : memref<624x128xf32, #tpu.memory_space<vmem_shared>>) dst(%dma_wait3A_54 : memref<624x128xf32, #tpu.memory_space<hbm>>)
      tpu.yield
    }) : () -> ()
    %eq3A_15 = arith.constant 15 : i32
    %eq3A_16 = arith.cmpi eq, %arg1, %eq3A_15 : i32
    %convert_element_type3A_17 = arith.extui %eq3A_16 : i1 to i32
    %cond3A_18 = arith.constant 0 : i32
    %cond3A_19 = arith.cmpi ne, %convert_element_type3A_17, %cond3A_18 : i32
    scf.if %cond3A_19 {
      "tpu.region"() ({
        %run_scoped3A = tpu.sem_alloc : memref<!tpu.dma_semaphore, #tpu.memory_space<semaphore_mem>>
        %dma_start3A = arith.constant 9984 : i32
        %dma_start3A_49 = arith.constant 0 : i32
        %dma_start3A_50 = tpu.memref_slice %arg5[%add3A_1, %dma_start3A, %dma_start3A_49] : memref<4x10000x128xf32, #tpu.memory_space<hbm>> -> memref<1x16x128xf32, #tpu.memory_space<hbm>>
        %dma_start3A_51 = tpu.memref_squeeze %dma_start3A_50 : memref<1x16x128xf32, #tpu.memory_space<hbm>> -> memref<16x128xf32, #tpu.memory_space<hbm>>
        %dma_start3A_52 = arith.constant 9984 : i32
        %dma_start3A_53 = arith.constant 0 : i32
        %dma_start3A_54 = tpu.memref_slice %arg6[%dma_start3A_52, %dma_start3A_53] : memref<10008x128xf32, #tpu.memory_space<vmem_shared>> -> memref<16x128xf32, #tpu.memory_space<vmem_shared>>
        tpu.enqueue_dma source(%dma_start3A_54 : memref<16x128xf32, #tpu.memory_space<vmem_shared>>) target(%dma_start3A_51 : memref<16x128xf32, #tpu.memory_space<hbm>>) target_semaphore(%run_scoped3A : memref<!tpu.dma_semaphore, #tpu.memory_space<semaphore_mem>>)
        %dma_wait3A = arith.constant 9984 : i32
        %dma_wait3A_55 = arith.constant 0 : i32
        %dma_wait3A_56 = tpu.memref_slice %arg5[%add3A_1, %dma_wait3A, %dma_wait3A_55] : memref<4x10000x128xf32, #tpu.memory_space<hbm>> -> memref<1x16x128xf32, #tpu.memory_space<hbm>>
        %dma_wait3A_57 = tpu.memref_squeeze %dma_wait3A_56 : memref<1x16x128xf32, #tpu.memory_space<hbm>> -> memref<16x128xf32, #tpu.memory_space<hbm>>
        %dma_wait3A_58 = arith.constant 9984 : i32
        %dma_wait3A_59 = arith.constant 0 : i32
        %dma_wait3A_60 = tpu.memref_slice %arg6[%dma_wait3A_58, %dma_wait3A_59] : memref<10008x128xf32, #tpu.memory_space<vmem_shared>> -> memref<16x128xf32, #tpu.memory_space<vmem_shared>>
        tpu.wait_dma2 semaphore(%run_scoped3A : memref<!tpu.dma_semaphore, #tpu.memory_space<semaphore_mem>>) src(%dma_wait3A_60 : memref<16x128xf32, #tpu.memory_space<vmem_shared>>) dst(%dma_wait3A_57 : memref<16x128xf32, #tpu.memory_space<hbm>>)
        tpu.yield
      }) : () -> ()
    } else {
    }
    %barrier3A_20 = arith.constant 0 : index
    tpu.barrier barrier_id(%barrier3A_20)
    %mul3A_21 = arith.constant 2 : i32
    %mul3A_22 = arith.muli %arg0, %mul3A_21 : i32
    %add3A_23 = arith.constant 1 : i32
    %add3A_24 = arith.addi %mul3A_22, %add3A_23 : i32
    %eq3A_25 = arith.constant 0 : i32
    %eq3A_26 = arith.cmpi eq, %arg1, %eq3A_25 : i32
    %convert_element_type3A_27 = arith.extui %eq3A_26 : i1 to i32
    %cond3A_28 = arith.constant 0 : i32
    %cond3A_29 = arith.cmpi ne, %convert_element_type3A_27, %cond3A_28 : i32
    scf.if %cond3A_29 {
      "tpu.region"() ({
        %run_scoped3A = tpu.sem_alloc : memref<!tpu.dma_semaphore, #tpu.memory_space<semaphore_mem>>
        %dma_start3A = arith.constant 0 : i32
        %dma_start3A_49 = arith.constant 0 : i32
        %dma_start3A_50 = tpu.memref_slice %arg6[%dma_start3A, %dma_start3A_49] : memref<10008x128xf32, #tpu.memory_space<vmem_shared>> -> memref<10000x128xf32, #tpu.memory_space<vmem_shared>>
        %dma_start3A_51 = arith.constant 0 : i32
        %dma_start3A_52 = arith.constant 0 : i32
        %dma_start3A_53 = tpu.memref_slice %arg4[%add3A_24, %dma_start3A_51, %dma_start3A_52] : memref<4x10000x128xf32, #tpu.memory_space<hbm>> -> memref<1x10000x128xf32, #tpu.memory_space<hbm>>
        %dma_start3A_54 = tpu.memref_squeeze %dma_start3A_53 : memref<1x10000x128xf32, #tpu.memory_space<hbm>> -> memref<10000x128xf32, #tpu.memory_space<hbm>>
        tpu.enqueue_dma source(%dma_start3A_54 : memref<10000x128xf32, #tpu.memory_space<hbm>>) target(%dma_start3A_50 : memref<10000x128xf32, #tpu.memory_space<vmem_shared>>) target_semaphore(%run_scoped3A : memref<!tpu.dma_semaphore, #tpu.memory_space<semaphore_mem>>)
        %dma_wait3A = arith.constant 0 : i32
        %dma_wait3A_55 = arith.constant 0 : i32
        %dma_wait3A_56 = tpu.memref_slice %arg6[%dma_wait3A, %dma_wait3A_55] : memref<10008x128xf32, #tpu.memory_space<vmem_shared>> -> memref<10000x128xf32, #tpu.memory_space<vmem_shared>>
        %dma_wait3A_57 = arith.constant 0 : i32
        %dma_wait3A_58 = arith.constant 0 : i32
        %dma_wait3A_59 = tpu.memref_slice %arg4[%add3A_24, %dma_wait3A_57, %dma_wait3A_58] : memref<4x10000x128xf32, #tpu.memory_space<hbm>> -> memref<1x10000x128xf32, #tpu.memory_space<hbm>>
        %dma_wait3A_60 = tpu.memref_squeeze %dma_wait3A_59 : memref<1x10000x128xf32, #tpu.memory_space<hbm>> -> memref<10000x128xf32, #tpu.memory_space<hbm>>
        tpu.wait_dma2 semaphore(%run_scoped3A : memref<!tpu.dma_semaphore, #tpu.memory_space<semaphore_mem>>) src(%dma_wait3A_60 : memref<10000x128xf32, #tpu.memory_space<hbm>>) dst(%dma_wait3A_56 : memref<10000x128xf32, #tpu.memory_space<vmem_shared>>)
        tpu.yield
      }) : () -> ()
    } else {
    }
    %barrier3A_30 = arith.constant 0 : index
    tpu.barrier barrier_id(%barrier3A_30)
    %mul3A_31 = arith.constant 80 : i32
    %mul3A_32 = arith.muli %arg1, %mul3A_31 : i32
    %scan3A_33 = arith.constant 0 : i32
    %scan3A_34 = arith.constant 0 : i32
    %scan3A_35 = arith.constant 10 : i32
    %scan3A_36 = arith.addi %scan3A_34, %scan3A_35 : i32
    %scan3A_37 = arith.constant 1 : i32
    %scan3A_38 = scf.for %scan3A_49 = %scan3A_34 to %scan3A_36 step %scan3A_37 iter_args(%scan3A_50 = %scan3A_33) -> (i32)  : i32 {
      %mul3A_51 = arith.constant 8 : i32
      %mul3A_52 = arith.muli %scan3A_49, %mul3A_51 : i32
      %add3A_53 = arith.addi %mul3A_32, %mul3A_52 : i32
      %dma_start3A = arith.constant 0 : i32
      %dma_start3A_54 = tpu.memref_slice %arg2[%add3A_53, %dma_start3A] : memref<1280x128xi32, #tpu.memory_space<hbm>> -> memref<8x128xi32, #tpu.memory_space<hbm>>
      %dma_start3A_55 = arith.constant 0 : i32
      %dma_start3A_56 = tpu.memref_slice %arg2[%add3A_53, %dma_start3A_55] : memref<1280x128xi32, #tpu.memory_space<hbm>> -> memref<8x128xi32, #tpu.memory_space<hbm>>
      tpu.enqueue_dma source(%dma_start3A_56 : memref<8x128xi32, #tpu.memory_space<hbm>>) target(%arg9 : memref<8x128xi32, #tpu.memory_space<vmem>>) target_semaphore(%arg14 : memref<!tpu.dma_semaphore, #tpu.memory_space<semaphore_mem>>)
      %dma_wait3A = arith.constant 0 : i32
      %dma_wait3A_57 = tpu.memref_slice %arg2[%add3A_53, %dma_wait3A] : memref<1280x128xi32, #tpu.memory_space<hbm>> -> memref<8x128xi32, #tpu.memory_space<hbm>>
      %dma_wait3A_58 = arith.constant 0 : i32
      %dma_wait3A_59 = tpu.memref_slice %arg2[%add3A_53, %dma_wait3A_58] : memref<1280x128xi32, #tpu.memory_space<hbm>> -> memref<8x128xi32, #tpu.memory_space<hbm>>
      tpu.wait_dma2 semaphore(%arg14 : memref<!tpu.dma_semaphore, #tpu.memory_space<semaphore_mem>>) src(%dma_wait3A_59 : memref<8x128xi32, #tpu.memory_space<hbm>>) dst(%arg9 : memref<8x128xi32, #tpu.memory_space<vmem>>)
      %add3A_60 = arith.constant 0 : i32
      %add3A_61 = arith.addi %add3A_53, %add3A_60 : i32
      %mul3A_62 = arith.constant 128 : i32
      %mul3A_63 = arith.muli %add3A_61, %mul3A_62 : i32
      %dma_start3A_64 = arith.constant 0 : i32
      %dma_start3A_65 = tpu.memref_slice %arg3[%add3A_24, %mul3A_63, %dma_start3A_64] : memref<4x163840x128xf32, #tpu.memory_space<hbm>> -> memref<1x128x128xf32, #tpu.memory_space<hbm>>
      %dma_start3A_66 = tpu.memref_squeeze %dma_start3A_65 : memref<1x128x128xf32, #tpu.memory_space<hbm>> -> memref<128x128xf32, #tpu.memory_space<hbm>>
      %dma_start3A_67 = arith.constant 0 : i32
      %dma_start3A_68 = tpu.memref_slice %arg3[%add3A_24, %mul3A_63, %dma_start3A_67] : memref<4x163840x128xf32, #tpu.memory_space<hbm>> -> memref<1x128x128xf32, #tpu.memory_space<hbm>>
      %dma_start3A_69 = tpu.memref_squeeze %dma_start3A_68 : memref<1x128x128xf32, #tpu.memory_space<hbm>> -> memref<128x128xf32, #tpu.memory_space<hbm>>
      tpu.enqueue_dma source(%dma_start3A_69 : memref<128x128xf32, #tpu.memory_space<hbm>>) target(%arg7 : memref<128x128xf32, #tpu.memory_space<vmem>>) target_semaphore(%arg10 : memref<!tpu.dma_semaphore, #tpu.memory_space<semaphore_mem>>)
      %add3A_70 = arith.constant 1 : i32
      %add3A_71 = arith.addi %add3A_53, %add3A_70 : i32
      %mul3A_72 = arith.constant 128 : i32
      %mul3A_73 = arith.muli %add3A_71, %mul3A_72 : i32
      %dma_start3A_74 = arith.constant 0 : i32
      %dma_start3A_75 = tpu.memref_slice %arg3[%add3A_24, %mul3A_73, %dma_start3A_74] : memref<4x163840x128xf32, #tpu.memory_space<hbm>> -> memref<1x128x128xf32, #tpu.memory_space<hbm>>
      %dma_start3A_76 = tpu.memref_squeeze %dma_start3A_75 : memref<1x128x128xf32, #tpu.memory_space<hbm>> -> memref<128x128xf32, #tpu.memory_space<hbm>>
      %dma_start3A_77 = arith.constant 0 : i32
      %dma_start3A_78 = tpu.memref_slice %arg3[%add3A_24, %mul3A_73, %dma_start3A_77] : memref<4x163840x128xf32, #tpu.memory_space<hbm>> -> memref<1x128x128xf32, #tpu.memory_space<hbm>>
      %dma_start3A_79 = tpu.memref_squeeze %dma_start3A_78 : memref<1x128x128xf32, #tpu.memory_space<hbm>> -> memref<128x128xf32, #tpu.memory_space<hbm>>
      tpu.enqueue_dma source(%dma_start3A_79 : memref<128x128xf32, #tpu.memory_space<hbm>>) target(%arg8 : memref<128x128xf32, #tpu.memory_space<vmem>>) target_semaphore(%arg11 : memref<!tpu.dma_semaphore, #tpu.memory_space<semaphore_mem>>)
      %dma_wait3A_80 = arith.constant 0 : i32
      %dma_wait3A_81 = tpu.memref_slice %arg3[%add3A_24, %mul3A_63, %dma_wait3A_80] : memref<4x163840x128xf32, #tpu.memory_space<hbm>> -> memref<1x128x128xf32, #tpu.memory_space<hbm>>
      %dma_wait3A_82 = tpu.memref_squeeze %dma_wait3A_81 : memref<1x128x128xf32, #tpu.memory_space<hbm>> -> memref<128x128xf32, #tpu.memory_space<hbm>>
      %dma_wait3A_83 = arith.constant 0 : i32
      %dma_wait3A_84 = tpu.memref_slice %arg3[%add3A_24, %mul3A_63, %dma_wait3A_83] : memref<4x163840x128xf32, #tpu.memory_space<hbm>> -> memref<1x128x128xf32, #tpu.memory_space<hbm>>
      %dma_wait3A_85 = tpu.memref_squeeze %dma_wait3A_84 : memref<1x128x128xf32, #tpu.memory_space<hbm>> -> memref<128x128xf32, #tpu.memory_space<hbm>>
      tpu.wait_dma2 semaphore(%arg10 : memref<!tpu.dma_semaphore, #tpu.memory_space<semaphore_mem>>) src(%dma_wait3A_85 : memref<128x128xf32, #tpu.memory_space<hbm>>) dst(%arg7 : memref<128x128xf32, #tpu.memory_space<vmem>>)
      %dma_start3A_86 = arith.constant 0 : i32
      %dma_start3A_87 = arith.constant 0 : i32
      %dma_start3A_88 = tpu.memref_slice %arg9[%dma_start3A_86, %dma_start3A_87] : memref<8x128xi32, #tpu.memory_space<vmem>> -> memref<1x128xi32, #tpu.memory_space<vmem>>
      %dma_start3A_89 = tpu.memref_squeeze %dma_start3A_88 : memref<1x128xi32, #tpu.memory_space<vmem>> -> memref<128xi32, #tpu.memory_space<vmem>>
      %dma_start3A_90 = arith.constant 0 : i32
      %dma_start3A_91 = arith.constant 0 : i32
      %dma_start3A_92 = tpu.memref_slice %arg6[%dma_start3A_90, %dma_start3A_91] : memref<10008x128xf32, #tpu.memory_space<vmem_shared>> -> memref<10008x128xf32, #tpu.memory_space<vmem_shared>>
      tpu.enqueue_indirect_dma source(%arg7 : memref<128x128xf32, #tpu.memory_space<vmem>>) target(%dma_start3A_92 : memref<10008x128xf32, #tpu.memory_space<vmem_shared>>) offsets(%dma_start3A_89 : memref<128xi32, #tpu.memory_space<vmem>>) semaphore(%arg12 : memref<!tpu.dma_semaphore, #tpu.memory_space<semaphore_mem>>) {add = true}
      %add3A_93 = arith.constant 2 : i32
      %add3A_94 = arith.addi %add3A_53, %add3A_93 : i32
      %mul3A_95 = arith.constant 128 : i32
      %mul3A_96 = arith.muli %add3A_94, %mul3A_95 : i32
      %dma_wait3A_97 = arith.constant 0 : i32
      %dma_wait3A_98 = arith.constant 0 : i32
      %dma_wait3A_99 = tpu.memref_slice %arg9[%dma_wait3A_97, %dma_wait3A_98] : memref<8x128xi32, #tpu.memory_space<vmem>> -> memref<1x128xi32, #tpu.memory_space<vmem>>
      %dma_wait3A_100 = tpu.memref_squeeze %dma_wait3A_99 : memref<1x128xi32, #tpu.memory_space<vmem>> -> memref<128xi32, #tpu.memory_space<vmem>>
      %dma_wait3A_101 = arith.constant 0 : i32
      %dma_wait3A_102 = arith.constant 0 : i32
      %dma_wait3A_103 = tpu.memref_slice %arg6[%dma_wait3A_101, %dma_wait3A_102] : memref<10008x128xf32, #tpu.memory_space<vmem_shared>> -> memref<10008x128xf32, #tpu.memory_space<vmem_shared>>
      tpu.wait_indirect_dma semaphore(%arg12 : memref<!tpu.dma_semaphore, #tpu.memory_space<semaphore_mem>>) src(%arg7 : memref<128x128xf32, #tpu.memory_space<vmem>>) dst(%dma_wait3A_103 : memref<10008x128xf32, #tpu.memory_space<vmem_shared>>)
      %dma_start3A_104 = arith.constant 0 : i32
      %dma_start3A_105 = tpu.memref_slice %arg3[%add3A_24, %mul3A_96, %dma_start3A_104] : memref<4x163840x128xf32, #tpu.memory_space<hbm>> -> memref<1x128x128xf32, #tpu.memory_space<hbm>>
      %dma_start3A_106 = tpu.memref_squeeze %dma_start3A_105 : memref<1x128x128xf32, #tpu.memory_space<hbm>> -> memref<128x128xf32, #tpu.memory_space<hbm>>
      %dma_start3A_107 = arith.constant 0 : i32
      %dma_start3A_108 = tpu.memref_slice %arg3[%add3A_24, %mul3A_96, %dma_start3A_107] : memref<4x163840x128xf32, #tpu.memory_space<hbm>> -> memref<1x128x128xf32, #tpu.memory_space<hbm>>
      %dma_start3A_109 = tpu.memref_squeeze %dma_start3A_108 : memref<1x128x128xf32, #tpu.memory_space<hbm>> -> memref<128x128xf32, #tpu.memory_space<hbm>>
      tpu.enqueue_dma source(%dma_start3A_109 : memref<128x128xf32, #tpu.memory_space<hbm>>) target(%arg7 : memref<128x128xf32, #tpu.memory_space<vmem>>) target_semaphore(%arg10 : memref<!tpu.dma_semaphore, #tpu.memory_space<semaphore_mem>>)
      %dma_wait3A_110 = arith.constant 0 : i32
      %dma_wait3A_111 = tpu.memref_slice %arg3[%add3A_24, %mul3A_73, %dma_wait3A_110] : memref<4x163840x128xf32, #tpu.memory_space<hbm>> -> memref<1x128x128xf32, #tpu.memory_space<hbm>>
      %dma_wait3A_112 = tpu.memref_squeeze %dma_wait3A_111 : memref<1x128x128xf32, #tpu.memory_space<hbm>> -> memref<128x128xf32, #tpu.memory_space<hbm>>
      %dma_wait3A_113 = arith.constant 0 : i32
      %dma_wait3A_114 = tpu.memref_slice %arg3[%add3A_24, %mul3A_73, %dma_wait3A_113] : memref<4x163840x128xf32, #tpu.memory_space<hbm>> -> memref<1x128x128xf32, #tpu.memory_space<hbm>>
      %dma_wait3A_115 = tpu.memref_squeeze %dma_wait3A_114 : memref<1x128x128xf32, #tpu.memory_space<hbm>> -> memref<128x128xf32, #tpu.memory_space<hbm>>
      tpu.wait_dma2 semaphore(%arg11 : memref<!tpu.dma_semaphore, #tpu.memory_space<semaphore_mem>>) src(%dma_wait3A_115 : memref<128x128xf32, #tpu.memory_space<hbm>>) dst(%arg8 : memref<128x128xf32, #tpu.memory_space<vmem>>)
      %dma_start3A_116 = arith.constant 1 : i32
      %dma_start3A_117 = arith.constant 0 : i32
      %dma_start3A_118 = tpu.memref_slice %arg9[%dma_start3A_116, %dma_start3A_117] : memref<8x128xi32, #tpu.memory_space<vmem>> -> memref<1x128xi32, #tpu.memory_space<vmem>>
      %dma_start3A_119 = tpu.memref_squeeze %dma_start3A_118 : memref<1x128xi32, #tpu.memory_space<vmem>> -> memref<128xi32, #tpu.memory_space<vmem>>
      %dma_start3A_120 = arith.constant 0 : i32
      %dma_start3A_121 = arith.constant 0 : i32
      %dma_start3A_122 = tpu.memref_slice %arg6[%dma_start3A_120, %dma_start3A_121] : memref<10008x128xf32, #tpu.memory_space<vmem_shared>> -> memref<10008x128xf32, #tpu.memory_space<vmem_shared>>
      tpu.enqueue_indirect_dma source(%arg8 : memref<128x128xf32, #tpu.memory_space<vmem>>) target(%dma_start3A_122 : memref<10008x128xf32, #tpu.memory_space<vmem_shared>>) offsets(%dma_start3A_119 : memref<128xi32, #tpu.memory_space<vmem>>) semaphore(%arg13 : memref<!tpu.dma_semaphore, #tpu.memory_space<semaphore_mem>>) {add = true}
      %add3A_123 = arith.constant 3 : i32
      %add3A_124 = arith.addi %add3A_53, %add3A_123 : i32
      %mul3A_125 = arith.constant 128 : i32
      %mul3A_126 = arith.muli %add3A_124, %mul3A_125 : i32
      %dma_wait3A_127 = arith.constant 1 : i32
      %dma_wait3A_128 = arith.constant 0 : i32
      %dma_wait3A_129 = tpu.memref_slice %arg9[%dma_wait3A_127, %dma_wait3A_128] : memref<8x128xi32, #tpu.memory_space<vmem>> -> memref<1x128xi32, #tpu.memory_space<vmem>>
      %dma_wait3A_130 = tpu.memref_squeeze %dma_wait3A_129 : memref<1x128xi32, #tpu.memory_space<vmem>> -> memref<128xi32, #tpu.memory_space<vmem>>
      %dma_wait3A_131 = arith.constant 0 : i32
      %dma_wait3A_132 = arith.constant 0 : i32
      %dma_wait3A_133 = tpu.memref_slice %arg6[%dma_wait3A_131, %dma_wait3A_132] : memref<10008x128xf32, #tpu.memory_space<vmem_shared>> -> memref<10008x128xf32, #tpu.memory_space<vmem_shared>>
      tpu.wait_indirect_dma semaphore(%arg13 : memref<!tpu.dma_semaphore, #tpu.memory_space<semaphore_mem>>) src(%arg8 : memref<128x128xf32, #tpu.memory_space<vmem>>) dst(%dma_wait3A_133 : memref<10008x128xf32, #tpu.memory_space<vmem_shared>>)
      %dma_start3A_134 = arith.constant 0 : i32
      %dma_start3A_135 = tpu.memref_slice %arg3[%add3A_24, %mul3A_126, %dma_start3A_134] : memref<4x163840x128xf32, #tpu.memory_space<hbm>> -> memref<1x128x128xf32, #tpu.memory_space<hbm>>
      %dma_start3A_136 = tpu.memref_squeeze %dma_start3A_135 : memref<1x128x128xf32, #tpu.memory_space<hbm>> -> memref<128x128xf32, #tpu.memory_space<hbm>>
      %dma_start3A_137 = arith.constant 0 : i32
      %dma_start3A_138 = tpu.memref_slice %arg3[%add3A_24, %mul3A_126, %dma_start3A_137] : memref<4x163840x128xf32, #tpu.memory_space<hbm>> -> memref<1x128x128xf32, #tpu.memory_space<hbm>>
      %dma_start3A_139 = tpu.memref_squeeze %dma_start3A_138 : memref<1x128x128xf32, #tpu.memory_space<hbm>> -> memref<128x128xf32, #tpu.memory_space<hbm>>
      tpu.enqueue_dma source(%dma_start3A_139 : memref<128x128xf32, #tpu.memory_space<hbm>>) target(%arg8 : memref<128x128xf32, #tpu.memory_space<vmem>>) target_semaphore(%arg11 : memref<!tpu.dma_semaphore, #tpu.memory_space<semaphore_mem>>)
      %dma_wait3A_140 = arith.constant 0 : i32
      %dma_wait3A_141 = tpu.memref_slice %arg3[%add3A_24, %mul3A_96, %dma_wait3A_140] : memref<4x163840x128xf32, #tpu.memory_space<hbm>> -> memref<1x128x128xf32, #tpu.memory_space<hbm>>
      %dma_wait3A_142 = tpu.memref_squeeze %dma_wait3A_141 : memref<1x128x128xf32, #tpu.memory_space<hbm>> -> memref<128x128xf32, #tpu.memory_space<hbm>>
      %dma_wait3A_143 = arith.constant 0 : i32
      %dma_wait3A_144 = tpu.memref_slice %arg3[%add3A_24, %mul3A_96, %dma_wait3A_143] : memref<4x163840x128xf32, #tpu.memory_space<hbm>> -> memref<1x128x128xf32, #tpu.memory_space<hbm>>
      %dma_wait3A_145 = tpu.memref_squeeze %dma_wait3A_144 : memref<1x128x128xf32, #tpu.memory_space<hbm>> -> memref<128x128xf32, #tpu.memory_space<hbm>>
      tpu.wait_dma2 semaphore(%arg10 : memref<!tpu.dma_semaphore, #tpu.memory_space<semaphore_mem>>) src(%dma_wait3A_145 : memref<128x128xf32, #tpu.memory_space<hbm>>) dst(%arg7 : memref<128x128xf32, #tpu.memory_space<vmem>>)
      %dma_start3A_146 = arith.constant 2 : i32
      %dma_start3A_147 = arith.constant 0 : i32
      %dma_start3A_148 = tpu.memref_slice %arg9[%dma_start3A_146, %dma_start3A_147] : memref<8x128xi32, #tpu.memory_space<vmem>> -> memref<1x128xi32, #tpu.memory_space<vmem>>
      %dma_start3A_149 = tpu.memref_squeeze %dma_start3A_148 : memref<1x128xi32, #tpu.memory_space<vmem>> -> memref<128xi32, #tpu.memory_space<vmem>>
      %dma_start3A_150 = arith.constant 0 : i32
      %dma_start3A_151 = arith.constant 0 : i32
      %dma_start3A_152 = tpu.memref_slice %arg6[%dma_start3A_150, %dma_start3A_151] : memref<10008x128xf32, #tpu.memory_space<vmem_shared>> -> memref<10008x128xf32, #tpu.memory_space<vmem_shared>>
      tpu.enqueue_indirect_dma source(%arg7 : memref<128x128xf32, #tpu.memory_space<vmem>>) target(%dma_start3A_152 : memref<10008x128xf32, #tpu.memory_space<vmem_shared>>) offsets(%dma_start3A_149 : memref<128xi32, #tpu.memory_space<vmem>>) semaphore(%arg12 : memref<!tpu.dma_semaphore, #tpu.memory_space<semaphore_mem>>) {add = true}
      %add3A_153 = arith.constant 4 : i32
      %add3A_154 = arith.addi %add3A_53, %add3A_153 : i32
      %mul3A_155 = arith.constant 128 : i32
      %mul3A_156 = arith.muli %add3A_154, %mul3A_155 : i32
      %dma_wait3A_157 = arith.constant 2 : i32
      %dma_wait3A_158 = arith.constant 0 : i32
      %dma_wait3A_159 = tpu.memref_slice %arg9[%dma_wait3A_157, %dma_wait3A_158] : memref<8x128xi32, #tpu.memory_space<vmem>> -> memref<1x128xi32, #tpu.memory_space<vmem>>
      %dma_wait3A_160 = tpu.memref_squeeze %dma_wait3A_159 : memref<1x128xi32, #tpu.memory_space<vmem>> -> memref<128xi32, #tpu.memory_space<vmem>>
      %dma_wait3A_161 = arith.constant 0 : i32
      %dma_wait3A_162 = arith.constant 0 : i32
      %dma_wait3A_163 = tpu.memref_slice %arg6[%dma_wait3A_161, %dma_wait3A_162] : memref<10008x128xf32, #tpu.memory_space<vmem_shared>> -> memref<10008x128xf32, #tpu.memory_space<vmem_shared>>
      tpu.wait_indirect_dma semaphore(%arg12 : memref<!tpu.dma_semaphore, #tpu.memory_space<semaphore_mem>>) src(%arg7 : memref<128x128xf32, #tpu.memory_space<vmem>>) dst(%dma_wait3A_163 : memref<10008x128xf32, #tpu.memory_space<vmem_shared>>)
      %dma_start3A_164 = arith.constant 0 : i32
      %dma_start3A_165 = tpu.memref_slice %arg3[%add3A_24, %mul3A_156, %dma_start3A_164] : memref<4x163840x128xf32, #tpu.memory_space<hbm>> -> memref<1x128x128xf32, #tpu.memory_space<hbm>>
      %dma_start3A_166 = tpu.memref_squeeze %dma_start3A_165 : memref<1x128x128xf32, #tpu.memory_space<hbm>> -> memref<128x128xf32, #tpu.memory_space<hbm>>
      %dma_start3A_167 = arith.constant 0 : i32
      %dma_start3A_168 = tpu.memref_slice %arg3[%add3A_24, %mul3A_156, %dma_start3A_167] : memref<4x163840x128xf32, #tpu.memory_space<hbm>> -> memref<1x128x128xf32, #tpu.memory_space<hbm>>
      %dma_start3A_169 = tpu.memref_squeeze %dma_start3A_168 : memref<1x128x128xf32, #tpu.memory_space<hbm>> -> memref<128x128xf32, #tpu.memory_space<hbm>>
      tpu.enqueue_dma source(%dma_start3A_169 : memref<128x128xf32, #tpu.memory_space<hbm>>) target(%arg7 : memref<128x128xf32, #tpu.memory_space<vmem>>) target_semaphore(%arg10 : memref<!tpu.dma_semaphore, #tpu.memory_space<semaphore_mem>>)
      %dma_wait3A_170 = arith.constant 0 : i32
      %dma_wait3A_171 = tpu.memref_slice %arg3[%add3A_24, %mul3A_126, %dma_wait3A_170] : memref<4x163840x128xf32, #tpu.memory_space<hbm>> -> memref<1x128x128xf32, #tpu.memory_space<hbm>>
      %dma_wait3A_172 = tpu.memref_squeeze %dma_wait3A_171 : memref<1x128x128xf32, #tpu.memory_space<hbm>> -> memref<128x128xf32, #tpu.memory_space<hbm>>
      %dma_wait3A_173 = arith.constant 0 : i32
      %dma_wait3A_174 = tpu.memref_slice %arg3[%add3A_24, %mul3A_126, %dma_wait3A_173] : memref<4x163840x128xf32, #tpu.memory_space<hbm>> -> memref<1x128x128xf32, #tpu.memory_space<hbm>>
      %dma_wait3A_175 = tpu.memref_squeeze %dma_wait3A_174 : memref<1x128x128xf32, #tpu.memory_space<hbm>> -> memref<128x128xf32, #tpu.memory_space<hbm>>
      tpu.wait_dma2 semaphore(%arg11 : memref<!tpu.dma_semaphore, #tpu.memory_space<semaphore_mem>>) src(%dma_wait3A_175 : memref<128x128xf32, #tpu.memory_space<hbm>>) dst(%arg8 : memref<128x128xf32, #tpu.memory_space<vmem>>)
      %dma_start3A_176 = arith.constant 3 : i32
      %dma_start3A_177 = arith.constant 0 : i32
      %dma_start3A_178 = tpu.memref_slice %arg9[%dma_start3A_176, %dma_start3A_177] : memref<8x128xi32, #tpu.memory_space<vmem>> -> memref<1x128xi32, #tpu.memory_space<vmem>>
      %dma_start3A_179 = tpu.memref_squeeze %dma_start3A_178 : memref<1x128xi32, #tpu.memory_space<vmem>> -> memref<128xi32, #tpu.memory_space<vmem>>
      %dma_start3A_180 = arith.constant 0 : i32
      %dma_start3A_181 = arith.constant 0 : i32
      %dma_start3A_182 = tpu.memref_slice %arg6[%dma_start3A_180, %dma_start3A_181] : memref<10008x128xf32, #tpu.memory_space<vmem_shared>> -> memref<10008x128xf32, #tpu.memory_space<vmem_shared>>
      tpu.enqueue_indirect_dma source(%arg8 : memref<128x128xf32, #tpu.memory_space<vmem>>) target(%dma_start3A_182 : memref<10008x128xf32, #tpu.memory_space<vmem_shared>>) offsets(%dma_start3A_179 : memref<128xi32, #tpu.memory_space<vmem>>) semaphore(%arg13 : memref<!tpu.dma_semaphore, #tpu.memory_space<semaphore_mem>>) {add = true}
      %add3A_183 = arith.constant 5 : i32
      %add3A_184 = arith.addi %add3A_53, %add3A_183 : i32
      %mul3A_185 = arith.constant 128 : i32
      %mul3A_186 = arith.muli %add3A_184, %mul3A_185 : i32
      %dma_wait3A_187 = arith.constant 3 : i32
      %dma_wait3A_188 = arith.constant 0 : i32
      %dma_wait3A_189 = tpu.memref_slice %arg9[%dma_wait3A_187, %dma_wait3A_188] : memref<8x128xi32, #tpu.memory_space<vmem>> -> memref<1x128xi32, #tpu.memory_space<vmem>>
      %dma_wait3A_190 = tpu.memref_squeeze %dma_wait3A_189 : memref<1x128xi32, #tpu.memory_space<vmem>> -> memref<128xi32, #tpu.memory_space<vmem>>
      %dma_wait3A_191 = arith.constant 0 : i32
      %dma_wait3A_192 = arith.constant 0 : i32
      %dma_wait3A_193 = tpu.memref_slice %arg6[%dma_wait3A_191, %dma_wait3A_192] : memref<10008x128xf32, #tpu.memory_space<vmem_shared>> -> memref<10008x128xf32, #tpu.memory_space<vmem_shared>>
      tpu.wait_indirect_dma semaphore(%arg13 : memref<!tpu.dma_semaphore, #tpu.memory_space<semaphore_mem>>) src(%arg8 : memref<128x128xf32, #tpu.memory_space<vmem>>) dst(%dma_wait3A_193 : memref<10008x128xf32, #tpu.memory_space<vmem_shared>>)
      %dma_start3A_194 = arith.constant 0 : i32
      %dma_start3A_195 = tpu.memref_slice %arg3[%add3A_24, %mul3A_186, %dma_start3A_194] : memref<4x163840x128xf32, #tpu.memory_space<hbm>> -> memref<1x128x128xf32, #tpu.memory_space<hbm>>
      %dma_start3A_196 = tpu.memref_squeeze %dma_start3A_195 : memref<1x128x128xf32, #tpu.memory_space<hbm>> -> memref<128x128xf32, #tpu.memory_space<hbm>>
      %dma_start3A_197 = arith.constant 0 : i32
      %dma_start3A_198 = tpu.memref_slice %arg3[%add3A_24, %mul3A_186, %dma_start3A_197] : memref<4x163840x128xf32, #tpu.memory_space<hbm>> -> memref<1x128x128xf32, #tpu.memory_space<hbm>>
      %dma_start3A_199 = tpu.memref_squeeze %dma_start3A_198 : memref<1x128x128xf32, #tpu.memory_space<hbm>> -> memref<128x128xf32, #tpu.memory_space<hbm>>
      tpu.enqueue_dma source(%dma_start3A_199 : memref<128x128xf32, #tpu.memory_space<hbm>>) target(%arg8 : memref<128x128xf32, #tpu.memory_space<vmem>>) target_semaphore(%arg11 : memref<!tpu.dma_semaphore, #tpu.memory_space<semaphore_mem>>)
      %dma_wait3A_200 = arith.constant 0 : i32
      %dma_wait3A_201 = tpu.memref_slice %arg3[%add3A_24, %mul3A_156, %dma_wait3A_200] : memref<4x163840x128xf32, #tpu.memory_space<hbm>> -> memref<1x128x128xf32, #tpu.memory_space<hbm>>
      %dma_wait3A_202 = tpu.memref_squeeze %dma_wait3A_201 : memref<1x128x128xf32, #tpu.memory_space<hbm>> -> memref<128x128xf32, #tpu.memory_space<hbm>>
      %dma_wait3A_203 = arith.constant 0 : i32
      %dma_wait3A_204 = tpu.memref_slice %arg3[%add3A_24, %mul3A_156, %dma_wait3A_203] : memref<4x163840x128xf32, #tpu.memory_space<hbm>> -> memref<1x128x128xf32, #tpu.memory_space<hbm>>
      %dma_wait3A_205 = tpu.memref_squeeze %dma_wait3A_204 : memref<1x128x128xf32, #tpu.memory_space<hbm>> -> memref<128x128xf32, #tpu.memory_space<hbm>>
      tpu.wait_dma2 semaphore(%arg10 : memref<!tpu.dma_semaphore, #tpu.memory_space<semaphore_mem>>) src(%dma_wait3A_205 : memref<128x128xf32, #tpu.memory_space<hbm>>) dst(%arg7 : memref<128x128xf32, #tpu.memory_space<vmem>>)
      %dma_start3A_206 = arith.constant 4 : i32
      %dma_start3A_207 = arith.constant 0 : i32
      %dma_start3A_208 = tpu.memref_slice %arg9[%dma_start3A_206, %dma_start3A_207] : memref<8x128xi32, #tpu.memory_space<vmem>> -> memref<1x128xi32, #tpu.memory_space<vmem>>
      %dma_start3A_209 = tpu.memref_squeeze %dma_start3A_208 : memref<1x128xi32, #tpu.memory_space<vmem>> -> memref<128xi32, #tpu.memory_space<vmem>>
      %dma_start3A_210 = arith.constant 0 : i32
      %dma_start3A_211 = arith.constant 0 : i32
      %dma_start3A_212 = tpu.memref_slice %arg6[%dma_start3A_210, %dma_start3A_211] : memref<10008x128xf32, #tpu.memory_space<vmem_shared>> -> memref<10008x128xf32, #tpu.memory_space<vmem_shared>>
      tpu.enqueue_indirect_dma source(%arg7 : memref<128x128xf32, #tpu.memory_space<vmem>>) target(%dma_start3A_212 : memref<10008x128xf32, #tpu.memory_space<vmem_shared>>) offsets(%dma_start3A_209 : memref<128xi32, #tpu.memory_space<vmem>>) semaphore(%arg12 : memref<!tpu.dma_semaphore, #tpu.memory_space<semaphore_mem>>) {add = true}
      %add3A_213 = arith.constant 6 : i32
      %add3A_214 = arith.addi %add3A_53, %add3A_213 : i32
      %mul3A_215 = arith.constant 128 : i32
      %mul3A_216 = arith.muli %add3A_214, %mul3A_215 : i32
      %dma_wait3A_217 = arith.constant 4 : i32
      %dma_wait3A_218 = arith.constant 0 : i32
      %dma_wait3A_219 = tpu.memref_slice %arg9[%dma_wait3A_217, %dma_wait3A_218] : memref<8x128xi32, #tpu.memory_space<vmem>> -> memref<1x128xi32, #tpu.memory_space<vmem>>
      %dma_wait3A_220 = tpu.memref_squeeze %dma_wait3A_219 : memref<1x128xi32, #tpu.memory_space<vmem>> -> memref<128xi32, #tpu.memory_space<vmem>>
      %dma_wait3A_221 = arith.constant 0 : i32
      %dma_wait3A_222 = arith.constant 0 : i32
      %dma_wait3A_223 = tpu.memref_slice %arg6[%dma_wait3A_221, %dma_wait3A_222] : memref<10008x128xf32, #tpu.memory_space<vmem_shared>> -> memref<10008x128xf32, #tpu.memory_space<vmem_shared>>
      tpu.wait_indirect_dma semaphore(%arg12 : memref<!tpu.dma_semaphore, #tpu.memory_space<semaphore_mem>>) src(%arg7 : memref<128x128xf32, #tpu.memory_space<vmem>>) dst(%dma_wait3A_223 : memref<10008x128xf32, #tpu.memory_space<vmem_shared>>)
      %dma_start3A_224 = arith.constant 0 : i32
      %dma_start3A_225 = tpu.memref_slice %arg3[%add3A_24, %mul3A_216, %dma_start3A_224] : memref<4x163840x128xf32, #tpu.memory_space<hbm>> -> memref<1x128x128xf32, #tpu.memory_space<hbm>>
      %dma_start3A_226 = tpu.memref_squeeze %dma_start3A_225 : memref<1x128x128xf32, #tpu.memory_space<hbm>> -> memref<128x128xf32, #tpu.memory_space<hbm>>
      %dma_start3A_227 = arith.constant 0 : i32
      %dma_start3A_228 = tpu.memref_slice %arg3[%add3A_24, %mul3A_216, %dma_start3A_227] : memref<4x163840x128xf32, #tpu.memory_space<hbm>> -> memref<1x128x128xf32, #tpu.memory_space<hbm>>
      %dma_start3A_229 = tpu.memref_squeeze %dma_start3A_228 : memref<1x128x128xf32, #tpu.memory_space<hbm>> -> memref<128x128xf32, #tpu.memory_space<hbm>>
      tpu.enqueue_dma source(%dma_start3A_229 : memref<128x128xf32, #tpu.memory_space<hbm>>) target(%arg7 : memref<128x128xf32, #tpu.memory_space<vmem>>) target_semaphore(%arg10 : memref<!tpu.dma_semaphore, #tpu.memory_space<semaphore_mem>>)
      %dma_wait3A_230 = arith.constant 0 : i32
      %dma_wait3A_231 = tpu.memref_slice %arg3[%add3A_24, %mul3A_186, %dma_wait3A_230] : memref<4x163840x128xf32, #tpu.memory_space<hbm>> -> memref<1x128x128xf32, #tpu.memory_space<hbm>>
      %dma_wait3A_232 = tpu.memref_squeeze %dma_wait3A_231 : memref<1x128x128xf32, #tpu.memory_space<hbm>> -> memref<128x128xf32, #tpu.memory_space<hbm>>
      %dma_wait3A_233 = arith.constant 0 : i32
      %dma_wait3A_234 = tpu.memref_slice %arg3[%add3A_24, %mul3A_186, %dma_wait3A_233] : memref<4x163840x128xf32, #tpu.memory_space<hbm>> -> memref<1x128x128xf32, #tpu.memory_space<hbm>>
      %dma_wait3A_235 = tpu.memref_squeeze %dma_wait3A_234 : memref<1x128x128xf32, #tpu.memory_space<hbm>> -> memref<128x128xf32, #tpu.memory_space<hbm>>
      tpu.wait_dma2 semaphore(%arg11 : memref<!tpu.dma_semaphore, #tpu.memory_space<semaphore_mem>>) src(%dma_wait3A_235 : memref<128x128xf32, #tpu.memory_space<hbm>>) dst(%arg8 : memref<128x128xf32, #tpu.memory_space<vmem>>)
      %dma_start3A_236 = arith.constant 5 : i32
      %dma_start3A_237 = arith.constant 0 : i32
      %dma_start3A_238 = tpu.memref_slice %arg9[%dma_start3A_236, %dma_start3A_237] : memref<8x128xi32, #tpu.memory_space<vmem>> -> memref<1x128xi32, #tpu.memory_space<vmem>>
      %dma_start3A_239 = tpu.memref_squeeze %dma_start3A_238 : memref<1x128xi32, #tpu.memory_space<vmem>> -> memref<128xi32, #tpu.memory_space<vmem>>
      %dma_start3A_240 = arith.constant 0 : i32
      %dma_start3A_241 = arith.constant 0 : i32
      %dma_start3A_242 = tpu.memref_slice %arg6[%dma_start3A_240, %dma_start3A_241] : memref<10008x128xf32, #tpu.memory_space<vmem_shared>> -> memref<10008x128xf32, #tpu.memory_space<vmem_shared>>
      tpu.enqueue_indirect_dma source(%arg8 : memref<128x128xf32, #tpu.memory_space<vmem>>) target(%dma_start3A_242 : memref<10008x128xf32, #tpu.memory_space<vmem_shared>>) offsets(%dma_start3A_239 : memref<128xi32, #tpu.memory_space<vmem>>) semaphore(%arg13 : memref<!tpu.dma_semaphore, #tpu.memory_space<semaphore_mem>>) {add = true}
      %add3A_243 = arith.constant 7 : i32
      %add3A_244 = arith.addi %add3A_53, %add3A_243 : i32
      %mul3A_245 = arith.constant 128 : i32
      %mul3A_246 = arith.muli %add3A_244, %mul3A_245 : i32
      %dma_wait3A_247 = arith.constant 5 : i32
      %dma_wait3A_248 = arith.constant 0 : i32
      %dma_wait3A_249 = tpu.memref_slice %arg9[%dma_wait3A_247, %dma_wait3A_248] : memref<8x128xi32, #tpu.memory_space<vmem>> -> memref<1x128xi32, #tpu.memory_space<vmem>>
      %dma_wait3A_250 = tpu.memref_squeeze %dma_wait3A_249 : memref<1x128xi32, #tpu.memory_space<vmem>> -> memref<128xi32, #tpu.memory_space<vmem>>
      %dma_wait3A_251 = arith.constant 0 : i32
      %dma_wait3A_252 = arith.constant 0 : i32
      %dma_wait3A_253 = tpu.memref_slice %arg6[%dma_wait3A_251, %dma_wait3A_252] : memref<10008x128xf32, #tpu.memory_space<vmem_shared>> -> memref<10008x128xf32, #tpu.memory_space<vmem_shared>>
      tpu.wait_indirect_dma semaphore(%arg13 : memref<!tpu.dma_semaphore, #tpu.memory_space<semaphore_mem>>) src(%arg8 : memref<128x128xf32, #tpu.memory_space<vmem>>) dst(%dma_wait3A_253 : memref<10008x128xf32, #tpu.memory_space<vmem_shared>>)
      %dma_start3A_254 = arith.constant 0 : i32
      %dma_start3A_255 = tpu.memref_slice %arg3[%add3A_24, %mul3A_246, %dma_start3A_254] : memref<4x163840x128xf32, #tpu.memory_space<hbm>> -> memref<1x128x128xf32, #tpu.memory_space<hbm>>
      %dma_start3A_256 = tpu.memref_squeeze %dma_start3A_255 : memref<1x128x128xf32, #tpu.memory_space<hbm>> -> memref<128x128xf32, #tpu.memory_space<hbm>>
      %dma_start3A_257 = arith.constant 0 : i32
      %dma_start3A_258 = tpu.memref_slice %arg3[%add3A_24, %mul3A_246, %dma_start3A_257] : memref<4x163840x128xf32, #tpu.memory_space<hbm>> -> memref<1x128x128xf32, #tpu.memory_space<hbm>>
      %dma_start3A_259 = tpu.memref_squeeze %dma_start3A_258 : memref<1x128x128xf32, #tpu.memory_space<hbm>> -> memref<128x128xf32, #tpu.memory_space<hbm>>
      tpu.enqueue_dma source(%dma_start3A_259 : memref<128x128xf32, #tpu.memory_space<hbm>>) target(%arg8 : memref<128x128xf32, #tpu.memory_space<vmem>>) target_semaphore(%arg11 : memref<!tpu.dma_semaphore, #tpu.memory_space<semaphore_mem>>)
      %dma_wait3A_260 = arith.constant 0 : i32
      %dma_wait3A_261 = tpu.memref_slice %arg3[%add3A_24, %mul3A_216, %dma_wait3A_260] : memref<4x163840x128xf32, #tpu.memory_space<hbm>> -> memref<1x128x128xf32, #tpu.memory_space<hbm>>
      %dma_wait3A_262 = tpu.memref_squeeze %dma_wait3A_261 : memref<1x128x128xf32, #tpu.memory_space<hbm>> -> memref<128x128xf32, #tpu.memory_space<hbm>>
      %dma_wait3A_263 = arith.constant 0 : i32
      %dma_wait3A_264 = tpu.memref_slice %arg3[%add3A_24, %mul3A_216, %dma_wait3A_263] : memref<4x163840x128xf32, #tpu.memory_space<hbm>> -> memref<1x128x128xf32, #tpu.memory_space<hbm>>
      %dma_wait3A_265 = tpu.memref_squeeze %dma_wait3A_264 : memref<1x128x128xf32, #tpu.memory_space<hbm>> -> memref<128x128xf32, #tpu.memory_space<hbm>>
      tpu.wait_dma2 semaphore(%arg10 : memref<!tpu.dma_semaphore, #tpu.memory_space<semaphore_mem>>) src(%dma_wait3A_265 : memref<128x128xf32, #tpu.memory_space<hbm>>) dst(%arg7 : memref<128x128xf32, #tpu.memory_space<vmem>>)
      %dma_start3A_266 = arith.constant 6 : i32
      %dma_start3A_267 = arith.constant 0 : i32
      %dma_start3A_268 = tpu.memref_slice %arg9[%dma_start3A_266, %dma_start3A_267] : memref<8x128xi32, #tpu.memory_space<vmem>> -> memref<1x128xi32, #tpu.memory_space<vmem>>
      %dma_start3A_269 = tpu.memref_squeeze %dma_start3A_268 : memref<1x128xi32, #tpu.memory_space<vmem>> -> memref<128xi32, #tpu.memory_space<vmem>>
      %dma_start3A_270 = arith.constant 0 : i32
      %dma_start3A_271 = arith.constant 0 : i32
      %dma_start3A_272 = tpu.memref_slice %arg6[%dma_start3A_270, %dma_start3A_271] : memref<10008x128xf32, #tpu.memory_space<vmem_shared>> -> memref<10008x128xf32, #tpu.memory_space<vmem_shared>>
      tpu.enqueue_indirect_dma source(%arg7 : memref<128x128xf32, #tpu.memory_space<vmem>>) target(%dma_start3A_272 : memref<10008x128xf32, #tpu.memory_space<vmem_shared>>) offsets(%dma_start3A_269 : memref<128xi32, #tpu.memory_space<vmem>>) semaphore(%arg12 : memref<!tpu.dma_semaphore, #tpu.memory_space<semaphore_mem>>) {add = true}
      %dma_wait3A_273 = arith.constant 0 : i32
      %dma_wait3A_274 = tpu.memref_slice %arg3[%add3A_24, %mul3A_246, %dma_wait3A_273] : memref<4x163840x128xf32, #tpu.memory_space<hbm>> -> memref<1x128x128xf32, #tpu.memory_space<hbm>>
      %dma_wait3A_275 = tpu.memref_squeeze %dma_wait3A_274 : memref<1x128x128xf32, #tpu.memory_space<hbm>> -> memref<128x128xf32, #tpu.memory_space<hbm>>
      %dma_wait3A_276 = arith.constant 0 : i32
      %dma_wait3A_277 = tpu.memref_slice %arg3[%add3A_24, %mul3A_246, %dma_wait3A_276] : memref<4x163840x128xf32, #tpu.memory_space<hbm>> -> memref<1x128x128xf32, #tpu.memory_space<hbm>>
      %dma_wait3A_278 = tpu.memref_squeeze %dma_wait3A_277 : memref<1x128x128xf32, #tpu.memory_space<hbm>> -> memref<128x128xf32, #tpu.memory_space<hbm>>
      tpu.wait_dma2 semaphore(%arg11 : memref<!tpu.dma_semaphore, #tpu.memory_space<semaphore_mem>>) src(%dma_wait3A_278 : memref<128x128xf32, #tpu.memory_space<hbm>>) dst(%arg8 : memref<128x128xf32, #tpu.memory_space<vmem>>)
      %dma_start3A_279 = arith.constant 7 : i32
      %dma_start3A_280 = arith.constant 0 : i32
      %dma_start3A_281 = tpu.memref_slice %arg9[%dma_start3A_279, %dma_start3A_280] : memref<8x128xi32, #tpu.memory_space<vmem>> -> memref<1x128xi32, #tpu.memory_space<vmem>>
      %dma_start3A_282 = tpu.memref_squeeze %dma_start3A_281 : memref<1x128xi32, #tpu.memory_space<vmem>> -> memref<128xi32, #tpu.memory_space<vmem>>
      %dma_start3A_283 = arith.constant 0 : i32
      %dma_start3A_284 = arith.constant 0 : i32
      %dma_start3A_285 = tpu.memref_slice %arg6[%dma_start3A_283, %dma_start3A_284] : memref<10008x128xf32, #tpu.memory_space<vmem_shared>> -> memref<10008x128xf32, #tpu.memory_space<vmem_shared>>
      tpu.enqueue_indirect_dma source(%arg8 : memref<128x128xf32, #tpu.memory_space<vmem>>) target(%dma_start3A_285 : memref<10008x128xf32, #tpu.memory_space<vmem_shared>>) offsets(%dma_start3A_282 : memref<128xi32, #tpu.memory_space<vmem>>) semaphore(%arg13 : memref<!tpu.dma_semaphore, #tpu.memory_space<semaphore_mem>>) {add = true}
      %dma_wait3A_286 = arith.constant 6 : i32
      %dma_wait3A_287 = arith.constant 0 : i32
      %dma_wait3A_288 = tpu.memref_slice %arg9[%dma_wait3A_286, %dma_wait3A_287] : memref<8x128xi32, #tpu.memory_space<vmem>> -> memref<1x128xi32, #tpu.memory_space<vmem>>
      %dma_wait3A_289 = tpu.memref_squeeze %dma_wait3A_288 : memref<1x128xi32, #tpu.memory_space<vmem>> -> memref<128xi32, #tpu.memory_space<vmem>>
      %dma_wait3A_290 = arith.constant 0 : i32
      %dma_wait3A_291 = arith.constant 0 : i32
      %dma_wait3A_292 = tpu.memref_slice %arg6[%dma_wait3A_290, %dma_wait3A_291] : memref<10008x128xf32, #tpu.memory_space<vmem_shared>> -> memref<10008x128xf32, #tpu.memory_space<vmem_shared>>
      tpu.wait_indirect_dma semaphore(%arg12 : memref<!tpu.dma_semaphore, #tpu.memory_space<semaphore_mem>>) src(%arg7 : memref<128x128xf32, #tpu.memory_space<vmem>>) dst(%dma_wait3A_292 : memref<10008x128xf32, #tpu.memory_space<vmem_shared>>)
      %dma_wait3A_293 = arith.constant 7 : i32
      %dma_wait3A_294 = arith.constant 0 : i32
      %dma_wait3A_295 = tpu.memref_slice %arg9[%dma_wait3A_293, %dma_wait3A_294] : memref<8x128xi32, #tpu.memory_space<vmem>> -> memref<1x128xi32, #tpu.memory_space<vmem>>
      %dma_wait3A_296 = tpu.memref_squeeze %dma_wait3A_295 : memref<1x128xi32, #tpu.memory_space<vmem>> -> memref<128xi32, #tpu.memory_space<vmem>>
      %dma_wait3A_297 = arith.constant 0 : i32
      %dma_wait3A_298 = arith.constant 0 : i32
      %dma_wait3A_299 = tpu.memref_slice %arg6[%dma_wait3A_297, %dma_wait3A_298] : memref<10008x128xf32, #tpu.memory_space<vmem_shared>> -> memref<10008x128xf32, #tpu.memory_space<vmem_shared>>
      tpu.wait_indirect_dma semaphore(%arg13 : memref<!tpu.dma_semaphore, #tpu.memory_space<semaphore_mem>>) src(%arg8 : memref<128x128xf32, #tpu.memory_space<vmem>>) dst(%dma_wait3A_299 : memref<10008x128xf32, #tpu.memory_space<vmem_shared>>)
      %scan3A_300 = arith.constant 0 : i32
      scf.yield %scan3A_300 : i32
    }
    %scan3A_39 = arith.constant 10 : i32
    %barrier3A_40 = arith.constant 0 : index
    tpu.barrier barrier_id(%barrier3A_40)
    %mul3A_41 = arith.constant 624 : i32
    %mul3A_42 = arith.muli %arg1, %mul3A_41 : i32
    "tpu.region"() ({
      %run_scoped3A = tpu.sem_alloc : memref<!tpu.dma_semaphore, #tpu.memory_space<semaphore_mem>>
      %dma_start3A = arith.constant 0 : i32
      %dma_start3A_49 = tpu.memref_slice %arg5[%add3A_24, %mul3A_42, %dma_start3A] : memref<4x10000x128xf32, #tpu.memory_space<hbm>> -> memref<1x624x128xf32, #tpu.memory_space<hbm>>
      %dma_start3A_50 = tpu.memref_squeeze %dma_start3A_49 : memref<1x624x128xf32, #tpu.memory_space<hbm>> -> memref<624x128xf32, #tpu.memory_space<hbm>>
      %dma_start3A_51 = arith.constant 0 : i32
      %dma_start3A_52 = tpu.memref_slice %arg6[%mul3A_42, %dma_start3A_51] : memref<10008x128xf32, #tpu.memory_space<vmem_shared>> -> memref<624x128xf32, #tpu.memory_space<vmem_shared>>
      tpu.enqueue_dma source(%dma_start3A_52 : memref<624x128xf32, #tpu.memory_space<vmem_shared>>) target(%dma_start3A_50 : memref<624x128xf32, #tpu.memory_space<hbm>>) target_semaphore(%run_scoped3A : memref<!tpu.dma_semaphore, #tpu.memory_space<semaphore_mem>>)
      %dma_wait3A = arith.constant 0 : i32
      %dma_wait3A_53 = tpu.memref_slice %arg5[%add3A_24, %mul3A_42, %dma_wait3A] : memref<4x10000x128xf32, #tpu.memory_space<hbm>> -> memref<1x624x128xf32, #tpu.memory_space<hbm>>
      %dma_wait3A_54 = tpu.memref_squeeze %dma_wait3A_53 : memref<1x624x128xf32, #tpu.memory_space<hbm>> -> memref<624x128xf32, #tpu.memory_space<hbm>>
      %dma_wait3A_55 = arith.constant 0 : i32
      %dma_wait3A_56 = tpu.memref_slice %arg6[%mul3A_42, %dma_wait3A_55] : memref<10008x128xf32, #tpu.memory_space<vmem_shared>> -> memref<624x128xf32, #tpu.memory_space<vmem_shared>>
      tpu.wait_dma2 semaphore(%run_scoped3A : memref<!tpu.dma_semaphore, #tpu.memory_space<semaphore_mem>>) src(%dma_wait3A_56 : memref<624x128xf32, #tpu.memory_space<vmem_shared>>) dst(%dma_wait3A_54 : memref<624x128xf32, #tpu.memory_space<hbm>>)
      tpu.yield
    }) : () -> ()
    %eq3A_43 = arith.constant 15 : i32
    %eq3A_44 = arith.cmpi eq, %arg1, %eq3A_43 : i32
    %convert_element_type3A_45 = arith.extui %eq3A_44 : i1 to i32
    %cond3A_46 = arith.constant 0 : i32
    %cond3A_47 = arith.cmpi ne, %convert_element_type3A_45, %cond3A_46 : i32
    scf.if %cond3A_47 {
      "tpu.region"() ({
        %run_scoped3A = tpu.sem_alloc : memref<!tpu.dma_semaphore, #tpu.memory_space<semaphore_mem>>
        %dma_start3A = arith.constant 9984 : i32
        %dma_start3A_49 = arith.constant 0 : i32
        %dma_start3A_50 = tpu.memref_slice %arg5[%add3A_24, %dma_start3A, %dma_start3A_49] : memref<4x10000x128xf32, #tpu.memory_space<hbm>> -> memref<1x16x128xf32, #tpu.memory_space<hbm>>
        %dma_start3A_51 = tpu.memref_squeeze %dma_start3A_50 : memref<1x16x128xf32, #tpu.memory_space<hbm>> -> memref<16x128xf32, #tpu.memory_space<hbm>>
        %dma_start3A_52 = arith.constant 9984 : i32
        %dma_start3A_53 = arith.constant 0 : i32
        %dma_start3A_54 = tpu.memref_slice %arg6[%dma_start3A_52, %dma_start3A_53] : memref<10008x128xf32, #tpu.memory_space<vmem_shared>> -> memref<16x128xf32, #tpu.memory_space<vmem_shared>>
        tpu.enqueue_dma source(%dma_start3A_54 : memref<16x128xf32, #tpu.memory_space<vmem_shared>>) target(%dma_start3A_51 : memref<16x128xf32, #tpu.memory_space<hbm>>) target_semaphore(%run_scoped3A : memref<!tpu.dma_semaphore, #tpu.memory_space<semaphore_mem>>)
        %dma_wait3A = arith.constant 9984 : i32
        %dma_wait3A_55 = arith.constant 0 : i32
        %dma_wait3A_56 = tpu.memref_slice %arg5[%add3A_24, %dma_wait3A, %dma_wait3A_55] : memref<4x10000x128xf32, #tpu.memory_space<hbm>> -> memref<1x16x128xf32, #tpu.memory_space<hbm>>
        %dma_wait3A_57 = tpu.memref_squeeze %dma_wait3A_56 : memref<1x16x128xf32, #tpu.memory_space<hbm>> -> memref<16x128xf32, #tpu.memory_space<hbm>>
        %dma_wait3A_58 = arith.constant 9984 : i32
        %dma_wait3A_59 = arith.constant 0 : i32
        %dma_wait3A_60 = tpu.memref_slice %arg6[%dma_wait3A_58, %dma_wait3A_59] : memref<10008x128xf32, #tpu.memory_space<vmem_shared>> -> memref<16x128xf32, #tpu.memory_space<vmem_shared>>
        tpu.wait_dma2 semaphore(%run_scoped3A : memref<!tpu.dma_semaphore, #tpu.memory_space<semaphore_mem>>) src(%dma_wait3A_60 : memref<16x128xf32, #tpu.memory_space<vmem_shared>>) dst(%dma_wait3A_57 : memref<16x128xf32, #tpu.memory_space<hbm>>)
        tpu.yield
      }) : () -> ()
    } else {
    }
    %barrier3A_48 = arith.constant 0 : index
    tpu.barrier barrier_id(%barrier3A_48)
    return
  }
}

module attributes {stable_mosaic.version = 14 : i64} {
  func.func @_dense_node_body(%arg0: i32, %arg1: memref<512x16xf32, #tpu.memory_space<vmem>>, %arg2: memref<512x256xf32, #tpu.memory_space<vmem>>, %arg3: memref<8x16xf32, #tpu.memory_space<vmem>>, %arg4: memref<16x32xf32, #tpu.memory_space<vmem>>, %arg5: memref<288x288xf32, #tpu.memory_space<vmem>>, %arg6: memref<8x288xf32, #tpu.memory_space<vmem>>, %arg7: memref<288x256xf32, #tpu.memory_space<vmem>>, %arg8: memref<288x256xf32, #tpu.memory_space<vmem>>, %arg9: memref<288x256xf32, #tpu.memory_space<vmem>>, %arg10: memref<256x64xf32, #tpu.memory_space<vmem>>, %arg11: memref<64x256xf32, #tpu.memory_space<vmem>>, %arg12: memref<8x256xf32, #tpu.memory_space<vmem>>, %arg13: memref<8x256xf32, #tpu.memory_space<vmem>>, %arg14: memref<512x128xf32, #tpu.memory_space<vmem>>, %arg15: memref<512x128xf32, #tpu.memory_space<vmem>>, %arg16: memref<512x128xi32, #tpu.memory_space<vmem>>, %arg17: memref<4x512x128xf32, #tpu.memory_space<vmem>>) attributes {dimension_semantics = [#tpu.dimension_semantics<arbitrary>], iteration_bounds = array<i64: 20>, scalar_prefetch = 0 : i64, scratch_operands = 0 : i64, tpu.core_type = #tpu.core_type<tc>, window_params = [{transform_indices = @transform_0, window_bounds = array<i64: 512, 16>}, {transform_indices = @transform_1, window_bounds = array<i64: 512, 256>}, {pipeline_mode = #tpu.pipeline_mode<synchronous>, transform_indices = @transform_2, window_bounds = array<i64: 8, 16>}, {pipeline_mode = #tpu.pipeline_mode<synchronous>, transform_indices = @transform_3, window_bounds = array<i64: 16, 32>}, {pipeline_mode = #tpu.pipeline_mode<synchronous>, transform_indices = @transform_4, window_bounds = array<i64: 288, 288>}, {pipeline_mode = #tpu.pipeline_mode<synchronous>, transform_indices = @transform_5, window_bounds = array<i64: 8, 288>}, {pipeline_mode = #tpu.pipeline_mode<synchronous>, transform_indices = @transform_6, window_bounds = array<i64: 288, 256>}, {pipeline_mode = #tpu.pipeline_mode<synchronous>, transform_indices = @transform_7, window_bounds = array<i64: 288, 256>}, {pipeline_mode = #tpu.pipeline_mode<synchronous>, transform_indices = @transform_8, window_bounds = array<i64: 288, 256>}, {pipeline_mode = #tpu.pipeline_mode<synchronous>, transform_indices = @transform_9, window_bounds = array<i64: 256, 64>}, {pipeline_mode = #tpu.pipeline_mode<synchronous>, transform_indices = @transform_10, window_bounds = array<i64: 64, 256>}, {pipeline_mode = #tpu.pipeline_mode<synchronous>, transform_indices = @transform_11, window_bounds = array<i64: 8, 256>}, {pipeline_mode = #tpu.pipeline_mode<synchronous>, transform_indices = @transform_12, window_bounds = array<i64: 8, 256>}, {transform_indices = @transform_13, window_bounds = array<i64: 512, 128>}, {transform_indices = @transform_14, window_bounds = array<i64: 512, 128>}, {transform_indices = @transform_15, window_bounds = array<i64: 512, 128>}, {transform_indices = @transform_16, window_bounds = array<i64: 4, 512, 128>}]} {
    %get3A = arith.constant 0 : index
    %get3A_0 = arith.constant 0 : index
    %get3A_1 = vector.load %arg1[%get3A, %get3A_0] : memref<512x16xf32, #tpu.memory_space<vmem>>, vector<512x16xf32>
    %slice3A = vector.extract_strided_slice %get3A_1 {offsets = [0, 0], sizes = [512, 1], strides = [1, 1]} : vector<512x16xf32> to vector<512x1xf32>
    %slice3A_2 = vector.extract_strided_slice %get3A_1 {offsets = [0, 1], sizes = [512, 1], strides = [1, 1]} : vector<512x16xf32> to vector<512x1xf32>
    %get3A_3 = arith.constant 0 : index
    %get3A_4 = arith.constant 0 : index
    %get3A_5 = vector.load %arg3[%get3A_3, %get3A_4] : memref<8x16xf32, #tpu.memory_space<vmem>>, vector<1x16xf32>
    %get3A_6 = arith.constant 1 : index
    %get3A_7 = arith.constant 0 : index
    %get3A_8 = vector.load %arg3[%get3A_6, %get3A_7] : memref<8x16xf32, #tpu.memory_space<vmem>>, vector<1x16xf32>
    %sub3A = vector.broadcast %slice3A : vector<512x1xf32> to vector<512x16xf32>
    %sub3A_9 = vector.broadcast %get3A_5 : vector<1x16xf32> to vector<512x16xf32>
    %sub3A_10 = arith.subf %sub3A, %sub3A_9 : vector<512x16xf32>
    %sub3A_11 = vector.broadcast %slice3A_2 : vector<512x1xf32> to vector<512x16xf32>
    %sub3A_12 = vector.broadcast %get3A_8 : vector<1x16xf32> to vector<512x16xf32>
    %sub3A_13 = arith.subf %sub3A_11, %sub3A_12 : vector<512x16xf32>
    %mul3A = arith.mulf %sub3A_10, %sub3A_10 : vector<512x16xf32>
    %mul3A_14 = arith.mulf %sub3A_13, %sub3A_13 : vector<512x16xf32>
    %add3A = arith.addf %mul3A, %mul3A_14 : vector<512x16xf32>
    %sqrt3A = math.sqrt %add3A : vector<512x16xf32>
    %le3A = arith.constant 5.000000e-01 : f32
    %le3A_15 = vector.broadcast %le3A : f32 to vector<512x16xf32>
    %le3A_16 = arith.cmpf ole, %sqrt3A, %le3A_15 : vector<512x16xf32>
    %convert_element_type3A = arith.extui %le3A_16 : vector<512x16xi1> to vector<512x16xi32>
    %convert_element_type3A_17 = arith.sitofp %convert_element_type3A : vector<512x16xi32> to vector<512x16xf32>
    %neg3A = arith.constant 0.000000e+00 : f32
    %neg3A_18 = vector.broadcast %neg3A : f32 to vector<512x16xf32>
    %neg3A_19 = arith.subf %neg3A_18, %sqrt3A : vector<512x16xf32>
    %div3A = arith.constant 1.000000e-01 : f32
    %div3A_20 = vector.broadcast %div3A : f32 to vector<512x16xf32>
    %div3A_21 = arith.divf %neg3A_19, %div3A_20 : vector<512x16xf32>
    %exp3A = math.exp %div3A_21 : vector<512x16xf32>
    %mul3A_22 = arith.mulf %exp3A, %convert_element_type3A_17 : vector<512x16xf32>
    %reduce_sum3A = arith.constant dense<0.000000e+00> : vector<512xf32>
    %reduce_sum3A_23 = vector.multi_reduction <add>, %mul3A_22, %reduce_sum3A [1] : vector<512x16xf32> to vector<512xf32>
    %broadcast_in_dim3A = vector.shape_cast %reduce_sum3A_23 : vector<512xf32> to vector<512x1xf32>
    %gt3A = arith.constant 9.99999997E-7 : f32
    %gt3A_24 = vector.broadcast %gt3A : f32 to vector<512x1xf32>
    %gt3A_25 = arith.cmpf ogt, %broadcast_in_dim3A, %gt3A_24 : vector<512x1xf32>
    %convert_element_type3A_26 = arith.extui %gt3A_25 : vector<512x1xi1> to vector<512x1xi32>
    %convert_element_type3A_27 = arith.sitofp %convert_element_type3A_26 : vector<512x1xi32> to vector<512x1xf32>
    %add3A_28 = arith.constant 1.000000e-10 : f32
    %add3A_29 = vector.broadcast %add3A_28 : f32 to vector<512x1xf32>
    %add3A_30 = arith.addf %broadcast_in_dim3A, %add3A_29 : vector<512x1xf32>
    %div3A_31 = vector.broadcast %add3A_30 : vector<512x1xf32> to vector<512x16xf32>
    %div3A_32 = arith.divf %mul3A_22, %div3A_31 : vector<512x16xf32>
    %get3A_33 = arith.constant 0 : index
    %get3A_34 = arith.constant 0 : index
    %get3A_35 = vector.load %arg4[%get3A_33, %get3A_34] : memref<16x32xf32, #tpu.memory_space<vmem>>, vector<16x32xf32>
    %dot_general3A = arith.constant dense<0.000000e+00> : vector<512x32xf32>
    %dot_general3A_36 = tpu.matmul %div3A_32, %get3A_35, %dot_general3A {dimension_numbers = #tpu.dot_dimension_numbers<[1], [0], [0], [1], [0, 0, 1, 1], [], []>, transpose_lhs_hint = false} : vector<512x16xf32>, vector<16x32xf32>, vector<512x32xf32> -> vector<512x32xf32>
    %mul3A_37 = vector.broadcast %convert_element_type3A_27 : vector<512x1xf32> to vector<512x32xf32>
    %mul3A_38 = arith.mulf %dot_general3A_36, %mul3A_37 : vector<512x32xf32>
    %get3A_39 = arith.constant 0 : index
    %get3A_40 = arith.constant 0 : index
    %get3A_41 = vector.load %arg2[%get3A_39, %get3A_40] : memref<512x256xf32, #tpu.memory_space<vmem>>, vector<512x256xf32>
    %concatenate3A = tpu.concatenate %get3A_41, %mul3A_38 in 1 : vector<512x256xf32>, vector<512x32xf32> -> vector<512x288xf32>
    %get3A_42 = arith.constant 0 : index
    %get3A_43 = arith.constant 0 : index
    %get3A_44 = vector.load %arg5[%get3A_42, %get3A_43] : memref<288x288xf32, #tpu.memory_space<vmem>>, vector<288x288xf32>
    %dot_general3A_45 = arith.constant dense<0.000000e+00> : vector<512x288xf32>
    %dot_general3A_46 = tpu.matmul %concatenate3A, %get3A_44, %dot_general3A_45 {dimension_numbers = #tpu.dot_dimension_numbers<[1], [0], [0], [1], [0, 0, 1, 1], [], []>, transpose_lhs_hint = false} : vector<512x288xf32>, vector<288x288xf32>, vector<512x288xf32> -> vector<512x288xf32>
    %get3A_47 = arith.constant 0 : index
    %get3A_48 = arith.constant 0 : index
    %get3A_49 = vector.load %arg6[%get3A_47, %get3A_48] : memref<8x288xf32, #tpu.memory_space<vmem>>, vector<1x288xf32>
    %add3A_50 = vector.broadcast %get3A_49 : vector<1x288xf32> to vector<512x288xf32>
    %add3A_51 = arith.addf %dot_general3A_46, %add3A_50 : vector<512x288xf32>
    %get3A_52 = arith.constant 0 : index
    %get3A_53 = arith.constant 0 : index
    %get3A_54 = vector.load %arg7[%get3A_52, %get3A_53] : memref<288x256xf32, #tpu.memory_space<vmem>>, vector<288x256xf32>
    %dot_general3A_55 = arith.constant dense<0.000000e+00> : vector<512x256xf32>
    %dot_general3A_56 = tpu.matmul %add3A_51, %get3A_54, %dot_general3A_55 {dimension_numbers = #tpu.dot_dimension_numbers<[1], [0], [0], [1], [0, 0, 1, 1], [], []>, transpose_lhs_hint = false} : vector<512x288xf32>, vector<288x256xf32>, vector<512x256xf32> -> vector<512x256xf32>
    %get3A_57 = arith.constant 0 : index
    %get3A_58 = arith.constant 0 : index
    %get3A_59 = vector.load %arg8[%get3A_57, %get3A_58] : memref<288x256xf32, #tpu.memory_space<vmem>>, vector<288x256xf32>
    %dot_general3A_60 = arith.constant dense<0.000000e+00> : vector<512x256xf32>
    %dot_general3A_61 = tpu.matmul %add3A_51, %get3A_59, %dot_general3A_60 {dimension_numbers = #tpu.dot_dimension_numbers<[1], [0], [0], [1], [0, 0, 1, 1], [], []>, transpose_lhs_hint = false} : vector<512x288xf32>, vector<288x256xf32>, vector<512x256xf32> -> vector<512x256xf32>
    %get3A_62 = arith.constant 0 : index
    %get3A_63 = arith.constant 0 : index
    %get3A_64 = vector.load %arg9[%get3A_62, %get3A_63] : memref<288x256xf32, #tpu.memory_space<vmem>>, vector<288x256xf32>
    %dot_general3A_65 = arith.constant dense<0.000000e+00> : vector<512x256xf32>
    %dot_general3A_66 = tpu.matmul %add3A_51, %get3A_64, %dot_general3A_65 {dimension_numbers = #tpu.dot_dimension_numbers<[1], [0], [0], [1], [0, 0, 1, 1], [], []>, transpose_lhs_hint = false} : vector<512x288xf32>, vector<288x256xf32>, vector<512x256xf32> -> vector<512x256xf32>
    %get3A_67 = arith.constant 0 : index
    %get3A_68 = arith.constant 0 : index
    %get3A_69 = vector.load %arg10[%get3A_67, %get3A_68] : memref<256x64xf32, #tpu.memory_space<vmem>>, vector<256x64xf32>
    %dot_general3A_70 = arith.constant dense<0.000000e+00> : vector<512x64xf32>
    %dot_general3A_71 = tpu.matmul %dot_general3A_61, %get3A_69, %dot_general3A_70 {dimension_numbers = #tpu.dot_dimension_numbers<[1], [0], [0], [1], [0, 0, 1, 1], [], []>, transpose_lhs_hint = false} : vector<512x256xf32>, vector<256x64xf32>, vector<512x64xf32> -> vector<512x64xf32>
    %get3A_72 = arith.constant 0 : index
    %get3A_73 = arith.constant 0 : index
    %get3A_74 = vector.load %arg10[%get3A_72, %get3A_73] : memref<256x64xf32, #tpu.memory_space<vmem>>, vector<256x64xf32>
    %dot_general3A_75 = arith.constant dense<0.000000e+00> : vector<512x64xf32>
    %dot_general3A_76 = tpu.matmul %dot_general3A_66, %get3A_74, %dot_general3A_75 {dimension_numbers = #tpu.dot_dimension_numbers<[1], [0], [0], [1], [0, 0, 1, 1], [], []>, transpose_lhs_hint = false} : vector<512x256xf32>, vector<256x64xf32>, vector<512x64xf32> -> vector<512x64xf32>
    %broadcast_in_dim3A_77 = arith.constant 0.000000e+00 : f32
    %broadcast_in_dim3A_78 = vector.broadcast %broadcast_in_dim3A_77 : f32 to vector<512x48xf32>
    %concatenate3A_79 = tpu.concatenate %dot_general3A_71, %get3A_1, %broadcast_in_dim3A_78 in 1 : vector<512x64xf32>, vector<512x16xf32>, vector<512x48xf32> -> vector<512x128xf32>
    %swap3A = arith.constant 0 : index
    %swap3A_80 = arith.constant 0 : index
    %swap3A_81 = vector.load %arg14[%swap3A, %swap3A_80] : memref<512x128xf32, #tpu.memory_space<vmem>>, vector<512x128xf32>
    tpu.vector_store %arg14[%swap3A, %swap3A_80], %concatenate3A_79 {strides = array<i32>} : memref<512x128xf32, #tpu.memory_space<vmem>>, vector<512x128xf32>,
    %concatenate3A_82 = tpu.concatenate %dot_general3A_76, %get3A_1, %broadcast_in_dim3A_78 in 1 : vector<512x64xf32>, vector<512x16xf32>, vector<512x48xf32> -> vector<512x128xf32>
    %swap3A_83 = arith.constant 0 : index
    %swap3A_84 = arith.constant 0 : index
    %swap3A_85 = vector.load %arg15[%swap3A_83, %swap3A_84] : memref<512x128xf32, #tpu.memory_space<vmem>>, vector<512x128xf32>
    tpu.vector_store %arg15[%swap3A_83, %swap3A_84], %concatenate3A_82 {strides = array<i32>} : memref<512x128xf32, #tpu.memory_space<vmem>>, vector<512x128xf32>,
    %convert_element_type3A_86 = arith.truncf %dot_general3A_56 : vector<512x256xf32> to vector<512x256xbf16>
    %slice3A_87 = vector.extract_strided_slice %convert_element_type3A_86 {offsets = [0, 0], sizes = [512, 128], strides = [1, 1]} : vector<512x256xbf16> to vector<512x128xbf16>
    %bitcast_convert_type3A = tpu.bitcast %slice3A_87 : vector<512x128xbf16> -> vector<512x128xi16>
    %slice3A_88 = vector.extract_strided_slice %convert_element_type3A_86 {offsets = [0, 128], sizes = [512, 128], strides = [1, 1]} : vector<512x256xbf16> to vector<512x128xbf16>
    %bitcast_convert_type3A_89 = tpu.bitcast %slice3A_88 : vector<512x128xbf16> -> vector<512x128xi16>
    %convert_element_type3A_90 = arith.extui %bitcast_convert_type3A : vector<512x128xi16> to vector<512x128xi32>
    %convert_element_type3A_91 = arith.extui %bitcast_convert_type3A_89 : vector<512x128xi16> to vector<512x128xi32>
    %shift_left3A = arith.constant 16 : i32
    %shift_left3A_92 = vector.broadcast %shift_left3A : i32 to vector<512x128xi32>
    %shift_left3A_93 = arith.shli %convert_element_type3A_91, %shift_left3A_92 : vector<512x128xi32>
    %or3A = arith.ori %convert_element_type3A_90, %shift_left3A_93 : vector<512x128xi32>
    %swap3A_94 = arith.constant 0 : index
    %swap3A_95 = arith.constant 0 : index
    %swap3A_96 = vector.load %arg16[%swap3A_94, %swap3A_95] : memref<512x128xi32, #tpu.memory_space<vmem>>, vector<512x128xi32>
    tpu.vector_store %arg16[%swap3A_94, %swap3A_95], %or3A {strides = array<i32>} : memref<512x128xi32, #tpu.memory_space<vmem>>, vector<512x128xi32>,
    %get3A_97 = arith.constant 1 : index
    %get3A_98 = arith.constant 0 : index
    %get3A_99 = vector.load %arg13[%get3A_97, %get3A_98] : memref<8x256xf32, #tpu.memory_space<vmem>>, vector<1x64xf32>
    %get3A_100 = arith.constant 0 : index
    %get3A_101 = arith.constant 0 : index
    %get3A_102 = vector.load %arg13[%get3A_100, %get3A_101] : memref<8x256xf32, #tpu.memory_space<vmem>>, vector<1x256xf32>
    %sub3A_103 = arith.subf %dot_general3A_76, %dot_general3A_71 : vector<512x64xf32>
    %add3A_104 = vector.broadcast %get3A_99 : vector<1x64xf32> to vector<512x64xf32>
    %add3A_105 = arith.addf %sub3A_103, %add3A_104 : vector<512x64xf32>
    %max3A = arith.constant 0.000000e+00 : f32
    %max3A_106 = vector.broadcast %max3A : f32 to vector<512x64xf32>
    %max3A_107 = arith.maximumf %add3A_105, %max3A_106 : vector<512x64xf32>
    %get3A_108 = arith.constant 0 : index
    %get3A_109 = arith.constant 0 : index
    %get3A_110 = vector.load %arg11[%get3A_108, %get3A_109] : memref<64x256xf32, #tpu.memory_space<vmem>>, vector<64x256xf32>
    %dot_general3A_111 = arith.constant dense<0.000000e+00> : vector<512x256xf32>
    %dot_general3A_112 = tpu.matmul %max3A_107, %get3A_110, %dot_general3A_111 {dimension_numbers = #tpu.dot_dimension_numbers<[1], [0], [0], [1], [0, 0, 1, 1], [], []>, transpose_lhs_hint = false} : vector<512x64xf32>, vector<64x256xf32>, vector<512x256xf32> -> vector<512x256xf32>
    %get3A_113 = arith.constant 0 : index
    %get3A_114 = arith.constant 0 : index
    %get3A_115 = vector.load %arg12[%get3A_113, %get3A_114] : memref<8x256xf32, #tpu.memory_space<vmem>>, vector<1x256xf32>
    %add3A_116 = vector.broadcast %get3A_115 : vector<1x256xf32> to vector<512x256xf32>
    %add3A_117 = arith.addf %dot_general3A_112, %add3A_116 : vector<512x256xf32>
    %exp3A_118 = math.exp %add3A_117 : vector<512x256xf32>
    %add3A_119 = vector.broadcast %get3A_102 : vector<1x256xf32> to vector<512x256xf32>
    %add3A_120 = arith.addf %dot_general3A_56, %add3A_119 : vector<512x256xf32>
    %mul3A_121 = arith.mulf %exp3A_118, %add3A_120 : vector<512x256xf32>
    %slice3A_122 = vector.extract_strided_slice %exp3A_118 {offsets = [0, 0], sizes = [512, 64], strides = [1, 1]} : vector<512x256xf32> to vector<512x64xf32>
    %slice3A_123 = vector.extract_strided_slice %mul3A_121 {offsets = [0, 0], sizes = [512, 64], strides = [1, 1]} : vector<512x256xf32> to vector<512x64xf32>
    %concatenate3A_124 = tpu.concatenate %slice3A_122, %slice3A_123 in 1 : vector<512x64xf32>, vector<512x64xf32> -> vector<512x128xf32>
    %swap3A_125 = arith.constant 0 : index
    %swap3A_126 = arith.constant 0 : index
    %swap3A_127 = arith.constant 0 : index
    %swap3A_128 = vector.load %arg17[%swap3A_125, %swap3A_126, %swap3A_127] : memref<4x512x128xf32, #tpu.memory_space<vmem>>, vector<1x512x128xf32>
    %swap3A_129 = vector.shape_cast %swap3A_128 : vector<1x512x128xf32> to vector<512x128xf32>
    %swap3A_130 = vector.shape_cast %concatenate3A_124 : vector<512x128xf32> to vector<1x512x128xf32>
    tpu.vector_store %arg17[%swap3A_125, %swap3A_126, %swap3A_127], %swap3A_130 {strides = array<i32>} : memref<4x512x128xf32, #tpu.memory_space<vmem>>, vector<1x512x128xf32>,
    %slice3A_131 = vector.extract_strided_slice %exp3A_118 {offsets = [0, 64], sizes = [512, 64], strides = [1, 1]} : vector<512x256xf32> to vector<512x64xf32>
    %slice3A_132 = vector.extract_strided_slice %mul3A_121 {offsets = [0, 64], sizes = [512, 64], strides = [1, 1]} : vector<512x256xf32> to vector<512x64xf32>
    %concatenate3A_133 = tpu.concatenate %slice3A_131, %slice3A_132 in 1 : vector<512x64xf32>, vector<512x64xf32> -> vector<512x128xf32>
    %swap3A_134 = arith.constant 1 : index
    %swap3A_135 = arith.constant 0 : index
    %swap3A_136 = arith.constant 0 : index
    %swap3A_137 = vector.load %arg17[%swap3A_134, %swap3A_135, %swap3A_136] : memref<4x512x128xf32, #tpu.memory_space<vmem>>, vector<1x512x128xf32>
    %swap3A_138 = vector.shape_cast %swap3A_137 : vector<1x512x128xf32> to vector<512x128xf32>
    %swap3A_139 = vector.shape_cast %concatenate3A_133 : vector<512x128xf32> to vector<1x512x128xf32>
    tpu.vector_store %arg17[%swap3A_134, %swap3A_135, %swap3A_136], %swap3A_139 {strides = array<i32>} : memref<4x512x128xf32, #tpu.memory_space<vmem>>, vector<1x512x128xf32>,
    %slice3A_140 = vector.extract_strided_slice %exp3A_118 {offsets = [0, 128], sizes = [512, 64], strides = [1, 1]} : vector<512x256xf32> to vector<512x64xf32>
    %slice3A_141 = vector.extract_strided_slice %mul3A_121 {offsets = [0, 128], sizes = [512, 64], strides = [1, 1]} : vector<512x256xf32> to vector<512x64xf32>
    %concatenate3A_142 = tpu.concatenate %slice3A_140, %slice3A_141 in 1 : vector<512x64xf32>, vector<512x64xf32> -> vector<512x128xf32>
    %swap3A_143 = arith.constant 2 : index
    %swap3A_144 = arith.constant 0 : index
    %swap3A_145 = arith.constant 0 : index
    %swap3A_146 = vector.load %arg17[%swap3A_143, %swap3A_144, %swap3A_145] : memref<4x512x128xf32, #tpu.memory_space<vmem>>, vector<1x512x128xf32>
    %swap3A_147 = vector.shape_cast %swap3A_146 : vector<1x512x128xf32> to vector<512x128xf32>
    %swap3A_148 = vector.shape_cast %concatenate3A_142 : vector<512x128xf32> to vector<1x512x128xf32>
    tpu.vector_store %arg17[%swap3A_143, %swap3A_144, %swap3A_145], %swap3A_148 {strides = array<i32>} : memref<4x512x128xf32, #tpu.memory_space<vmem>>, vector<1x512x128xf32>,
    %slice3A_149 = vector.extract_strided_slice %exp3A_118 {offsets = [0, 192], sizes = [512, 64], strides = [1, 1]} : vector<512x256xf32> to vector<512x64xf32>
    %slice3A_150 = vector.extract_strided_slice %mul3A_121 {offsets = [0, 192], sizes = [512, 64], strides = [1, 1]} : vector<512x256xf32> to vector<512x64xf32>
    %concatenate3A_151 = tpu.concatenate %slice3A_149, %slice3A_150 in 1 : vector<512x64xf32>, vector<512x64xf32> -> vector<512x128xf32>
    %swap3A_152 = arith.constant 3 : index
    %swap3A_153 = arith.constant 0 : index
    %swap3A_154 = arith.constant 0 : index
    %swap3A_155 = vector.load %arg17[%swap3A_152, %swap3A_153, %swap3A_154] : memref<4x512x128xf32, #tpu.memory_space<vmem>>, vector<1x512x128xf32>
    %swap3A_156 = vector.shape_cast %swap3A_155 : vector<1x512x128xf32> to vector<512x128xf32>
    %swap3A_157 = vector.shape_cast %concatenate3A_151 : vector<512x128xf32> to vector<1x512x128xf32>
    tpu.vector_store %arg17[%swap3A_152, %swap3A_153, %swap3A_154], %swap3A_157 {strides = array<i32>} : memref<4x512x128xf32, #tpu.memory_space<vmem>>, vector<1x512x128xf32>,
    return
  }
  func.func @transform_0(%arg0: i32) -> (i32, i32) {
    %c0_i32 = arith.constant 0 : i32
    %c0_i32_0 = arith.constant 0 : i32
    return %arg0, %c0_i32 : i32, i32
  }
  func.func @transform_1(%arg0: i32) -> (i32, i32) {
    %c0_i32 = arith.constant 0 : i32
    %c0_i32_0 = arith.constant 0 : i32
    return %arg0, %c0_i32 : i32, i32
  }
  func.func @transform_2(%arg0: i32) -> (i32, i32) {
    %c0_i32 = arith.constant 0 : i32
    %c0_i32_0 = arith.constant 0 : i32
    %c0_i32_1 = arith.constant 0 : i32
    return %c0_i32, %c0_i32_0 : i32, i32
  }
  func.func @transform_3(%arg0: i32) -> (i32, i32) {
    %c0_i32 = arith.constant 0 : i32
    %c0_i32_0 = arith.constant 0 : i32
    %c0_i32_1 = arith.constant 0 : i32
    return %c0_i32, %c0_i32_0 : i32, i32
  }
  func.func @transform_4(%arg0: i32) -> (i32, i32) {
    %c0_i32 = arith.constant 0 : i32
    %c0_i32_0 = arith.constant 0 : i32
    %c0_i32_1 = arith.constant 0 : i32
    return %c0_i32, %c0_i32_0 : i32, i32
  }
  func.func @transform_5(%arg0: i32) -> (i32, i32) {
    %c0_i32 = arith.constant 0 : i32
    %c0_i32_0 = arith.constant 0 : i32
    %c0_i32_1 = arith.constant 0 : i32
    return %c0_i32, %c0_i32_0 : i32, i32
  }
  func.func @transform_6(%arg0: i32) -> (i32, i32) {
    %c0_i32 = arith.constant 0 : i32
    %c0_i32_0 = arith.constant 0 : i32
    %c0_i32_1 = arith.constant 0 : i32
    return %c0_i32, %c0_i32_0 : i32, i32
  }
  func.func @transform_7(%arg0: i32) -> (i32, i32) {
    %c0_i32 = arith.constant 0 : i32
    %c0_i32_0 = arith.constant 0 : i32
    %c0_i32_1 = arith.constant 0 : i32
    return %c0_i32, %c0_i32_0 : i32, i32
  }
  func.func @transform_8(%arg0: i32) -> (i32, i32) {
    %c0_i32 = arith.constant 0 : i32
    %c0_i32_0 = arith.constant 0 : i32
    %c0_i32_1 = arith.constant 0 : i32
    return %c0_i32, %c0_i32_0 : i32, i32
  }
  func.func @transform_9(%arg0: i32) -> (i32, i32) {
    %c0_i32 = arith.constant 0 : i32
    %c0_i32_0 = arith.constant 0 : i32
    %c0_i32_1 = arith.constant 0 : i32
    return %c0_i32, %c0_i32_0 : i32, i32
  }
  func.func @transform_10(%arg0: i32) -> (i32, i32) {
    %c0_i32 = arith.constant 0 : i32
    %c0_i32_0 = arith.constant 0 : i32
    %c0_i32_1 = arith.constant 0 : i32
    return %c0_i32, %c0_i32_0 : i32, i32
  }
  func.func @transform_11(%arg0: i32) -> (i32, i32) {
    %c0_i32 = arith.constant 0 : i32
    %c0_i32_0 = arith.constant 0 : i32
    %c0_i32_1 = arith.constant 0 : i32
    return %c0_i32, %c0_i32_0 : i32, i32
  }
  func.func @transform_12(%arg0: i32) -> (i32, i32) {
    %c0_i32 = arith.constant 0 : i32
    %c0_i32_0 = arith.constant 0 : i32
    %c0_i32_1 = arith.constant 0 : i32
    return %c0_i32, %c0_i32_0 : i32, i32
  }
  func.func @transform_13(%arg0: i32) -> (i32, i32) {
    %c0_i32 = arith.constant 0 : i32
    %c0_i32_0 = arith.constant 0 : i32
    return %arg0, %c0_i32 : i32, i32
  }
  func.func @transform_14(%arg0: i32) -> (i32, i32) {
    %c0_i32 = arith.constant 0 : i32
    %c0_i32_0 = arith.constant 0 : i32
    return %arg0, %c0_i32 : i32, i32
  }
  func.func @transform_15(%arg0: i32) -> (i32, i32) {
    %c0_i32 = arith.constant 0 : i32
    %c0_i32_0 = arith.constant 0 : i32
    return %arg0, %c0_i32 : i32, i32
  }
  func.func @transform_16(%arg0: i32) -> (i32, i32, i32) {
    %c0_i32 = arith.constant 0 : i32
    %c0_i32_0 = arith.constant 0 : i32
    %c0_i32_1 = arith.constant 0 : i32
    return %c0_i32, %arg0, %c0_i32_0 : i32, i32, i32
  }
}

module attributes {stable_mosaic.version = 14 : i64} {
  func.func @_edge_mlp_body(%arg0: i32, %arg1: memref<2048x128xf32, #tpu.memory_space<vmem>>, %arg2: memref<2048x128xf32, #tpu.memory_space<vmem>>, %arg3: memref<2048x128xi32, #tpu.memory_space<vmem>>, %arg4: memref<16x64xf32, #tpu.memory_space<vmem>>, %arg5: memref<8x64xf32, #tpu.memory_space<vmem>>, %arg6: memref<64x64xf32, #tpu.memory_space<vmem>>, %arg7: memref<8x64xf32, #tpu.memory_space<vmem>>, %arg8: memref<64x256xf32, #tpu.memory_space<vmem>>, %arg9: memref<8x256xf32, #tpu.memory_space<vmem>>, %arg10: memref<64x256xf32, #tpu.memory_space<vmem>>, %arg11: memref<8x256xf32, #tpu.memory_space<vmem>>, %arg12: memref<4x2048x128xf32, #tpu.memory_space<vmem>>) attributes {dimension_semantics = [#tpu.dimension_semantics<arbitrary>], iteration_bounds = array<i64: 80>, scalar_prefetch = 0 : i64, scratch_operands = 0 : i64, tpu.core_type = #tpu.core_type<tc>, window_params = [{transform_indices = @transform_0, window_bounds = array<i64: 2048, 128>}, {transform_indices = @transform_1, window_bounds = array<i64: 2048, 128>}, {transform_indices = @transform_2, window_bounds = array<i64: 2048, 128>}, {pipeline_mode = #tpu.pipeline_mode<synchronous>, transform_indices = @transform_3, window_bounds = array<i64: 16, 64>}, {pipeline_mode = #tpu.pipeline_mode<synchronous>, transform_indices = @transform_4, window_bounds = array<i64: 8, 64>}, {pipeline_mode = #tpu.pipeline_mode<synchronous>, transform_indices = @transform_5, window_bounds = array<i64: 64, 64>}, {pipeline_mode = #tpu.pipeline_mode<synchronous>, transform_indices = @transform_6, window_bounds = array<i64: 8, 64>}, {pipeline_mode = #tpu.pipeline_mode<synchronous>, transform_indices = @transform_7, window_bounds = array<i64: 64, 256>}, {pipeline_mode = #tpu.pipeline_mode<synchronous>, transform_indices = @transform_8, window_bounds = array<i64: 8, 256>}, {pipeline_mode = #tpu.pipeline_mode<synchronous>, transform_indices = @transform_9, window_bounds = array<i64: 64, 256>}, {pipeline_mode = #tpu.pipeline_mode<synchronous>, transform_indices = @transform_10, window_bounds = array<i64: 8, 256>}, {transform_indices = @transform_11, window_bounds = array<i64: 4, 2048, 128>}]} {
    %get3A = arith.constant 0 : index
    %get3A_0 = arith.constant 0 : index
    %get3A_1 = vector.load %arg1[%get3A, %get3A_0] : memref<2048x128xf32, #tpu.memory_space<vmem>>, vector<2048x64xf32>
    %get3A_2 = arith.constant 0 : index
    %get3A_3 = arith.constant 64 : index
    %get3A_4 = vector.load %arg1[%get3A_2, %get3A_3] : memref<2048x128xf32, #tpu.memory_space<vmem>>, vector<2048x16xf32>
    %get3A_5 = arith.constant 0 : index
    %get3A_6 = arith.constant 0 : index
    %get3A_7 = vector.load %arg3[%get3A_5, %get3A_6] : memref<2048x128xi32, #tpu.memory_space<vmem>>, vector<2048x128xi32>
    %and3A = arith.constant 65535 : i32
    %and3A_8 = vector.broadcast %and3A : i32 to vector<2048x128xi32>
    %and3A_9 = arith.andi %get3A_7, %and3A_8 : vector<2048x128xi32>
    %convert_element_type3A = arith.trunci %and3A_9 : vector<2048x128xi32> to vector<2048x128xi16>
    %bitcast_convert_type3A = tpu.bitcast %convert_element_type3A : vector<2048x128xi16> -> vector<2048x128xbf16>
    %convert_element_type3A_10 = arith.extf %bitcast_convert_type3A : vector<2048x128xbf16> to vector<2048x128xf32>
    %shift_right_logical3A = arith.constant 16 : i32
    %shift_right_logical3A_11 = vector.broadcast %shift_right_logical3A : i32 to vector<2048x128xi32>
    %shift_right_logical3A_12 = arith.shrui %get3A_7, %shift_right_logical3A_11 : vector<2048x128xi32>
    %convert_element_type3A_13 = arith.trunci %shift_right_logical3A_12 : vector<2048x128xi32> to vector<2048x128xi16>
    %bitcast_convert_type3A_14 = tpu.bitcast %convert_element_type3A_13 : vector<2048x128xi16> -> vector<2048x128xbf16>
    %convert_element_type3A_15 = arith.extf %bitcast_convert_type3A_14 : vector<2048x128xbf16> to vector<2048x128xf32>
    %concatenate3A = tpu.concatenate %convert_element_type3A_10, %convert_element_type3A_15 in 1 : vector<2048x128xf32>, vector<2048x128xf32> -> vector<2048x256xf32>
    %get3A_16 = arith.constant 0 : index
    %get3A_17 = arith.constant 0 : index
    %get3A_18 = vector.load %arg2[%get3A_16, %get3A_17] : memref<2048x128xf32, #tpu.memory_space<vmem>>, vector<2048x64xf32>
    %get3A_19 = arith.constant 0 : index
    %get3A_20 = arith.constant 64 : index
    %get3A_21 = vector.load %arg2[%get3A_19, %get3A_20] : memref<2048x128xf32, #tpu.memory_space<vmem>>, vector<2048x16xf32>
    %sub3A = arith.subf %get3A_21, %get3A_4 : vector<2048x16xf32>
    %sub3A_22 = arith.subf %get3A_18, %get3A_1 : vector<2048x64xf32>
    %get3A_23 = arith.constant 0 : index
    %get3A_24 = arith.constant 0 : index
    %get3A_25 = vector.load %arg4[%get3A_23, %get3A_24] : memref<16x64xf32, #tpu.memory_space<vmem>>, vector<16x64xf32>
    %dot_general3A = arith.constant dense<0.000000e+00> : vector<2048x64xf32>
    %dot_general3A_26 = tpu.matmul %sub3A, %get3A_25, %dot_general3A {dimension_numbers = #tpu.dot_dimension_numbers<[1], [0], [0], [1], [0, 0, 1, 1], [], []>, transpose_lhs_hint = false} : vector<2048x16xf32>, vector<16x64xf32>, vector<2048x64xf32> -> vector<2048x64xf32>
    %get3A_27 = arith.constant 0 : index
    %get3A_28 = arith.constant 0 : index
    %get3A_29 = vector.load %arg5[%get3A_27, %get3A_28] : memref<8x64xf32, #tpu.memory_space<vmem>>, vector<1x64xf32>
    %add3A = vector.broadcast %get3A_29 : vector<1x64xf32> to vector<2048x64xf32>
    %add3A_30 = arith.addf %dot_general3A_26, %add3A : vector<2048x64xf32>
    %max3A = arith.constant 0.000000e+00 : f32
    %max3A_31 = vector.broadcast %max3A : f32 to vector<2048x64xf32>
    %max3A_32 = arith.maximumf %add3A_30, %max3A_31 : vector<2048x64xf32>
    %get3A_33 = arith.constant 0 : index
    %get3A_34 = arith.constant 0 : index
    %get3A_35 = vector.load %arg6[%get3A_33, %get3A_34] : memref<64x64xf32, #tpu.memory_space<vmem>>, vector<64x64xf32>
    %dot_general3A_36 = arith.constant dense<0.000000e+00> : vector<2048x64xf32>
    %dot_general3A_37 = tpu.matmul %max3A_32, %get3A_35, %dot_general3A_36 {dimension_numbers = #tpu.dot_dimension_numbers<[1], [0], [0], [1], [0, 0, 1, 1], [], []>, transpose_lhs_hint = false} : vector<2048x64xf32>, vector<64x64xf32>, vector<2048x64xf32> -> vector<2048x64xf32>
    %add3A_38 = arith.addf %sub3A_22, %dot_general3A_37 : vector<2048x64xf32>
    %get3A_39 = arith.constant 0 : index
    %get3A_40 = arith.constant 0 : index
    %get3A_41 = vector.load %arg7[%get3A_39, %get3A_40] : memref<8x64xf32, #tpu.memory_space<vmem>>, vector<1x64xf32>
    %add3A_42 = vector.broadcast %get3A_41 : vector<1x64xf32> to vector<2048x64xf32>
    %add3A_43 = arith.addf %add3A_38, %add3A_42 : vector<2048x64xf32>
    %max3A_44 = arith.constant 0.000000e+00 : f32
    %max3A_45 = vector.broadcast %max3A_44 : f32 to vector<2048x64xf32>
    %max3A_46 = arith.maximumf %add3A_43, %max3A_45 : vector<2048x64xf32>
    %get3A_47 = arith.constant 0 : index
    %get3A_48 = arith.constant 0 : index
    %get3A_49 = vector.load %arg8[%get3A_47, %get3A_48] : memref<64x256xf32, #tpu.memory_space<vmem>>, vector<64x256xf32>
    %dot_general3A_50 = arith.constant dense<0.000000e+00> : vector<2048x256xf32>
    %dot_general3A_51 = tpu.matmul %max3A_46, %get3A_49, %dot_general3A_50 {dimension_numbers = #tpu.dot_dimension_numbers<[1], [0], [0], [1], [0, 0, 1, 1], [], []>, transpose_lhs_hint = false} : vector<2048x64xf32>, vector<64x256xf32>, vector<2048x256xf32> -> vector<2048x256xf32>
    %get3A_52 = arith.constant 0 : index
    %get3A_53 = arith.constant 0 : index
    %get3A_54 = vector.load %arg9[%get3A_52, %get3A_53] : memref<8x256xf32, #tpu.memory_space<vmem>>, vector<1x256xf32>
    %add3A_55 = vector.broadcast %get3A_54 : vector<1x256xf32> to vector<2048x256xf32>
    %add3A_56 = arith.addf %dot_general3A_51, %add3A_55 : vector<2048x256xf32>
    %exp3A = math.exp %add3A_56 : vector<2048x256xf32>
    %get3A_57 = arith.constant 0 : index
    %get3A_58 = arith.constant 0 : index
    %get3A_59 = vector.load %arg10[%get3A_57, %get3A_58] : memref<64x256xf32, #tpu.memory_space<vmem>>, vector<64x256xf32>
    %dot_general3A_60 = arith.constant dense<0.000000e+00> : vector<2048x256xf32>
    %dot_general3A_61 = tpu.matmul %max3A_32, %get3A_59, %dot_general3A_60 {dimension_numbers = #tpu.dot_dimension_numbers<[1], [0], [0], [1], [0, 0, 1, 1], [], []>, transpose_lhs_hint = false} : vector<2048x64xf32>, vector<64x256xf32>, vector<2048x256xf32> -> vector<2048x256xf32>
    %get3A_62 = arith.constant 0 : index
    %get3A_63 = arith.constant 0 : index
    %get3A_64 = vector.load %arg11[%get3A_62, %get3A_63] : memref<8x256xf32, #tpu.memory_space<vmem>>, vector<1x256xf32>
    %add3A_65 = vector.broadcast %get3A_64 : vector<1x256xf32> to vector<2048x256xf32>
    %add3A_66 = arith.addf %dot_general3A_61, %add3A_65 : vector<2048x256xf32>
    %add3A_67 = arith.addf %concatenate3A, %add3A_66 : vector<2048x256xf32>
    %mul3A = arith.mulf %exp3A, %add3A_67 : vector<2048x256xf32>
    %slice3A = vector.extract_strided_slice %exp3A {offsets = [0, 0], sizes = [2048, 64], strides = [1, 1]} : vector<2048x256xf32> to vector<2048x64xf32>
    %slice3A_68 = vector.extract_strided_slice %mul3A {offsets = [0, 0], sizes = [2048, 64], strides = [1, 1]} : vector<2048x256xf32> to vector<2048x64xf32>
    %concatenate3A_69 = tpu.concatenate %slice3A, %slice3A_68 in 1 : vector<2048x64xf32>, vector<2048x64xf32> -> vector<2048x128xf32>
    %swap3A = arith.constant 0 : index
    %swap3A_70 = arith.constant 0 : index
    %swap3A_71 = arith.constant 0 : index
    %swap3A_72 = vector.load %arg12[%swap3A, %swap3A_70, %swap3A_71] : memref<4x2048x128xf32, #tpu.memory_space<vmem>>, vector<1x2048x128xf32>
    %swap3A_73 = vector.shape_cast %swap3A_72 : vector<1x2048x128xf32> to vector<2048x128xf32>
    %swap3A_74 = vector.shape_cast %concatenate3A_69 : vector<2048x128xf32> to vector<1x2048x128xf32>
    tpu.vector_store %arg12[%swap3A, %swap3A_70, %swap3A_71], %swap3A_74 {strides = array<i32>} : memref<4x2048x128xf32, #tpu.memory_space<vmem>>, vector<1x2048x128xf32>,
    %slice3A_75 = vector.extract_strided_slice %exp3A {offsets = [0, 64], sizes = [2048, 64], strides = [1, 1]} : vector<2048x256xf32> to vector<2048x64xf32>
    %slice3A_76 = vector.extract_strided_slice %mul3A {offsets = [0, 64], sizes = [2048, 64], strides = [1, 1]} : vector<2048x256xf32> to vector<2048x64xf32>
    %concatenate3A_77 = tpu.concatenate %slice3A_75, %slice3A_76 in 1 : vector<2048x64xf32>, vector<2048x64xf32> -> vector<2048x128xf32>
    %swap3A_78 = arith.constant 1 : index
    %swap3A_79 = arith.constant 0 : index
    %swap3A_80 = arith.constant 0 : index
    %swap3A_81 = vector.load %arg12[%swap3A_78, %swap3A_79, %swap3A_80] : memref<4x2048x128xf32, #tpu.memory_space<vmem>>, vector<1x2048x128xf32>
    %swap3A_82 = vector.shape_cast %swap3A_81 : vector<1x2048x128xf32> to vector<2048x128xf32>
    %swap3A_83 = vector.shape_cast %concatenate3A_77 : vector<2048x128xf32> to vector<1x2048x128xf32>
    tpu.vector_store %arg12[%swap3A_78, %swap3A_79, %swap3A_80], %swap3A_83 {strides = array<i32>} : memref<4x2048x128xf32, #tpu.memory_space<vmem>>, vector<1x2048x128xf32>,
    %slice3A_84 = vector.extract_strided_slice %exp3A {offsets = [0, 128], sizes = [2048, 64], strides = [1, 1]} : vector<2048x256xf32> to vector<2048x64xf32>
    %slice3A_85 = vector.extract_strided_slice %mul3A {offsets = [0, 128], sizes = [2048, 64], strides = [1, 1]} : vector<2048x256xf32> to vector<2048x64xf32>
    %concatenate3A_86 = tpu.concatenate %slice3A_84, %slice3A_85 in 1 : vector<2048x64xf32>, vector<2048x64xf32> -> vector<2048x128xf32>
    %swap3A_87 = arith.constant 2 : index
    %swap3A_88 = arith.constant 0 : index
    %swap3A_89 = arith.constant 0 : index
    %swap3A_90 = vector.load %arg12[%swap3A_87, %swap3A_88, %swap3A_89] : memref<4x2048x128xf32, #tpu.memory_space<vmem>>, vector<1x2048x128xf32>
    %swap3A_91 = vector.shape_cast %swap3A_90 : vector<1x2048x128xf32> to vector<2048x128xf32>
    %swap3A_92 = vector.shape_cast %concatenate3A_86 : vector<2048x128xf32> to vector<1x2048x128xf32>
    tpu.vector_store %arg12[%swap3A_87, %swap3A_88, %swap3A_89], %swap3A_92 {strides = array<i32>} : memref<4x2048x128xf32, #tpu.memory_space<vmem>>, vector<1x2048x128xf32>,
    %slice3A_93 = vector.extract_strided_slice %exp3A {offsets = [0, 192], sizes = [2048, 64], strides = [1, 1]} : vector<2048x256xf32> to vector<2048x64xf32>
    %slice3A_94 = vector.extract_strided_slice %mul3A {offsets = [0, 192], sizes = [2048, 64], strides = [1, 1]} : vector<2048x256xf32> to vector<2048x64xf32>
    %concatenate3A_95 = tpu.concatenate %slice3A_93, %slice3A_94 in 1 : vector<2048x64xf32>, vector<2048x64xf32> -> vector<2048x128xf32>
    %swap3A_96 = arith.constant 3 : index
    %swap3A_97 = arith.constant 0 : index
    %swap3A_98 = arith.constant 0 : index
    %swap3A_99 = vector.load %arg12[%swap3A_96, %swap3A_97, %swap3A_98] : memref<4x2048x128xf32, #tpu.memory_space<vmem>>, vector<1x2048x128xf32>
    %swap3A_100 = vector.shape_cast %swap3A_99 : vector<1x2048x128xf32> to vector<2048x128xf32>
    %swap3A_101 = vector.shape_cast %concatenate3A_95 : vector<2048x128xf32> to vector<1x2048x128xf32>
    tpu.vector_store %arg12[%swap3A_96, %swap3A_97, %swap3A_98], %swap3A_101 {strides = array<i32>} : memref<4x2048x128xf32, #tpu.memory_space<vmem>>, vector<1x2048x128xf32>,
    return
  }
  func.func @transform_0(%arg0: i32) -> (i32, i32) {
    %c0_i32 = arith.constant 0 : i32
    %c0_i32_0 = arith.constant 0 : i32
    return %arg0, %c0_i32 : i32, i32
  }
  func.func @transform_1(%arg0: i32) -> (i32, i32) {
    %c0_i32 = arith.constant 0 : i32
    %c0_i32_0 = arith.constant 0 : i32
    return %arg0, %c0_i32 : i32, i32
  }
  func.func @transform_2(%arg0: i32) -> (i32, i32) {
    %c0_i32 = arith.constant 0 : i32
    %c0_i32_0 = arith.constant 0 : i32
    return %arg0, %c0_i32 : i32, i32
  }
  func.func @transform_3(%arg0: i32) -> (i32, i32) {
    %c0_i32 = arith.constant 0 : i32
    %c0_i32_0 = arith.constant 0 : i32
    %c0_i32_1 = arith.constant 0 : i32
    return %c0_i32, %c0_i32_0 : i32, i32
  }
  func.func @transform_4(%arg0: i32) -> (i32, i32) {
    %c0_i32 = arith.constant 0 : i32
    %c0_i32_0 = arith.constant 0 : i32
    %c0_i32_1 = arith.constant 0 : i32
    return %c0_i32, %c0_i32_0 : i32, i32
  }
  func.func @transform_5(%arg0: i32) -> (i32, i32) {
    %c0_i32 = arith.constant 0 : i32
    %c0_i32_0 = arith.constant 0 : i32
    %c0_i32_1 = arith.constant 0 : i32
    return %c0_i32, %c0_i32_0 : i32, i32
  }
  func.func @transform_6(%arg0: i32) -> (i32, i32) {
    %c0_i32 = arith.constant 0 : i32
    %c0_i32_0 = arith.constant 0 : i32
    %c0_i32_1 = arith.constant 0 : i32
    return %c0_i32, %c0_i32_0 : i32, i32
  }
  func.func @transform_7(%arg0: i32) -> (i32, i32) {
    %c0_i32 = arith.constant 0 : i32
    %c0_i32_0 = arith.constant 0 : i32
    %c0_i32_1 = arith.constant 0 : i32
    return %c0_i32, %c0_i32_0 : i32, i32
  }
  func.func @transform_8(%arg0: i32) -> (i32, i32) {
    %c0_i32 = arith.constant 0 : i32
    %c0_i32_0 = arith.constant 0 : i32
    %c0_i32_1 = arith.constant 0 : i32
    return %c0_i32, %c0_i32_0 : i32, i32
  }
  func.func @transform_9(%arg0: i32) -> (i32, i32) {
    %c0_i32 = arith.constant 0 : i32
    %c0_i32_0 = arith.constant 0 : i32
    %c0_i32_1 = arith.constant 0 : i32
    return %c0_i32, %c0_i32_0 : i32, i32
  }
  func.func @transform_10(%arg0: i32) -> (i32, i32) {
    %c0_i32 = arith.constant 0 : i32
    %c0_i32_0 = arith.constant 0 : i32
    %c0_i32_1 = arith.constant 0 : i32
    return %c0_i32, %c0_i32_0 : i32, i32
  }
  func.func @transform_11(%arg0: i32) -> (i32, i32, i32) {
    %c0_i32 = arith.constant 0 : i32
    %c0_i32_0 = arith.constant 0 : i32
    %c0_i32_1 = arith.constant 0 : i32
    return %c0_i32, %arg0, %c0_i32_0 : i32, i32, i32
  }
}

module attributes {stable_mosaic.version = 14 : i64} {
  func.func @_div_body(%arg0: i32, %arg1: memref<4x512x128xf32, #tpu.memory_space<vmem>>, %arg2: memref<512x256xf32, #tpu.memory_space<vmem>>) attributes {dimension_semantics = [#tpu.dimension_semantics<arbitrary>], iteration_bounds = array<i64: 20>, scalar_prefetch = 0 : i64, scratch_operands = 0 : i64, tpu.core_type = #tpu.core_type<tc>, window_params = [{transform_indices = @transform_0, window_bounds = array<i64: 4, 512, 128>}, {transform_indices = @transform_1, window_bounds = array<i64: 512, 256>}]} {
    %get3A = arith.constant 0 : index
    %get3A_0 = arith.constant 0 : index
    %get3A_1 = arith.constant 0 : index
    %get3A_2 = vector.load %arg1[%get3A, %get3A_0, %get3A_1] : memref<4x512x128xf32, #tpu.memory_space<vmem>>, vector<1x512x64xf32>
    %get3A_3 = vector.shape_cast %get3A_2 : vector<1x512x64xf32> to vector<512x64xf32>
    %get3A_4 = arith.constant 1 : index
    %get3A_5 = arith.constant 0 : index
    %get3A_6 = arith.constant 0 : index
    %get3A_7 = vector.load %arg1[%get3A_4, %get3A_5, %get3A_6] : memref<4x512x128xf32, #tpu.memory_space<vmem>>, vector<1x512x64xf32>
    %get3A_8 = vector.shape_cast %get3A_7 : vector<1x512x64xf32> to vector<512x64xf32>
    %get3A_9 = arith.constant 2 : index
    %get3A_10 = arith.constant 0 : index
    %get3A_11 = arith.constant 0 : index
    %get3A_12 = vector.load %arg1[%get3A_9, %get3A_10, %get3A_11] : memref<4x512x128xf32, #tpu.memory_space<vmem>>, vector<1x512x64xf32>
    %get3A_13 = vector.shape_cast %get3A_12 : vector<1x512x64xf32> to vector<512x64xf32>
    %get3A_14 = arith.constant 3 : index
    %get3A_15 = arith.constant 0 : index
    %get3A_16 = arith.constant 0 : index
    %get3A_17 = vector.load %arg1[%get3A_14, %get3A_15, %get3A_16] : memref<4x512x128xf32, #tpu.memory_space<vmem>>, vector<1x512x64xf32>
    %get3A_18 = vector.shape_cast %get3A_17 : vector<1x512x64xf32> to vector<512x64xf32>
    %concatenate3A = tpu.concatenate %get3A_3, %get3A_8, %get3A_13, %get3A_18 in 1 : vector<512x64xf32>, vector<512x64xf32>, vector<512x64xf32>, vector<512x64xf32> -> vector<512x256xf32>
    %get3A_19 = arith.constant 0 : index
    %get3A_20 = arith.constant 0 : index
    %get3A_21 = arith.constant 64 : index
    %get3A_22 = vector.load %arg1[%get3A_19, %get3A_20, %get3A_21] : memref<4x512x128xf32, #tpu.memory_space<vmem>>, vector<1x512x64xf32>
    %get3A_23 = vector.shape_cast %get3A_22 : vector<1x512x64xf32> to vector<512x64xf32>
    %get3A_24 = arith.constant 1 : index
    %get3A_25 = arith.constant 0 : index
    %get3A_26 = arith.constant 64 : index
    %get3A_27 = vector.load %arg1[%get3A_24, %get3A_25, %get3A_26] : memref<4x512x128xf32, #tpu.memory_space<vmem>>, vector<1x512x64xf32>
    %get3A_28 = vector.shape_cast %get3A_27 : vector<1x512x64xf32> to vector<512x64xf32>
    %get3A_29 = arith.constant 2 : index
    %get3A_30 = arith.constant 0 : index
    %get3A_31 = arith.constant 64 : index
    %get3A_32 = vector.load %arg1[%get3A_29, %get3A_30, %get3A_31] : memref<4x512x128xf32, #tpu.memory_space<vmem>>, vector<1x512x64xf32>
    %get3A_33 = vector.shape_cast %get3A_32 : vector<1x512x64xf32> to vector<512x64xf32>
    %get3A_34 = arith.constant 3 : index
    %get3A_35 = arith.constant 0 : index
    %get3A_36 = arith.constant 64 : index
    %get3A_37 = vector.load %arg1[%get3A_34, %get3A_35, %get3A_36] : memref<4x512x128xf32, #tpu.memory_space<vmem>>, vector<1x512x64xf32>
    %get3A_38 = vector.shape_cast %get3A_37 : vector<1x512x64xf32> to vector<512x64xf32>
    %concatenate3A_39 = tpu.concatenate %get3A_23, %get3A_28, %get3A_33, %get3A_38 in 1 : vector<512x64xf32>, vector<512x64xf32>, vector<512x64xf32>, vector<512x64xf32> -> vector<512x256xf32>
    %add3A = arith.constant 1.000000e-16 : f32
    %add3A_40 = vector.broadcast %add3A : f32 to vector<512x256xf32>
    %add3A_41 = arith.addf %concatenate3A, %add3A_40 : vector<512x256xf32>
    %div3A = arith.divf %concatenate3A_39, %add3A_41 : vector<512x256xf32>
    %swap3A = arith.constant 0 : index
    %swap3A_42 = arith.constant 0 : index
    %swap3A_43 = vector.load %arg2[%swap3A, %swap3A_42] : memref<512x256xf32, #tpu.memory_space<vmem>>, vector<512x256xf32>
    tpu.vector_store %arg2[%swap3A, %swap3A_42], %div3A {strides = array<i32>} : memref<512x256xf32, #tpu.memory_space<vmem>>, vector<512x256xf32>,
    return
  }
  func.func @transform_0(%arg0: i32) -> (i32, i32, i32) {
    %c0_i32 = arith.constant 0 : i32
    %c0_i32_0 = arith.constant 0 : i32
    %c0_i32_1 = arith.constant 0 : i32
    return %c0_i32, %arg0, %c0_i32_0 : i32, i32, i32
  }
  func.func @transform_1(%arg0: i32) -> (i32, i32) {
    %c0_i32 = arith.constant 0 : i32
    %c0_i32_0 = arith.constant 0 : i32
    return %arg0, %c0_i32 : i32, i32
  }
}

</mosaic_0001>

<sc_bundles>
// kernel: kernel.10.cloned.1.call-start
scs
__scs_entry_jumppad:
0x0: {  	(pc) =	sbr.rel $0x88, $3  }
0x1: {  	(tag) =	ssettag $0x0;
	lr =	simm.s32 $0x1  }
0x2: {  	[smem:$0x3F8D] =	sst lr;
	_ =	strace $0xD0000000  }
0x3: {  	_ = 	snop  }
0x4: {  	_ = 	snop  }
0x5: {  	_ = 	snop  }
0x6: {  	_ = 	snop  }
0x7: {  	_ = 	snop  }
__scs_overlays_trampoline_lowered:
0x8: {  	[smem:$0x3F9C] =	sst s0  }
0x9: {  	[smem:$0x3F9D] =	sst s1  }
0xa: {  	[smem:$0x3F9E] =	sst s2  }
0xb: {  	[smem:$0x3F9F] =	sst s3  }
0xc: {  	[smem:$0x3FA0] =	sst s4  }
0xd: {  	[smem:$0x3FA1] =	sst s5  }
0xe: {  	[smem:$0x3FA2] =	sst s6  }
0xf: {  	[smem:$0x3FA3] =	sst s7  }
0x10: {  	[smem:$0x3FA4] =	sst s8  }
0x11: {  	[smem:$0x3FA5] =	sst s9;
	s0 =	simm.s32 @!p0 $0x0  }
0x12: {  	s1 =	sld [smem:$0x3F8B];
	s0 =	simm.s32 @p0 $0x1  }
0x13: {  	[smem:$0x3FA6] =	sst s0;
	s0 =	simm.s32 @!p1 $0x0  }
0x14: {  	s2 =	sld [smem:$0x3F8A];
	s0 =	simm.s32 @p1 $0x1  }
0x15: {  	[smem:$0x3FA7] =	sst s0;
	s0 =	simm.s32 @!p2 $0x0  }
0x16: {  	s3 =	sld [smem:$0x3FDB];
	s0 =	simm.s32 @p2 $0x1  }
0x17: {  	s4 =	simm.s32 $0x1BF5;
	[smem:$0x3FA9] =	sst s0  }
0x18: {  	s0 =	sld [smem:$0x3F8C];
	_ =	swait.ge [sflag:s4], $0x0  }
0x19: {  	s7 =	sld [smem:$0x3F8D]  }
0x1a: {  	s8 =	sadd.s32 $0xFFFFE003, lr  }
0x1b: {  	s9 =	sadd.s32 $0xFFFFFEF7, lr;
	s5 =	simm.s32 $0xFFFFFFFF;
	p2 =	slt.u32 s8, $0xFFFFF086  }
0x1c: {  	p1 =	slt.u32 s9, $0xF7A;
	s5 =	simm.s32 @!p2 $0x0  }
0x1d: {  	s5 =	simm.s32 @p1 $0x1;
	p0 =	seq.s32 s7, s2  }
0x1e: {  	s7 =	smul.u32 @!p0 $0xF7A, s2;
	p2 =	seq.s32 @!p0 s5, $0x0  }
0x1f: {  	s9 =	smul.u32 $0xF7A, s1;
	s8 =	simm.s32 @!p0 $0x1BF5;
	p2 =	por !p2, p0  }
0x20: {  	[sflag:s8] =	ssyncset.s32 @!p0 $0xFFFFF086;
	s6 =	sadd.s32 @!p0 s3, s7;
	s7 =	simm.s32 @!p0 $0x108  }
0x21: {  	s3 =	sadd.s32 s3, s9;
	s6 =	sadd.s32 @!p0 $0x88, s6;
	s7 =	simm.s32 @p2 $0x1082  }
0x22: {  	[simem:s7], [sflag:s8] =	dma.local @!p0 [hbm:s6], $0xF7A  }
0x23: {  	s9 =	sor.u32 $0xD0000000, s2;
	s6 =	simm.s32 $0x108;
	_ =	swait.ge @!p0 [sflag:s8], $0x0  }
0x24: {  	s3 =	sadd.s32 $0x88, s3;
	s6 =	simm.s32 @!p1 $0x1082;
	[sflag:s4] =	ssyncset.s32 $0xFFFFF086  }
0x25: {  	[simem:s6], [sflag:s4] =	dma.local [hbm:s3], $0xF7A  }
0x26: {  	[smem:$0x3F8D] =	sst s1;
	(tag) =	ssettag s2;
	_ =	strace s9  }
0x27: {  	s1 =	sld [smem:$0x3F9D]  }
0x28: {  	s2 =	sld [smem:$0x3F9E]  }
0x29: {  	s4 =	sld [smem:$0x3FA0]  }
0x2a: {  	p0 =	seq.s32 s5, $0x0;
	s5 =	sld [smem:$0x3FA1]  }
0x2b: {  	s6 =	sld [smem:$0x3FA2]  }
0x2c: {  	s7 =	sld [smem:$0x3FA3]  }
0x2d: {  	s3 =	simm.s32 $0x108;
	s8 =	sld [smem:$0x3FA4]  }
0x2e: {  	s3 =	simm.s32 @!p0 $0x1082;
	s9 =	sld [smem:$0x3FA5]  }
0x2f: {  	lr =	sadd.s32 s0, s3;
	s0 =	sld [smem:$0x3F9C]  }
0x30: {  	s3 =	sld [smem:$0x3F9F]  }
0x31: {  	[smem:$0x3FA8] =	sst s10  }
0x32: {  	s10 =	sld [smem:$0x3FA6];
	_ =	sdelay $0x3  }
0x33: {  	p0 =	seq.s32 s10, $0x1;
	s10 =	sld [smem:$0x3FA8];
	_ =	sdelay $0x3  }
0x34: {  	[smem:$0x3FA8] =	sst s10  }
0x35: {  	s10 =	sld [smem:$0x3FA7];
	_ =	sdelay $0x3  }
0x36: {  	p1 =	seq.s32 s10, $0x1;
	s10 =	sld [smem:$0x3FA8];
	_ =	sdelay $0x3  }
0x37: {  	[smem:$0x3FA8] =	sst s10  }
0x38: {  	s10 =	sld [smem:$0x3FA9]  }
0x39: {  	_ = 	snop;
	(pc) =	sbr.ind lr, $3  }
0x3a: {  	_ = 	snop  }
0x3b: {  	_ = 	snop  }
0x3c: {  	p2 =	seq.s32 s10, $0x1;
	s10 =	sld [smem:$0x3FA8]  }
0x3d: {  	_ =	shalt  }
0x3e: {  	_ =	shalt  }
0x3f: {  	_ =	shalt  }
0x40: {  	_ =	shalt  }
0x41: {  	_ =	shalt  }
0x42: {  	_ =	shalt  }
0x43: {  	_ =	shalt  }
0x44: {  	_ =	shalt  }
0x45: {  	_ =	shalt  }
0x46: {  	_ =	shalt  }
0x47: {  	_ =	shalt  }
0x48: {  	_ =	shalt  }
0x49: {  	_ =	shalt  }
0x4a: {  	_ =	shalt  }
0x4b: {  	_ =	shalt  }
0x4c: {  	_ =	shalt  }
0x4d: {  	_ =	shalt  }
0x4e: {  	_ =	shalt  }
0x4f: {  	_ =	shalt  }
0x50: {  	_ =	shalt  }
0x51: {  	_ =	shalt  }
0x52: {  	_ =	shalt  }
0x53: {  	_ =	shalt  }
0x54: {  	_ =	shalt  }
0x55: {  	_ =	shalt  }
0x56: {  	_ =	shalt  }
0x57: {  	_ =	shalt  }
0x58: {  	_ =	shalt  }
0x59: {  	_ =	shalt  }
0x5a: {  	_ =	shalt  }
0x5b: {  	_ =	shalt  }
0x5c: {  	_ =	shalt  }
0x5d: {  	_ =	shalt  }
0x5e: {  	_ =	shalt  }
0x5f: {  	_ =	shalt  }
0x60: {  	_ =	shalt  }
0x61: {  	_ =	shalt  }
0x62: {  	_ =	shalt  }
0x63: {  	_ =	shalt  }
0x64: {  	_ =	shalt  }
0x65: {  	_ =	shalt  }
0x66: {  	_ =	shalt  }
0x67: {  	_ =	shalt  }
0x68: {  	_ =	shalt  }
0x69: {  	_ =	shalt  }
0x6a: {  	_ =	shalt  }
0x6b: {  	_ =	shalt  }
0x6c: {  	_ =	shalt  }
0x6d: {  	_ =	shalt  }
0x6e: {  	_ =	shalt  }
0x6f: {  	_ =	shalt  }
0x70: {  	_ =	shalt  }
0x71: {  	_ =	shalt  }
0x72: {  	_ =	shalt  }
0x73: {  	_ =	shalt  }
0x74: {  	_ =	shalt  }
0x75: {  	_ =	shalt  }
0x76: {  	_ =	shalt  }
0x77: {  	_ =	shalt  }
0x78: {  	_ =	shalt  }
0x79: {  	_ =	shalt  }
0x7a: {  	_ =	shalt  }
0x7b: {  	_ =	shalt  }
0x7c: {  	_ =	shalt  }
0x7d: {  	_ =	shalt  }
0x7e: {  	_ =	shalt  }
0x7f: {  	_ =	shalt  }
0x80: {  	_ =	shalt  }
0x81: {  	_ =	shalt  }
0x82: {  	_ =	shalt  }
0x83: {  	_ =	shalt  }
0x84: {  	_ =	shalt  }
0x85: {  	_ =	shalt  }
0x86: {  	_ =	shalt  }
0x87: {  	_ =	shalt  }
.Lfunc_end0:
.L_simem_size_0:
called_computation.1_lowered:
.L_overlay_start_0:
0x88: {  	s2 =	sld [smem:$0x3FD9]  }
0x89: {  	s3 =	sld [smem:$0x3FFE];
	_ =	sdelay $0x1  }
0x8a: {  	s1 =	srdreg.scid  }
0x8b: {  	s0 =	sand.u32 $0x1, s1  }
0x8c: {  	s16 =	sshll.u32 s0, $0xA;
	s2 =	sadd.s32 s3, s2  }
0x8d: {  	s2 =	sadd.s32 s2, s16  }
0x8e: {  	[smem:$0x3FB4] =	sst s2  }
0x8f: {  	_ = 	snop  }
0x90: {  	(tm) =	ssettm $0x1  }
0x91: {  	s17 =	sld [smem:$0x3FFB];
	_ =	sdelay $0x3  }
0x92: {  	_ =	strace s17  }
0x93: {  	s2 =	sld [smem:$0x3FFC];
	_ =	sdelay $0x3  }
0x94: {  	_ =	strace s2  }
0x95: {  	s2 =	sld [smem:$0x3FFD];
	_ =	sdelay $0x3  }
0x96: {  	_ =	strace s2  }
0x97: {  	_ =	strace $0x8FFFFFFF  }
0x98: {  	s18 =	sld [smem:$0x3FDB];
	_ =	sdelay $0x1  }
0x99: {  	s19 =	simm.s32 $_scs_section_size  }
0x9a: {  	s4 =	simm.s32 $_size__tile_overlayer_lowered;
	s5 =	simm.s32 $_tile_overlayer_lowered  }
0x9b: {  	s22 =	simm.s32 $0x1BFF;
	s21 =	sshll.u32 s5, $0x1;
	s2 =	sadd.s32 s19, s18  }
0x9c: {  	s6 =	simm.s32 $0x0;
	s20 =	sshll.u32 s4, $0x1;
	s4 =	sadd.s32 s21, s2  }
0x9d: {  	[timem:s6], [sflag:s22] =	dma.local [hbm:s4], s20  }
0x9e: {  	_ =	swait.ge [sflag:s22], s20  }
0x9f: {  	s3 =	ssub.s32 $0x0, s20;
	[sflag:s22] =	ssyncset.done $0x0  }
0xa0: {  	[sflag:s22] =	ssyncadd.s32 s3;
	_ =	sdelay $0x1  }
0xa1: {  	s23 =	simm.s32 $0x1B8B  }
0xa2: {  	_ =	swait.ge [sflag:s23], $0x1  }
0xa3: {  	[sflag:s23] =	ssyncset.done $0x0  }
0xa4: {  	s25 =	simm.s32 $0x1B8E;
	s24 =	sld [smem:$0x3FFE];
	[sflag:s23] =	ssyncadd.s32 $0xFFFFFFFF  }
0xa5: {  	s26 =	simm.s32 $execute0_lowered;
	[smem:$0x3FD2] =	sst s25  }
0xa6: {  	s4 =	sshll.u32 s26, $0x1;
	_ =	strace $0x80000049;
	[dreg:$0x1] =	wrdreg $0xFFFFFFFF  }
0xa7: {  	s28 =	simm.s32 $_size_execute0_lowered;
	s2 =	sadd.s32 s2, s4;
	[dreg:$0x0] =	wrdreg $0x0  }
0xa8: {  	s4 =	sshll.u32 s28, $0x1;
	[dreg:$0x2] =	wrdreg s2  }
0xa9: {  	[dreg:$0x3] =	wrdreg s4  }
0xaa: {  	[dreg:$0x4] =	wrdreg $0xC0  }
0xab: {  	_ =	task [dreg:s6], $0x5FFFF  }
0xac: {  	[dreg:$0x1] =	wrdreg $0xFFFFFFFF  }
0xad: {  	[dreg:$0x0] =	wrdreg $0x60  }
0xae: {  	[dreg:$0x2] =	wrdreg s24  }
0xaf: {  	[dreg:$0x3] =	wrdreg $0x0  }
0xb0: {  	[dreg:$0x4] =	wrdreg $0x9  }
0xb1: {  	_ =	task.clear_ibuf [dreg:s6], $0x5FFFF;
	_ =	strace $0x90000049  }
0xb2: {  	s29 =	simm.s32 $0x9;
	_ =	strace $0x8000004B  }
0xb3: {  	_ =	swait.ge [sflag:s29], $0x1  }
0xb4: {  	[sflag:s29] =	ssyncadd.s32 $0xFFFFFFFF  }
0xb5: {  	_ =	strace $0x9000004B  }
0xb6: {  	_ =	sfence  }
0xb7: {  	s30 =	sld [smem:$0x0];
	_ =	sdelay $0x2  }
0xb8: {  	s31 =	sshll.u32 s1, $0xD;
	s1 =	sshrl.u32 s1, $0x2  }
0xb9: {  	s3 =	sand.u32 $0x4000, s31;
	s1 =	sadd.s32 s1, s30  }
0xba: {  	s0 =	sor.u32 s3, s0;
	s1 =	sshll.u32 s1, $0x11  }
0xbb: {  	s0 =	sor.u32 s1, s0  }
0xbc: {  	s0 =	sadd.s32 $0x8F2B, s0  }
0xbd: {  	[sflag:s0] =	ssyncadd.remote.s32 $0x1  }
0xbe: {  	_ =	sfence.sel $0xFFFF  }
0xbf: {  	[dreg:$0x0] =	wrdreg $0xFFFFFFFF;
	(pc) =	sbr.abs _section_cstart, $3  }
0xc0: {  	[dreg:$0x1] =	wrdreg $0xFFFFFFFF  }
0xc1: {  	_ =	task.clear_ibuf [dreg:s6], $0x2FFFF;
	_ =	strace $0x9FFFFFFF  }
0xc2: {  	(tm) =	ssettm $0x7FFFFFFF  }
0xc3: {  	_ =	shalt  }
tec
execute0_lowered:
.L_overlay_start_1:
0x0: {  	(tag) =	ssettag $0x1  }
0x1: {  	s3 =	rddreg [dreg:$0x0]  }
0x2: {  	s1 =	rddreg [dreg:$0x1];
	s25 =	stileid.u32  }
0x3: {  	s2 =	simm.s32 $0x0;
	s4 =	srdreg.scid;
	s0 =	smul.u32 $0x500, s25  }
0x4: {  	s28 =	simm.s32 $0x4;
	s29 =	simm.s32 $0x1B9C0;
	s11 =	smul.u32 $0x13800, s25  }
0x5: {  	s30 =	simm.s32 $0x1BA40;
	s31 =	simm.s32 $0x1BAC0;
	s21 =	smul.u32 $0x4E000, s25  }
0x6: {  	[smem:$0x7FF] =	sst s2;
	s4 =	sand.u32 $0x1, s4;
	s26 =	smul.u32 $0x140000, s25  }
0x7: {  	s7 =	sadd.s32 $0x17800, s3;
	s24 =	sadd.s32 $0x138000, s1;
	s6 =	smul.u32 $0x4E200, s4  }
0x8: {  	p0 =	sne.s32 s25, $0x0;
	p1 =	sne.s32 s25, $0xF;
	s9 =	smul.u32 $0x271000, s4  }
0x9: {  	_ =	strace $0x8000004A;
	s8 =	ssub.s32 $0x2, s4;
	s22 =	smul.u32 $0x2800000, s4  }
0xa: {  	s4 =	sshllo.u32 s4, $0x1;
	[dreg:$0x14] =	wrdreg s24;
	p2 =	sne.s32 @p1 s25, $0x0  }
0xb: {  	s5 =	sadd.s32 s0, s3;
	s0 =	sadd.s32 $0x882000, s3;
	s13 =	smul.u32 $0x27100, s4  }
0xc: {  	s3 =	sadd.s32 $0xB3C00, s3;
	s10 =	sshrl.u32 s8, $0x1;
	s4 =	smul.u32 $0x138800, s4  }
0xd: {  	s8 =	ssub.s32 s8, s10;
	s6 =	sadd.s32 s7, s6;
	s12 =	sadd.s32 s11, s9  }
0xe: {  	s23 =	sshrl.u32 s9, $0x3;
	[dreg:$0xf] =	wrdreg s6;
	s12 =	sshrl.u32 s12, $0x3  }
0xf: {  	s6 =	sshrl.u32 s21, $0x2;
	s7 =	sadd.s32 s7, s13;
	s8 =	smax.u32 s8, $0x1  }
0x10: {  	s9 =	sadd.s32 s11, s4;
	s4 =	sshrl.u32 s4, $0x3;
	[dreg:$0x12] =	wrdreg s7  }
0x11: {  	s12 =	sadd.s32 s3, s12;
	s6 =	sadd.s32 s6, s1;
	[dreg:$0x15] =	wrdreg s8  }
0x12: {  	s7 =	sshrl.u32 s9, $0x3;
	s4 =	sadd.s32 s3, s4;
	[dreg:$0x10] =	wrdreg s12  }
0x13: {  	[dreg:$0x11] =	wrdreg s6;
	s6 =	sadd.s32 s3, s23;
	s3 =	sadd.s32 s3, s7  }
0x14: {  	s25 =	simm.s32 $0x2;
	s11 =	sadd.s32 $0x27000, s4;
	[dreg:$0x16] =	wrdreg s3  }
0x15: {  	p2 =	por p2, !p1;
	s6 =	sadd.s32 $0x27000, s6;
	[dreg:$0x17] =	wrdreg s11  }
0x16: {  	s11 =	sadd.s32 $0x2800, s5;
	[dreg:$0x13] =	wrdreg s6;
	s6 =	sadd.s32 s26, s22  }
0x17: {  	s12 =	sor.u32 $0x1C000, s6;
	s13 =	sor.u32 $0x18000, s6;
	s14 =	sor.u32 $0x14000, s6  }
0x18: {  	s18 =	sor.u32 $0x10000, s6;
	s20 =	sor.u32 $0xC000, s6;
	s21 =	sor.u32 $0x8000, s6  }
0x19: {  	s26 =	sor.u32 $0x4000, s6;
	s5 =	sadd.s32 $0x141C000, s6;
	s8 =	sadd.s32 $0x1418000, s6  }
0x1a: {  	s9 =	sshrl.u32 s6, $0x3;
	s3 =	sshrl.u32 s12, $0x3;
	s4 =	sshrl.u32 s13, $0x3  }
0x1b: {  	s16 =	sshrl.u32 s14, $0x3;
	s19 =	sshrl.u32 s18, $0x3;
	s23 =	sshrl.u32 s21, $0x3  }
0x1c: {  	s7 =	sshrl.u32 s5, $0x3;
	s12 =	sadd.s32 $0x1414000, s6;
	s3 =	sadd.s32 s3, s0  }
0x1d: {  	s15 =	sadd.s32 s4, s0;
	s17 =	sadd.s32 s16, s0;
	s4 =	sshrl.u32 s20, $0x3  }
0x1e: {  	s24 =	sadd.s32 s23, s0;
	s13 =	sshrl.u32 s12, $0x3;
	[dreg:$0x3] =	wrdreg s3  }
0x1f: {  	s16 =	sadd.s32 $0x140C000, s6;
	s20 =	sadd.s32 $0x1408000, s6;
	[dreg:$0x4] =	wrdreg s15  }
0x20: {  	s23 =	sadd.s32 $0x1400000, s6;
	s12 =	simm.s32 $0x6;
	[dreg:$0x5] =	wrdreg s17  }
0x21: {  	s3 =	sadd.s32 s19, s0;
	s22 =	sadd.s32 s4, s0;
	[dreg:$0x8] =	wrdreg s24  }
0x22: {  	s4 =	sshrl.u32 s26, $0x3;
	s15 =	sadd.s32 $0x1410000, s6;
	s18 =	sshrl.u32 s16, $0x3  }
0x23: {  	s21 =	sshrl.u32 s20, $0x3;
	s26 =	sshrl.u32 s23, $0x3;
	[dreg:$0x6] =	wrdreg s3  }
0x24: {  	s20 =	simm.s32 $0x138C0;
	s23 =	simm.s32 $0x80;
	[dreg:$0x7] =	wrdreg s22  }
0x25: {  	s14 =	sadd.s32 s4, s0;
	s3 =	sadd.s32 s7, s0;
	s4 =	sshrl.u32 s8, $0x3  }
0x26: {  	s19 =	sadd.s32 s18, s0;
	s22 =	sadd.s32 $0x1404000, s6;
	s18 =	simm.s32 $0x1B8C0  }
0x27: {  	s6 =	simm.s32 $0x0;
	[dreg:$0x9] =	wrdreg s3;
	s10 =	sadd.s32 s4, s0  }
0x28: {  	s3 =	sadd.s32 s13, s0;
	s4 =	sshrl.u32 s15, $0x3;
	[dreg:$0xd] =	wrdreg s19  }
0x29: {  	s15 =	sadd.s32 s9, s0;
	s24 =	sshrl.u32 s22, $0x3;
	[dreg:$0xa] =	wrdreg s10  }
0x2a: {  	s19 =	simm.s32 $0x5;
	s22 =	simm.s32 $0x1;
	[dreg:$0xb] =	wrdreg s3  }
0x2b: {  	s17 =	sadd.s32 s4, s0;
	s3 =	sadd.s32 s21, s0;
	s16 =	sadd.s32 s24, s0  }
0x2c: {  	s21 =	simm.s32 $0x178C0;
	s24 =	simm.s32 $0x3;
	[dreg:$0xc] =	wrdreg s17  }
0x2d: {  	s4 =	simm.s32 $0x1BC40;
	[dreg:$0xe] =	wrdreg s3;
	s17 =	sadd.s32 s26, s0  }
0x2e: {  	s26 =	simm.s32 $0x1B940;
	s0 =	simm.s32 $0x1BB40;
	s3 =	simm.s32 $0x1BBC0  }
.LBB2_1:
0x2f: {  	s7 =	sshrl.u32 @!p0 s1, $0x3;
	s8 =	simm.s32 @!p0 $0x1C06;
	s5 =	rddreg [dreg:$0xf]  }
0x30: {  	[spmem:s7], [sflag:s8] =	dma.local @!p0 [hbm:s5], $0x27100  }
0x31: {  	s7 =	simm.s32 @!p0 $0x6  }
0x32: {  	_ =	swait.ge @!p0 [sflag:s7], $0x27100  }
0x33: {  	[sflag:s7] =	ssyncset.done @!p0 $0x0  }
0x34: {  	[sflag:s7] =	ssyncadd.s32 @!p0 $0xFFFD8F00  }
0x35: {  	[bflag:$0x0] =	sbarrier.arrive $0xFFFF  }
0x36: {  	[tilespmem:s18], [sflag:$0x5] =	stream.linear.gather [hbm4b:s11+s2], $0x400, $0x38;
	[tilespmem:$0x1BCC0] =	vst v63  }
0x37: {  	_ =	swait.ge [sflag:s19], $0x400  }
0x38: {  	[sflag:s19] =	ssyncset.done $0x0  }
0x39: {  	s9 =	sadd.s32 $0x0, s15;
	[sflag:s19] =	ssyncadd.s32 $0xFFFFFC00  }
0x3a: {  	[tilespmem:s20], [sflag:$0x1] =	stream.linear.gather [hbm4b:s9+s2], $0x4000, $0x38;
	[tilespmem:$0x1BCC0] =	vst v63  }
0x3b: {  	s10 =	sadd.s32 $0x0, s14  }
0x3c: {  	[tilespmem:s21], [sflag:$0x2] =	stream.linear.gather [hbm4b:s10+s2], $0x4000, $0x38;
	[tilespmem:$0x1BCC0] =	vst v63  }
0x3d: {  	_ =	swait.ge [sflag:s22], $0x4000  }
0x3e: {  	[sflag:s22] =	ssyncset.done $0x0  }
0x3f: {  	[sflag:s22] =	ssyncadd.s32 $0xFFFFC000  }
0x40: {  	[spmem:s1] =	stream.indirect.scatter.add.f32 [tilespmem:s20], [sflag:$0x3], $0x80, s18, s23, $0xb8;
	[tilespmem:$0x1BCC0] =	vst v63  }
0x41: {  	_ =	swait.ge [sflag:s24], $0x4000  }
0x42: {  	s13 =	rddreg [dreg:$0x8];
	[sflag:s24] =	ssyncset.done $0x0  }
0x43: {  	[sflag:s24] =	ssyncadd.s32 $0xFFFFC000;
	s7 =	sadd.s32 $0x0, s13  }
0x44: {  	[tilespmem:s20], [sflag:$0x1] =	stream.linear.gather [hbm4b:s7+s2], $0x4000, $0x38;
	[tilespmem:$0x1BCC0] =	vst v63  }
0x45: {  	_ =	swait.ge [sflag:s25], $0x4000  }
0x46: {  	[sflag:s25] =	ssyncset.done $0x0  }
0x47: {  	[sflag:s25] =	ssyncadd.s32 $0xFFFFC000  }
0x48: {  	[spmem:s1] =	stream.indirect.scatter.add.f32 [tilespmem:s21], [sflag:$0x4], $0x80, s26, s23, $0xb8;
	[tilespmem:$0x1BCC0] =	vst v63  }
0x49: {  	_ =	swait.ge [sflag:s28], $0x4000  }
0x4a: {  	s5 =	rddreg [dreg:$0x7];
	[sflag:s28] =	ssyncset.done $0x0  }
0x4b: {  	[sflag:s28] =	ssyncadd.s32 $0xFFFFC000;
	s7 =	sadd.s32 $0x0, s5  }
0x4c: {  	[tilespmem:s21], [sflag:$0x2] =	stream.linear.gather [hbm4b:s7+s2], $0x4000, $0x38;
	[tilespmem:$0x1BCC0] =	vst v63  }
0x4d: {  	_ =	swait.ge [sflag:s22], $0x4000  }
0x4e: {  	[sflag:s22] =	ssyncset.done $0x0  }
0x4f: {  	[sflag:s22] =	ssyncadd.s32 $0xFFFFC000  }
0x50: {  	[spmem:s1] =	stream.indirect.scatter.add.f32 [tilespmem:s20], [sflag:$0x3], $0x80, s29, s23, $0xb8;
	[tilespmem:$0x1BCC0] =	vst v63  }
0x51: {  	_ =	swait.ge [sflag:s24], $0x4000  }
0x52: {  	s8 =	rddreg [dreg:$0x6];
	[sflag:s24] =	ssyncset.done $0x0  }
0x53: {  	[sflag:s24] =	ssyncadd.s32 $0xFFFFC000;
	s7 =	sadd.s32 $0x0, s8  }
0x54: {  	[tilespmem:s20], [sflag:$0x1] =	stream.linear.gather [hbm4b:s7+s2], $0x4000, $0x38;
	[tilespmem:$0x1BCC0] =	vst v63  }
0x55: {  	_ =	swait.ge [sflag:s25], $0x4000  }
0x56: {  	[sflag:s25] =	ssyncset.done $0x0  }
0x57: {  	[sflag:s25] =	ssyncadd.s32 $0xFFFFC000  }
0x58: {  	[spmem:s1] =	stream.indirect.scatter.add.f32 [tilespmem:s21], [sflag:$0x4], $0x80, s30, s23, $0xb8;
	[tilespmem:$0x1BCC0] =	vst v63  }
0x59: {  	_ =	swait.ge [sflag:s28], $0x4000  }
0x5a: {  	s9 =	rddreg [dreg:$0x5];
	[sflag:s28] =	ssyncset.done $0x0  }
0x5b: {  	[sflag:s28] =	ssyncadd.s32 $0xFFFFC000;
	s7 =	sadd.s32 $0x0, s9  }
0x5c: {  	[tilespmem:s21], [sflag:$0x2] =	stream.linear.gather [hbm4b:s7+s2], $0x4000, $0x38;
	[tilespmem:$0x1BCC0] =	vst v63  }
0x5d: {  	_ =	swait.ge [sflag:s22], $0x4000  }
0x5e: {  	[sflag:s22] =	ssyncset.done $0x0  }
0x5f: {  	[sflag:s22] =	ssyncadd.s32 $0xFFFFC000  }
0x60: {  	[spmem:s1] =	stream.indirect.scatter.add.f32 [tilespmem:s20], [sflag:$0x3], $0x80, s31, s23, $0xb8;
	[tilespmem:$0x1BCC0] =	vst v63  }
0x61: {  	_ =	swait.ge [sflag:s24], $0x4000  }
0x62: {  	s10 =	rddreg [dreg:$0x4];
	[sflag:s24] =	ssyncset.done $0x0  }
0x63: {  	[sflag:s24] =	ssyncadd.s32 $0xFFFFC000;
	s7 =	sadd.s32 $0x0, s10  }
0x64: {  	[tilespmem:s20], [sflag:$0x1] =	stream.linear.gather [hbm4b:s7+s2], $0x4000, $0x38;
	[tilespmem:$0x1BCC0] =	vst v63  }
0x65: {  	_ =	swait.ge [sflag:s25], $0x4000  }
0x66: {  	[sflag:s25] =	ssyncset.done $0x0  }
0x67: {  	[sflag:s25] =	ssyncadd.s32 $0xFFFFC000  }
0x68: {  	[spmem:s1] =	stream.indirect.scatter.add.f32 [tilespmem:s21], [sflag:$0x4], $0x80, s0, s23, $0xb8;
	[tilespmem:$0x1BCC0] =	vst v63  }
0x69: {  	_ =	swait.ge [sflag:s28], $0x4000  }
0x6a: {  	s13 =	rddreg [dreg:$0x3];
	[sflag:s28] =	ssyncset.done $0x0  }
0x6b: {  	[sflag:s28] =	ssyncadd.s32 $0xFFFFC000;
	s7 =	sadd.s32 $0x0, s13  }
0x6c: {  	[tilespmem:s21], [sflag:$0x2] =	stream.linear.gather [hbm4b:s7+s2], $0x4000, $0x38;
	[tilespmem:$0x1BCC0] =	vst v63  }
0x6d: {  	_ =	swait.ge [sflag:s22], $0x4000  }
0x6e: {  	[sflag:s22] =	ssyncset.done $0x0  }
0x6f: {  	[sflag:s22] =	ssyncadd.s32 $0xFFFFC000  }
0x70: {  	[spmem:s1] =	stream.indirect.scatter.add.f32 [tilespmem:s20], [sflag:$0x3], $0x80, s3, s23, $0xb8;
	[tilespmem:$0x1BCC0] =	vst v63  }
0x71: {  	_ =	swait.ge [sflag:s25], $0x4000  }
0x72: {  	[sflag:s25] =	ssyncset.done $0x0  }
0x73: {  	[sflag:s25] =	ssyncadd.s32 $0xFFFFC000  }
0x74: {  	[spmem:s1] =	stream.indirect.scatter.add.f32 [tilespmem:s21], [sflag:$0x4], $0x80, s4, s23, $0xb8;
	[tilespmem:$0x1BCC0] =	vst v63  }
0x75: {  	_ =	swait.ge [sflag:s24], $0x4000  }
0x76: {  	[sflag:s24] =	ssyncset.done $0x0  }
0x77: {  	[sflag:s24] =	ssyncadd.s32 $0xFFFFC000  }
0x78: {  	_ =	swait.ge [sflag:s28], $0x4000  }
0x79: {  	s8 =	smov.u32 s11;
	s7 =	simm.s32 $0x4000;
	[sflag:s28] =	ssyncset.done $0x0  }
.LBB2_2:
0x7a: {  	[sflag:s28] =	ssyncadd.s32 $0xFFFFC000;
	s8 =	sadd.s32 $0x80, s8  }
0x7b: {  	[tilespmem:s18], [sflag:$0x5] =	stream.linear.gather [hbm4b:s8+s2], $0x400, $0x38;
	[tilespmem:$0x1BCC0] =	vst v63  }
0x7c: {  	_ =	swait.ge [sflag:s19], $0x400  }
0x7d: {  	s9 =	smov.u32 s7;
	[sflag:s19] =	ssyncset.done $0x0  }
0x7e: {  	s10 =	sadd.s32 s9, s15;
	[sflag:s19] =	ssyncadd.s32 $0xFFFFFC00  }
0x7f: {  	[tilespmem:s20], [sflag:$0x1] =	stream.linear.gather [hbm4b:s10+s2], $0x4000, $0x38;
	[tilespmem:$0x1BCC0] =	vst v63  }
0x80: {  	s13 =	sadd.s32 s9, s14  }
0x81: {  	[tilespmem:s21], [sflag:$0x2] =	stream.linear.gather [hbm4b:s13+s2], $0x4000, $0x38;
	[tilespmem:$0x1BCC0] =	vst v63  }
0x82: {  	_ =	swait.ge [sflag:s22], $0x4000  }
0x83: {  	[sflag:s22] =	ssyncset.done $0x0  }
0x84: {  	[sflag:s22] =	ssyncadd.s32 $0xFFFFC000  }
0x85: {  	[spmem:s1] =	stream.indirect.scatter.add.f32 [tilespmem:s20], [sflag:$0x3], $0x80, s18, s23, $0xb8;
	[tilespmem:$0x1BCC0] =	vst v63  }
0x86: {  	_ =	swait.ge [sflag:s24], $0x4000  }
0x87: {  	s5 =	rddreg [dreg:$0x8];
	[sflag:s24] =	ssyncset.done $0x0  }
0x88: {  	[sflag:s24] =	ssyncadd.s32 $0xFFFFC000;
	s10 =	sadd.s32 s9, s5  }
0x89: {  	[tilespmem:s20], [sflag:$0x1] =	stream.linear.gather [hbm4b:s10+s2], $0x4000, $0x38;
	[tilespmem:$0x1BCC0] =	vst v63  }
0x8a: {  	_ =	swait.ge [sflag:s25], $0x4000  }
0x8b: {  	[sflag:s25] =	ssyncset.done $0x0  }
0x8c: {  	[sflag:s25] =	ssyncadd.s32 $0xFFFFC000  }
0x8d: {  	[spmem:s1] =	stream.indirect.scatter.add.f32 [tilespmem:s21], [sflag:$0x4], $0x80, s26, s23, $0xb8;
	[tilespmem:$0x1BCC0] =	vst v63  }
0x8e: {  	_ =	swait.ge [sflag:s28], $0x4000  }
0x8f: {  	s13 =	rddreg [dreg:$0x7];
	[sflag:s28] =	ssyncset.done $0x0  }
0x90: {  	[sflag:s28] =	ssyncadd.s32 $0xFFFFC000;
	s10 =	sadd.s32 s9, s13  }
0x91: {  	[tilespmem:s21], [sflag:$0x2] =	stream.linear.gather [hbm4b:s10+s2], $0x4000, $0x38;
	[tilespmem:$0x1BCC0] =	vst v63  }
0x92: {  	_ =	swait.ge [sflag:s22], $0x4000  }
0x93: {  	[sflag:s22] =	ssyncset.done $0x0  }
0x94: {  	[sflag:s22] =	ssyncadd.s32 $0xFFFFC000  }
0x95: {  	[spmem:s1] =	stream.indirect.scatter.add.f32 [tilespmem:s20], [sflag:$0x3], $0x80, s29, s23, $0xb8;
	[tilespmem:$0x1BCC0] =	vst v63  }
0x96: {  	_ =	swait.ge [sflag:s24], $0x4000  }
0x97: {  	s5 =	rddreg [dreg:$0x6];
	[sflag:s24] =	ssyncset.done $0x0  }
0x98: {  	[sflag:s24] =	ssyncadd.s32 $0xFFFFC000;
	s10 =	sadd.s32 s9, s5  }
0x99: {  	[tilespmem:s20], [sflag:$0x1] =	stream.linear.gather [hbm4b:s10+s2], $0x4000, $0x38;
	[tilespmem:$0x1BCC0] =	vst v63  }
0x9a: {  	_ =	swait.ge [sflag:s25], $0x4000  }
0x9b: {  	[sflag:s25] =	ssyncset.done $0x0  }
0x9c: {  	[sflag:s25] =	ssyncadd.s32 $0xFFFFC000  }
0x9d: {  	[spmem:s1] =	stream.indirect.scatter.add.f32 [tilespmem:s21], [sflag:$0x4], $0x80, s30, s23, $0xb8;
	[tilespmem:$0x1BCC0] =	vst v63  }
0x9e: {  	_ =	swait.ge [sflag:s28], $0x4000  }
0x9f: {  	s13 =	rddreg [dreg:$0x5];
	[sflag:s28] =	ssyncset.done $0x0  }
0xa0: {  	[sflag:s28] =	ssyncadd.s32 $0xFFFFC000;
	s10 =	sadd.s32 s9, s13  }
0xa1: {  	[tilespmem:s21], [sflag:$0x2] =	stream.linear.gather [hbm4b:s10+s2], $0x4000, $0x38;
	[tilespmem:$0x1BCC0] =	vst v63  }
0xa2: {  	_ =	swait.ge [sflag:s22], $0x4000  }
0xa3: {  	[sflag:s22] =	ssyncset.done $0x0  }
0xa4: {  	[sflag:s22] =	ssyncadd.s32 $0xFFFFC000  }
0xa5: {  	[spmem:s1] =	stream.indirect.scatter.add.f32 [tilespmem:s20], [sflag:$0x3], $0x80, s31, s23, $0xb8;
	[tilespmem:$0x1BCC0] =	vst v63  }
0xa6: {  	_ =	swait.ge [sflag:s24], $0x4000  }
0xa7: {  	s5 =	rddreg [dreg:$0x4];
	[sflag:s24] =	ssyncset.done $0x0  }
0xa8: {  	[sflag:s24] =	ssyncadd.s32 $0xFFFFC000;
	s10 =	sadd.s32 s9, s5  }
0xa9: {  	[tilespmem:s20], [sflag:$0x1] =	stream.linear.gather [hbm4b:s10+s2], $0x4000, $0x38;
	[tilespmem:$0x1BCC0] =	vst v63  }
0xaa: {  	_ =	swait.ge [sflag:s25], $0x4000  }
0xab: {  	[sflag:s25] =	ssyncset.done $0x0  }
0xac: {  	[sflag:s25] =	ssyncadd.s32 $0xFFFFC000  }
0xad: {  	[spmem:s1] =	stream.indirect.scatter.add.f32 [tilespmem:s21], [sflag:$0x4], $0x80, s0, s23, $0xb8;
	[tilespmem:$0x1BCC0] =	vst v63  }
0xae: {  	_ =	swait.ge [sflag:s28], $0x4000  }
0xaf: {  	s13 =	rddreg [dreg:$0x3];
	[sflag:s28] =	ssyncset.done $0x0  }
0xb0: {  	[sflag:s28] =	ssyncadd.s32 $0xFFFFC000;
	s9 =	sadd.s32 s9, s13  }
0xb1: {  	[tilespmem:s21], [sflag:$0x2] =	stream.linear.gather [hbm4b:s9+s2], $0x4000, $0x38;
	[tilespmem:$0x1BCC0] =	vst v63  }
0xb2: {  	_ =	swait.ge [sflag:s22], $0x4000  }
0xb3: {  	[sflag:s22] =	ssyncset.done $0x0  }
0xb4: {  	[sflag:s22] =	ssyncadd.s32 $0xFFFFC000  }
0xb5: {  	[spmem:s1] =	stream.indirect.scatter.add.f32 [tilespmem:s20], [sflag:$0x3], $0x80, s3, s23, $0xb8;
	[tilespmem:$0x1BCC0] =	vst v63  }
0xb6: {  	_ =	swait.ge [sflag:s25], $0x4000  }
0xb7: {  	[sflag:s25] =	ssyncset.done $0x0  }
0xb8: {  	p3 =	sne.s32 s7, $0x24000;
	[sflag:s25] =	ssyncadd.s32 $0xFFFFC000  }
0xb9: {  	[spmem:s1] =	stream.indirect.scatter.add.f32 [tilespmem:s21], [sflag:$0x4], $0x80, s4, s23, $0xb8;
	[tilespmem:$0x1BCC0] =	vst v63  }
.Ltmp0:
0xba: {  	_ =	swait.ge [sflag:s24], $0x4000;
	(pc) =	sbr.rel @p3 .LBB2_2-.Ltmp0, $4  }
0xbb: {  	[sflag:s24] =	ssyncset.done $0x0  }
0xbc: {  	[sflag:s24] =	ssyncadd.s32 $0xFFFFC000  }
0xbd: {  	_ =	swait.ge [sflag:s28], $0x4000  }
0xbe: {  	s7 =	sadd.s32 $0x4000, s7;
	[sflag:s28] =	ssyncset.done $0x0  }
0xbf: {  	[sflag:s28] =	ssyncadd.s32 $0xFFFFC000  }
0xc0: {  	s5 =	stileid.u32;
	[bflag:$0x0] =	sbarrier.arrive $0xFFFF  }
0xc1: {  	s7 =	sshll.u32 s5, $0x6;
	s9 =	rddreg [dreg:$0x11]  }
0xc2: {  	s7 =	sor.u32 $0x1C06, s7;
	s10 =	rddreg [dreg:$0x10];
	s8 =	sshrl.u32 s9, $0x3  }
0xc3: {  	[hbm:s10], [sflag:s7] =	dma.local [spmem:s8], $0x2700  }
0xc4: {  	_ =	swait.ge [sflag:s12], $0x2700  }
0xc5: {  	[sflag:s12] =	ssyncset.done $0x0  }
0xc6: {  	[sflag:s12] =	ssyncadd.s32 $0xFFFFD900  }
0xc7: {  	[bflag:$0x0] =	sbarrier.arrive @p1 $0xFFFF  }
0xc8: {  	s9 =	sshrl.u32 @!p2 s1, $0x3;
	s5 =	rddreg [dreg:$0x12]  }
0xc9: {  	[spmem:s9], [sflag:s7] =	dma.local @!p2 [hbm:s5], $0x27100  }
0xca: {  	s9 =	simm.s32 @!p2 $0x6  }
0xcb: {  	_ =	swait.ge @!p2 [sflag:s9], $0x27100  }
0xcc: {  	s10 =	simm.s32 @!p1 $0x6;
	[sflag:s9] =	ssyncset.done @!p2 $0x0;
	s5 =	rddreg [dreg:$0x14]  }
0xcd: {  	[sflag:s9] =	ssyncadd.s32 @!p2 $0xFFFD8F00;
	s9 =	sshrl.u32 @!p1 s5, $0x3;
	s5 =	rddreg [dreg:$0x13]  }
0xce: {  	[hbm:s5], [sflag:s7] =	dma.local @!p1 [spmem:s9], $0x100  }
0xcf: {  	_ =	swait.ge @!p1 [sflag:s10], $0x100  }
0xd0: {  	[sflag:s10] =	ssyncset.done @!p1 $0x0  }
0xd1: {  	[sflag:s10] =	ssyncadd.s32 @!p1 $0xFFFFFF00  }
0xd2: {  	[bflag:$0x0] =	sbarrier.arrive @!p1 $0xFFFF  }
0xd3: {  	[bflag:$0x0] =	sbarrier.arrive $0xFFFF  }
0xd4: {  	[tilespmem:s18], [sflag:$0x5] =	stream.linear.gather [hbm4b:s11+s2], $0x400, $0x38;
	[tilespmem:$0x1BCC0] =	vst v63  }
0xd5: {  	_ =	swait.ge [sflag:s19], $0x400  }
0xd6: {  	[sflag:s19] =	ssyncset.done $0x0  }
0xd7: {  	s12 =	sadd.s32 $0x0, s17;
	[sflag:s19] =	ssyncadd.s32 $0xFFFFFC00  }
0xd8: {  	[tilespmem:s20], [sflag:$0x1] =	stream.linear.gather [hbm4b:s12+s2], $0x4000, $0x38;
	[tilespmem:$0x1BCC0] =	vst v63  }
0xd9: {  	s13 =	sadd.s32 $0x0, s16  }
0xda: {  	[tilespmem:s21], [sflag:$0x2] =	stream.linear.gather [hbm4b:s13+s2], $0x4000, $0x38;
	[tilespmem:$0x1BCC0] =	vst v63  }
0xdb: {  	_ =	swait.ge [sflag:s22], $0x4000  }
0xdc: {  	[sflag:s22] =	ssyncset.done $0x0  }
0xdd: {  	[sflag:s22] =	ssyncadd.s32 $0xFFFFC000  }
0xde: {  	[spmem:s1] =	stream.indirect.scatter.add.f32 [tilespmem:s20], [sflag:$0x3], $0x80, s18, s23, $0xb8;
	[tilespmem:$0x1BCC0] =	vst v63  }
0xdf: {  	_ =	swait.ge [sflag:s24], $0x4000  }
0xe0: {  	s5 =	rddreg [dreg:$0xe];
	[sflag:s24] =	ssyncset.done $0x0  }
0xe1: {  	[sflag:s24] =	ssyncadd.s32 $0xFFFFC000;
	s10 =	sadd.s32 $0x0, s5  }
0xe2: {  	[tilespmem:s20], [sflag:$0x1] =	stream.linear.gather [hbm4b:s10+s2], $0x4000, $0x38;
	[tilespmem:$0x1BCC0] =	vst v63  }
0xe3: {  	_ =	swait.ge [sflag:s25], $0x4000  }
0xe4: {  	[sflag:s25] =	ssyncset.done $0x0  }
0xe5: {  	[sflag:s25] =	ssyncadd.s32 $0xFFFFC000  }
0xe6: {  	[spmem:s1] =	stream.indirect.scatter.add.f32 [tilespmem:s21], [sflag:$0x4], $0x80, s26, s23, $0xb8;
	[tilespmem:$0x1BCC0] =	vst v63  }
0xe7: {  	_ =	swait.ge [sflag:s28], $0x4000  }
0xe8: {  	s12 =	rddreg [dreg:$0xd];
	[sflag:s28] =	ssyncset.done $0x0  }
0xe9: {  	[sflag:s28] =	ssyncadd.s32 $0xFFFFC000;
	s10 =	sadd.s32 $0x0, s12  }
0xea: {  	[tilespmem:s21], [sflag:$0x2] =	stream.linear.gather [hbm4b:s10+s2], $0x4000, $0x38;
	[tilespmem:$0x1BCC0] =	vst v63  }
0xeb: {  	_ =	swait.ge [sflag:s22], $0x4000  }
0xec: {  	[sflag:s22] =	ssyncset.done $0x0  }
0xed: {  	[sflag:s22] =	ssyncadd.s32 $0xFFFFC000  }
0xee: {  	[spmem:s1] =	stream.indirect.scatter.add.f32 [tilespmem:s20], [sflag:$0x3], $0x80, s29, s23, $0xb8;
	[tilespmem:$0x1BCC0] =	vst v63  }
0xef: {  	_ =	swait.ge [sflag:s24], $0x4000  }
0xf0: {  	s13 =	rddreg [dreg:$0xc];
	[sflag:s24] =	ssyncset.done $0x0  }
0xf1: {  	[sflag:s24] =	ssyncadd.s32 $0xFFFFC000;
	s10 =	sadd.s32 $0x0, s13  }
0xf2: {  	[tilespmem:s20], [sflag:$0x1] =	stream.linear.gather [hbm4b:s10+s2], $0x4000, $0x38;
	[tilespmem:$0x1BCC0] =	vst v63  }
0xf3: {  	_ =	swait.ge [sflag:s25], $0x4000  }
0xf4: {  	[sflag:s25] =	ssyncset.done $0x0  }
0xf5: {  	[sflag:s25] =	ssyncadd.s32 $0xFFFFC000  }
0xf6: {  	[spmem:s1] =	stream.indirect.scatter.add.f32 [tilespmem:s21], [sflag:$0x4], $0x80, s30, s23, $0xb8;
	[tilespmem:$0x1BCC0] =	vst v63  }
0xf7: {  	_ =	swait.ge [sflag:s28], $0x4000  }
0xf8: {  	s5 =	rddreg [dreg:$0xb];
	[sflag:s28] =	ssyncset.done $0x0  }
0xf9: {  	[sflag:s28] =	ssyncadd.s32 $0xFFFFC000;
	s10 =	sadd.s32 $0x0, s5  }
0xfa: {  	[tilespmem:s21], [sflag:$0x2] =	stream.linear.gather [hbm4b:s10+s2], $0x4000, $0x38;
	[tilespmem:$0x1BCC0] =	vst v63  }
0xfb: {  	_ =	swait.ge [sflag:s22], $0x4000  }
0xfc: {  	[sflag:s22] =	ssyncset.done $0x0  }
0xfd: {  	[sflag:s22] =	ssyncadd.s32 $0xFFFFC000  }
0xfe: {  	[spmem:s1] =	stream.indirect.scatter.add.f32 [tilespmem:s20], [sflag:$0x3], $0x80, s31, s23, $0xb8;
	[tilespmem:$0x1BCC0] =	vst v63  }
0xff: {  	_ =	swait.ge [sflag:s24], $0x4000  }
0x100: {  	s12 =	rddreg [dreg:$0xa];
	[sflag:s24] =	ssyncset.done $0x0  }
0x101: {  	[sflag:s24] =	ssyncadd.s32 $0xFFFFC000;
	s10 =	sadd.s32 $0x0, s12  }
0x102: {  	[tilespmem:s20], [sflag:$0x1] =	stream.linear.gather [hbm4b:s10+s2], $0x4000, $0x38;
	[tilespmem:$0x1BCC0] =	vst v63  }
0x103: {  	_ =	swait.ge [sflag:s25], $0x4000  }
0x104: {  	[sflag:s25] =	ssyncset.done $0x0  }
0x105: {  	[sflag:s25] =	ssyncadd.s32 $0xFFFFC000  }
0x106: {  	[spmem:s1] =	stream.indirect.scatter.add.f32 [tilespmem:s21], [sflag:$0x4], $0x80, s0, s23, $0xb8;
	[tilespmem:$0x1BCC0] =	vst v63  }
0x107: {  	_ =	swait.ge [sflag:s28], $0x4000  }
0x108: {  	s13 =	rddreg [dreg:$0x9];
	[sflag:s28] =	ssyncset.done $0x0  }
0x109: {  	[sflag:s28] =	ssyncadd.s32 $0xFFFFC000;
	s10 =	sadd.s32 $0x0, s13  }
0x10a: {  	[tilespmem:s21], [sflag:$0x2] =	stream.linear.gather [hbm4b:s10+s2], $0x4000, $0x38;
	[tilespmem:$0x1BCC0] =	vst v63  }
0x10b: {  	_ =	swait.ge [sflag:s22], $0x4000  }
0x10c: {  	[sflag:s22] =	ssyncset.done $0x0  }
0x10d: {  	[sflag:s22] =	ssyncadd.s32 $0xFFFFC000  }
0x10e: {  	[spmem:s1] =	stream.indirect.scatter.add.f32 [tilespmem:s20], [sflag:$0x3], $0x80, s3, s23, $0xb8;
	[tilespmem:$0x1BCC0] =	vst v63  }
0x10f: {  	_ =	swait.ge [sflag:s25], $0x4000  }
0x110: {  	[sflag:s25] =	ssyncset.done $0x0  }
0x111: {  	[sflag:s25] =	ssyncadd.s32 $0xFFFFC000  }
0x112: {  	[spmem:s1] =	stream.indirect.scatter.add.f32 [tilespmem:s21], [sflag:$0x4], $0x80, s4, s23, $0xb8;
	[tilespmem:$0x1BCC0] =	vst v63  }
0x113: {  	_ =	swait.ge [sflag:s24], $0x4000  }
0x114: {  	[sflag:s24] =	ssyncset.done $0x0  }
0x115: {  	[sflag:s24] =	ssyncadd.s32 $0xFFFFC000  }
0x116: {  	_ =	swait.ge [sflag:s28], $0x4000  }
0x117: {  	s13 =	smov.u32 s11;
	s10 =	simm.s32 $0x4000;
	[sflag:s28] =	ssyncset.done $0x0  }
.LBB2_4:
0x118: {  	[sflag:s28] =	ssyncadd.s32 $0xFFFFC000;
	s13 =	sadd.s32 $0x80, s13  }
0x119: {  	[tilespmem:s18], [sflag:$0x5] =	stream.linear.gather [hbm4b:s13+s2], $0x400, $0x38;
	[tilespmem:$0x1BCC0] =	vst v63  }
0x11a: {  	_ =	swait.ge [sflag:s19], $0x400  }
0x11b: {  	s12 =	smov.u32 s10;
	[sflag:s19] =	ssyncset.done $0x0  }
0x11c: {  	s5 =	sadd.s32 s12, s17;
	[sflag:s19] =	ssyncadd.s32 $0xFFFFFC00  }
0x11d: {  	[tilespmem:s20], [sflag:$0x1] =	stream.linear.gather [hbm4b:s5+s2], $0x4000, $0x38;
	[tilespmem:$0x1BCC0] =	vst v63  }
0x11e: {  	s5 =	sadd.s32 s12, s16  }
0x11f: {  	[tilespmem:s21], [sflag:$0x2] =	stream.linear.gather [hbm4b:s5+s2], $0x4000, $0x38;
	[tilespmem:$0x1BCC0] =	vst v63  }
0x120: {  	_ =	swait.ge [sflag:s22], $0x4000  }
0x121: {  	[sflag:s22] =	ssyncset.done $0x0  }
0x122: {  	[sflag:s22] =	ssyncadd.s32 $0xFFFFC000  }
0x123: {  	[spmem:s1] =	stream.indirect.scatter.add.f32 [tilespmem:s20], [sflag:$0x3], $0x80, s18, s23, $0xb8;
	[tilespmem:$0x1BCC0] =	vst v63  }
0x124: {  	_ =	swait.ge [sflag:s24], $0x4000  }
0x125: {  	s5 =	rddreg [dreg:$0xe];
	[sflag:s24] =	ssyncset.done $0x0  }
0x126: {  	[sflag:s24] =	ssyncadd.s32 $0xFFFFC000;
	s5 =	sadd.s32 s12, s5  }
0x127: {  	[tilespmem:s20], [sflag:$0x1] =	stream.linear.gather [hbm4b:s5+s2], $0x4000, $0x38;
	[tilespmem:$0x1BCC0] =	vst v63  }
0x128: {  	_ =	swait.ge [sflag:s25], $0x4000  }
0x129: {  	[sflag:s25] =	ssyncset.done $0x0  }
0x12a: {  	[sflag:s25] =	ssyncadd.s32 $0xFFFFC000  }
0x12b: {  	[spmem:s1] =	stream.indirect.scatter.add.f32 [tilespmem:s21], [sflag:$0x4], $0x80, s26, s23, $0xb8;
	[tilespmem:$0x1BCC0] =	vst v63  }
0x12c: {  	_ =	swait.ge [sflag:s28], $0x4000  }
0x12d: {  	s5 =	rddreg [dreg:$0xd];
	[sflag:s28] =	ssyncset.done $0x0  }
0x12e: {  	[sflag:s28] =	ssyncadd.s32 $0xFFFFC000;
	s5 =	sadd.s32 s12, s5  }
0x12f: {  	[tilespmem:s21], [sflag:$0x2] =	stream.linear.gather [hbm4b:s5+s2], $0x4000, $0x38;
	[tilespmem:$0x1BCC0] =	vst v63  }
0x130: {  	_ =	swait.ge [sflag:s22], $0x4000  }
0x131: {  	[sflag:s22] =	ssyncset.done $0x0  }
0x132: {  	[sflag:s22] =	ssyncadd.s32 $0xFFFFC000  }
0x133: {  	[spmem:s1] =	stream.indirect.scatter.add.f32 [tilespmem:s20], [sflag:$0x3], $0x80, s29, s23, $0xb8;
	[tilespmem:$0x1BCC0] =	vst v63  }
0x134: {  	_ =	swait.ge [sflag:s24], $0x4000  }
0x135: {  	s5 =	rddreg [dreg:$0xc];
	[sflag:s24] =	ssyncset.done $0x0  }
0x136: {  	[sflag:s24] =	ssyncadd.s32 $0xFFFFC000;
	s5 =	sadd.s32 s12, s5  }
0x137: {  	[tilespmem:s20], [sflag:$0x1] =	stream.linear.gather [hbm4b:s5+s2], $0x4000, $0x38;
	[tilespmem:$0x1BCC0] =	vst v63  }
0x138: {  	_ =	swait.ge [sflag:s25], $0x4000  }
0x139: {  	[sflag:s25] =	ssyncset.done $0x0  }
0x13a: {  	[sflag:s25] =	ssyncadd.s32 $0xFFFFC000  }
0x13b: {  	[spmem:s1] =	stream.indirect.scatter.add.f32 [tilespmem:s21], [sflag:$0x4], $0x80, s30, s23, $0xb8;
	[tilespmem:$0x1BCC0] =	vst v63  }
0x13c: {  	_ =	swait.ge [sflag:s28], $0x4000  }
0x13d: {  	s5 =	rddreg [dreg:$0xb];
	[sflag:s28] =	ssyncset.done $0x0  }
0x13e: {  	[sflag:s28] =	ssyncadd.s32 $0xFFFFC000;
	s5 =	sadd.s32 s12, s5  }
0x13f: {  	[tilespmem:s21], [sflag:$0x2] =	stream.linear.gather [hbm4b:s5+s2], $0x4000, $0x38;
	[tilespmem:$0x1BCC0] =	vst v63  }
0x140: {  	_ =	swait.ge [sflag:s22], $0x4000  }
0x141: {  	[sflag:s22] =	ssyncset.done $0x0  }
0x142: {  	[sflag:s22] =	ssyncadd.s32 $0xFFFFC000  }
0x143: {  	[spmem:s1] =	stream.indirect.scatter.add.f32 [tilespmem:s20], [sflag:$0x3], $0x80, s31, s23, $0xb8;
	[tilespmem:$0x1BCC0] =	vst v63  }
0x144: {  	_ =	swait.ge [sflag:s24], $0x4000  }
0x145: {  	s5 =	rddreg [dreg:$0xa];
	[sflag:s24] =	ssyncset.done $0x0  }
0x146: {  	[sflag:s24] =	ssyncadd.s32 $0xFFFFC000;
	s5 =	sadd.s32 s12, s5  }
0x147: {  	[tilespmem:s20], [sflag:$0x1] =	stream.linear.gather [hbm4b:s5+s2], $0x4000, $0x38;
	[tilespmem:$0x1BCC0] =	vst v63  }
0x148: {  	_ =	swait.ge [sflag:s25], $0x4000  }
0x149: {  	[sflag:s25] =	ssyncset.done $0x0  }
0x14a: {  	[sflag:s25] =	ssyncadd.s32 $0xFFFFC000  }
0x14b: {  	[spmem:s1] =	stream.indirect.scatter.add.f32 [tilespmem:s21], [sflag:$0x4], $0x80, s0, s23, $0xb8;
	[tilespmem:$0x1BCC0] =	vst v63  }
0x14c: {  	_ =	swait.ge [sflag:s28], $0x4000  }
0x14d: {  	s5 =	rddreg [dreg:$0x9];
	[sflag:s28] =	ssyncset.done $0x0  }
0x14e: {  	[sflag:s28] =	ssyncadd.s32 $0xFFFFC000;
	s5 =	sadd.s32 s12, s5  }
0x14f: {  	[tilespmem:s21], [sflag:$0x2] =	stream.linear.gather [hbm4b:s5+s2], $0x4000, $0x38;
	[tilespmem:$0x1BCC0] =	vst v63  }
0x150: {  	_ =	swait.ge [sflag:s22], $0x4000  }
0x151: {  	[sflag:s22] =	ssyncset.done $0x0  }
0x152: {  	[sflag:s22] =	ssyncadd.s32 $0xFFFFC000  }
0x153: {  	[spmem:s1] =	stream.indirect.scatter.add.f32 [tilespmem:s20], [sflag:$0x3], $0x80, s3, s23, $0xb8;
	[tilespmem:$0x1BCC0] =	vst v63  }
0x154: {  	_ =	swait.ge [sflag:s25], $0x4000  }
0x155: {  	[sflag:s25] =	ssyncset.done $0x0  }
0x156: {  	p3 =	sne.s32 s10, $0x24000;
	[sflag:s25] =	ssyncadd.s32 $0xFFFFC000  }
0x157: {  	[spmem:s1] =	stream.indirect.scatter.add.f32 [tilespmem:s21], [sflag:$0x4], $0x80, s4, s23, $0xb8;
	[tilespmem:$0x1BCC0] =	vst v63  }
.Ltmp1:
0x158: {  	_ =	swait.ge [sflag:s24], $0x4000;
	(pc) =	sbr.rel @p3 .LBB2_4-.Ltmp1, $4  }
0x159: {  	[sflag:s24] =	ssyncset.done $0x0  }
0x15a: {  	[sflag:s24] =	ssyncadd.s32 $0xFFFFC000  }
0x15b: {  	_ =	swait.ge [sflag:s28], $0x4000  }
0x15c: {  	s10 =	sadd.s32 $0x4000, s10;
	[sflag:s28] =	ssyncset.done $0x0  }
0x15d: {  	[sflag:s28] =	ssyncadd.s32 $0xFFFFC000  }
0x15e: {  	[bflag:$0x0] =	sbarrier.arrive $0xFFFF  }
0x15f: {  	s12 =	simm.s32 $0x6;
	s5 =	rddreg [dreg:$0x16]  }
0x160: {  	[hbm:s5], [sflag:s7] =	dma.local [spmem:s8], $0x2700  }
0x161: {  	_ =	swait.ge [sflag:s12], $0x2700  }
0x162: {  	[sflag:s12] =	ssyncset.done $0x0  }
0x163: {  	s5 =	rddreg [dreg:$0x17];
	[sflag:s12] =	ssyncadd.s32 $0xFFFFD900  }
0x164: {  	[hbm:s5], [sflag:s7] =	dma.local @!p1 [spmem:s9], $0x100  }
0x165: {  	s5 =	simm.s32 @!p1 $0x6  }
0x166: {  	_ =	swait.ge @!p1 [sflag:s5], $0x100  }
0x167: {  	s6 =	sadd.s32 $0x1, s6;
	s13 =	rddreg [dreg:$0x15]  }
0x168: {  	p3 =	sne.s32 s6, s13  }
.Ltmp2:
0x169: {  	_ = 	snop;
	(pc) =	sbr.rel @p3 .LBB2_1-.Ltmp2, $3  }
0x16a: {  	[sflag:s5] =	ssyncset.done @!p1 $0x0  }
0x16b: {  	[sflag:s5] =	ssyncadd.s32 @!p1 $0xFFFFFF00  }
0x16c: {  	[bflag:$0x0] =	sbarrier.arrive $0xFFFF;
	_ =	sdelay $0x1  }
0x16d: {  	_ =	sfence.sel $0x180000  }
0x16e: {  	[bflag:$0x0] =	sbarrier.arrive $0xFFFF  }
0x16f: {  	_ =	strace $0x9000004A  }
0x170: {  	[bflag:$0x2] =	sbarrier.arrive $0xFFFF  }
0x171: {  	s0 =	rddreg [dreg:$0x2]  }
0x172: {  	s0 =	sadd.s32 @!p0 $0x100000, s0  }
0x173: {  	[sflag:s0] =	ssyncadd.tile.s32 @!p0 $0x1;
	_ =	shalt  }
.Lfunc_end2:
_tile_overlayer_lowered:
.L_overlay_start_2:
0x174: {  	(tag) =	ssettag $0x2  }
0x175: {  	s0 =	rddreg [dreg:$0x0];
	s2 =	stileid.u32  }
0x176: {  	s1 =	rddreg [dreg:$0x1];
	p0 =	sne.s32 s2, $0x0  }
0x177: {  	s3 =	rddreg [dreg:$0x2];
	[bflag:$0x3] =	sbarrier.arrive $0xFFFF;
	s2 =	simm.s32 @!p0 $0x1C06  }
0x178: {  	[timem:s3], [sflag:s2] =	dma.local @!p0 [hbm:s0], s1  }
0x179: {  	s0 =	simm.s32 @!p0 $0x6  }
0x17a: {  	_ =	swait.ge @!p0 [sflag:s0], s1  }
0x17b: {  	s1 =	ssub.s32 @!p0 $0x0, s1;
	[sflag:s0] =	ssyncset.done @!p0 $0x0  }
0x17c: {  	[sflag:s0] =	ssyncadd.s32 @!p0 s1  }
0x17d: {  	[bflag:$0x3] =	sbarrier.arrive $0xFFFF  }
0x17e: {  	_ =	shalt  }

// kernel: kernel.7.cloned.1.call-start
scs
__scs_entry_jumppad:
0x0: {  	(pc) =	sbr.rel $0x88, $3  }
0x1: {  	(tag) =	ssettag $0x0;
	lr =	simm.s32 $0x1  }
0x2: {  	[smem:$0x3F8D] =	sst lr;
	_ =	strace $0xD0000000  }
0x3: {  	_ = 	snop  }
0x4: {  	_ = 	snop  }
0x5: {  	_ = 	snop  }
0x6: {  	_ = 	snop  }
0x7: {  	_ = 	snop  }
__scs_overlays_trampoline_lowered:
0x8: {  	[smem:$0x3F9C] =	sst s0  }
0x9: {  	[smem:$0x3F9D] =	sst s1  }
0xa: {  	[smem:$0x3F9E] =	sst s2  }
0xb: {  	[smem:$0x3F9F] =	sst s3  }
0xc: {  	[smem:$0x3FA0] =	sst s4  }
0xd: {  	[smem:$0x3FA1] =	sst s5  }
0xe: {  	[smem:$0x3FA2] =	sst s6  }
0xf: {  	[smem:$0x3FA3] =	sst s7  }
0x10: {  	[smem:$0x3FA4] =	sst s8  }
0x11: {  	[smem:$0x3FA5] =	sst s9;
	s0 =	simm.s32 @!p0 $0x0  }
0x12: {  	s1 =	sld [smem:$0x3F8B];
	s0 =	simm.s32 @p0 $0x1  }
0x13: {  	[smem:$0x3FA6] =	sst s0;
	s0 =	simm.s32 @!p1 $0x0  }
0x14: {  	s2 =	sld [smem:$0x3F8A];
	s0 =	simm.s32 @p1 $0x1  }
0x15: {  	[smem:$0x3FA7] =	sst s0;
	s0 =	simm.s32 @!p2 $0x0  }
0x16: {  	s3 =	sld [smem:$0x3FDB];
	s0 =	simm.s32 @p2 $0x1  }
0x17: {  	s4 =	simm.s32 $0x1BF5;
	[smem:$0x3FA9] =	sst s0  }
0x18: {  	s0 =	sld [smem:$0x3F8C];
	_ =	swait.ge [sflag:s4], $0x0  }
0x19: {  	s7 =	sld [smem:$0x3F8D]  }
0x1a: {  	s8 =	sadd.s32 $0xFFFFE003, lr  }
0x1b: {  	s9 =	sadd.s32 $0xFFFFFEF7, lr;
	s5 =	simm.s32 $0xFFFFFFFF;
	p2 =	slt.u32 s8, $0xFFFFF086  }
0x1c: {  	p1 =	slt.u32 s9, $0xF7A;
	s5 =	simm.s32 @!p2 $0x0  }
0x1d: {  	s5 =	simm.s32 @p1 $0x1;
	p0 =	seq.s32 s7, s2  }
0x1e: {  	s7 =	smul.u32 @!p0 $0xF7A, s2;
	p2 =	seq.s32 @!p0 s5, $0x0  }
0x1f: {  	s9 =	smul.u32 $0xF7A, s1;
	s8 =	simm.s32 @!p0 $0x1BF5;
	p2 =	por !p2, p0  }
0x20: {  	[sflag:s8] =	ssyncset.s32 @!p0 $0xFFFFF086;
	s6 =	sadd.s32 @!p0 s3, s7;
	s7 =	simm.s32 @!p0 $0x108  }
0x21: {  	s3 =	sadd.s32 s3, s9;
	s6 =	sadd.s32 @!p0 $0x88, s6;
	s7 =	simm.s32 @p2 $0x1082  }
0x22: {  	[simem:s7], [sflag:s8] =	dma.local @!p0 [hbm:s6], $0xF7A  }
0x23: {  	s9 =	sor.u32 $0xD0000000, s2;
	s6 =	simm.s32 $0x108;
	_ =	swait.ge @!p0 [sflag:s8], $0x0  }
0x24: {  	s3 =	sadd.s32 $0x88, s3;
	s6 =	simm.s32 @!p1 $0x1082;
	[sflag:s4] =	ssyncset.s32 $0xFFFFF086  }
0x25: {  	[simem:s6], [sflag:s4] =	dma.local [hbm:s3], $0xF7A  }
0x26: {  	[smem:$0x3F8D] =	sst s1;
	(tag) =	ssettag s2;
	_ =	strace s9  }
0x27: {  	s1 =	sld [smem:$0x3F9D]  }
0x28: {  	s2 =	sld [smem:$0x3F9E]  }
0x29: {  	s4 =	sld [smem:$0x3FA0]  }
0x2a: {  	p0 =	seq.s32 s5, $0x0;
	s5 =	sld [smem:$0x3FA1]  }
0x2b: {  	s6 =	sld [smem:$0x3FA2]  }
0x2c: {  	s7 =	sld [smem:$0x3FA3]  }
0x2d: {  	s3 =	simm.s32 $0x108;
	s8 =	sld [smem:$0x3FA4]  }
0x2e: {  	s3 =	simm.s32 @!p0 $0x1082;
	s9 =	sld [smem:$0x3FA5]  }
0x2f: {  	lr =	sadd.s32 s0, s3;
	s0 =	sld [smem:$0x3F9C]  }
0x30: {  	s3 =	sld [smem:$0x3F9F]  }
0x31: {  	[smem:$0x3FA8] =	sst s10  }
0x32: {  	s10 =	sld [smem:$0x3FA6];
	_ =	sdelay $0x3  }
0x33: {  	p0 =	seq.s32 s10, $0x1;
	s10 =	sld [smem:$0x3FA8];
	_ =	sdelay $0x3  }
0x34: {  	[smem:$0x3FA8] =	sst s10  }
0x35: {  	s10 =	sld [smem:$0x3FA7];
	_ =	sdelay $0x3  }
0x36: {  	p1 =	seq.s32 s10, $0x1;
	s10 =	sld [smem:$0x3FA8];
	_ =	sdelay $0x3  }
0x37: {  	[smem:$0x3FA8] =	sst s10  }
0x38: {  	s10 =	sld [smem:$0x3FA9]  }
0x39: {  	_ = 	snop;
	(pc) =	sbr.ind lr, $3  }
0x3a: {  	_ = 	snop  }
0x3b: {  	_ = 	snop  }
0x3c: {  	p2 =	seq.s32 s10, $0x1;
	s10 =	sld [smem:$0x3FA8]  }
0x3d: {  	_ =	shalt  }
0x3e: {  	_ =	shalt  }
0x3f: {  	_ =	shalt  }
0x40: {  	_ =	shalt  }
0x41: {  	_ =	shalt  }
0x42: {  	_ =	shalt  }
0x43: {  	_ =	shalt  }
0x44: {  	_ =	shalt  }
0x45: {  	_ =	shalt  }
0x46: {  	_ =	shalt  }
0x47: {  	_ =	shalt  }
0x48: {  	_ =	shalt  }
0x49: {  	_ =	shalt  }
0x4a: {  	_ =	shalt  }
0x4b: {  	_ =	shalt  }
0x4c: {  	_ =	shalt  }
0x4d: {  	_ =	shalt  }
0x4e: {  	_ =	shalt  }
0x4f: {  	_ =	shalt  }
0x50: {  	_ =	shalt  }
0x51: {  	_ =	shalt  }
0x52: {  	_ =	shalt  }
0x53: {  	_ =	shalt  }
0x54: {  	_ =	shalt  }
0x55: {  	_ =	shalt  }
0x56: {  	_ =	shalt  }
0x57: {  	_ =	shalt  }
0x58: {  	_ =	shalt  }
0x59: {  	_ =	shalt  }
0x5a: {  	_ =	shalt  }
0x5b: {  	_ =	shalt  }
0x5c: {  	_ =	shalt  }
0x5d: {  	_ =	shalt  }
0x5e: {  	_ =	shalt  }
0x5f: {  	_ =	shalt  }
0x60: {  	_ =	shalt  }
0x61: {  	_ =	shalt  }
0x62: {  	_ =	shalt  }
0x63: {  	_ =	shalt  }
0x64: {  	_ =	shalt  }
0x65: {  	_ =	shalt  }
0x66: {  	_ =	shalt  }
0x67: {  	_ =	shalt  }
0x68: {  	_ =	shalt  }
0x69: {  	_ =	shalt  }
0x6a: {  	_ =	shalt  }
0x6b: {  	_ =	shalt  }
0x6c: {  	_ =	shalt  }
0x6d: {  	_ =	shalt  }
0x6e: {  	_ =	shalt  }
0x6f: {  	_ =	shalt  }
0x70: {  	_ =	shalt  }
0x71: {  	_ =	shalt  }
0x72: {  	_ =	shalt  }
0x73: {  	_ =	shalt  }
0x74: {  	_ =	shalt  }
0x75: {  	_ =	shalt  }
0x76: {  	_ =	shalt  }
0x77: {  	_ =	shalt  }
0x78: {  	_ =	shalt  }
0x79: {  	_ =	shalt  }
0x7a: {  	_ =	shalt  }
0x7b: {  	_ =	shalt  }
0x7c: {  	_ =	shalt  }
0x7d: {  	_ =	shalt  }
0x7e: {  	_ =	shalt  }
0x7f: {  	_ =	shalt  }
0x80: {  	_ =	shalt  }
0x81: {  	_ =	shalt  }
0x82: {  	_ =	shalt  }
0x83: {  	_ =	shalt  }
0x84: {  	_ =	shalt  }
0x85: {  	_ =	shalt  }
0x86: {  	_ =	shalt  }
0x87: {  	_ =	shalt  }
.Lfunc_end0:
.L_simem_size_0:
called_computation_lowered:
.L_overlay_start_0:
0x88: {  	s2 =	sld [smem:$0x3FD9]  }
0x89: {  	s3 =	sld [smem:$0x3FFE];
	_ =	sdelay $0x1  }
0x8a: {  	s1 =	srdreg.scid  }
0x8b: {  	s0 =	sand.u32 $0x1, s1  }
0x8c: {  	s17 =	sshll.u32 s0, $0xA;
	s2 =	sadd.s32 s3, s2  }
0x8d: {  	s2 =	sadd.s32 s2, s17  }
0x8e: {  	[smem:$0x3FB4] =	sst s2  }
0x8f: {  	_ = 	snop  }
0x90: {  	s2 =	sld [smem:$0x3FD0];
	(tm) =	ssettm $0x1  }
0x91: {  	s18 =	sld [smem:$0x3FFB];
	_ =	sdelay $0x3  }
0x92: {  	_ =	strace s18  }
0x93: {  	s3 =	sld [smem:$0x3FFC];
	_ =	sdelay $0x3  }
0x94: {  	_ =	strace s3  }
0x95: {  	s3 =	sld [smem:$0x3FFD];
	_ =	sdelay $0x3  }
0x96: {  	_ =	strace s3  }
0x97: {  	_ =	strace $0x8FFFFFFF  }
0x98: {  	s19 =	sld [smem:$0x3FDB];
	_ =	sdelay $0x1  }
0x99: {  	s4 =	simm.s32 $_scs_section_size  }
0x9a: {  	s5 =	simm.s32 $_size__tile_overlayer_lowered;
	s6 =	simm.s32 $_tile_overlayer_lowered  }
0x9b: {  	s22 =	simm.s32 $0x1BFF;
	s21 =	sshll.u32 s6, $0x1;
	s3 =	sadd.s32 s4, s19  }
0x9c: {  	s7 =	simm.s32 $0x0;
	s20 =	sshll.u32 s5, $0x1;
	s5 =	sadd.s32 s21, s3  }
0x9d: {  	[timem:s7], [sflag:s22] =	dma.local [hbm:s5], s20  }
0x9e: {  	_ =	swait.ge [sflag:s22], s20  }
0x9f: {  	s4 =	ssub.s32 $0x0, s20;
	[sflag:s22] =	ssyncset.done $0x0  }
0xa0: {  	[sflag:s22] =	ssyncadd.s32 s4;
	_ =	sdelay $0x1  }
0xa1: {  	s23 =	simm.s32 $0x1B8B  }
0xa2: {  	_ =	swait.ge [sflag:s23], $0x1  }
0xa3: {  	[sflag:s23] =	ssyncset.done $0x0  }
0xa4: {  	s25 =	simm.s32 $0x1B8E;
	s24 =	sld [smem:$0x3FFE];
	[sflag:s23] =	ssyncadd.s32 $0xFFFFFFFF  }
0xa5: {  	s26 =	simm.s32 $execute0_lowered;
	[smem:$0x3FD2] =	sst s25  }
0xa6: {  	s5 =	sshll.u32 s26, $0x1;
	_ =	strace $0x80000046;
	[dreg:$0x1] =	wrdreg $0xFFFFFFFF  }
0xa7: {  	s28 =	simm.s32 $_size_execute0_lowered;
	s3 =	sadd.s32 s3, s5;
	[dreg:$0x0] =	wrdreg $0x0  }
0xa8: {  	s5 =	sshll.u32 s28, $0x1;
	[dreg:$0x2] =	wrdreg s3  }
0xa9: {  	[dreg:$0x3] =	wrdreg s5  }
0xaa: {  	[dreg:$0x4] =	wrdreg $0xC0  }
0xab: {  	_ =	task [dreg:s7], $0x5FFFF  }
0xac: {  	[dreg:$0x1] =	wrdreg $0xFFFFFFFF  }
0xad: {  	[dreg:$0x0] =	wrdreg $0x60  }
0xae: {  	[dreg:$0x2] =	wrdreg s24  }
0xaf: {  	[dreg:$0x3] =	wrdreg s2  }
0xb0: {  	[dreg:$0x4] =	wrdreg $0x9  }
0xb1: {  	_ =	task.clear_ibuf [dreg:s7], $0x5FFFF;
	_ =	strace $0x90000046  }
0xb2: {  	s29 =	simm.s32 $0x9;
	_ =	strace $0x80000048  }
0xb3: {  	_ =	swait.ge [sflag:s29], $0x1  }
0xb4: {  	[sflag:s29] =	ssyncadd.s32 $0xFFFFFFFF  }
0xb5: {  	_ =	strace $0x90000048  }
0xb6: {  	_ =	sfence  }
0xb7: {  	s30 =	sld [smem:$0x0];
	_ =	sdelay $0x2  }
0xb8: {  	s31 =	sshll.u32 s1, $0xD;
	s1 =	sshrl.u32 s1, $0x2  }
0xb9: {  	s3 =	sand.u32 $0x4000, s31;
	s1 =	sadd.s32 s1, s30  }
0xba: {  	s0 =	sor.u32 s3, s0;
	s1 =	sshll.u32 s1, $0x11  }
0xbb: {  	s0 =	sor.u32 s1, s0  }
0xbc: {  	s0 =	sadd.s32 $0x8F2B, s0  }
0xbd: {  	[sflag:s0] =	ssyncadd.remote.s32 $0x1  }
0xbe: {  	_ =	sfence.sel $0xFFFF  }
0xbf: {  	[dreg:$0x0] =	wrdreg $0xFFFFFFFF;
	(pc) =	sbr.abs _section_cstart, $3  }
0xc0: {  	[dreg:$0x1] =	wrdreg $0xFFFFFFFF  }
0xc1: {  	_ =	task.clear_ibuf [dreg:s7], $0x2FFFF;
	_ =	strace $0x9FFFFFFF  }
0xc2: {  	(tm) =	ssettm $0x7FFFFFFF  }
0xc3: {  	_ =	shalt  }
tec
execute0_lowered:
.L_overlay_start_1:
0x0: {  	(tag) =	ssettag $0x1  }
0x1: {  	s0 =	srdreg.scid;
	s5 =	rddreg [dreg:$0x0]  }
0x2: {  	s15 =	stileid.u32;
	s2 =	rddreg [dreg:$0x1];
	s3 =	simm.s32 $0x0  }
0x3: {  	s28 =	simm.s32 $0x4;
	s0 =	sand.u32 $0x1, s0;
	s4 =	smul.u32 $0xA0000, s15  }
0x4: {  	s29 =	simm.s32 $0x6;
	s30 =	simm.s32 $0x8;
	s1 =	smul.u32 $0xA00000, s0  }
0x5: {  	s31 =	simm.s32 $0xA;
	[smem:$0x7FF] =	sst s3;
	s9 =	sadd.s32 $0x102000, s5  }
0x6: {  	s10 =	sadd.s32 $0x382000, s5;
	s6 =	sshll.u32 s0, $0xE;
	s7 =	sadd.s32 s4, s1  }
0x7: {  	_ =	strace $0x80000047;
	s26 =	ssub.s32 $0x2, s0;
	s8 =	sor.u32 $0x11800, s7  }
0x8: {  	s0 =	smul.u32 $0x140000, s0;
	s1 =	sadd.s32 $0x602000, s5;
	s8 =	sshrl.u32 s8, $0x3  }
0x9: {  	s6 =	sadd.s32 s6, s5;
	s18 =	sshrl.u32 s26, $0x1;
	s11 =	sadd.s32 s8, s1  }
0xa: {  	s12 =	sor.u32 $0xF000, s7;
	s19 =	sadd.s32 s8, s10;
	[dreg:$0x3] =	wrdreg s11  }
0xb: {  	s20 =	sshrl.u32 s12, $0x3;
	s8 =	sadd.s32 s8, s9;
	[dreg:$0x4] =	wrdreg s19  }
0xc: {  	s4 =	sadd.s32 $0xB3C00, s5;
	s21 =	sadd.s32 s20, s1;
	[dreg:$0x5] =	wrdreg s8  }
0xd: {  	s23 =	sor.u32 $0xC800, s7;
	s22 =	sadd.s32 s20, s10;
	[dreg:$0x6] =	wrdreg s21  }
0xe: {  	s25 =	sshrl.u32 s23, $0x3;
	s24 =	sadd.s32 s20, s9;
	[dreg:$0x7] =	wrdreg s22  }
0xf: {  	s5 =	sadd.s32 $0xDAE00, s5;
	s13 =	sadd.s32 s25, s1;
	[dreg:$0x8] =	wrdreg s24  }
0x10: {  	s12 =	ssub.s32 s26, s18;
	s14 =	sadd.s32 s25, s10;
	[dreg:$0x9] =	wrdreg s13  }
0x11: {  	s16 =	sadd.s32 s25, s9;
	s26 =	smax.u32 s12, $0x1;
	[dreg:$0xa] =	wrdreg s14  }
0x12: {  	s13 =	sor.u32 $0xA000, s7;
	[dreg:$0xb] =	wrdreg s16;
	s14 =	sor.u32 $0x7800, s7  }
0x13: {  	s7 =	sor.u32 $0x5000, s7;
	[dreg:$0x1f] =	wrdreg s26;
	s16 =	sadd.s32 s0, s10  }
0x14: {  	s26 =	simm.s32 $0x780;
	s17 =	sshrl.u32 s13, $0x3;
	s22 =	sshrl.u32 s14, $0x3  }
0x15: {  	s7 =	sshrl.u32 s7, $0x3;
	[dreg:$0x1e] =	wrdreg s26;
	s19 =	sadd.s32 s17, s1  }
0x16: {  	s13 =	smul.u32 $0x14000, s15;
	s20 =	sadd.s32 s17, s10;
	[dreg:$0xc] =	wrdreg s19  }
0x17: {  	s14 =	sshll.u32 s15, $0xA;
	s21 =	sadd.s32 s17, s9;
	[dreg:$0xd] =	wrdreg s20  }
0x18: {  	s26 =	simm.s32 $0x2;
	s23 =	sadd.s32 s22, s1;
	[dreg:$0xe] =	wrdreg s21  }
0x19: {  	s24 =	sadd.s32 s22, s10;
	s25 =	sadd.s32 s22, s9;
	[dreg:$0xf] =	wrdreg s23  }
0x1a: {  	s11 =	sadd.s32 s7, s1;
	s12 =	sadd.s32 s7, s10;
	[dreg:$0x10] =	wrdreg s24  }
0x1b: {  	s7 =	sadd.s32 s7, s9;
	s9 =	sadd.s32 s0, s9;
	[dreg:$0x11] =	wrdreg s25  }
0x1c: {  	s6 =	sadd.s32 s14, s6;
	s0 =	sadd.s32 s0, s1;
	[dreg:$0x12] =	wrdreg s11  }
0x1d: {  	s10 =	simm.s32 $0x400;
	s14 =	simm.s32 $0xA800;
	[dreg:$0x13] =	wrdreg s12  }
0x1e: {  	s22 =	simm.s32 $0x580;
	s1 =	simm.s32 $0xC;
	[dreg:$0x14] =	wrdreg s7  }
0x1f: {  	s15 =	sadd.s32 s13, s9;
	s17 =	sadd.s32 s13, s16;
	s18 =	sadd.s32 $0xF800, s6  }
0x20: {  	s0 =	sadd.s32 s13, s0;
	s19 =	sadd.s32 $0x7800, s6;
	[dreg:$0x1a] =	wrdreg s22  }
0x21: {  	s9 =	simm.s32 $0xD;
	s11 =	simm.s32 $0x50;
	[dreg:$0x15] =	wrdreg s15  }
0x22: {  	s12 =	simm.s32 $0x800;
	s13 =	simm.s32 $0x5800;
	[smem:$0x7FC] =	sst s18  }
0x23: {  	s20 =	simm.s32 $0x480;
	s6 =	simm.s32 $0x80;
	[dreg:$0x16] =	wrdreg s17  }
0x24: {  	s16 =	simm.s32 $0x3000;
	s21 =	simm.s32 $0x500;
	[smem:$0x7FD] =	sst s19  }
0x25: {  	s23 =	simm.s32 $0x600;
	s24 =	simm.s32 $0x680;
	[dreg:$0x17] =	wrdreg s0  }
0x26: {  	s22 =	simm.s32 $0x7;
	s25 =	simm.s32 $0x700;
	[dreg:$0x18] =	wrdreg s20  }
0x27: {  	s7 =	simm.s32 $0x0;
	s17 =	simm.s32 $0x8000;
	[dreg:$0x19] =	wrdreg s21  }
0x28: {  	s18 =	simm.s32 $0xD000;
	s19 =	simm.s32 $0x1;
	[dreg:$0x1b] =	wrdreg s23  }
0x29: {  	s20 =	simm.s32 $0x3;
	s21 =	simm.s32 $0x5;
	[dreg:$0x1c] =	wrdreg s24  }
0x2a: {  	s23 =	simm.s32 $0x9;
	[dreg:$0x1d] =	wrdreg s25;
	s24 =	simm.s32 $0xB  }
.LBB2_1:
0x2b: {  	s0 =	sld [smem:$0x7FC];
	_ =	sdelay $0x1  }
0x2c: {  	[smem:$0x7FB] =	sst s7  }
0x2d: {  	[tilespmem:s3], [sflag:$0xD] =	stream.linear.gather [hbm4b:s0+s3], $0x400, $0x38;
	[tilespmem:$0xF800] =	vst v63  }
0x2e: {  	_ =	swait.ge [sflag:s9], $0x400  }
0x2f: {  	s8 =	sld [smem:$0x7FD]  }
0x30: {  	[sflag:s9] =	ssyncset.done $0x0  }
0x31: {  	[sflag:s9] =	ssyncadd.s32 $0xFFFFFC00  }
0x32: {  	[tilespmem:s10], [sflag:$0xD] =	stream.linear.gather [hbm4b:s8+s3], $0x400, $0x38;
	[tilespmem:$0xF800] =	vst v63  }
0x33: {  	_ =	swait.ge [sflag:s9], $0x400  }
0x34: {  	[sflag:s9] =	ssyncset.done $0x0  }
0x35: {  	[sflag:s9] =	ssyncadd.s32 $0xFFFFFC00  }
0x36: {  	[tilespmem:s12], [sflag:$0x1] =	stream.indirect.gather [hbm4b:s2+s11], $0x80, s3, s11, $0xb8;
	[tilespmem:$0xF800] =	vst v63  }
0x37: {  	_ = 	snop  }
0x38: {  	[tilespmem:s13], [sflag:$0x3] =	stream.indirect.gather [hbm4b:s4+s11], $0x80, s10, s11, $0xb8;
	[tilespmem:$0xF800] =	vst v63  }
0x39: {  	_ = 	snop  }
0x3a: {  	[tilespmem:s14], [sflag:$0x5] =	stream.indirect.gather [hbm4b:s5+s11], $0x80, s3, s11, $0xb8;
	[tilespmem:$0xF800] =	vst v63  }
0x3b: {  	_ = 	snop  }
0x3c: {  	[tilespmem:s16], [sflag:$0x2] =	stream.indirect.gather [hbm4b:s2+s11], $0x80, s6, s11, $0xb8;
	[tilespmem:$0xF800] =	vst v63  }
0x3d: {  	s7 =	rddreg [dreg:$0x18]  }
0x3e: {  	[tilespmem:s17], [sflag:$0x4] =	stream.indirect.gather [hbm4b:s4+s11], $0x80, s7, s11, $0xb8;
	[tilespmem:$0xF800] =	vst v63  }
0x3f: {  	_ = 	snop  }
0x40: {  	[tilespmem:s18], [sflag:$0x6] =	stream.indirect.gather [hbm4b:s5+s11], $0x80, s6, s11, $0xb8;
	[tilespmem:$0xF800] =	vst v63  }
0x41: {  	_ =	swait.ge [sflag:s19], $0x2800  }
0x42: {  	[sflag:s19] =	ssyncset.done $0x0  }
0x43: {  	[sflag:s19] =	ssyncadd.s32 $0xFFFFD800  }
0x44: {  	_ =	swait.ge [sflag:s20], $0x2800  }
0x45: {  	[sflag:s20] =	ssyncset.done $0x0  }
0x46: {  	[sflag:s20] =	ssyncadd.s32 $0xFFFFD800  }
0x47: {  	_ =	swait.ge [sflag:s21], $0x2800  }
0x48: {  	s15 =	rddreg [dreg:$0x15];
	[sflag:s21] =	ssyncset.done $0x0  }
0x49: {  	s25 =	rddreg [dreg:$0x16];
	[sflag:s21] =	ssyncadd.s32 $0xFFFFD800;
	s0 =	sadd.s32 $0x0, s15  }
0x4a: {  	[hbm4b:s0+s3] =	stream.linear.scatter [tilespmem:s12], [sflag:$0x7], $0x2800, $0x38;
	[tilespmem:$0xF800] =	vst v63  }
0x4b: {  	s15 =	rddreg [dreg:$0x17];
	s6 =	sadd.s32 $0x0, s25  }
0x4c: {  	[hbm4b:s6+s3] =	stream.linear.scatter [tilespmem:s13], [sflag:$0x9], $0x2800, $0x38;
	[tilespmem:$0xF800] =	vst v63  }
0x4d: {  	s15 =	sadd.s32 $0x0, s15  }
0x4e: {  	[hbm4b:s15+s3] =	stream.linear.scatter [tilespmem:s14], [sflag:$0xB], $0x2800, $0x38;
	[tilespmem:$0xF800] =	vst v63  }
0x4f: {  	_ =	swait.ge [sflag:s22], $0x2800  }
0x50: {  	[sflag:s22] =	ssyncset.done $0x0  }
0x51: {  	[sflag:s22] =	ssyncadd.s32 $0xFFFFD800  }
0x52: {  	_ =	swait.ge [sflag:s23], $0x2800  }
0x53: {  	[sflag:s23] =	ssyncset.done $0x0  }
0x54: {  	[sflag:s23] =	ssyncadd.s32 $0xFFFFD800  }
0x55: {  	_ =	swait.ge [sflag:s24], $0x2800  }
0x56: {  	[sflag:s24] =	ssyncset.done $0x0  }
0x57: {  	s7 =	simm.s32 $0x100;
	[sflag:s24] =	ssyncadd.s32 $0xFFFFD800  }
0x58: {  	[tilespmem:s12], [sflag:$0x1] =	stream.indirect.gather [hbm4b:s2+s11], $0x80, s7, s11, $0xb8;
	[tilespmem:$0xF800] =	vst v63  }
0x59: {  	s25 =	rddreg [dreg:$0x19]  }
0x5a: {  	[tilespmem:s13], [sflag:$0x3] =	stream.indirect.gather [hbm4b:s4+s11], $0x80, s25, s11, $0xb8;
	[tilespmem:$0xF800] =	vst v63  }
0x5b: {  	_ = 	snop  }
0x5c: {  	[tilespmem:s14], [sflag:$0x5] =	stream.indirect.gather [hbm4b:s5+s11], $0x80, s7, s11, $0xb8;
	[tilespmem:$0xF800] =	vst v63  }
0x5d: {  	_ =	swait.ge [sflag:s26], $0x2800  }
0x5e: {  	[sflag:s26] =	ssyncset.done $0x0  }
0x5f: {  	[sflag:s26] =	ssyncadd.s32 $0xFFFFD800  }
0x60: {  	_ =	swait.ge [sflag:s28], $0x2800  }
0x61: {  	[sflag:s28] =	ssyncset.done $0x0  }
0x62: {  	[sflag:s28] =	ssyncadd.s32 $0xFFFFD800  }
0x63: {  	_ =	swait.ge [sflag:s29], $0x2800  }
0x64: {  	[sflag:s29] =	ssyncset.done $0x0  }
0x65: {  	s0 =	sadd.s32 $0x500, s0;
	[sflag:s29] =	ssyncadd.s32 $0xFFFFD800  }
0x66: {  	[hbm4b:s0+s3] =	stream.linear.scatter [tilespmem:s16], [sflag:$0x8], $0x2800, $0x38;
	[tilespmem:$0xF800] =	vst v63  }
0x67: {  	s6 =	sadd.s32 $0x500, s6  }
0x68: {  	[hbm4b:s6+s3] =	stream.linear.scatter [tilespmem:s17], [sflag:$0xA], $0x2800, $0x38;
	[tilespmem:$0xF800] =	vst v63  }
0x69: {  	s7 =	sadd.s32 $0x500, s15  }
0x6a: {  	[hbm4b:s7+s3] =	stream.linear.scatter [tilespmem:s18], [sflag:$0xC], $0x2800, $0x38;
	[tilespmem:$0xF800] =	vst v63  }
0x6b: {  	_ =	swait.ge [sflag:s30], $0x2800  }
0x6c: {  	[sflag:s30] =	ssyncset.done $0x0  }
0x6d: {  	[sflag:s30] =	ssyncadd.s32 $0xFFFFD800  }
0x6e: {  	_ =	swait.ge [sflag:s31], $0x2800  }
0x6f: {  	[sflag:s31] =	ssyncset.done $0x0  }
0x70: {  	[sflag:s31] =	ssyncadd.s32 $0xFFFFD800  }
0x71: {  	_ =	swait.ge [sflag:s1], $0x2800  }
0x72: {  	[sflag:s1] =	ssyncset.done $0x0  }
0x73: {  	s25 =	simm.s32 $0x180;
	[sflag:s1] =	ssyncadd.s32 $0xFFFFD800  }
0x74: {  	[tilespmem:s16], [sflag:$0x2] =	stream.indirect.gather [hbm4b:s2+s11], $0x80, s25, s11, $0xb8;
	[tilespmem:$0xF800] =	vst v63  }
0x75: {  	s15 =	rddreg [dreg:$0x1a]  }
0x76: {  	[tilespmem:s17], [sflag:$0x4] =	stream.indirect.gather [hbm4b:s4+s11], $0x80, s15, s11, $0xb8;
	[tilespmem:$0xF800] =	vst v63  }
0x77: {  	_ = 	snop  }
0x78: {  	[tilespmem:s18], [sflag:$0x6] =	stream.indirect.gather [hbm4b:s5+s11], $0x80, s25, s11, $0xb8;
	[tilespmem:$0xF800] =	vst v63  }
0x79: {  	_ =	swait.ge [sflag:s19], $0x2800  }
0x7a: {  	[sflag:s19] =	ssyncset.done $0x0  }
0x7b: {  	[sflag:s19] =	ssyncadd.s32 $0xFFFFD800  }
0x7c: {  	_ =	swait.ge [sflag:s20], $0x2800  }
0x7d: {  	[sflag:s20] =	ssyncset.done $0x0  }
0x7e: {  	[sflag:s20] =	ssyncadd.s32 $0xFFFFD800  }
0x7f: {  	_ =	swait.ge [sflag:s21], $0x2800  }
0x80: {  	s7 =	rddreg [dreg:$0x14];
	[sflag:s21] =	ssyncset.done $0x0  }
0x81: {  	s15 =	rddreg [dreg:$0x13];
	[sflag:s21] =	ssyncadd.s32 $0xFFFFD800;
	s0 =	sadd.s32 $0x0, s7  }
0x82: {  	[hbm4b:s0+s3] =	stream.linear.scatter [tilespmem:s12], [sflag:$0x7], $0x2800, $0x38;
	[tilespmem:$0xF800] =	vst v63  }
0x83: {  	s25 =	rddreg [dreg:$0x12];
	s6 =	sadd.s32 $0x0, s15  }
0x84: {  	[hbm4b:s6+s3] =	stream.linear.scatter [tilespmem:s13], [sflag:$0x9], $0x2800, $0x38;
	[tilespmem:$0xF800] =	vst v63  }
0x85: {  	s7 =	sadd.s32 $0x0, s25  }
0x86: {  	[hbm4b:s7+s3] =	stream.linear.scatter [tilespmem:s14], [sflag:$0xB], $0x2800, $0x38;
	[tilespmem:$0xF800] =	vst v63  }
0x87: {  	_ =	swait.ge [sflag:s22], $0x2800  }
0x88: {  	[sflag:s22] =	ssyncset.done $0x0  }
0x89: {  	[sflag:s22] =	ssyncadd.s32 $0xFFFFD800  }
0x8a: {  	_ =	swait.ge [sflag:s23], $0x2800  }
0x8b: {  	[sflag:s23] =	ssyncset.done $0x0  }
0x8c: {  	[sflag:s23] =	ssyncadd.s32 $0xFFFFD800  }
0x8d: {  	_ =	swait.ge [sflag:s24], $0x2800  }
0x8e: {  	[sflag:s24] =	ssyncset.done $0x0  }
0x8f: {  	s25 =	simm.s32 $0x200;
	[sflag:s24] =	ssyncadd.s32 $0xFFFFD800  }
0x90: {  	[tilespmem:s12], [sflag:$0x1] =	stream.indirect.gather [hbm4b:s2+s11], $0x80, s25, s11, $0xb8;
	[tilespmem:$0xF800] =	vst v63  }
0x91: {  	s15 =	rddreg [dreg:$0x1b]  }
0x92: {  	[tilespmem:s13], [sflag:$0x3] =	stream.indirect.gather [hbm4b:s4+s11], $0x80, s15, s11, $0xb8;
	[tilespmem:$0xF800] =	vst v63  }
0x93: {  	_ = 	snop  }
0x94: {  	[tilespmem:s14], [sflag:$0x5] =	stream.indirect.gather [hbm4b:s5+s11], $0x80, s25, s11, $0xb8;
	[tilespmem:$0xF800] =	vst v63  }
0x95: {  	_ =	swait.ge [sflag:s26], $0x2800  }
0x96: {  	[sflag:s26] =	ssyncset.done $0x0  }
0x97: {  	[sflag:s26] =	ssyncadd.s32 $0xFFFFD800  }
0x98: {  	_ =	swait.ge [sflag:s28], $0x2800  }
0x99: {  	[sflag:s28] =	ssyncset.done $0x0  }
0x9a: {  	[sflag:s28] =	ssyncadd.s32 $0xFFFFD800  }
0x9b: {  	_ =	swait.ge [sflag:s29], $0x2800  }
0x9c: {  	s7 =	rddreg [dreg:$0x11];
	[sflag:s29] =	ssyncset.done $0x0  }
0x9d: {  	s15 =	rddreg [dreg:$0x10];
	[sflag:s29] =	ssyncadd.s32 $0xFFFFD800;
	s0 =	sadd.s32 $0x0, s7  }
0x9e: {  	[hbm4b:s0+s3] =	stream.linear.scatter [tilespmem:s16], [sflag:$0x8], $0x2800, $0x38;
	[tilespmem:$0xF800] =	vst v63  }
0x9f: {  	s25 =	rddreg [dreg:$0xf];
	s6 =	sadd.s32 $0x0, s15  }
0xa0: {  	[hbm4b:s6+s3] =	stream.linear.scatter [tilespmem:s17], [sflag:$0xA], $0x2800, $0x38;
	[tilespmem:$0xF800] =	vst v63  }
0xa1: {  	s7 =	sadd.s32 $0x0, s25  }
0xa2: {  	[hbm4b:s7+s3] =	stream.linear.scatter [tilespmem:s18], [sflag:$0xC], $0x2800, $0x38;
	[tilespmem:$0xF800] =	vst v63  }
0xa3: {  	_ =	swait.ge [sflag:s30], $0x2800  }
0xa4: {  	[sflag:s30] =	ssyncset.done $0x0  }
0xa5: {  	[sflag:s30] =	ssyncadd.s32 $0xFFFFD800  }
0xa6: {  	_ =	swait.ge [sflag:s31], $0x2800  }
0xa7: {  	[sflag:s31] =	ssyncset.done $0x0  }
0xa8: {  	[sflag:s31] =	ssyncadd.s32 $0xFFFFD800  }
0xa9: {  	_ =	swait.ge [sflag:s1], $0x2800  }
0xaa: {  	[sflag:s1] =	ssyncset.done $0x0  }
0xab: {  	s25 =	simm.s32 $0x280;
	[sflag:s1] =	ssyncadd.s32 $0xFFFFD800  }
0xac: {  	[tilespmem:s16], [sflag:$0x2] =	stream.indirect.gather [hbm4b:s2+s11], $0x80, s25, s11, $0xb8;
	[tilespmem:$0xF800] =	vst v63  }
0xad: {  	s15 =	rddreg [dreg:$0x1c]  }
0xae: {  	[tilespmem:s17], [sflag:$0x4] =	stream.indirect.gather [hbm4b:s4+s11], $0x80, s15, s11, $0xb8;
	[tilespmem:$0xF800] =	vst v63  }
0xaf: {  	_ = 	snop  }
0xb0: {  	[tilespmem:s18], [sflag:$0x6] =	stream.indirect.gather [hbm4b:s5+s11], $0x80, s25, s11, $0xb8;
	[tilespmem:$0xF800] =	vst v63  }
0xb1: {  	_ =	swait.ge [sflag:s19], $0x2800  }
0xb2: {  	[sflag:s19] =	ssyncset.done $0x0  }
0xb3: {  	[sflag:s19] =	ssyncadd.s32 $0xFFFFD800  }
0xb4: {  	_ =	swait.ge [sflag:s20], $0x2800  }
0xb5: {  	[sflag:s20] =	ssyncset.done $0x0  }
0xb6: {  	[sflag:s20] =	ssyncadd.s32 $0xFFFFD800  }
0xb7: {  	_ =	swait.ge [sflag:s21], $0x2800  }
0xb8: {  	s7 =	rddreg [dreg:$0xe];
	[sflag:s21] =	ssyncset.done $0x0  }
0xb9: {  	s15 =	rddreg [dreg:$0xd];
	[sflag:s21] =	ssyncadd.s32 $0xFFFFD800;
	s0 =	sadd.s32 $0x0, s7  }
0xba: {  	[hbm4b:s0+s3] =	stream.linear.scatter [tilespmem:s12], [sflag:$0x7], $0x2800, $0x38;
	[tilespmem:$0xF800] =	vst v63  }
0xbb: {  	s25 =	rddreg [dreg:$0xc];
	s6 =	sadd.s32 $0x0, s15  }
0xbc: {  	[hbm4b:s6+s3] =	stream.linear.scatter [tilespmem:s13], [sflag:$0x9], $0x2800, $0x38;
	[tilespmem:$0xF800] =	vst v63  }
0xbd: {  	s7 =	sadd.s32 $0x0, s25  }
0xbe: {  	[hbm4b:s7+s3] =	stream.linear.scatter [tilespmem:s14], [sflag:$0xB], $0x2800, $0x38;
	[tilespmem:$0xF800] =	vst v63  }
0xbf: {  	_ =	swait.ge [sflag:s22], $0x2800  }
0xc0: {  	[sflag:s22] =	ssyncset.done $0x0  }
0xc1: {  	[sflag:s22] =	ssyncadd.s32 $0xFFFFD800  }
0xc2: {  	_ =	swait.ge [sflag:s23], $0x2800  }
0xc3: {  	[sflag:s23] =	ssyncset.done $0x0  }
0xc4: {  	[sflag:s23] =	ssyncadd.s32 $0xFFFFD800  }
0xc5: {  	_ =	swait.ge [sflag:s24], $0x2800  }
0xc6: {  	[sflag:s24] =	ssyncset.done $0x0  }
0xc7: {  	s25 =	simm.s32 $0x300;
	[sflag:s24] =	ssyncadd.s32 $0xFFFFD800  }
0xc8: {  	[tilespmem:s12], [sflag:$0x1] =	stream.indirect.gather [hbm4b:s2+s11], $0x80, s25, s11, $0xb8;
	[tilespmem:$0xF800] =	vst v63  }
0xc9: {  	s15 =	rddreg [dreg:$0x1d]  }
0xca: {  	[tilespmem:s13], [sflag:$0x3] =	stream.indirect.gather [hbm4b:s4+s11], $0x80, s15, s11, $0xb8;
	[tilespmem:$0xF800] =	vst v63  }
0xcb: {  	_ = 	snop  }
0xcc: {  	[tilespmem:s14], [sflag:$0x5] =	stream.indirect.gather [hbm4b:s5+s11], $0x80, s25, s11, $0xb8;
	[tilespmem:$0xF800] =	vst v63  }
0xcd: {  	_ =	swait.ge [sflag:s26], $0x2800  }
0xce: {  	[sflag:s26] =	ssyncset.done $0x0  }
0xcf: {  	[sflag:s26] =	ssyncadd.s32 $0xFFFFD800  }
0xd0: {  	_ =	swait.ge [sflag:s28], $0x2800  }
0xd1: {  	[sflag:s28] =	ssyncset.done $0x0  }
0xd2: {  	[sflag:s28] =	ssyncadd.s32 $0xFFFFD800  }
0xd3: {  	_ =	swait.ge [sflag:s29], $0x2800  }
0xd4: {  	s7 =	rddreg [dreg:$0xb];
	[sflag:s29] =	ssyncset.done $0x0  }
0xd5: {  	s15 =	rddreg [dreg:$0xa];
	[sflag:s29] =	ssyncadd.s32 $0xFFFFD800;
	s0 =	sadd.s32 $0x0, s7  }
0xd6: {  	[hbm4b:s0+s3] =	stream.linear.scatter [tilespmem:s16], [sflag:$0x8], $0x2800, $0x38;
	[tilespmem:$0xF800] =	vst v63  }
0xd7: {  	s25 =	rddreg [dreg:$0x9];
	s7 =	sadd.s32 $0x0, s15  }
0xd8: {  	[hbm4b:s7+s3] =	stream.linear.scatter [tilespmem:s17], [sflag:$0xA], $0x2800, $0x38;
	[tilespmem:$0xF800] =	vst v63  }
0xd9: {  	s25 =	sadd.s32 $0x0, s25  }
0xda: {  	[hbm4b:s25+s3] =	stream.linear.scatter [tilespmem:s18], [sflag:$0xC], $0x2800, $0x38;
	[tilespmem:$0xF800] =	vst v63  }
0xdb: {  	_ =	swait.ge [sflag:s30], $0x2800  }
0xdc: {  	[sflag:s30] =	ssyncset.done $0x0  }
0xdd: {  	[sflag:s30] =	ssyncadd.s32 $0xFFFFD800  }
0xde: {  	_ =	swait.ge [sflag:s31], $0x2800  }
0xdf: {  	[sflag:s31] =	ssyncset.done $0x0  }
0xe0: {  	[sflag:s31] =	ssyncadd.s32 $0xFFFFD800  }
0xe1: {  	_ =	swait.ge [sflag:s1], $0x2800  }
0xe2: {  	[sflag:s1] =	ssyncset.done $0x0  }
0xe3: {  	s7 =	simm.s32 $0x380;
	[sflag:s1] =	ssyncadd.s32 $0xFFFFD800  }
0xe4: {  	[tilespmem:s16], [sflag:$0x2] =	stream.indirect.gather [hbm4b:s2+s11], $0x80, s7, s11, $0xb8;
	[tilespmem:$0xF800] =	vst v63  }
0xe5: {  	s6 =	rddreg [dreg:$0x1e]  }
0xe6: {  	[tilespmem:s17], [sflag:$0x4] =	stream.indirect.gather [hbm4b:s4+s11], $0x80, s6, s11, $0xb8;
	[tilespmem:$0xF800] =	vst v63  }
0xe7: {  	_ = 	snop  }
0xe8: {  	[tilespmem:s18], [sflag:$0x6] =	stream.indirect.gather [hbm4b:s5+s11], $0x80, s7, s11, $0xb8;
	[tilespmem:$0xF800] =	vst v63  }
0xe9: {  	_ =	swait.ge [sflag:s19], $0x2800  }
0xea: {  	[sflag:s19] =	ssyncset.done $0x0  }
0xeb: {  	[sflag:s19] =	ssyncadd.s32 $0xFFFFD800  }
0xec: {  	_ =	swait.ge [sflag:s20], $0x2800  }
0xed: {  	[sflag:s20] =	ssyncset.done $0x0  }
0xee: {  	[sflag:s20] =	ssyncadd.s32 $0xFFFFD800  }
0xef: {  	_ =	swait.ge [sflag:s21], $0x2800  }
0xf0: {  	s15 =	rddreg [dreg:$0x8];
	[sflag:s21] =	ssyncset.done $0x0  }
0xf1: {  	s25 =	rddreg [dreg:$0x7];
	[sflag:s21] =	ssyncadd.s32 $0xFFFFD800;
	s0 =	sadd.s32 $0x0, s15  }
0xf2: {  	[hbm4b:s0+s3] =	stream.linear.scatter [tilespmem:s12], [sflag:$0x7], $0x2800, $0x38;
	[tilespmem:$0xF800] =	vst v63  }
0xf3: {  	s7 =	rddreg [dreg:$0x6];
	s25 =	sadd.s32 $0x0, s25  }
0xf4: {  	[hbm4b:s25+s3] =	stream.linear.scatter [tilespmem:s13], [sflag:$0x9], $0x2800, $0x38;
	[tilespmem:$0xF800] =	vst v63  }
0xf5: {  	s6 =	sadd.s32 $0x0, s7  }
0xf6: {  	[hbm4b:s6+s3] =	stream.linear.scatter [tilespmem:s14], [sflag:$0xB], $0x2800, $0x38;
	[tilespmem:$0xF800] =	vst v63  }
0xf7: {  	_ =	swait.ge [sflag:s26], $0x2800  }
0xf8: {  	[sflag:s26] =	ssyncset.done $0x0  }
0xf9: {  	[sflag:s26] =	ssyncadd.s32 $0xFFFFD800  }
0xfa: {  	_ =	swait.ge [sflag:s28], $0x2800  }
0xfb: {  	[sflag:s28] =	ssyncset.done $0x0  }
0xfc: {  	[sflag:s28] =	ssyncadd.s32 $0xFFFFD800  }
0xfd: {  	_ =	swait.ge [sflag:s29], $0x2800  }
0xfe: {  	s7 =	rddreg [dreg:$0x5];
	[sflag:s29] =	ssyncset.done $0x0  }
0xff: {  	s15 =	rddreg [dreg:$0x4];
	[sflag:s29] =	ssyncadd.s32 $0xFFFFD800;
	s0 =	sadd.s32 $0x0, s7  }
0x100: {  	[hbm4b:s0+s3] =	stream.linear.scatter [tilespmem:s16], [sflag:$0x8], $0x2800, $0x38;
	[tilespmem:$0xF800] =	vst v63  }
0x101: {  	s25 =	rddreg [dreg:$0x3];
	s7 =	sadd.s32 $0x0, s15  }
0x102: {  	[hbm4b:s7+s3] =	stream.linear.scatter [tilespmem:s17], [sflag:$0xA], $0x2800, $0x38;
	[tilespmem:$0xF800] =	vst v63  }
0x103: {  	s25 =	sadd.s32 $0x0, s25  }
0x104: {  	[hbm4b:s25+s3] =	stream.linear.scatter [tilespmem:s18], [sflag:$0xC], $0x2800, $0x38;
	[tilespmem:$0xF800] =	vst v63  }
0x105: {  	_ =	swait.ge [sflag:s22], $0x2800  }
0x106: {  	[sflag:s22] =	ssyncset.done $0x0  }
0x107: {  	[sflag:s22] =	ssyncadd.s32 $0xFFFFD800  }
0x108: {  	_ =	swait.ge [sflag:s23], $0x2800  }
0x109: {  	[sflag:s23] =	ssyncset.done $0x0  }
0x10a: {  	[sflag:s23] =	ssyncadd.s32 $0xFFFFD800  }
0x10b: {  	_ =	swait.ge [sflag:s24], $0x2800  }
0x10c: {  	[sflag:s24] =	ssyncset.done $0x0  }
0x10d: {  	[sflag:s24] =	ssyncadd.s32 $0xFFFFD800  }
0x10e: {  	_ =	swait.ge [sflag:s30], $0x2800  }
0x10f: {  	[sflag:s30] =	ssyncset.done $0x0  }
0x110: {  	[sflag:s30] =	ssyncadd.s32 $0xFFFFD800  }
0x111: {  	_ =	swait.ge [sflag:s31], $0x2800  }
0x112: {  	[sflag:s31] =	ssyncset.done $0x0  }
0x113: {  	[sflag:s31] =	ssyncadd.s32 $0xFFFFD800  }
0x114: {  	_ =	swait.ge [sflag:s1], $0x2800  }
0x115: {  	s25 =	sld [smem:$0x7FC];
	_ =	sdelay $0x1  }
0x116: {  	s15 =	simm.s32 $0x2800;
	s0 =	smov.u32 s8;
	[sflag:s1] =	ssyncset.done $0x0  }
.LBB2_2:
0x117: {  	[sflag:s1] =	ssyncadd.s32 $0xFFFFD800;
	s25 =	sadd.s32 $0x80, s25  }
0x118: {  	[tilespmem:s3], [sflag:$0xD] =	stream.linear.gather [hbm4b:s25+s3], $0x400, $0x38;
	[tilespmem:$0xF800] =	vst v63  }
0x119: {  	_ =	swait.ge [sflag:s9], $0x400  }
0x11a: {  	[sflag:s9] =	ssyncset.done $0x0  }
0x11b: {  	s0 =	sadd.s32 $0x80, s0;
	[sflag:s9] =	ssyncadd.s32 $0xFFFFFC00  }
0x11c: {  	[tilespmem:s10], [sflag:$0xD] =	stream.linear.gather [hbm4b:s0+s3], $0x400, $0x38;
	[tilespmem:$0xF800] =	vst v63  }
0x11d: {  	_ =	swait.ge [sflag:s9], $0x400  }
0x11e: {  	[sflag:s9] =	ssyncset.done $0x0  }
0x11f: {  	[sflag:s9] =	ssyncadd.s32 $0xFFFFFC00  }
0x120: {  	[tilespmem:s12], [sflag:$0x1] =	stream.indirect.gather [hbm4b:s2+s11], $0x80, s3, s11, $0xb8;
	[tilespmem:$0xF800] =	vst v63  }
0x121: {  	_ = 	snop  }
0x122: {  	[tilespmem:s13], [sflag:$0x3] =	stream.indirect.gather [hbm4b:s4+s11], $0x80, s10, s11, $0xb8;
	[tilespmem:$0xF800] =	vst v63  }
0x123: {  	_ = 	snop  }
0x124: {  	[tilespmem:s14], [sflag:$0x5] =	stream.indirect.gather [hbm4b:s5+s11], $0x80, s3, s11, $0xb8;
	[tilespmem:$0xF800] =	vst v63  }
0x125: {  	s8 =	simm.s32 $0x80  }
0x126: {  	[tilespmem:s16], [sflag:$0x2] =	stream.indirect.gather [hbm4b:s2+s11], $0x80, s8, s11, $0xb8;
	[tilespmem:$0xF800] =	vst v63  }
0x127: {  	s7 =	rddreg [dreg:$0x18]  }
0x128: {  	[tilespmem:s17], [sflag:$0x4] =	stream.indirect.gather [hbm4b:s4+s11], $0x80, s7, s11, $0xb8;
	[tilespmem:$0xF800] =	vst v63  }
0x129: {  	_ = 	snop  }
0x12a: {  	[tilespmem:s18], [sflag:$0x6] =	stream.indirect.gather [hbm4b:s5+s11], $0x80, s8, s11, $0xb8;
	[tilespmem:$0xF800] =	vst v63  }
0x12b: {  	_ =	swait.ge [sflag:s19], $0x2800  }
0x12c: {  	[sflag:s19] =	ssyncset.done $0x0  }
0x12d: {  	[sflag:s19] =	ssyncadd.s32 $0xFFFFD800  }
0x12e: {  	_ =	swait.ge [sflag:s20], $0x2800  }
0x12f: {  	[sflag:s20] =	ssyncset.done $0x0  }
0x130: {  	[sflag:s20] =	ssyncadd.s32 $0xFFFFD800  }
0x131: {  	_ =	swait.ge [sflag:s21], $0x2800  }
0x132: {  	s6 =	smov.u32 s15;
	s9 =	rddreg [dreg:$0x15];
	[sflag:s21] =	ssyncset.done $0x0  }
0x133: {  	s10 =	rddreg [dreg:$0x16];
	[sflag:s21] =	ssyncadd.s32 $0xFFFFD800;
	s7 =	sadd.s32 s6, s9  }
0x134: {  	[hbm4b:s7+s3] =	stream.linear.scatter [tilespmem:s12], [sflag:$0x7], $0x2800, $0x38;
	[tilespmem:$0xF800] =	vst v63  }
0x135: {  	s9 =	rddreg [dreg:$0x17];
	s8 =	sadd.s32 s6, s10  }
0x136: {  	[hbm4b:s8+s3] =	stream.linear.scatter [tilespmem:s13], [sflag:$0x9], $0x2800, $0x38;
	[tilespmem:$0xF800] =	vst v63  }
0x137: {  	s10 =	sadd.s32 s6, s9  }
0x138: {  	[hbm4b:s10+s3] =	stream.linear.scatter [tilespmem:s14], [sflag:$0xB], $0x2800, $0x38;
	[tilespmem:$0xF800] =	vst v63  }
0x139: {  	_ =	swait.ge [sflag:s22], $0x2800  }
0x13a: {  	[sflag:s22] =	ssyncset.done $0x0  }
0x13b: {  	[sflag:s22] =	ssyncadd.s32 $0xFFFFD800  }
0x13c: {  	_ =	swait.ge [sflag:s23], $0x2800  }
0x13d: {  	[sflag:s23] =	ssyncset.done $0x0  }
0x13e: {  	[sflag:s23] =	ssyncadd.s32 $0xFFFFD800  }
0x13f: {  	_ =	swait.ge [sflag:s24], $0x2800  }
0x140: {  	[sflag:s24] =	ssyncset.done $0x0  }
0x141: {  	s12 =	simm.s32 $0x100;
	s13 =	simm.s32 $0x800;
	[sflag:s24] =	ssyncadd.s32 $0xFFFFD800  }
0x142: {  	[tilespmem:s13], [sflag:$0x1] =	stream.indirect.gather [hbm4b:s2+s11], $0x80, s12, s11, $0xb8;
	[tilespmem:$0xF800] =	vst v63  }
0x143: {  	s9 =	rddreg [dreg:$0x19];
	s13 =	simm.s32 $0x5800  }
0x144: {  	[tilespmem:s13], [sflag:$0x3] =	stream.indirect.gather [hbm4b:s4+s11], $0x80, s9, s11, $0xb8;
	[tilespmem:$0xF800] =	vst v63  }
0x145: {  	_ = 	snop  }
0x146: {  	[tilespmem:s14], [sflag:$0x5] =	stream.indirect.gather [hbm4b:s5+s11], $0x80, s12, s11, $0xb8;
	[tilespmem:$0xF800] =	vst v63  }
0x147: {  	_ =	swait.ge [sflag:s26], $0x2800  }
0x148: {  	[sflag:s26] =	ssyncset.done $0x0  }
0x149: {  	[sflag:s26] =	ssyncadd.s32 $0xFFFFD800  }
0x14a: {  	_ =	swait.ge [sflag:s28], $0x2800  }
0x14b: {  	[sflag:s28] =	ssyncset.done $0x0  }
0x14c: {  	[sflag:s28] =	ssyncadd.s32 $0xFFFFD800  }
0x14d: {  	_ =	swait.ge [sflag:s29], $0x2800  }
0x14e: {  	[sflag:s29] =	ssyncset.done $0x0  }
0x14f: {  	s7 =	sadd.s32 $0x500, s7;
	[sflag:s29] =	ssyncadd.s32 $0xFFFFD800  }
0x150: {  	[hbm4b:s7+s3] =	stream.linear.scatter [tilespmem:s16], [sflag:$0x8], $0x2800, $0x38;
	[tilespmem:$0xF800] =	vst v63  }
0x151: {  	s8 =	sadd.s32 $0x500, s8  }
0x152: {  	[hbm4b:s8+s3] =	stream.linear.scatter [tilespmem:s17], [sflag:$0xA], $0x2800, $0x38;
	[tilespmem:$0xF800] =	vst v63  }
0x153: {  	s9 =	sadd.s32 $0x500, s10  }
0x154: {  	[hbm4b:s9+s3] =	stream.linear.scatter [tilespmem:s18], [sflag:$0xC], $0x2800, $0x38;
	[tilespmem:$0xF800] =	vst v63  }
0x155: {  	_ =	swait.ge [sflag:s30], $0x2800  }
0x156: {  	[sflag:s30] =	ssyncset.done $0x0  }
0x157: {  	[sflag:s30] =	ssyncadd.s32 $0xFFFFD800  }
0x158: {  	_ =	swait.ge [sflag:s31], $0x2800  }
0x159: {  	[sflag:s31] =	ssyncset.done $0x0  }
0x15a: {  	[sflag:s31] =	ssyncadd.s32 $0xFFFFD800  }
0x15b: {  	_ =	swait.ge [sflag:s1], $0x2800  }
0x15c: {  	[sflag:s1] =	ssyncset.done $0x0  }
0x15d: {  	s9 =	simm.s32 $0x180;
	[sflag:s1] =	ssyncadd.s32 $0xFFFFD800  }
0x15e: {  	[tilespmem:s16], [sflag:$0x2] =	stream.indirect.gather [hbm4b:s2+s11], $0x80, s9, s11, $0xb8;
	[tilespmem:$0xF800] =	vst v63  }
0x15f: {  	s8 =	rddreg [dreg:$0x1a]  }
0x160: {  	[tilespmem:s17], [sflag:$0x4] =	stream.indirect.gather [hbm4b:s4+s11], $0x80, s8, s11, $0xb8;
	[tilespmem:$0xF800] =	vst v63  }
0x161: {  	_ = 	snop  }
0x162: {  	[tilespmem:s18], [sflag:$0x6] =	stream.indirect.gather [hbm4b:s5+s11], $0x80, s9, s11, $0xb8;
	[tilespmem:$0xF800] =	vst v63  }
0x163: {  	_ =	swait.ge [sflag:s19], $0x2800  }
0x164: {  	[sflag:s19] =	ssyncset.done $0x0  }
0x165: {  	[sflag:s19] =	ssyncadd.s32 $0xFFFFD800  }
0x166: {  	_ =	swait.ge [sflag:s20], $0x2800  }
0x167: {  	[sflag:s20] =	ssyncset.done $0x0  }
0x168: {  	[sflag:s20] =	ssyncadd.s32 $0xFFFFD800  }
0x169: {  	_ =	swait.ge [sflag:s21], $0x2800  }
0x16a: {  	s12 =	simm.s32 $0x800;
	s9 =	rddreg [dreg:$0x14];
	[sflag:s21] =	ssyncset.done $0x0  }
0x16b: {  	s8 =	rddreg [dreg:$0x13];
	[sflag:s21] =	ssyncadd.s32 $0xFFFFD800;
	s7 =	sadd.s32 s6, s9  }
0x16c: {  	[hbm4b:s7+s3] =	stream.linear.scatter [tilespmem:s12], [sflag:$0x7], $0x2800, $0x38;
	[tilespmem:$0xF800] =	vst v63  }
0x16d: {  	s9 =	rddreg [dreg:$0x12];
	s8 =	sadd.s32 s6, s8  }
0x16e: {  	[hbm4b:s8+s3] =	stream.linear.scatter [tilespmem:s13], [sflag:$0x9], $0x2800, $0x38;
	[tilespmem:$0xF800] =	vst v63  }
0x16f: {  	s9 =	sadd.s32 s6, s9  }
0x170: {  	[hbm4b:s9+s3] =	stream.linear.scatter [tilespmem:s14], [sflag:$0xB], $0x2800, $0x38;
	[tilespmem:$0xF800] =	vst v63  }
0x171: {  	_ =	swait.ge [sflag:s22], $0x2800  }
0x172: {  	[sflag:s22] =	ssyncset.done $0x0  }
0x173: {  	[sflag:s22] =	ssyncadd.s32 $0xFFFFD800  }
0x174: {  	_ =	swait.ge [sflag:s23], $0x2800  }
0x175: {  	[sflag:s23] =	ssyncset.done $0x0  }
0x176: {  	[sflag:s23] =	ssyncadd.s32 $0xFFFFD800  }
0x177: {  	_ =	swait.ge [sflag:s24], $0x2800  }
0x178: {  	[sflag:s24] =	ssyncset.done $0x0  }
0x179: {  	s9 =	simm.s32 $0x200;
	[sflag:s24] =	ssyncadd.s32 $0xFFFFD800  }
0x17a: {  	[tilespmem:s12], [sflag:$0x1] =	stream.indirect.gather [hbm4b:s2+s11], $0x80, s9, s11, $0xb8;
	[tilespmem:$0xF800] =	vst v63  }
0x17b: {  	s8 =	rddreg [dreg:$0x1b]  }
0x17c: {  	[tilespmem:s13], [sflag:$0x3] =	stream.indirect.gather [hbm4b:s4+s11], $0x80, s8, s11, $0xb8;
	[tilespmem:$0xF800] =	vst v63  }
0x17d: {  	_ = 	snop  }
0x17e: {  	[tilespmem:s14], [sflag:$0x5] =	stream.indirect.gather [hbm4b:s5+s11], $0x80, s9, s11, $0xb8;
	[tilespmem:$0xF800] =	vst v63  }
0x17f: {  	_ =	swait.ge [sflag:s26], $0x2800  }
0x180: {  	[sflag:s26] =	ssyncset.done $0x0  }
0x181: {  	[sflag:s26] =	ssyncadd.s32 $0xFFFFD800  }
0x182: {  	_ =	swait.ge [sflag:s28], $0x2800  }
0x183: {  	[sflag:s28] =	ssyncset.done $0x0  }
0x184: {  	[sflag:s28] =	ssyncadd.s32 $0xFFFFD800  }
0x185: {  	_ =	swait.ge [sflag:s29], $0x2800  }
0x186: {  	s9 =	rddreg [dreg:$0x11];
	[sflag:s29] =	ssyncset.done $0x0  }
0x187: {  	s8 =	rddreg [dreg:$0x10];
	[sflag:s29] =	ssyncadd.s32 $0xFFFFD800;
	s7 =	sadd.s32 s6, s9  }
0x188: {  	[hbm4b:s7+s3] =	stream.linear.scatter [tilespmem:s16], [sflag:$0x8], $0x2800, $0x38;
	[tilespmem:$0xF800] =	vst v63  }
0x189: {  	s9 =	rddreg [dreg:$0xf];
	s8 =	sadd.s32 s6, s8  }
0x18a: {  	[hbm4b:s8+s3] =	stream.linear.scatter [tilespmem:s17], [sflag:$0xA], $0x2800, $0x38;
	[tilespmem:$0xF800] =	vst v63  }
0x18b: {  	s9 =	sadd.s32 s6, s9  }
0x18c: {  	[hbm4b:s9+s3] =	stream.linear.scatter [tilespmem:s18], [sflag:$0xC], $0x2800, $0x38;
	[tilespmem:$0xF800] =	vst v63  }
0x18d: {  	_ =	swait.ge [sflag:s30], $0x2800  }
0x18e: {  	[sflag:s30] =	ssyncset.done $0x0  }
0x18f: {  	[sflag:s30] =	ssyncadd.s32 $0xFFFFD800  }
0x190: {  	_ =	swait.ge [sflag:s31], $0x2800  }
0x191: {  	[sflag:s31] =	ssyncset.done $0x0  }
0x192: {  	[sflag:s31] =	ssyncadd.s32 $0xFFFFD800  }
0x193: {  	_ =	swait.ge [sflag:s1], $0x2800  }
0x194: {  	[sflag:s1] =	ssyncset.done $0x0  }
0x195: {  	s9 =	simm.s32 $0x280;
	[sflag:s1] =	ssyncadd.s32 $0xFFFFD800  }
0x196: {  	[tilespmem:s16], [sflag:$0x2] =	stream.indirect.gather [hbm4b:s2+s11], $0x80, s9, s11, $0xb8;
	[tilespmem:$0xF800] =	vst v63  }
0x197: {  	s8 =	rddreg [dreg:$0x1c]  }
0x198: {  	[tilespmem:s17], [sflag:$0x4] =	stream.indirect.gather [hbm4b:s4+s11], $0x80, s8, s11, $0xb8;
	[tilespmem:$0xF800] =	vst v63  }
0x199: {  	_ = 	snop  }
0x19a: {  	[tilespmem:s18], [sflag:$0x6] =	stream.indirect.gather [hbm4b:s5+s11], $0x80, s9, s11, $0xb8;
	[tilespmem:$0xF800] =	vst v63  }
0x19b: {  	_ =	swait.ge [sflag:s19], $0x2800  }
0x19c: {  	[sflag:s19] =	ssyncset.done $0x0  }
0x19d: {  	[sflag:s19] =	ssyncadd.s32 $0xFFFFD800  }
0x19e: {  	_ =	swait.ge [sflag:s20], $0x2800  }
0x19f: {  	[sflag:s20] =	ssyncset.done $0x0  }
0x1a0: {  	[sflag:s20] =	ssyncadd.s32 $0xFFFFD800  }
0x1a1: {  	_ =	swait.ge [sflag:s21], $0x2800  }
0x1a2: {  	s9 =	rddreg [dreg:$0xe];
	[sflag:s21] =	ssyncset.done $0x0  }
0x1a3: {  	s8 =	rddreg [dreg:$0xd];
	[sflag:s21] =	ssyncadd.s32 $0xFFFFD800;
	s7 =	sadd.s32 s6, s9  }
0x1a4: {  	[hbm4b:s7+s3] =	stream.linear.scatter [tilespmem:s12], [sflag:$0x7], $0x2800, $0x38;
	[tilespmem:$0xF800] =	vst v63  }
0x1a5: {  	s9 =	rddreg [dreg:$0xc];
	s8 =	sadd.s32 s6, s8  }
0x1a6: {  	[hbm4b:s8+s3] =	stream.linear.scatter [tilespmem:s13], [sflag:$0x9], $0x2800, $0x38;
	[tilespmem:$0xF800] =	vst v63  }
0x1a7: {  	s9 =	sadd.s32 s6, s9  }
0x1a8: {  	[hbm4b:s9+s3] =	stream.linear.scatter [tilespmem:s14], [sflag:$0xB], $0x2800, $0x38;
	[tilespmem:$0xF800] =	vst v63  }
0x1a9: {  	_ =	swait.ge [sflag:s22], $0x2800  }
0x1aa: {  	[sflag:s22] =	ssyncset.done $0x0  }
0x1ab: {  	[sflag:s22] =	ssyncadd.s32 $0xFFFFD800  }
0x1ac: {  	_ =	swait.ge [sflag:s23], $0x2800  }
0x1ad: {  	[sflag:s23] =	ssyncset.done $0x0  }
0x1ae: {  	[sflag:s23] =	ssyncadd.s32 $0xFFFFD800  }
0x1af: {  	_ =	swait.ge [sflag:s24], $0x2800  }
0x1b0: {  	[sflag:s24] =	ssyncset.done $0x0  }
0x1b1: {  	s9 =	simm.s32 $0x300;
	[sflag:s24] =	ssyncadd.s32 $0xFFFFD800  }
0x1b2: {  	[tilespmem:s12], [sflag:$0x1] =	stream.indirect.gather [hbm4b:s2+s11], $0x80, s9, s11, $0xb8;
	[tilespmem:$0xF800] =	vst v63  }
0x1b3: {  	s8 =	rddreg [dreg:$0x1d]  }
0x1b4: {  	[tilespmem:s13], [sflag:$0x3] =	stream.indirect.gather [hbm4b:s4+s11], $0x80, s8, s11, $0xb8;
	[tilespmem:$0xF800] =	vst v63  }
0x1b5: {  	_ = 	snop  }
0x1b6: {  	[tilespmem:s14], [sflag:$0x5] =	stream.indirect.gather [hbm4b:s5+s11], $0x80, s9, s11, $0xb8;
	[tilespmem:$0xF800] =	vst v63  }
0x1b7: {  	_ =	swait.ge [sflag:s26], $0x2800  }
0x1b8: {  	[sflag:s26] =	ssyncset.done $0x0  }
0x1b9: {  	[sflag:s26] =	ssyncadd.s32 $0xFFFFD800  }
0x1ba: {  	_ =	swait.ge [sflag:s28], $0x2800  }
0x1bb: {  	[sflag:s28] =	ssyncset.done $0x0  }
0x1bc: {  	[sflag:s28] =	ssyncadd.s32 $0xFFFFD800  }
0x1bd: {  	_ =	swait.ge [sflag:s29], $0x2800  }
0x1be: {  	s9 =	rddreg [dreg:$0xb];
	[sflag:s29] =	ssyncset.done $0x0  }
0x1bf: {  	s8 =	rddreg [dreg:$0xa];
	[sflag:s29] =	ssyncadd.s32 $0xFFFFD800;
	s7 =	sadd.s32 s6, s9  }
0x1c0: {  	[hbm4b:s7+s3] =	stream.linear.scatter [tilespmem:s16], [sflag:$0x8], $0x2800, $0x38;
	[tilespmem:$0xF800] =	vst v63  }
0x1c1: {  	s9 =	rddreg [dreg:$0x9];
	s8 =	sadd.s32 s6, s8  }
0x1c2: {  	[hbm4b:s8+s3] =	stream.linear.scatter [tilespmem:s17], [sflag:$0xA], $0x2800, $0x38;
	[tilespmem:$0xF800] =	vst v63  }
0x1c3: {  	s9 =	sadd.s32 s6, s9  }
0x1c4: {  	[hbm4b:s9+s3] =	stream.linear.scatter [tilespmem:s18], [sflag:$0xC], $0x2800, $0x38;
	[tilespmem:$0xF800] =	vst v63  }
0x1c5: {  	_ =	swait.ge [sflag:s30], $0x2800  }
0x1c6: {  	[sflag:s30] =	ssyncset.done $0x0  }
0x1c7: {  	[sflag:s30] =	ssyncadd.s32 $0xFFFFD800  }
0x1c8: {  	_ =	swait.ge [sflag:s31], $0x2800  }
0x1c9: {  	[sflag:s31] =	ssyncset.done $0x0  }
0x1ca: {  	[sflag:s31] =	ssyncadd.s32 $0xFFFFD800  }
0x1cb: {  	_ =	swait.ge [sflag:s1], $0x2800  }
0x1cc: {  	[sflag:s1] =	ssyncset.done $0x0  }
0x1cd: {  	s9 =	simm.s32 $0x380;
	[sflag:s1] =	ssyncadd.s32 $0xFFFFD800  }
0x1ce: {  	[tilespmem:s16], [sflag:$0x2] =	stream.indirect.gather [hbm4b:s2+s11], $0x80, s9, s11, $0xb8;
	[tilespmem:$0xF800] =	vst v63  }
0x1cf: {  	s8 =	rddreg [dreg:$0x1e]  }
0x1d0: {  	[tilespmem:s17], [sflag:$0x4] =	stream.indirect.gather [hbm4b:s4+s11], $0x80, s8, s11, $0xb8;
	[tilespmem:$0xF800] =	vst v63  }
0x1d1: {  	_ = 	snop  }
0x1d2: {  	[tilespmem:s18], [sflag:$0x6] =	stream.indirect.gather [hbm4b:s5+s11], $0x80, s9, s11, $0xb8;
	[tilespmem:$0xF800] =	vst v63  }
0x1d3: {  	_ =	swait.ge [sflag:s19], $0x2800  }
0x1d4: {  	[sflag:s19] =	ssyncset.done $0x0  }
0x1d5: {  	[sflag:s19] =	ssyncadd.s32 $0xFFFFD800  }
0x1d6: {  	_ =	swait.ge [sflag:s20], $0x2800  }
0x1d7: {  	[sflag:s20] =	ssyncset.done $0x0  }
0x1d8: {  	[sflag:s20] =	ssyncadd.s32 $0xFFFFD800  }
0x1d9: {  	_ =	swait.ge [sflag:s21], $0x2800  }
0x1da: {  	s9 =	rddreg [dreg:$0x8];
	[sflag:s21] =	ssyncset.done $0x0  }
0x1db: {  	s8 =	rddreg [dreg:$0x7];
	[sflag:s21] =	ssyncadd.s32 $0xFFFFD800;
	s7 =	sadd.s32 s6, s9  }
0x1dc: {  	[hbm4b:s7+s3] =	stream.linear.scatter [tilespmem:s12], [sflag:$0x7], $0x2800, $0x38;
	[tilespmem:$0xF800] =	vst v63  }
0x1dd: {  	s9 =	rddreg [dreg:$0x6];
	s8 =	sadd.s32 s6, s8  }
0x1de: {  	[hbm4b:s8+s3] =	stream.linear.scatter [tilespmem:s13], [sflag:$0x9], $0x2800, $0x38;
	[tilespmem:$0xF800] =	vst v63  }
0x1df: {  	s8 =	sadd.s32 s6, s9  }
0x1e0: {  	[hbm4b:s8+s3] =	stream.linear.scatter [tilespmem:s14], [sflag:$0xB], $0x2800, $0x38;
	[tilespmem:$0xF800] =	vst v63  }
0x1e1: {  	_ =	swait.ge [sflag:s26], $0x2800  }
0x1e2: {  	[sflag:s26] =	ssyncset.done $0x0  }
0x1e3: {  	[sflag:s26] =	ssyncadd.s32 $0xFFFFD800  }
0x1e4: {  	_ =	swait.ge [sflag:s28], $0x2800  }
0x1e5: {  	[sflag:s28] =	ssyncset.done $0x0  }
0x1e6: {  	[sflag:s28] =	ssyncadd.s32 $0xFFFFD800  }
0x1e7: {  	_ =	swait.ge [sflag:s29], $0x2800  }
0x1e8: {  	s9 =	rddreg [dreg:$0x5];
	[sflag:s29] =	ssyncset.done $0x0  }
0x1e9: {  	s8 =	rddreg [dreg:$0x4];
	[sflag:s29] =	ssyncadd.s32 $0xFFFFD800;
	s7 =	sadd.s32 s6, s9  }
0x1ea: {  	[hbm4b:s7+s3] =	stream.linear.scatter [tilespmem:s16], [sflag:$0x8], $0x2800, $0x38;
	[tilespmem:$0xF800] =	vst v63  }
0x1eb: {  	s9 =	rddreg [dreg:$0x3];
	s8 =	sadd.s32 s6, s8  }
0x1ec: {  	[hbm4b:s8+s3] =	stream.linear.scatter [tilespmem:s17], [sflag:$0xA], $0x2800, $0x38;
	[tilespmem:$0xF800] =	vst v63  }
0x1ed: {  	s6 =	sadd.s32 s6, s9  }
0x1ee: {  	[hbm4b:s6+s3] =	stream.linear.scatter [tilespmem:s18], [sflag:$0xC], $0x2800, $0x38;
	[tilespmem:$0xF800] =	vst v63  }
0x1ef: {  	_ =	swait.ge [sflag:s22], $0x2800  }
0x1f0: {  	[sflag:s22] =	ssyncset.done $0x0  }
0x1f1: {  	[sflag:s22] =	ssyncadd.s32 $0xFFFFD800  }
0x1f2: {  	_ =	swait.ge [sflag:s23], $0x2800  }
0x1f3: {  	[sflag:s23] =	ssyncset.done $0x0  }
0x1f4: {  	[sflag:s23] =	ssyncadd.s32 $0xFFFFD800  }
0x1f5: {  	_ =	swait.ge [sflag:s24], $0x2800  }
0x1f6: {  	[sflag:s24] =	ssyncset.done $0x0  }
0x1f7: {  	[sflag:s24] =	ssyncadd.s32 $0xFFFFD800  }
0x1f8: {  	_ =	swait.ge [sflag:s30], $0x2800  }
0x1f9: {  	[sflag:s30] =	ssyncset.done $0x0  }
0x1fa: {  	p0 =	sne.s32 s15, $0x11800;
	[sflag:s30] =	ssyncadd.s32 $0xFFFFD800  }
.Ltmp0:
0x1fb: {  	_ =	swait.ge [sflag:s31], $0x2800;
	(pc) =	sbr.rel @p0 .LBB2_2-.Ltmp0, $4  }
0x1fc: {  	[sflag:s31] =	ssyncset.done $0x0  }
0x1fd: {  	[sflag:s31] =	ssyncadd.s32 $0xFFFFD800  }
0x1fe: {  	s15 =	sadd.s32 $0x2800, s15;
	_ =	swait.ge [sflag:s1], $0x2800  }
0x1ff: {  	s10 =	simm.s32 $0x400;
	s9 =	simm.s32 $0xD;
	[sflag:s1] =	ssyncset.done $0x0  }
0x200: {  	s7 =	sld [smem:$0x7FB];
	_ =	sdelay $0x2  }
0x201: {  	s0 =	rddreg [dreg:$0x1f];
	s7 =	sadd.s32 $0x1, s7  }
0x202: {  	p0 =	sne.s32 s7, s0  }
.Ltmp1:
0x203: {  	_ = 	snop;
	(pc) =	sbr.rel @p0 .LBB2_1-.Ltmp1, $2  }
0x204: {  	_ =	sdelay $0x2  }
0x205: {  	[sflag:s1] =	ssyncadd.s32 $0xFFFFD800;
	s6 =	simm.s32 $0x80  }
0x206: {  	_ =	sfence.sel $0x180000  }
0x207: {  	[bflag:$0x0] =	sbarrier.arrive $0xFFFF  }
0x208: {  	_ =	strace $0x90000047  }
0x209: {  	s0 =	stileid.u32;
	[bflag:$0x2] =	sbarrier.arrive $0xFFFF  }
0x20a: {  	p0 =	sne.s32 s0, $0x0;
	s0 =	rddreg [dreg:$0x2]  }
0x20b: {  	s0 =	sadd.s32 @!p0 $0x100000, s0  }
0x20c: {  	[sflag:s0] =	ssyncadd.tile.s32 @!p0 $0x1;
	_ =	shalt  }
.Lfunc_end2:
_tile_overlayer_lowered:
.L_overlay_start_2:
0x20d: {  	(tag) =	ssettag $0x2  }
0x20e: {  	s0 =	rddreg [dreg:$0x0];
	s2 =	stileid.u32  }
0x20f: {  	s1 =	rddreg [dreg:$0x1];
	p0 =	sne.s32 s2, $0x0  }
0x210: {  	s3 =	rddreg [dreg:$0x2];
	[bflag:$0x3] =	sbarrier.arrive $0xFFFF;
	s2 =	simm.s32 @!p0 $0x1C0E  }
0x211: {  	[timem:s3], [sflag:s2] =	dma.local @!p0 [hbm:s0], s1  }
0x212: {  	s0 =	simm.s32 @!p0 $0xE  }
0x213: {  	_ =	swait.ge @!p0 [sflag:s0], s1  }
0x214: {  	s1 =	ssub.s32 @!p0 $0x0, s1;
	[sflag:s0] =	ssyncset.done @!p0 $0x0  }
0x215: {  	[sflag:s0] =	ssyncadd.s32 @!p0 s1  }
0x216: {  	[bflag:$0x3] =	sbarrier.arrive $0xFFFF  }
0x217: {  	_ =	shalt  }

</sc_bundles>
